<compile_context>
chip_gen: v7x
topology: tpu7x:2x2x1
jax: 0.10.2.dev20260603
libtpu: 0.0.44.dev20260713+nightly
codegen_flags: <defaults>
</compile_context>

<pallas_src>
import functools

import jax
import jax.numpy as jnp
from jax import lax
from jax.experimental import pallas as pl
from jax.experimental.pallas import tpu as pltpu
from jax.experimental.pallas import tpu_sc as plsc

_ROWS = 128
_N = 32768
_L = 16
_NC = 2
_NS = 16
_NW = _NC * _NS
_RPW = _ROWS // _NW
_UNROLL = 8
_NEG = -3.0e38
_BISECT_ITERS = 26

_mesh = plsc.VectorSubcoreMesh(core_axis_name="c", subcore_axis_name="s")


@functools.partial(
    pl.kernel,
    out_type=jax.ShapeDtypeStruct((_ROWS, _N), jnp.float32),
    mesh=_mesh,
    scratch_types=[
        pltpu.VMEM((_N,), jnp.float32),
        pltpu.VMEM((_N,), jnp.float32),
        pltpu.VMEM((_N + _L,), jnp.float32),
        pltpu.SemaphoreType.DMA,
        pltpu.SemaphoreType.DMA,
        pltpu.SemaphoreType.DMA,
        pltpu.SemaphoreType.DMA,
    ],
    compiler_params=pltpu.CompilerParams(needs_layout_passes=False),
)
def _sc_sparsemax(x_hbm, o_hbm, row_a, row_b, cand_v,
                  sin_a, sin_b, sout_a, sout_b):
    wid = lax.axis_index("s") * _NC + lax.axis_index("c")
    base_row = wid * _RPW
    bufs = (row_a, row_b)
    sins = (sin_a, sin_b)
    souts = (sout_a, sout_b)

    h_in = [None] * _RPW
    h_out = [None] * _RPW
    h_in[0] = pltpu.async_copy(x_hbm.at[base_row], row_a, sin_a)

    for r in range(_RPW):
        p = r % 2
        row_v = bufs[p]
        h_in[r].wait()

        def max_body(i, accs):
            base = i * (_L * _UNROLL)
            accs = list(accs)
            for u in range(_UNROLL):
                accs[u % 4] = jnp.maximum(
                    accs[u % 4], row_v[pl.ds(base + u * _L, _L)])
            return tuple(accs)

        accs = plsc.parallel_loop(
            0, _N // (_L * _UNROLL), 1, unroll=2,
            carry=tuple(jnp.full((_L,), _NEG, jnp.float32) for _ in range(4)),
        )(max_body)
        mrun = jnp.maximum(jnp.maximum(accs[0], accs[1]),
                           jnp.maximum(accs[2], accs[3]))
        m = jnp.max(mrun)
        lo = m - 1.0
        hi = m

        if r >= 1:
            h_out[r - 1].wait()
        if r + 1 < _RPW:
            q = (r + 1) % 2
            h_in[r + 1] = pltpu.async_copy(
                x_hbm.at[base_row + r + 1], bufs[q], sins[q])

        iota = lax.iota(jnp.int32, _L)

        def cp_body(i, off_vec):
            base = i * (_L * _UNROLL)
            vs = [row_v[pl.ds(base + u * _L, _L)] for u in range(_UNROLL)]
            masks = [v > lo for v in vs]
            pcs = [plsc.all_reduce_population_count(mk) for mk in masks]
            quals = [pc > 0 for pc in pcs]
            vfs = [jnp.where(mk, v, _NEG) for mk, v in zip(masks, vs)]
            for u in range(_UNROLL):
                plsc.store_scatter(
                    cand_v, [off_vec + iota], vfs[u], mask=quals[u])
                off_vec = off_vec + jnp.where(quals[u], _L, 0)
            return off_vec

        off_vec = plsc.parallel_loop(
            0, _N // (_L * _UNROLL), 1, unroll=1,
            carry=jnp.zeros((_L,), jnp.int32))(cp_body)
        off1 = off_vec[0]
        nv1 = off1 // _L

        def xc_body(i, off):
            v = cand_v[pl.ds(i * _L, _L)]
            mask = v > lo
            pc = plsc.all_reduce_population_count(mask)
            plsc.store_compressed(cand_v.at[pl.ds(off, _L)], v, mask=mask)
            return off + pc[0]

        off = lax.fori_loop(0, nv1, xc_body, jnp.int32(0))
        cand_v[pl.ds(off, _L)] = jnp.full((_L,), _NEG, jnp.float32)
        nv = (off + _L - 1) // _L

        def bis(_, carry):
            lo, hi = carry
            mid = 0.5 * (lo + hi)

            def fb(i, acc):
                v = cand_v[pl.ds(i * _L, _L)]
                return acc + jnp.maximum(v - mid, 0.0)

            acc = lax.fori_loop(0, nv, fb, jnp.zeros((_L,), jnp.float32))
            f = jnp.sum(acc)
            ge = f >= 1.0
            return jnp.where(ge, mid, lo), jnp.where(ge, hi, mid)

        lo, hi = lax.fori_loop(0, _BISECT_ITERS, bis, (lo, hi))
        tau = lo

        def ob(i, carry):
            base = i * (_L * _UNROLL)
            for u in range(_UNROLL):
                sl = pl.ds(base + u * _L, _L)
                row_v[sl] = jnp.maximum(row_v[sl] - tau, 0.0)
            return carry

        plsc.parallel_loop(
            0, _N // (_L * _UNROLL), 1, unroll=1, carry=jnp.int32(0))(ob)
        h_out[r] = pltpu.async_copy(row_v, o_hbm.at[base_row + r], souts[p])

    h_out[_RPW - 1].wait()


@jax.jit
def kernel(logits):
    return _sc_sparsemax(logits.astype(jnp.float32))

# --- scband reference (transcript-rebuilt; emitter-appended) ---
"""Pipeline reference for scband-sparsemax-17669495456359 (READ-ONLY COPY).

The authoritative reference and input builder live on the scoring server;
editing this copy changes nothing except your own understanding.
"""

import jax, jax.numpy as jnp
import numpy as np


def setup_inputs(seed: int = 0) -> dict:
    key = jax.random.key(seed)
    logits = jax.random.normal(key, (128, 32768), dtype=jnp.float32)
    return {"logits": logits}


def _compute_2d_sparsemax(logits):
    shape = logits.shape
    obs = int(np.prod(shape[:-1]))
    dims = int(shape[-1])
    z = logits.reshape(obs, dims)
    # tf.nn.top_k(z, k=dims) -> descending sort of each row
    z_sorted, _ = jax.lax.top_k(z, dims)
    z_cumsum = jnp.cumsum(z_sorted, axis=-1)
    k = jnp.arange(1, dims + 1, dtype=logits.dtype)
    z_check = 1 + k * z_sorted > z_cumsum
    k_z = jnp.sum(z_check.astype(jnp.int32), axis=-1)
    k_z_safe = jnp.maximum(k_z, 1)
    tau_sum = z_cumsum[jnp.arange(obs), k_z_safe - 1]
    tau_z = (tau_sum - 1) / k_z.astype(logits.dtype)
    p = jnp.maximum(jnp.asarray(0, dtype=logits.dtype), z - tau_z[:, None])
    bad = jnp.logical_or(k_z == 0, jnp.isnan(z_cumsum[:, -1]))
    p_safe = jnp.where(bad[:, None], jnp.asarray(float('nan'), dtype=logits.dtype), p)
    return p_safe.reshape(shape)


def reference(logits):
    logits = logits.astype(jnp.float32)
    # axis == -1 path
    return _compute_2d_sparsemax(logits)

if __name__ == "__main__":
    import jax
    _d = setup_inputs()
    print(jax.jit(kernel)(*tuple(_d.values())))

</pallas_src>

<mosaic_0001>
#map = affine_map<(d0, d1) -> (0, 0)>
module attributes {stable_mosaic.version = 14 : i64} {
  func.func @_sc_sparsemax(%arg0: i32, %arg1: i32, %arg2: memref<128x32768xf32, #tpu.memory_space<hbm>>, %arg3: memref<128x32768xf32, #tpu.memory_space<hbm>>, %arg4: memref<32768xf32, #tpu.memory_space<vmem>>, %arg5: memref<32768xf32, #tpu.memory_space<vmem>>, %arg6: memref<32784xf32, #tpu.memory_space<vmem>>, %arg7: memref<!tpu.dma_semaphore, #tpu.memory_space<semaphore_mem>>, %arg8: memref<!tpu.dma_semaphore, #tpu.memory_space<semaphore_mem>>, %arg9: memref<!tpu.dma_semaphore, #tpu.memory_space<semaphore_mem>>, %arg10: memref<!tpu.dma_semaphore, #tpu.memory_space<semaphore_mem>>) attributes {dimension_semantics = [#tpu.dimension_semantics<core_parallel>, #tpu.dimension_semantics<subcore_parallel>], iteration_bounds = array<i64: 2, 16>, scalar_prefetch = 0 : i64, scratch_operands = 7 : i64, tpu.core_type = #tpu.core_type<sc_vector_subcore>, window_params = [{transform_indices = #map}, {transform_indices = #map}]} {
    %mul3A = arith.constant 2 : i32
    %mul3A_0 = arith.muli %arg1, %mul3A : i32
    %add3A = arith.addi %mul3A_0, %arg0 : i32
    %mul3A_1 = arith.constant 4 : i32
    %mul3A_2 = arith.muli %add3A, %mul3A_1 : i32
    %dma_start3A = arith.constant 0 : i32
    %dma_start3A_3 = tpu.memref_slice %arg2[%mul3A_2, %dma_start3A] : memref<128x32768xf32, #tpu.memory_space<hbm>> -> memref<1x32768xf32, #tpu.memory_space<hbm>>
    %dma_start3A_4 = tpu.memref_squeeze %dma_start3A_3 : memref<1x32768xf32, #tpu.memory_space<hbm>> -> memref<32768xf32, #tpu.memory_space<hbm>>
    %dma_start3A_5 = arith.constant 0 : i32
    %dma_start3A_6 = tpu.memref_slice %arg2[%mul3A_2, %dma_start3A_5] : memref<128x32768xf32, #tpu.memory_space<hbm>> -> memref<1x32768xf32, #tpu.memory_space<hbm>>
    %dma_start3A_7 = tpu.memref_squeeze %dma_start3A_6 : memref<1x32768xf32, #tpu.memory_space<hbm>> -> memref<32768xf32, #tpu.memory_space<hbm>>
    tpu.enqueue_dma source(%dma_start3A_7 : memref<32768xf32, #tpu.memory_space<hbm>>) target(%arg4 : memref<32768xf32, #tpu.memory_space<vmem>>) target_semaphore(%arg7 : memref<!tpu.dma_semaphore, #tpu.memory_space<semaphore_mem>>)
    %dma_wait3A = arith.constant 0 : i32
    %dma_wait3A_8 = tpu.memref_slice %arg2[%mul3A_2, %dma_wait3A] : memref<128x32768xf32, #tpu.memory_space<hbm>> -> memref<1x32768xf32, #tpu.memory_space<hbm>>
    %dma_wait3A_9 = tpu.memref_squeeze %dma_wait3A_8 : memref<1x32768xf32, #tpu.memory_space<hbm>> -> memref<32768xf32, #tpu.memory_space<hbm>>
    %dma_wait3A_10 = arith.constant 0 : i32
    %dma_wait3A_11 = tpu.memref_slice %arg2[%mul3A_2, %dma_wait3A_10] : memref<128x32768xf32, #tpu.memory_space<hbm>> -> memref<1x32768xf32, #tpu.memory_space<hbm>>
    %dma_wait3A_12 = tpu.memref_squeeze %dma_wait3A_11 : memref<1x32768xf32, #tpu.memory_space<hbm>> -> memref<32768xf32, #tpu.memory_space<hbm>>
    tpu.wait_dma2 semaphore(%arg7 : memref<!tpu.dma_semaphore, #tpu.memory_space<semaphore_mem>>) src(%dma_wait3A_12 : memref<32768xf32, #tpu.memory_space<hbm>>) dst(%arg4 : memref<32768xf32, #tpu.memory_space<vmem>>)
    %broadcast_in_dim3A = arith.constant -3.000000e+38 : f32
    %broadcast_in_dim3A_13 = vector.broadcast %broadcast_in_dim3A : f32 to vector<16xf32>
    %broadcast_in_dim3A_14 = arith.constant -3.000000e+38 : f32
    %broadcast_in_dim3A_15 = vector.broadcast %broadcast_in_dim3A_14 : f32 to vector<16xf32>
    %broadcast_in_dim3A_16 = arith.constant -3.000000e+38 : f32
    %broadcast_in_dim3A_17 = vector.broadcast %broadcast_in_dim3A_16 : f32 to vector<16xf32>
    %broadcast_in_dim3A_18 = arith.constant -3.000000e+38 : f32
    %broadcast_in_dim3A_19 = vector.broadcast %broadcast_in_dim3A_18 : f32 to vector<16xf32>
    %parallel_loop3A = arith.constant 0 : i32
    %parallel_loop3A_20 = arith.constant 256 : i32
    %parallel_loop3A_21 = arith.constant 1 : i32
    %parallel_loop3A_22:4 = scf.for %parallel_loop3A_535 = %parallel_loop3A to %parallel_loop3A_20 step %parallel_loop3A_21 iter_args(%parallel_loop3A_536 = %broadcast_in_dim3A_13, %parallel_loop3A_537 = %broadcast_in_dim3A_15, %parallel_loop3A_538 = %broadcast_in_dim3A_17, %parallel_loop3A_539 = %broadcast_in_dim3A_19) -> (vector<16xf32>, vector<16xf32>, vector<16xf32>, vector<16xf32>)  : i32 {
      %parallel_loop3A_540 = arith.constant 128 : i32
      %parallel_loop3A_541 = arith.muli %parallel_loop3A_535, %parallel_loop3A_540 : i32
      %parallel_loop3A_542 = arith.constant 0 : i32
      %parallel_loop3A_543 = arith.addi %parallel_loop3A_541, %parallel_loop3A_542 : i32
      %parallel_loop3A_544 = arith.index_cast %parallel_loop3A_543 : i32 to index
      %parallel_loop3A_545 = tpu.vector_load %arg4[%parallel_loop3A_544] {strides = array<i32>} : memref<32768xf32, #tpu.memory_space<vmem>>, vector<16xf32>,
      %parallel_loop3A_546 = arith.maximumf %parallel_loop3A_536, %parallel_loop3A_545 : vector<16xf32>
      %parallel_loop3A_547 = arith.constant 16 : i32
      %parallel_loop3A_548 = arith.addi %parallel_loop3A_541, %parallel_loop3A_547 : i32
      %parallel_loop3A_549 = arith.index_cast %parallel_loop3A_548 : i32 to index
      %parallel_loop3A_550 = tpu.vector_load %arg4[%parallel_loop3A_549] {strides = array<i32>} : memref<32768xf32, #tpu.memory_space<vmem>>, vector<16xf32>,
      %parallel_loop3A_551 = arith.maximumf %parallel_loop3A_537, %parallel_loop3A_550 : vector<16xf32>
      %parallel_loop3A_552 = arith.constant 32 : i32
      %parallel_loop3A_553 = arith.addi %parallel_loop3A_541, %parallel_loop3A_552 : i32
      %parallel_loop3A_554 = arith.index_cast %parallel_loop3A_553 : i32 to index
      %parallel_loop3A_555 = tpu.vector_load %arg4[%parallel_loop3A_554] {strides = array<i32>} : memref<32768xf32, #tpu.memory_space<vmem>>, vector<16xf32>,
      %parallel_loop3A_556 = arith.maximumf %parallel_loop3A_538, %parallel_loop3A_555 : vector<16xf32>
      %parallel_loop3A_557 = arith.constant 48 : i32
      %parallel_loop3A_558 = arith.addi %parallel_loop3A_541, %parallel_loop3A_557 : i32
      %parallel_loop3A_559 = arith.index_cast %parallel_loop3A_558 : i32 to index
      %parallel_loop3A_560 = tpu.vector_load %arg4[%parallel_loop3A_559] {strides = array<i32>} : memref<32768xf32, #tpu.memory_space<vmem>>, vector<16xf32>,
      %parallel_loop3A_561 = arith.maximumf %parallel_loop3A_539, %parallel_loop3A_560 : vector<16xf32>
      %parallel_loop3A_562 = arith.constant 64 : i32
      %parallel_loop3A_563 = arith.addi %parallel_loop3A_541, %parallel_loop3A_562 : i32
      %parallel_loop3A_564 = arith.index_cast %parallel_loop3A_563 : i32 to index
      %parallel_loop3A_565 = tpu.vector_load %arg4[%parallel_loop3A_564] {strides = array<i32>} : memref<32768xf32, #tpu.memory_space<vmem>>, vector<16xf32>,
      %parallel_loop3A_566 = arith.maximumf %parallel_loop3A_546, %parallel_loop3A_565 : vector<16xf32>
      %parallel_loop3A_567 = arith.constant 80 : i32
      %parallel_loop3A_568 = arith.addi %parallel_loop3A_541, %parallel_loop3A_567 : i32
      %parallel_loop3A_569 = arith.index_cast %parallel_loop3A_568 : i32 to index
      %parallel_loop3A_570 = tpu.vector_load %arg4[%parallel_loop3A_569] {strides = array<i32>} : memref<32768xf32, #tpu.memory_space<vmem>>, vector<16xf32>,
      %parallel_loop3A_571 = arith.maximumf %parallel_loop3A_551, %parallel_loop3A_570 : vector<16xf32>
      %parallel_loop3A_572 = arith.constant 96 : i32
      %parallel_loop3A_573 = arith.addi %parallel_loop3A_541, %parallel_loop3A_572 : i32
      %parallel_loop3A_574 = arith.index_cast %parallel_loop3A_573 : i32 to index
      %parallel_loop3A_575 = tpu.vector_load %arg4[%parallel_loop3A_574] {strides = array<i32>} : memref<32768xf32, #tpu.memory_space<vmem>>, vector<16xf32>,
      %parallel_loop3A_576 = arith.maximumf %parallel_loop3A_556, %parallel_loop3A_575 : vector<16xf32>
      %parallel_loop3A_577 = arith.constant 112 : i32
      %parallel_loop3A_578 = arith.addi %parallel_loop3A_541, %parallel_loop3A_577 : i32
      %parallel_loop3A_579 = arith.index_cast %parallel_loop3A_578 : i32 to index
      %parallel_loop3A_580 = tpu.vector_load %arg4[%parallel_loop3A_579] {strides = array<i32>} : memref<32768xf32, #tpu.memory_space<vmem>>, vector<16xf32>,
      %parallel_loop3A_581 = arith.maximumf %parallel_loop3A_561, %parallel_loop3A_580 : vector<16xf32>
      scf.yield %parallel_loop3A_566, %parallel_loop3A_571, %parallel_loop3A_576, %parallel_loop3A_581 : vector<16xf32>, vector<16xf32>, vector<16xf32>, vector<16xf32>
    } {sc.loop_unroll_factor = 2 : i64, sc.parallel_access}
    %max3A = arith.maximumf %parallel_loop3A_22#0, %parallel_loop3A_22#1 : vector<16xf32>
    %max3A_23 = arith.maximumf %parallel_loop3A_22#2, %parallel_loop3A_22#3 : vector<16xf32>
    %max3A_24 = arith.maximumf %max3A, %max3A_23 : vector<16xf32>
    %reduce_max3A = arith.constant true
    %reduce_max3A_25 = vector.broadcast %reduce_max3A : i1 to vector<16xi1>
    %reduce_max3A_26 = tpu.scan <max>, %max3A_24 masked %reduce_max3A_25 : vector<16xf32>, vector<16xi1> -> vector<16xf32>
    %reduce_max3A_27 = vector.extract %reduce_max3A_26[15] : f32 from vector<16xf32>
    %sub3A = arith.constant 1.000000e+00 : f32
    %sub3A_28 = arith.subf %reduce_max3A_27, %sub3A : f32
    %add3A_29 = arith.constant 0 : i32
    %add3A_30 = arith.addi %mul3A_2, %add3A_29 : i32
    %add3A_31 = arith.constant 1 : i32
    %add3A_32 = arith.addi %add3A_30, %add3A_31 : i32
    %dma_start3A_33 = arith.constant 0 : i32
    %dma_start3A_34 = tpu.memref_slice %arg2[%add3A_32, %dma_start3A_33] : memref<128x32768xf32, #tpu.memory_space<hbm>> -> memref<1x32768xf32, #tpu.memory_space<hbm>>
    %dma_start3A_35 = tpu.memref_squeeze %dma_start3A_34 : memref<1x32768xf32, #tpu.memory_space<hbm>> -> memref<32768xf32, #tpu.memory_space<hbm>>
    %dma_start3A_36 = arith.constant 0 : i32
    %dma_start3A_37 = tpu.memref_slice %arg2[%add3A_32, %dma_start3A_36] : memref<128x32768xf32, #tpu.memory_space<hbm>> -> memref<1x32768xf32, #tpu.memory_space<hbm>>
    %dma_start3A_38 = tpu.memref_squeeze %dma_start3A_37 : memref<1x32768xf32, #tpu.memory_space<hbm>> -> memref<32768xf32, #tpu.memory_space<hbm>>
    tpu.enqueue_dma source(%dma_start3A_38 : memref<32768xf32, #tpu.memory_space<hbm>>) target(%arg5 : memref<32768xf32, #tpu.memory_space<vmem>>) target_semaphore(%arg8 : memref<!tpu.dma_semaphore, #tpu.memory_space<semaphore_mem>>)
    %iota3A = tpu.iota {dimensions = array<i32: 0>} : vector<16xi32>
    %broadcast_in_dim3A_39 = arith.constant 0 : i32
    %broadcast_in_dim3A_40 = vector.broadcast %broadcast_in_dim3A_39 : i32 to vector<16xi32>
    %parallel_loop3A_41 = arith.constant 0 : i32
    %parallel_loop3A_42 = arith.constant 256 : i32
    %parallel_loop3A_43 = arith.constant 1 : i32
    %parallel_loop3A_44 = scf.for %parallel_loop3A_535 = %parallel_loop3A_41 to %parallel_loop3A_42 step %parallel_loop3A_43 iter_args(%parallel_loop3A_536 = %broadcast_in_dim3A_40) -> (vector<16xi32>)  : i32 {
      %parallel_loop3A_537 = arith.constant 128 : i32
      %parallel_loop3A_538 = arith.muli %parallel_loop3A_535, %parallel_loop3A_537 : i32
      %parallel_loop3A_539 = arith.constant 0 : i32
      %parallel_loop3A_540 = arith.addi %parallel_loop3A_538, %parallel_loop3A_539 : i32
      %parallel_loop3A_541 = arith.index_cast %parallel_loop3A_540 : i32 to index
      %parallel_loop3A_542 = tpu.vector_load %arg4[%parallel_loop3A_541] {strides = array<i32>} : memref<32768xf32, #tpu.memory_space<vmem>>, vector<16xf32>,
      %parallel_loop3A_543 = arith.constant 16 : i32
      %parallel_loop3A_544 = arith.addi %parallel_loop3A_538, %parallel_loop3A_543 : i32
      %parallel_loop3A_545 = arith.index_cast %parallel_loop3A_544 : i32 to index
      %parallel_loop3A_546 = tpu.vector_load %arg4[%parallel_loop3A_545] {strides = array<i32>} : memref<32768xf32, #tpu.memory_space<vmem>>, vector<16xf32>,
      %parallel_loop3A_547 = arith.constant 32 : i32
      %parallel_loop3A_548 = arith.addi %parallel_loop3A_538, %parallel_loop3A_547 : i32
      %parallel_loop3A_549 = arith.index_cast %parallel_loop3A_548 : i32 to index
      %parallel_loop3A_550 = tpu.vector_load %arg4[%parallel_loop3A_549] {strides = array<i32>} : memref<32768xf32, #tpu.memory_space<vmem>>, vector<16xf32>,
      %parallel_loop3A_551 = arith.constant 48 : i32
      %parallel_loop3A_552 = arith.addi %parallel_loop3A_538, %parallel_loop3A_551 : i32
      %parallel_loop3A_553 = arith.index_cast %parallel_loop3A_552 : i32 to index
      %parallel_loop3A_554 = tpu.vector_load %arg4[%parallel_loop3A_553] {strides = array<i32>} : memref<32768xf32, #tpu.memory_space<vmem>>, vector<16xf32>,
      %parallel_loop3A_555 = arith.constant 64 : i32
      %parallel_loop3A_556 = arith.addi %parallel_loop3A_538, %parallel_loop3A_555 : i32
      %parallel_loop3A_557 = arith.index_cast %parallel_loop3A_556 : i32 to index
      %parallel_loop3A_558 = tpu.vector_load %arg4[%parallel_loop3A_557] {strides = array<i32>} : memref<32768xf32, #tpu.memory_space<vmem>>, vector<16xf32>,
      %parallel_loop3A_559 = arith.constant 80 : i32
      %parallel_loop3A_560 = arith.addi %parallel_loop3A_538, %parallel_loop3A_559 : i32
      %parallel_loop3A_561 = arith.index_cast %parallel_loop3A_560 : i32 to index
      %parallel_loop3A_562 = tpu.vector_load %arg4[%parallel_loop3A_561] {strides = array<i32>} : memref<32768xf32, #tpu.memory_space<vmem>>, vector<16xf32>,
      %parallel_loop3A_563 = arith.constant 96 : i32
      %parallel_loop3A_564 = arith.addi %parallel_loop3A_538, %parallel_loop3A_563 : i32
      %parallel_loop3A_565 = arith.index_cast %parallel_loop3A_564 : i32 to index
      %parallel_loop3A_566 = tpu.vector_load %arg4[%parallel_loop3A_565] {strides = array<i32>} : memref<32768xf32, #tpu.memory_space<vmem>>, vector<16xf32>,
      %parallel_loop3A_567 = arith.constant 112 : i32
      %parallel_loop3A_568 = arith.addi %parallel_loop3A_538, %parallel_loop3A_567 : i32
      %parallel_loop3A_569 = arith.index_cast %parallel_loop3A_568 : i32 to index
      %parallel_loop3A_570 = tpu.vector_load %arg4[%parallel_loop3A_569] {strides = array<i32>} : memref<32768xf32, #tpu.memory_space<vmem>>, vector<16xf32>,
      %parallel_loop3A_571 = vector.broadcast %sub3A_28 : f32 to vector<16xf32>
      %parallel_loop3A_572 = arith.cmpf ogt, %parallel_loop3A_542, %parallel_loop3A_571 : vector<16xf32>
      %parallel_loop3A_573 = vector.broadcast %sub3A_28 : f32 to vector<16xf32>
      %parallel_loop3A_574 = arith.cmpf ogt, %parallel_loop3A_546, %parallel_loop3A_573 : vector<16xf32>
      %parallel_loop3A_575 = vector.broadcast %sub3A_28 : f32 to vector<16xf32>
      %parallel_loop3A_576 = arith.cmpf ogt, %parallel_loop3A_550, %parallel_loop3A_575 : vector<16xf32>
      %parallel_loop3A_577 = vector.broadcast %sub3A_28 : f32 to vector<16xf32>
      %parallel_loop3A_578 = arith.cmpf ogt, %parallel_loop3A_554, %parallel_loop3A_577 : vector<16xf32>
      %parallel_loop3A_579 = vector.broadcast %sub3A_28 : f32 to vector<16xf32>
      %parallel_loop3A_580 = arith.cmpf ogt, %parallel_loop3A_558, %parallel_loop3A_579 : vector<16xf32>
      %parallel_loop3A_581 = vector.broadcast %sub3A_28 : f32 to vector<16xf32>
      %parallel_loop3A_582 = arith.cmpf ogt, %parallel_loop3A_562, %parallel_loop3A_581 : vector<16xf32>
      %parallel_loop3A_583 = vector.broadcast %sub3A_28 : f32 to vector<16xf32>
      %parallel_loop3A_584 = arith.cmpf ogt, %parallel_loop3A_566, %parallel_loop3A_583 : vector<16xf32>
      %parallel_loop3A_585 = vector.broadcast %sub3A_28 : f32 to vector<16xf32>
      %parallel_loop3A_586 = arith.cmpf ogt, %parallel_loop3A_570, %parallel_loop3A_585 : vector<16xf32>
      %parallel_loop3A_587 = tpu.all_reduce %parallel_loop3A_572 {dim = 0 : i64, kind = #tpu.reduction_kind<sum>} : vector<16xi1> -> vector<16xi32>
      %parallel_loop3A_588 = tpu.all_reduce %parallel_loop3A_574 {dim = 0 : i64, kind = #tpu.reduction_kind<sum>} : vector<16xi1> -> vector<16xi32>
      %parallel_loop3A_589 = tpu.all_reduce %parallel_loop3A_576 {dim = 0 : i64, kind = #tpu.reduction_kind<sum>} : vector<16xi1> -> vector<16xi32>
      %parallel_loop3A_590 = tpu.all_reduce %parallel_loop3A_578 {dim = 0 : i64, kind = #tpu.reduction_kind<sum>} : vector<16xi1> -> vector<16xi32>
      %parallel_loop3A_591 = tpu.all_reduce %parallel_loop3A_580 {dim = 0 : i64, kind = #tpu.reduction_kind<sum>} : vector<16xi1> -> vector<16xi32>
      %parallel_loop3A_592 = tpu.all_reduce %parallel_loop3A_582 {dim = 0 : i64, kind = #tpu.reduction_kind<sum>} : vector<16xi1> -> vector<16xi32>
      %parallel_loop3A_593 = tpu.all_reduce %parallel_loop3A_584 {dim = 0 : i64, kind = #tpu.reduction_kind<sum>} : vector<16xi1> -> vector<16xi32>
      %parallel_loop3A_594 = tpu.all_reduce %parallel_loop3A_586 {dim = 0 : i64, kind = #tpu.reduction_kind<sum>} : vector<16xi1> -> vector<16xi32>
      %parallel_loop3A_595 = arith.constant 0 : i32
      %parallel_loop3A_596 = vector.broadcast %parallel_loop3A_595 : i32 to vector<16xi32>
      %parallel_loop3A_597 = arith.cmpi sgt, %parallel_loop3A_587, %parallel_loop3A_596 : vector<16xi32>
      %parallel_loop3A_598 = arith.constant 0 : i32
      %parallel_loop3A_599 = vector.broadcast %parallel_loop3A_598 : i32 to vector<16xi32>
      %parallel_loop3A_600 = arith.cmpi sgt, %parallel_loop3A_588, %parallel_loop3A_599 : vector<16xi32>
      %parallel_loop3A_601 = arith.constant 0 : i32
      %parallel_loop3A_602 = vector.broadcast %parallel_loop3A_601 : i32 to vector<16xi32>
      %parallel_loop3A_603 = arith.cmpi sgt, %parallel_loop3A_589, %parallel_loop3A_602 : vector<16xi32>
      %parallel_loop3A_604 = arith.constant 0 : i32
      %parallel_loop3A_605 = vector.broadcast %parallel_loop3A_604 : i32 to vector<16xi32>
      %parallel_loop3A_606 = arith.cmpi sgt, %parallel_loop3A_590, %parallel_loop3A_605 : vector<16xi32>
      %parallel_loop3A_607 = arith.constant 0 : i32
      %parallel_loop3A_608 = vector.broadcast %parallel_loop3A_607 : i32 to vector<16xi32>
      %parallel_loop3A_609 = arith.cmpi sgt, %parallel_loop3A_591, %parallel_loop3A_608 : vector<16xi32>
      %parallel_loop3A_610 = arith.constant 0 : i32
      %parallel_loop3A_611 = vector.broadcast %parallel_loop3A_610 : i32 to vector<16xi32>
      %parallel_loop3A_612 = arith.cmpi sgt, %parallel_loop3A_592, %parallel_loop3A_611 : vector<16xi32>
      %parallel_loop3A_613 = arith.constant 0 : i32
      %parallel_loop3A_614 = vector.broadcast %parallel_loop3A_613 : i32 to vector<16xi32>
      %parallel_loop3A_615 = arith.cmpi sgt, %parallel_loop3A_593, %parallel_loop3A_614 : vector<16xi32>
      %parallel_loop3A_616 = arith.constant 0 : i32
      %parallel_loop3A_617 = vector.broadcast %parallel_loop3A_616 : i32 to vector<16xi32>
      %parallel_loop3A_618 = arith.cmpi sgt, %parallel_loop3A_594, %parallel_loop3A_617 : vector<16xi32>
      %parallel_loop3A_619 = arith.constant -3.000000e+38 : f32
      %parallel_loop3A_620 = vector.broadcast %parallel_loop3A_619 : f32 to vector<16xf32>
      %parallel_loop3A_621 = arith.select %parallel_loop3A_572, %parallel_loop3A_542, %parallel_loop3A_620 : vector<16xi1>, vector<16xf32>
      %parallel_loop3A_622 = arith.constant -3.000000e+38 : f32
      %parallel_loop3A_623 = vector.broadcast %parallel_loop3A_622 : f32 to vector<16xf32>
      %parallel_loop3A_624 = arith.select %parallel_loop3A_574, %parallel_loop3A_546, %parallel_loop3A_623 : vector<16xi1>, vector<16xf32>
      %parallel_loop3A_625 = arith.constant -3.000000e+38 : f32
      %parallel_loop3A_626 = vector.broadcast %parallel_loop3A_625 : f32 to vector<16xf32>
      %parallel_loop3A_627 = arith.select %parallel_loop3A_576, %parallel_loop3A_550, %parallel_loop3A_626 : vector<16xi1>, vector<16xf32>
      %parallel_loop3A_628 = arith.constant -3.000000e+38 : f32
      %parallel_loop3A_629 = vector.broadcast %parallel_loop3A_628 : f32 to vector<16xf32>
      %parallel_loop3A_630 = arith.select %parallel_loop3A_578, %parallel_loop3A_554, %parallel_loop3A_629 : vector<16xi1>, vector<16xf32>
      %parallel_loop3A_631 = arith.constant -3.000000e+38 : f32
      %parallel_loop3A_632 = vector.broadcast %parallel_loop3A_631 : f32 to vector<16xf32>
      %parallel_loop3A_633 = arith.select %parallel_loop3A_580, %parallel_loop3A_558, %parallel_loop3A_632 : vector<16xi1>, vector<16xf32>
      %parallel_loop3A_634 = arith.constant -3.000000e+38 : f32
      %parallel_loop3A_635 = vector.broadcast %parallel_loop3A_634 : f32 to vector<16xf32>
      %parallel_loop3A_636 = arith.select %parallel_loop3A_582, %parallel_loop3A_562, %parallel_loop3A_635 : vector<16xi1>, vector<16xf32>
      %parallel_loop3A_637 = arith.constant -3.000000e+38 : f32
      %parallel_loop3A_638 = vector.broadcast %parallel_loop3A_637 : f32 to vector<16xf32>
      %parallel_loop3A_639 = arith.select %parallel_loop3A_584, %parallel_loop3A_566, %parallel_loop3A_638 : vector<16xi1>, vector<16xf32>
      %parallel_loop3A_640 = arith.constant -3.000000e+38 : f32
      %parallel_loop3A_641 = vector.broadcast %parallel_loop3A_640 : f32 to vector<16xf32>
      %parallel_loop3A_642 = arith.select %parallel_loop3A_586, %parallel_loop3A_570, %parallel_loop3A_641 : vector<16xi1>, vector<16xf32>
      %parallel_loop3A_643 = arith.addi %parallel_loop3A_536, %iota3A : vector<16xi32>
      tpu.vector_store_idx %arg6[%parallel_loop3A_643], %parallel_loop3A_621 masked %parallel_loop3A_597 : memref<32784xf32, #tpu.memory_space<vmem>>[vector<16xi32>], vector<16xf32>, vector<16xi1>
      %parallel_loop3A_644 = arith.constant 16 : i32
      %parallel_loop3A_645 = arith.constant 0 : i32
      %parallel_loop3A_646 = vector.broadcast %parallel_loop3A_644 : i32 to vector<16xi32>
      %parallel_loop3A_647 = vector.broadcast %parallel_loop3A_645 : i32 to vector<16xi32>
      %parallel_loop3A_648 = arith.select %parallel_loop3A_597, %parallel_loop3A_646, %parallel_loop3A_647 : vector<16xi1>, vector<16xi32>
      %parallel_loop3A_649 = arith.addi %parallel_loop3A_536, %parallel_loop3A_648 : vector<16xi32>
      %parallel_loop3A_650 = arith.addi %parallel_loop3A_649, %iota3A : vector<16xi32>
      tpu.vector_store_idx %arg6[%parallel_loop3A_650], %parallel_loop3A_624 masked %parallel_loop3A_600 : memref<32784xf32, #tpu.memory_space<vmem>>[vector<16xi32>], vector<16xf32>, vector<16xi1>
      %parallel_loop3A_651 = arith.constant 16 : i32
      %parallel_loop3A_652 = arith.constant 0 : i32
      %parallel_loop3A_653 = vector.broadcast %parallel_loop3A_651 : i32 to vector<16xi32>
      %parallel_loop3A_654 = vector.broadcast %parallel_loop3A_652 : i32 to vector<16xi32>
      %parallel_loop3A_655 = arith.select %parallel_loop3A_600, %parallel_loop3A_653, %parallel_loop3A_654 : vector<16xi1>, vector<16xi32>
      %parallel_loop3A_656 = arith.addi %parallel_loop3A_649, %parallel_loop3A_655 : vector<16xi32>
      %parallel_loop3A_657 = arith.addi %parallel_loop3A_656, %iota3A : vector<16xi32>
      tpu.vector_store_idx %arg6[%parallel_loop3A_657], %parallel_loop3A_627 masked %parallel_loop3A_603 : memref<32784xf32, #tpu.memory_space<vmem>>[vector<16xi32>], vector<16xf32>, vector<16xi1>
      %parallel_loop3A_658 = arith.constant 16 : i32
      %parallel_loop3A_659 = arith.constant 0 : i32
      %parallel_loop3A_660 = vector.broadcast %parallel_loop3A_658 : i32 to vector<16xi32>
      %parallel_loop3A_661 = vector.broadcast %parallel_loop3A_659 : i32 to vector<16xi32>
      %parallel_loop3A_662 = arith.select %parallel_loop3A_603, %parallel_loop3A_660, %parallel_loop3A_661 : vector<16xi1>, vector<16xi32>
      %parallel_loop3A_663 = arith.addi %parallel_loop3A_656, %parallel_loop3A_662 : vector<16xi32>
      %parallel_loop3A_664 = arith.addi %parallel_loop3A_663, %iota3A : vector<16xi32>
      tpu.vector_store_idx %arg6[%parallel_loop3A_664], %parallel_loop3A_630 masked %parallel_loop3A_606 : memref<32784xf32, #tpu.memory_space<vmem>>[vector<16xi32>], vector<16xf32>, vector<16xi1>
      %parallel_loop3A_665 = arith.constant 16 : i32
      %parallel_loop3A_666 = arith.constant 0 : i32
      %parallel_loop3A_667 = vector.broadcast %parallel_loop3A_665 : i32 to vector<16xi32>
      %parallel_loop3A_668 = vector.broadcast %parallel_loop3A_666 : i32 to vector<16xi32>
      %parallel_loop3A_669 = arith.select %parallel_loop3A_606, %parallel_loop3A_667, %parallel_loop3A_668 : vector<16xi1>, vector<16xi32>
      %parallel_loop3A_670 = arith.addi %parallel_loop3A_663, %parallel_loop3A_669 : vector<16xi32>
      %parallel_loop3A_671 = arith.addi %parallel_loop3A_670, %iota3A : vector<16xi32>
      tpu.vector_store_idx %arg6[%parallel_loop3A_671], %parallel_loop3A_633 masked %parallel_loop3A_609 : memref<32784xf32, #tpu.memory_space<vmem>>[vector<16xi32>], vector<16xf32>, vector<16xi1>
      %parallel_loop3A_672 = arith.constant 16 : i32
      %parallel_loop3A_673 = arith.constant 0 : i32
      %parallel_loop3A_674 = vector.broadcast %parallel_loop3A_672 : i32 to vector<16xi32>
      %parallel_loop3A_675 = vector.broadcast %parallel_loop3A_673 : i32 to vector<16xi32>
      %parallel_loop3A_676 = arith.select %parallel_loop3A_609, %parallel_loop3A_674, %parallel_loop3A_675 : vector<16xi1>, vector<16xi32>
      %parallel_loop3A_677 = arith.addi %parallel_loop3A_670, %parallel_loop3A_676 : vector<16xi32>
      %parallel_loop3A_678 = arith.addi %parallel_loop3A_677, %iota3A : vector<16xi32>
      tpu.vector_store_idx %arg6[%parallel_loop3A_678], %parallel_loop3A_636 masked %parallel_loop3A_612 : memref<32784xf32, #tpu.memory_space<vmem>>[vector<16xi32>], vector<16xf32>, vector<16xi1>
      %parallel_loop3A_679 = arith.constant 16 : i32
      %parallel_loop3A_680 = arith.constant 0 : i32
      %parallel_loop3A_681 = vector.broadcast %parallel_loop3A_679 : i32 to vector<16xi32>
      %parallel_loop3A_682 = vector.broadcast %parallel_loop3A_680 : i32 to vector<16xi32>
      %parallel_loop3A_683 = arith.select %parallel_loop3A_612, %parallel_loop3A_681, %parallel_loop3A_682 : vector<16xi1>, vector<16xi32>
      %parallel_loop3A_684 = arith.addi %parallel_loop3A_677, %parallel_loop3A_683 : vector<16xi32>
      %parallel_loop3A_685 = arith.addi %parallel_loop3A_684, %iota3A : vector<16xi32>
      tpu.vector_store_idx %arg6[%parallel_loop3A_685], %parallel_loop3A_639 masked %parallel_loop3A_615 : memref<32784xf32, #tpu.memory_space<vmem>>[vector<16xi32>], vector<16xf32>, vector<16xi1>
      %parallel_loop3A_686 = arith.constant 16 : i32
      %parallel_loop3A_687 = arith.constant 0 : i32
      %parallel_loop3A_688 = vector.broadcast %parallel_loop3A_686 : i32 to vector<16xi32>
      %parallel_loop3A_689 = vector.broadcast %parallel_loop3A_687 : i32 to vector<16xi32>
      %parallel_loop3A_690 = arith.select %parallel_loop3A_615, %parallel_loop3A_688, %parallel_loop3A_689 : vector<16xi1>, vector<16xi32>
      %parallel_loop3A_691 = arith.addi %parallel_loop3A_684, %parallel_loop3A_690 : vector<16xi32>
      %parallel_loop3A_692 = arith.addi %parallel_loop3A_691, %iota3A : vector<16xi32>
      tpu.vector_store_idx %arg6[%parallel_loop3A_692], %parallel_loop3A_642 masked %parallel_loop3A_618 : memref<32784xf32, #tpu.memory_space<vmem>>[vector<16xi32>], vector<16xf32>, vector<16xi1>
      %parallel_loop3A_693 = arith.constant 16 : i32
      %parallel_loop3A_694 = arith.constant 0 : i32
      %parallel_loop3A_695 = vector.broadcast %parallel_loop3A_693 : i32 to vector<16xi32>
      %parallel_loop3A_696 = vector.broadcast %parallel_loop3A_694 : i32 to vector<16xi32>
      %parallel_loop3A_697 = arith.select %parallel_loop3A_618, %parallel_loop3A_695, %parallel_loop3A_696 : vector<16xi1>, vector<16xi32>
      %parallel_loop3A_698 = arith.addi %parallel_loop3A_691, %parallel_loop3A_697 : vector<16xi32>
      scf.yield %parallel_loop3A_698 : vector<16xi32>
    } {sc.loop_unroll_factor = 1 : i64, sc.parallel_access}
    %slice3A = vector.extract_strided_slice %parallel_loop3A_44 {offsets = [0], sizes = [1], strides = [1]} : vector<16xi32> to vector<1xi32>
    %squeeze3A = vector.extract %slice3A[0] : i32 from vector<1xi32>
    %jit3A = arith.constant 16 : i32
    %div3A = arith.divsi %squeeze3A, %jit3A : i32
    %sign3A = arith.constant 0 : i32
    %sign3A_45 = arith.cmpi sgt, %squeeze3A, %sign3A : i32
    %sign3A_46 = arith.extui %sign3A_45 : i1 to i32
    %sign3A_47 = arith.constant 0 : i32
    %sign3A_48 = arith.cmpi slt, %squeeze3A, %sign3A_47 : i32
    %sign3A_49 = arith.extui %sign3A_48 : i1 to i32
    %sign3A_50 = arith.subi %sign3A_46, %sign3A_49 : i32
    %sign3A_51 = arith.constant 0 : i32
    %sign3A_52 = arith.cmpi sgt, %jit3A, %sign3A_51 : i32
    %sign3A_53 = arith.extui %sign3A_52 : i1 to i32
    %sign3A_54 = arith.constant 0 : i32
    %sign3A_55 = arith.cmpi slt, %jit3A, %sign3A_54 : i32
    %sign3A_56 = arith.extui %sign3A_55 : i1 to i32
    %sign3A_57 = arith.subi %sign3A_53, %sign3A_56 : i32
    %ne3A = arith.cmpi ne, %sign3A_50, %sign3A_57 : i32
    %rem3A = arith.remsi %squeeze3A, %jit3A : i32
    %ne3A_58 = arith.constant 0 : i32
    %ne3A_59 = arith.cmpi ne, %rem3A, %ne3A_58 : i32
    %and3A = arith.andi %ne3A, %ne3A_59 : i1
    %sub3A_60 = arith.constant 1 : i32
    %sub3A_61 = arith.subi %div3A, %sub3A_60 : i32
    %select_n3A = arith.select %and3A, %sub3A_61, %div3A : i32
    %while3A = arith.constant 0 : i32
    %while3A_62 = arith.constant 0 : i32
    %while3A_63 = arith.subi %select_n3A, %while3A : i32
    %while3A_64 = arith.addi %while3A, %while3A_63 : i32
    %while3A_65 = arith.constant 1 : i32
    %while3A_66 = arith.divsi %while3A_63, %while3A_65 : i32
    %while3A_67 = arith.muli %while3A_66, %while3A_65 : i32
    %while3A_68 = arith.addi %while3A, %while3A_67 : i32
    %while3A_69 = arith.constant 1 : i32
    %while3A_70 = scf.for %while3A_535 = %while3A to %while3A_68 step %while3A_69 iter_args(%while3A_536 = %while3A_62) -> (i32)  : i32 {
      %mul3A_537 = arith.constant 16 : i32
      %mul3A_538 = arith.muli %while3A_535, %mul3A_537 : i32
      %get3A = arith.index_cast %mul3A_538 : i32 to index
      %get3A_539 = tpu.vector_load %arg6[%get3A] {strides = array<i32>} : memref<32784xf32, #tpu.memory_space<vmem>>, vector<16xf32>,
      %gt3A = vector.broadcast %sub3A_28 : f32 to vector<16xf32>
      %gt3A_540 = arith.cmpf ogt, %get3A_539, %gt3A : vector<16xf32>
      %all_reduce_population_count3A = tpu.all_reduce %gt3A_540 {dim = 0 : i64, kind = #tpu.reduction_kind<sum>} : vector<16xi1> -> vector<16xi32>
      %swap3A_541 = arith.index_cast %while3A_536 : i32 to index
      %swap3A_542 = tpu.vector_load %arg6[%swap3A_541] masked %gt3A_540 {strides = array<i32>} : memref<32784xf32, #tpu.memory_space<vmem>>, vector<16xf32>, vector<16xi1>
      tpu.vector_store %arg6[%swap3A_541], %get3A_539 masked %gt3A_540 {strides = array<i32>} : memref<32784xf32, #tpu.memory_space<vmem>>, vector<16xf32>, vector<16xi1>
      %slice3A_543 = vector.extract_strided_slice %all_reduce_population_count3A {offsets = [0], sizes = [1], strides = [1]} : vector<16xi32> to vector<1xi32>
      %squeeze3A_544 = vector.extract %slice3A_543[0] : i32 from vector<1xi32>
      %add3A_545 = arith.addi %while3A_536, %squeeze3A_544 : i32
      scf.yield %add3A_545 : i32
    }
    %while3A_71 = arith.constant 1 : i32
    %while3A_72 = scf.for %while3A_535 = %while3A_68 to %while3A_64 step %while3A_71 iter_args(%while3A_536 = %while3A_70) -> (i32)  : i32 {
      %mul3A_537 = arith.constant 16 : i32
      %mul3A_538 = arith.muli %while3A_535, %mul3A_537 : i32
      %get3A = arith.index_cast %mul3A_538 : i32 to index
      %get3A_539 = tpu.vector_load %arg6[%get3A] {strides = array<i32>} : memref<32784xf32, #tpu.memory_space<vmem>>, vector<16xf32>,
      %gt3A = vector.broadcast %sub3A_28 : f32 to vector<16xf32>
      %gt3A_540 = arith.cmpf ogt, %get3A_539, %gt3A : vector<16xf32>
      %all_reduce_population_count3A = tpu.all_reduce %gt3A_540 {dim = 0 : i64, kind = #tpu.reduction_kind<sum>} : vector<16xi1> -> vector<16xi32>
      %swap3A_541 = arith.index_cast %while3A_536 : i32 to index
      %swap3A_542 = tpu.vector_load %arg6[%swap3A_541] masked %gt3A_540 {strides = array<i32>} : memref<32784xf32, #tpu.memory_space<vmem>>, vector<16xf32>, vector<16xi1>
      tpu.vector_store %arg6[%swap3A_541], %get3A_539 masked %gt3A_540 {strides = array<i32>} : memref<32784xf32, #tpu.memory_space<vmem>>, vector<16xf32>, vector<16xi1>
      %slice3A_543 = vector.extract_strided_slice %all_reduce_population_count3A {offsets = [0], sizes = [1], strides = [1]} : vector<16xi32> to vector<1xi32>
      %squeeze3A_544 = vector.extract %slice3A_543[0] : i32 from vector<1xi32>
      %add3A_545 = arith.addi %while3A_536, %squeeze3A_544 : i32
      scf.yield %add3A_545 : i32
    }
    %broadcast_in_dim3A_73 = arith.constant -3.000000e+38 : f32
    %broadcast_in_dim3A_74 = vector.broadcast %broadcast_in_dim3A_73 : f32 to vector<16xf32>
    %swap3A = arith.index_cast %while3A_72 : i32 to index
    %swap3A_75 = tpu.vector_load %arg6[%swap3A] {strides = array<i32>} : memref<32784xf32, #tpu.memory_space<vmem>>, vector<16xf32>,
    tpu.vector_store %arg6[%swap3A], %broadcast_in_dim3A_74 {strides = array<i32>} : memref<32784xf32, #tpu.memory_space<vmem>>, vector<16xf32>,
    %add3A_76 = arith.constant 16 : i32
    %add3A_77 = arith.addi %while3A_72, %add3A_76 : i32
    %sub3A_78 = arith.constant 1 : i32
    %sub3A_79 = arith.subi %add3A_77, %sub3A_78 : i32
    %jit3A_80 = arith.constant 16 : i32
    %div3A_81 = arith.divsi %sub3A_79, %jit3A_80 : i32
    %sign3A_82 = arith.constant 0 : i32
    %sign3A_83 = arith.cmpi sgt, %sub3A_79, %sign3A_82 : i32
    %sign3A_84 = arith.extui %sign3A_83 : i1 to i32
    %sign3A_85 = arith.constant 0 : i32
    %sign3A_86 = arith.cmpi slt, %sub3A_79, %sign3A_85 : i32
    %sign3A_87 = arith.extui %sign3A_86 : i1 to i32
    %sign3A_88 = arith.subi %sign3A_84, %sign3A_87 : i32
    %sign3A_89 = arith.constant 0 : i32
    %sign3A_90 = arith.cmpi sgt, %jit3A_80, %sign3A_89 : i32
    %sign3A_91 = arith.extui %sign3A_90 : i1 to i32
    %sign3A_92 = arith.constant 0 : i32
    %sign3A_93 = arith.cmpi slt, %jit3A_80, %sign3A_92 : i32
    %sign3A_94 = arith.extui %sign3A_93 : i1 to i32
    %sign3A_95 = arith.subi %sign3A_91, %sign3A_94 : i32
    %ne3A_96 = arith.cmpi ne, %sign3A_88, %sign3A_95 : i32
    %rem3A_97 = arith.remsi %sub3A_79, %jit3A_80 : i32
    %ne3A_98 = arith.constant 0 : i32
    %ne3A_99 = arith.cmpi ne, %rem3A_97, %ne3A_98 : i32
    %and3A_100 = arith.andi %ne3A_96, %ne3A_99 : i1
    %sub3A_101 = arith.constant 1 : i32
    %sub3A_102 = arith.subi %div3A_81, %sub3A_101 : i32
    %select_n3A_103 = arith.select %and3A_100, %sub3A_102, %div3A_81 : i32
    %scan3A = arith.constant 0 : i32
    %scan3A_104 = arith.constant 26 : i32
    %scan3A_105 = arith.addi %scan3A, %scan3A_104 : i32
    %scan3A_106 = arith.constant 1 : i32
    %scan3A_107:2 = scf.for %scan3A_535 = %scan3A to %scan3A_105 step %scan3A_106 iter_args(%scan3A_536 = %sub3A_28, %scan3A_537 = %reduce_max3A_27) -> (f32, f32)  : i32 {
      %add3A_538 = arith.addf %scan3A_536, %scan3A_537 : f32
      %mul3A_539 = arith.constant 5.000000e-01 : f32
      %mul3A_540 = arith.mulf %mul3A_539, %add3A_538 : f32
      %broadcast_in_dim3A_541 = arith.constant 0.000000e+00 : f32
      %broadcast_in_dim3A_542 = vector.broadcast %broadcast_in_dim3A_541 : f32 to vector<16xf32>
      %while3A_543 = arith.constant 0 : i32
      %while3A_544 = arith.subi %select_n3A_103, %while3A_543 : i32
      %while3A_545 = arith.addi %while3A_543, %while3A_544 : i32
      %while3A_546 = arith.constant 1 : i32
      %while3A_547 = arith.divsi %while3A_544, %while3A_546 : i32
      %while3A_548 = arith.muli %while3A_547, %while3A_546 : i32
      %while3A_549 = arith.addi %while3A_543, %while3A_548 : i32
      %while3A_550 = arith.constant 1 : i32
      %while3A_551 = scf.for %while3A_560 = %while3A_543 to %while3A_549 step %while3A_550 iter_args(%while3A_561 = %broadcast_in_dim3A_542) -> (vector<16xf32>)  : i32 {
        %mul3A_562 = arith.constant 16 : i32
        %mul3A_563 = arith.muli %while3A_560, %mul3A_562 : i32
        %get3A = arith.index_cast %mul3A_563 : i32 to index
        %get3A_564 = tpu.vector_load %arg6[%get3A] {strides = array<i32>} : memref<32784xf32, #tpu.memory_space<vmem>>, vector<16xf32>,
        %sub3A_565 = vector.broadcast %mul3A_540 : f32 to vector<16xf32>
        %sub3A_566 = arith.subf %get3A_564, %sub3A_565 : vector<16xf32>
        %max3A_567 = arith.constant 0.000000e+00 : f32
        %max3A_568 = vector.broadcast %max3A_567 : f32 to vector<16xf32>
        %max3A_569 = arith.maximumf %sub3A_566, %max3A_568 : vector<16xf32>
        %add3A_570 = arith.addf %while3A_561, %max3A_569 : vector<16xf32>
        scf.yield %add3A_570 : vector<16xf32>
      }
      %while3A_552 = arith.constant 1 : i32
      %while3A_553 = scf.for %while3A_560 = %while3A_549 to %while3A_545 step %while3A_552 iter_args(%while3A_561 = %while3A_551) -> (vector<16xf32>)  : i32 {
        %mul3A_562 = arith.constant 16 : i32
        %mul3A_563 = arith.muli %while3A_560, %mul3A_562 : i32
        %get3A = arith.index_cast %mul3A_563 : i32 to index
        %get3A_564 = tpu.vector_load %arg6[%get3A] {strides = array<i32>} : memref<32784xf32, #tpu.memory_space<vmem>>, vector<16xf32>,
        %sub3A_565 = vector.broadcast %mul3A_540 : f32 to vector<16xf32>
        %sub3A_566 = arith.subf %get3A_564, %sub3A_565 : vector<16xf32>
        %max3A_567 = arith.constant 0.000000e+00 : f32
        %max3A_568 = vector.broadcast %max3A_567 : f32 to vector<16xf32>
        %max3A_569 = arith.maximumf %sub3A_566, %max3A_568 : vector<16xf32>
        %add3A_570 = arith.addf %while3A_561, %max3A_569 : vector<16xf32>
        scf.yield %add3A_570 : vector<16xf32>
      }
      %reduce_sum3A = arith.constant true
      %reduce_sum3A_554 = vector.broadcast %reduce_sum3A : i1 to vector<16xi1>
      %reduce_sum3A_555 = tpu.scan <sum>, %while3A_553 masked %reduce_sum3A_554 : vector<16xf32>, vector<16xi1> -> vector<16xf32>
      %reduce_sum3A_556 = vector.extract %reduce_sum3A_555[15] : f32 from vector<16xf32>
      %ge3A = arith.constant 1.000000e+00 : f32
      %ge3A_557 = arith.cmpf oge, %reduce_sum3A_556, %ge3A : f32
      %select_n3A_558 = arith.select %ge3A_557, %mul3A_540, %scan3A_536 : f32
      %select_n3A_559 = arith.select %ge3A_557, %scan3A_537, %mul3A_540 : f32
      scf.yield %select_n3A_558, %select_n3A_559 : f32, f32
    }
    %scan3A_108 = arith.constant 26 : i32
    %parallel_loop3A_109 = arith.constant 0 : i32
    %parallel_loop3A_110 = arith.constant 256 : i32
    %parallel_loop3A_111 = arith.constant 1 : i32
    %parallel_loop3A_112 = arith.constant 0 : i32
    %parallel_loop3A_113 = scf.for %parallel_loop3A_535 = %parallel_loop3A_109 to %parallel_loop3A_110 step %parallel_loop3A_111 iter_args(%parallel_loop3A_536 = %parallel_loop3A_112) -> (i32)  : i32 {
      %parallel_loop3A_537 = arith.constant 128 : i32
      %parallel_loop3A_538 = arith.muli %parallel_loop3A_535, %parallel_loop3A_537 : i32
      %parallel_loop3A_539 = arith.constant 0 : i32
      %parallel_loop3A_540 = arith.addi %parallel_loop3A_538, %parallel_loop3A_539 : i32
      %parallel_loop3A_541 = arith.index_cast %parallel_loop3A_540 : i32 to index
      %parallel_loop3A_542 = tpu.vector_load %arg4[%parallel_loop3A_541] {strides = array<i32>} : memref<32768xf32, #tpu.memory_space<vmem>>, vector<16xf32>,
      %parallel_loop3A_543 = vector.broadcast %scan3A_107#0 : f32 to vector<16xf32>
      %parallel_loop3A_544 = arith.subf %parallel_loop3A_542, %parallel_loop3A_543 : vector<16xf32>
      %parallel_loop3A_545 = arith.constant 0.000000e+00 : f32
      %parallel_loop3A_546 = vector.broadcast %parallel_loop3A_545 : f32 to vector<16xf32>
      %parallel_loop3A_547 = arith.maximumf %parallel_loop3A_544, %parallel_loop3A_546 : vector<16xf32>
      %parallel_loop3A_548 = arith.index_cast %parallel_loop3A_540 : i32 to index
      %parallel_loop3A_549 = tpu.vector_load %arg4[%parallel_loop3A_548] {strides = array<i32>} : memref<32768xf32, #tpu.memory_space<vmem>>, vector<16xf32>,
      tpu.vector_store %arg4[%parallel_loop3A_548], %parallel_loop3A_547 {strides = array<i32>} : memref<32768xf32, #tpu.memory_space<vmem>>, vector<16xf32>,
      %parallel_loop3A_550 = arith.constant 16 : i32
      %parallel_loop3A_551 = arith.addi %parallel_loop3A_538, %parallel_loop3A_550 : i32
      %parallel_loop3A_552 = arith.index_cast %parallel_loop3A_551 : i32 to index
      %parallel_loop3A_553 = tpu.vector_load %arg4[%parallel_loop3A_552] {strides = array<i32>} : memref<32768xf32, #tpu.memory_space<vmem>>, vector<16xf32>,
      %parallel_loop3A_554 = vector.broadcast %scan3A_107#0 : f32 to vector<16xf32>
      %parallel_loop3A_555 = arith.subf %parallel_loop3A_553, %parallel_loop3A_554 : vector<16xf32>
      %parallel_loop3A_556 = arith.constant 0.000000e+00 : f32
      %parallel_loop3A_557 = vector.broadcast %parallel_loop3A_556 : f32 to vector<16xf32>
      %parallel_loop3A_558 = arith.maximumf %parallel_loop3A_555, %parallel_loop3A_557 : vector<16xf32>
      %parallel_loop3A_559 = arith.index_cast %parallel_loop3A_551 : i32 to index
      %parallel_loop3A_560 = tpu.vector_load %arg4[%parallel_loop3A_559] {strides = array<i32>} : memref<32768xf32, #tpu.memory_space<vmem>>, vector<16xf32>,
      tpu.vector_store %arg4[%parallel_loop3A_559], %parallel_loop3A_558 {strides = array<i32>} : memref<32768xf32, #tpu.memory_space<vmem>>, vector<16xf32>,
      %parallel_loop3A_561 = arith.constant 32 : i32
      %parallel_loop3A_562 = arith.addi %parallel_loop3A_538, %parallel_loop3A_561 : i32
      %parallel_loop3A_563 = arith.index_cast %parallel_loop3A_562 : i32 to index
      %parallel_loop3A_564 = tpu.vector_load %arg4[%parallel_loop3A_563] {strides = array<i32>} : memref<32768xf32, #tpu.memory_space<vmem>>, vector<16xf32>,
      %parallel_loop3A_565 = vector.broadcast %scan3A_107#0 : f32 to vector<16xf32>
      %parallel_loop3A_566 = arith.subf %parallel_loop3A_564, %parallel_loop3A_565 : vector<16xf32>
      %parallel_loop3A_567 = arith.constant 0.000000e+00 : f32
      %parallel_loop3A_568 = vector.broadcast %parallel_loop3A_567 : f32 to vector<16xf32>
      %parallel_loop3A_569 = arith.maximumf %parallel_loop3A_566, %parallel_loop3A_568 : vector<16xf32>
      %parallel_loop3A_570 = arith.index_cast %parallel_loop3A_562 : i32 to index
      %parallel_loop3A_571 = tpu.vector_load %arg4[%parallel_loop3A_570] {strides = array<i32>} : memref<32768xf32, #tpu.memory_space<vmem>>, vector<16xf32>,
      tpu.vector_store %arg4[%parallel_loop3A_570], %parallel_loop3A_569 {strides = array<i32>} : memref<32768xf32, #tpu.memory_space<vmem>>, vector<16xf32>,
      %parallel_loop3A_572 = arith.constant 48 : i32
      %parallel_loop3A_573 = arith.addi %parallel_loop3A_538, %parallel_loop3A_572 : i32
      %parallel_loop3A_574 = arith.index_cast %parallel_loop3A_573 : i32 to index
      %parallel_loop3A_575 = tpu.vector_load %arg4[%parallel_loop3A_574] {strides = array<i32>} : memref<32768xf32, #tpu.memory_space<vmem>>, vector<16xf32>,
      %parallel_loop3A_576 = vector.broadcast %scan3A_107#0 : f32 to vector<16xf32>
      %parallel_loop3A_577 = arith.subf %parallel_loop3A_575, %parallel_loop3A_576 : vector<16xf32>
      %parallel_loop3A_578 = arith.constant 0.000000e+00 : f32
      %parallel_loop3A_579 = vector.broadcast %parallel_loop3A_578 : f32 to vector<16xf32>
      %parallel_loop3A_580 = arith.maximumf %parallel_loop3A_577, %parallel_loop3A_579 : vector<16xf32>
      %parallel_loop3A_581 = arith.index_cast %parallel_loop3A_573 : i32 to index
      %parallel_loop3A_582 = tpu.vector_load %arg4[%parallel_loop3A_581] {strides = array<i32>} : memref<32768xf32, #tpu.memory_space<vmem>>, vector<16xf32>,
      tpu.vector_store %arg4[%parallel_loop3A_581], %parallel_loop3A_580 {strides = array<i32>} : memref<32768xf32, #tpu.memory_space<vmem>>, vector<16xf32>,
      %parallel_loop3A_583 = arith.constant 64 : i32
      %parallel_loop3A_584 = arith.addi %parallel_loop3A_538, %parallel_loop3A_583 : i32
      %parallel_loop3A_585 = arith.index_cast %parallel_loop3A_584 : i32 to index
      %parallel_loop3A_586 = tpu.vector_load %arg4[%parallel_loop3A_585] {strides = array<i32>} : memref<32768xf32, #tpu.memory_space<vmem>>, vector<16xf32>,
      %parallel_loop3A_587 = vector.broadcast %scan3A_107#0 : f32 to vector<16xf32>
      %parallel_loop3A_588 = arith.subf %parallel_loop3A_586, %parallel_loop3A_587 : vector<16xf32>
      %parallel_loop3A_589 = arith.constant 0.000000e+00 : f32
      %parallel_loop3A_590 = vector.broadcast %parallel_loop3A_589 : f32 to vector<16xf32>
      %parallel_loop3A_591 = arith.maximumf %parallel_loop3A_588, %parallel_loop3A_590 : vector<16xf32>
      %parallel_loop3A_592 = arith.index_cast %parallel_loop3A_584 : i32 to index
      %parallel_loop3A_593 = tpu.vector_load %arg4[%parallel_loop3A_592] {strides = array<i32>} : memref<32768xf32, #tpu.memory_space<vmem>>, vector<16xf32>,
      tpu.vector_store %arg4[%parallel_loop3A_592], %parallel_loop3A_591 {strides = array<i32>} : memref<32768xf32, #tpu.memory_space<vmem>>, vector<16xf32>,
      %parallel_loop3A_594 = arith.constant 80 : i32
      %parallel_loop3A_595 = arith.addi %parallel_loop3A_538, %parallel_loop3A_594 : i32
      %parallel_loop3A_596 = arith.index_cast %parallel_loop3A_595 : i32 to index
      %parallel_loop3A_597 = tpu.vector_load %arg4[%parallel_loop3A_596] {strides = array<i32>} : memref<32768xf32, #tpu.memory_space<vmem>>, vector<16xf32>,
      %parallel_loop3A_598 = vector.broadcast %scan3A_107#0 : f32 to vector<16xf32>
      %parallel_loop3A_599 = arith.subf %parallel_loop3A_597, %parallel_loop3A_598 : vector<16xf32>
      %parallel_loop3A_600 = arith.constant 0.000000e+00 : f32
      %parallel_loop3A_601 = vector.broadcast %parallel_loop3A_600 : f32 to vector<16xf32>
      %parallel_loop3A_602 = arith.maximumf %parallel_loop3A_599, %parallel_loop3A_601 : vector<16xf32>
      %parallel_loop3A_603 = arith.index_cast %parallel_loop3A_595 : i32 to index
      %parallel_loop3A_604 = tpu.vector_load %arg4[%parallel_loop3A_603] {strides = array<i32>} : memref<32768xf32, #tpu.memory_space<vmem>>, vector<16xf32>,
      tpu.vector_store %arg4[%parallel_loop3A_603], %parallel_loop3A_602 {strides = array<i32>} : memref<32768xf32, #tpu.memory_space<vmem>>, vector<16xf32>,
      %parallel_loop3A_605 = arith.constant 96 : i32
      %parallel_loop3A_606 = arith.addi %parallel_loop3A_538, %parallel_loop3A_605 : i32
      %parallel_loop3A_607 = arith.index_cast %parallel_loop3A_606 : i32 to index
      %parallel_loop3A_608 = tpu.vector_load %arg4[%parallel_loop3A_607] {strides = array<i32>} : memref<32768xf32, #tpu.memory_space<vmem>>, vector<16xf32>,
      %parallel_loop3A_609 = vector.broadcast %scan3A_107#0 : f32 to vector<16xf32>
      %parallel_loop3A_610 = arith.subf %parallel_loop3A_608, %parallel_loop3A_609 : vector<16xf32>
      %parallel_loop3A_611 = arith.constant 0.000000e+00 : f32
      %parallel_loop3A_612 = vector.broadcast %parallel_loop3A_611 : f32 to vector<16xf32>
      %parallel_loop3A_613 = arith.maximumf %parallel_loop3A_610, %parallel_loop3A_612 : vector<16xf32>
      %parallel_loop3A_614 = arith.index_cast %parallel_loop3A_606 : i32 to index
      %parallel_loop3A_615 = tpu.vector_load %arg4[%parallel_loop3A_614] {strides = array<i32>} : memref<32768xf32, #tpu.memory_space<vmem>>, vector<16xf32>,
      tpu.vector_store %arg4[%parallel_loop3A_614], %parallel_loop3A_613 {strides = array<i32>} : memref<32768xf32, #tpu.memory_space<vmem>>, vector<16xf32>,
      %parallel_loop3A_616 = arith.constant 112 : i32
      %parallel_loop3A_617 = arith.addi %parallel_loop3A_538, %parallel_loop3A_616 : i32
      %parallel_loop3A_618 = arith.index_cast %parallel_loop3A_617 : i32 to index
      %parallel_loop3A_619 = tpu.vector_load %arg4[%parallel_loop3A_618] {strides = array<i32>} : memref<32768xf32, #tpu.memory_space<vmem>>, vector<16xf32>,
      %parallel_loop3A_620 = vector.broadcast %scan3A_107#0 : f32 to vector<16xf32>
      %parallel_loop3A_621 = arith.subf %parallel_loop3A_619, %parallel_loop3A_620 : vector<16xf32>
      %parallel_loop3A_622 = arith.constant 0.000000e+00 : f32
      %parallel_loop3A_623 = vector.broadcast %parallel_loop3A_622 : f32 to vector<16xf32>
      %parallel_loop3A_624 = arith.maximumf %parallel_loop3A_621, %parallel_loop3A_623 : vector<16xf32>
      %parallel_loop3A_625 = arith.index_cast %parallel_loop3A_617 : i32 to index
      %parallel_loop3A_626 = tpu.vector_load %arg4[%parallel_loop3A_625] {strides = array<i32>} : memref<32768xf32, #tpu.memory_space<vmem>>, vector<16xf32>,
      tpu.vector_store %arg4[%parallel_loop3A_625], %parallel_loop3A_624 {strides = array<i32>} : memref<32768xf32, #tpu.memory_space<vmem>>, vector<16xf32>,
      scf.yield %parallel_loop3A_536 : i32
    } {sc.loop_unroll_factor = 1 : i64, sc.parallel_access}
    %add3A_114 = arith.constant 0 : i32
    %add3A_115 = arith.addi %mul3A_2, %add3A_114 : i32
    %dma_start3A_116 = arith.constant 0 : i32
    %dma_start3A_117 = tpu.memref_slice %arg3[%add3A_115, %dma_start3A_116] : memref<128x32768xf32, #tpu.memory_space<hbm>> -> memref<1x32768xf32, #tpu.memory_space<hbm>>
    %dma_start3A_118 = tpu.memref_squeeze %dma_start3A_117 : memref<1x32768xf32, #tpu.memory_space<hbm>> -> memref<32768xf32, #tpu.memory_space<hbm>>
    %dma_start3A_119 = arith.constant 0 : i32
    %dma_start3A_120 = tpu.memref_slice %arg3[%add3A_115, %dma_start3A_119] : memref<128x32768xf32, #tpu.memory_space<hbm>> -> memref<1x32768xf32, #tpu.memory_space<hbm>>
    %dma_start3A_121 = tpu.memref_squeeze %dma_start3A_120 : memref<1x32768xf32, #tpu.memory_space<hbm>> -> memref<32768xf32, #tpu.memory_space<hbm>>
    tpu.enqueue_dma source(%arg4 : memref<32768xf32, #tpu.memory_space<vmem>>) target(%dma_start3A_121 : memref<32768xf32, #tpu.memory_space<hbm>>) target_semaphore(%arg9 : memref<!tpu.dma_semaphore, #tpu.memory_space<semaphore_mem>>)
    %dma_wait3A_122 = arith.constant 0 : i32
    %dma_wait3A_123 = tpu.memref_slice %arg2[%add3A_32, %dma_wait3A_122] : memref<128x32768xf32, #tpu.memory_space<hbm>> -> memref<1x32768xf32, #tpu.memory_space<hbm>>
    %dma_wait3A_124 = tpu.memref_squeeze %dma_wait3A_123 : memref<1x32768xf32, #tpu.memory_space<hbm>> -> memref<32768xf32, #tpu.memory_space<hbm>>
    %dma_wait3A_125 = arith.constant 0 : i32
    %dma_wait3A_126 = tpu.memref_slice %arg2[%add3A_32, %dma_wait3A_125] : memref<128x32768xf32, #tpu.memory_space<hbm>> -> memref<1x32768xf32, #tpu.memory_space<hbm>>
    %dma_wait3A_127 = tpu.memref_squeeze %dma_wait3A_126 : memref<1x32768xf32, #tpu.memory_space<hbm>> -> memref<32768xf32, #tpu.memory_space<hbm>>
    tpu.wait_dma2 semaphore(%arg8 : memref<!tpu.dma_semaphore, #tpu.memory_space<semaphore_mem>>) src(%dma_wait3A_127 : memref<32768xf32, #tpu.memory_space<hbm>>) dst(%arg5 : memref<32768xf32, #tpu.memory_space<vmem>>)
    %broadcast_in_dim3A_128 = arith.constant -3.000000e+38 : f32
    %broadcast_in_dim3A_129 = vector.broadcast %broadcast_in_dim3A_128 : f32 to vector<16xf32>
    %broadcast_in_dim3A_130 = arith.constant -3.000000e+38 : f32
    %broadcast_in_dim3A_131 = vector.broadcast %broadcast_in_dim3A_130 : f32 to vector<16xf32>
    %broadcast_in_dim3A_132 = arith.constant -3.000000e+38 : f32
    %broadcast_in_dim3A_133 = vector.broadcast %broadcast_in_dim3A_132 : f32 to vector<16xf32>
    %broadcast_in_dim3A_134 = arith.constant -3.000000e+38 : f32
    %broadcast_in_dim3A_135 = vector.broadcast %broadcast_in_dim3A_134 : f32 to vector<16xf32>
    %parallel_loop3A_136 = arith.constant 0 : i32
    %parallel_loop3A_137 = arith.constant 256 : i32
    %parallel_loop3A_138 = arith.constant 1 : i32
    %parallel_loop3A_139:4 = scf.for %parallel_loop3A_535 = %parallel_loop3A_136 to %parallel_loop3A_137 step %parallel_loop3A_138 iter_args(%parallel_loop3A_536 = %broadcast_in_dim3A_129, %parallel_loop3A_537 = %broadcast_in_dim3A_131, %parallel_loop3A_538 = %broadcast_in_dim3A_133, %parallel_loop3A_539 = %broadcast_in_dim3A_135) -> (vector<16xf32>, vector<16xf32>, vector<16xf32>, vector<16xf32>)  : i32 {
      %parallel_loop3A_540 = arith.constant 128 : i32
      %parallel_loop3A_541 = arith.muli %parallel_loop3A_535, %parallel_loop3A_540 : i32
      %parallel_loop3A_542 = arith.constant 0 : i32
      %parallel_loop3A_543 = arith.addi %parallel_loop3A_541, %parallel_loop3A_542 : i32
      %parallel_loop3A_544 = arith.index_cast %parallel_loop3A_543 : i32 to index
      %parallel_loop3A_545 = tpu.vector_load %arg5[%parallel_loop3A_544] {strides = array<i32>} : memref<32768xf32, #tpu.memory_space<vmem>>, vector<16xf32>,
      %parallel_loop3A_546 = arith.maximumf %parallel_loop3A_536, %parallel_loop3A_545 : vector<16xf32>
      %parallel_loop3A_547 = arith.constant 16 : i32
      %parallel_loop3A_548 = arith.addi %parallel_loop3A_541, %parallel_loop3A_547 : i32
      %parallel_loop3A_549 = arith.index_cast %parallel_loop3A_548 : i32 to index
      %parallel_loop3A_550 = tpu.vector_load %arg5[%parallel_loop3A_549] {strides = array<i32>} : memref<32768xf32, #tpu.memory_space<vmem>>, vector<16xf32>,
      %parallel_loop3A_551 = arith.maximumf %parallel_loop3A_537, %parallel_loop3A_550 : vector<16xf32>
      %parallel_loop3A_552 = arith.constant 32 : i32
      %parallel_loop3A_553 = arith.addi %parallel_loop3A_541, %parallel_loop3A_552 : i32
      %parallel_loop3A_554 = arith.index_cast %parallel_loop3A_553 : i32 to index
      %parallel_loop3A_555 = tpu.vector_load %arg5[%parallel_loop3A_554] {strides = array<i32>} : memref<32768xf32, #tpu.memory_space<vmem>>, vector<16xf32>,
      %parallel_loop3A_556 = arith.maximumf %parallel_loop3A_538, %parallel_loop3A_555 : vector<16xf32>
      %parallel_loop3A_557 = arith.constant 48 : i32
      %parallel_loop3A_558 = arith.addi %parallel_loop3A_541, %parallel_loop3A_557 : i32
      %parallel_loop3A_559 = arith.index_cast %parallel_loop3A_558 : i32 to index
      %parallel_loop3A_560 = tpu.vector_load %arg5[%parallel_loop3A_559] {strides = array<i32>} : memref<32768xf32, #tpu.memory_space<vmem>>, vector<16xf32>,
      %parallel_loop3A_561 = arith.maximumf %parallel_loop3A_539, %parallel_loop3A_560 : vector<16xf32>
      %parallel_loop3A_562 = arith.constant 64 : i32
      %parallel_loop3A_563 = arith.addi %parallel_loop3A_541, %parallel_loop3A_562 : i32
      %parallel_loop3A_564 = arith.index_cast %parallel_loop3A_563 : i32 to index
      %parallel_loop3A_565 = tpu.vector_load %arg5[%parallel_loop3A_564] {strides = array<i32>} : memref<32768xf32, #tpu.memory_space<vmem>>, vector<16xf32>,
      %parallel_loop3A_566 = arith.maximumf %parallel_loop3A_546, %parallel_loop3A_565 : vector<16xf32>
      %parallel_loop3A_567 = arith.constant 80 : i32
      %parallel_loop3A_568 = arith.addi %parallel_loop3A_541, %parallel_loop3A_567 : i32
      %parallel_loop3A_569 = arith.index_cast %parallel_loop3A_568 : i32 to index
      %parallel_loop3A_570 = tpu.vector_load %arg5[%parallel_loop3A_569] {strides = array<i32>} : memref<32768xf32, #tpu.memory_space<vmem>>, vector<16xf32>,
      %parallel_loop3A_571 = arith.maximumf %parallel_loop3A_551, %parallel_loop3A_570 : vector<16xf32>
      %parallel_loop3A_572 = arith.constant 96 : i32
      %parallel_loop3A_573 = arith.addi %parallel_loop3A_541, %parallel_loop3A_572 : i32
      %parallel_loop3A_574 = arith.index_cast %parallel_loop3A_573 : i32 to index
      %parallel_loop3A_575 = tpu.vector_load %arg5[%parallel_loop3A_574] {strides = array<i32>} : memref<32768xf32, #tpu.memory_space<vmem>>, vector<16xf32>,
      %parallel_loop3A_576 = arith.maximumf %parallel_loop3A_556, %parallel_loop3A_575 : vector<16xf32>
      %parallel_loop3A_577 = arith.constant 112 : i32
      %parallel_loop3A_578 = arith.addi %parallel_loop3A_541, %parallel_loop3A_577 : i32
      %parallel_loop3A_579 = arith.index_cast %parallel_loop3A_578 : i32 to index
      %parallel_loop3A_580 = tpu.vector_load %arg5[%parallel_loop3A_579] {strides = array<i32>} : memref<32768xf32, #tpu.memory_space<vmem>>, vector<16xf32>,
      %parallel_loop3A_581 = arith.maximumf %parallel_loop3A_561, %parallel_loop3A_580 : vector<16xf32>
      scf.yield %parallel_loop3A_566, %parallel_loop3A_571, %parallel_loop3A_576, %parallel_loop3A_581 : vector<16xf32>, vector<16xf32>, vector<16xf32>, vector<16xf32>
    } {sc.loop_unroll_factor = 2 : i64, sc.parallel_access}
    %max3A_140 = arith.maximumf %parallel_loop3A_139#0, %parallel_loop3A_139#1 : vector<16xf32>
    %max3A_141 = arith.maximumf %parallel_loop3A_139#2, %parallel_loop3A_139#3 : vector<16xf32>
    %max3A_142 = arith.maximumf %max3A_140, %max3A_141 : vector<16xf32>
    %reduce_max3A_143 = arith.constant true
    %reduce_max3A_144 = vector.broadcast %reduce_max3A_143 : i1 to vector<16xi1>
    %reduce_max3A_145 = tpu.scan <max>, %max3A_142 masked %reduce_max3A_144 : vector<16xf32>, vector<16xi1> -> vector<16xf32>
    %reduce_max3A_146 = vector.extract %reduce_max3A_145[15] : f32 from vector<16xf32>
    %sub3A_147 = arith.constant 1.000000e+00 : f32
    %sub3A_148 = arith.subf %reduce_max3A_146, %sub3A_147 : f32
    %dma_wait3A_149 = arith.constant 0 : i32
    %dma_wait3A_150 = tpu.memref_slice %arg3[%add3A_115, %dma_wait3A_149] : memref<128x32768xf32, #tpu.memory_space<hbm>> -> memref<1x32768xf32, #tpu.memory_space<hbm>>
    %dma_wait3A_151 = tpu.memref_squeeze %dma_wait3A_150 : memref<1x32768xf32, #tpu.memory_space<hbm>> -> memref<32768xf32, #tpu.memory_space<hbm>>
    %dma_wait3A_152 = arith.constant 0 : i32
    %dma_wait3A_153 = tpu.memref_slice %arg3[%add3A_115, %dma_wait3A_152] : memref<128x32768xf32, #tpu.memory_space<hbm>> -> memref<1x32768xf32, #tpu.memory_space<hbm>>
    %dma_wait3A_154 = tpu.memref_squeeze %dma_wait3A_153 : memref<1x32768xf32, #tpu.memory_space<hbm>> -> memref<32768xf32, #tpu.memory_space<hbm>>
    tpu.wait_dma2 semaphore(%arg9 : memref<!tpu.dma_semaphore, #tpu.memory_space<semaphore_mem>>) src(%arg4 : memref<32768xf32, #tpu.memory_space<vmem>>) dst(%dma_wait3A_154 : memref<32768xf32, #tpu.memory_space<hbm>>)
    %add3A_155 = arith.constant 1 : i32
    %add3A_156 = arith.addi %mul3A_2, %add3A_155 : i32
    %add3A_157 = arith.constant 1 : i32
    %add3A_158 = arith.addi %add3A_156, %add3A_157 : i32
    %dma_start3A_159 = arith.constant 0 : i32
    %dma_start3A_160 = tpu.memref_slice %arg2[%add3A_158, %dma_start3A_159] : memref<128x32768xf32, #tpu.memory_space<hbm>> -> memref<1x32768xf32, #tpu.memory_space<hbm>>
    %dma_start3A_161 = tpu.memref_squeeze %dma_start3A_160 : memref<1x32768xf32, #tpu.memory_space<hbm>> -> memref<32768xf32, #tpu.memory_space<hbm>>
    %dma_start3A_162 = arith.constant 0 : i32
    %dma_start3A_163 = tpu.memref_slice %arg2[%add3A_158, %dma_start3A_162] : memref<128x32768xf32, #tpu.memory_space<hbm>> -> memref<1x32768xf32, #tpu.memory_space<hbm>>
    %dma_start3A_164 = tpu.memref_squeeze %dma_start3A_163 : memref<1x32768xf32, #tpu.memory_space<hbm>> -> memref<32768xf32, #tpu.memory_space<hbm>>
    tpu.enqueue_dma source(%dma_start3A_164 : memref<32768xf32, #tpu.memory_space<hbm>>) target(%arg4 : memref<32768xf32, #tpu.memory_space<vmem>>) target_semaphore(%arg7 : memref<!tpu.dma_semaphore, #tpu.memory_space<semaphore_mem>>)
    %iota3A_165 = tpu.iota {dimensions = array<i32: 0>} : vector<16xi32>
    %broadcast_in_dim3A_166 = arith.constant 0 : i32
    %broadcast_in_dim3A_167 = vector.broadcast %broadcast_in_dim3A_166 : i32 to vector<16xi32>
    %parallel_loop3A_168 = arith.constant 0 : i32
    %parallel_loop3A_169 = arith.constant 256 : i32
    %parallel_loop3A_170 = arith.constant 1 : i32
    %parallel_loop3A_171 = scf.for %parallel_loop3A_535 = %parallel_loop3A_168 to %parallel_loop3A_169 step %parallel_loop3A_170 iter_args(%parallel_loop3A_536 = %broadcast_in_dim3A_167) -> (vector<16xi32>)  : i32 {
      %parallel_loop3A_537 = arith.constant 128 : i32
      %parallel_loop3A_538 = arith.muli %parallel_loop3A_535, %parallel_loop3A_537 : i32
      %parallel_loop3A_539 = arith.constant 0 : i32
      %parallel_loop3A_540 = arith.addi %parallel_loop3A_538, %parallel_loop3A_539 : i32
      %parallel_loop3A_541 = arith.index_cast %parallel_loop3A_540 : i32 to index
      %parallel_loop3A_542 = tpu.vector_load %arg5[%parallel_loop3A_541] {strides = array<i32>} : memref<32768xf32, #tpu.memory_space<vmem>>, vector<16xf32>,
      %parallel_loop3A_543 = arith.constant 16 : i32
      %parallel_loop3A_544 = arith.addi %parallel_loop3A_538, %parallel_loop3A_543 : i32
      %parallel_loop3A_545 = arith.index_cast %parallel_loop3A_544 : i32 to index
      %parallel_loop3A_546 = tpu.vector_load %arg5[%parallel_loop3A_545] {strides = array<i32>} : memref<32768xf32, #tpu.memory_space<vmem>>, vector<16xf32>,
      %parallel_loop3A_547 = arith.constant 32 : i32
      %parallel_loop3A_548 = arith.addi %parallel_loop3A_538, %parallel_loop3A_547 : i32
      %parallel_loop3A_549 = arith.index_cast %parallel_loop3A_548 : i32 to index
      %parallel_loop3A_550 = tpu.vector_load %arg5[%parallel_loop3A_549] {strides = array<i32>} : memref<32768xf32, #tpu.memory_space<vmem>>, vector<16xf32>,
      %parallel_loop3A_551 = arith.constant 48 : i32
      %parallel_loop3A_552 = arith.addi %parallel_loop3A_538, %parallel_loop3A_551 : i32
      %parallel_loop3A_553 = arith.index_cast %parallel_loop3A_552 : i32 to index
      %parallel_loop3A_554 = tpu.vector_load %arg5[%parallel_loop3A_553] {strides = array<i32>} : memref<32768xf32, #tpu.memory_space<vmem>>, vector<16xf32>,
      %parallel_loop3A_555 = arith.constant 64 : i32
      %parallel_loop3A_556 = arith.addi %parallel_loop3A_538, %parallel_loop3A_555 : i32
      %parallel_loop3A_557 = arith.index_cast %parallel_loop3A_556 : i32 to index
      %parallel_loop3A_558 = tpu.vector_load %arg5[%parallel_loop3A_557] {strides = array<i32>} : memref<32768xf32, #tpu.memory_space<vmem>>, vector<16xf32>,
      %parallel_loop3A_559 = arith.constant 80 : i32
      %parallel_loop3A_560 = arith.addi %parallel_loop3A_538, %parallel_loop3A_559 : i32
      %parallel_loop3A_561 = arith.index_cast %parallel_loop3A_560 : i32 to index
      %parallel_loop3A_562 = tpu.vector_load %arg5[%parallel_loop3A_561] {strides = array<i32>} : memref<32768xf32, #tpu.memory_space<vmem>>, vector<16xf32>,
      %parallel_loop3A_563 = arith.constant 96 : i32
      %parallel_loop3A_564 = arith.addi %parallel_loop3A_538, %parallel_loop3A_563 : i32
      %parallel_loop3A_565 = arith.index_cast %parallel_loop3A_564 : i32 to index
      %parallel_loop3A_566 = tpu.vector_load %arg5[%parallel_loop3A_565] {strides = array<i32>} : memref<32768xf32, #tpu.memory_space<vmem>>, vector<16xf32>,
      %parallel_loop3A_567 = arith.constant 112 : i32
      %parallel_loop3A_568 = arith.addi %parallel_loop3A_538, %parallel_loop3A_567 : i32
      %parallel_loop3A_569 = arith.index_cast %parallel_loop3A_568 : i32 to index
      %parallel_loop3A_570 = tpu.vector_load %arg5[%parallel_loop3A_569] {strides = array<i32>} : memref<32768xf32, #tpu.memory_space<vmem>>, vector<16xf32>,
      %parallel_loop3A_571 = vector.broadcast %sub3A_148 : f32 to vector<16xf32>
      %parallel_loop3A_572 = arith.cmpf ogt, %parallel_loop3A_542, %parallel_loop3A_571 : vector<16xf32>
      %parallel_loop3A_573 = vector.broadcast %sub3A_148 : f32 to vector<16xf32>
      %parallel_loop3A_574 = arith.cmpf ogt, %parallel_loop3A_546, %parallel_loop3A_573 : vector<16xf32>
      %parallel_loop3A_575 = vector.broadcast %sub3A_148 : f32 to vector<16xf32>
      %parallel_loop3A_576 = arith.cmpf ogt, %parallel_loop3A_550, %parallel_loop3A_575 : vector<16xf32>
      %parallel_loop3A_577 = vector.broadcast %sub3A_148 : f32 to vector<16xf32>
      %parallel_loop3A_578 = arith.cmpf ogt, %parallel_loop3A_554, %parallel_loop3A_577 : vector<16xf32>
      %parallel_loop3A_579 = vector.broadcast %sub3A_148 : f32 to vector<16xf32>
      %parallel_loop3A_580 = arith.cmpf ogt, %parallel_loop3A_558, %parallel_loop3A_579 : vector<16xf32>
      %parallel_loop3A_581 = vector.broadcast %sub3A_148 : f32 to vector<16xf32>
      %parallel_loop3A_582 = arith.cmpf ogt, %parallel_loop3A_562, %parallel_loop3A_581 : vector<16xf32>
      %parallel_loop3A_583 = vector.broadcast %sub3A_148 : f32 to vector<16xf32>
      %parallel_loop3A_584 = arith.cmpf ogt, %parallel_loop3A_566, %parallel_loop3A_583 : vector<16xf32>
      %parallel_loop3A_585 = vector.broadcast %sub3A_148 : f32 to vector<16xf32>
      %parallel_loop3A_586 = arith.cmpf ogt, %parallel_loop3A_570, %parallel_loop3A_585 : vector<16xf32>
      %parallel_loop3A_587 = tpu.all_reduce %parallel_loop3A_572 {dim = 0 : i64, kind = #tpu.reduction_kind<sum>} : vector<16xi1> -> vector<16xi32>
      %parallel_loop3A_588 = tpu.all_reduce %parallel_loop3A_574 {dim = 0 : i64, kind = #tpu.reduction_kind<sum>} : vector<16xi1> -> vector<16xi32>
      %parallel_loop3A_589 = tpu.all_reduce %parallel_loop3A_576 {dim = 0 : i64, kind = #tpu.reduction_kind<sum>} : vector<16xi1> -> vector<16xi32>
      %parallel_loop3A_590 = tpu.all_reduce %parallel_loop3A_578 {dim = 0 : i64, kind = #tpu.reduction_kind<sum>} : vector<16xi1> -> vector<16xi32>
      %parallel_loop3A_591 = tpu.all_reduce %parallel_loop3A_580 {dim = 0 : i64, kind = #tpu.reduction_kind<sum>} : vector<16xi1> -> vector<16xi32>
      %parallel_loop3A_592 = tpu.all_reduce %parallel_loop3A_582 {dim = 0 : i64, kind = #tpu.reduction_kind<sum>} : vector<16xi1> -> vector<16xi32>
      %parallel_loop3A_593 = tpu.all_reduce %parallel_loop3A_584 {dim = 0 : i64, kind = #tpu.reduction_kind<sum>} : vector<16xi1> -> vector<16xi32>
      %parallel_loop3A_594 = tpu.all_reduce %parallel_loop3A_586 {dim = 0 : i64, kind = #tpu.reduction_kind<sum>} : vector<16xi1> -> vector<16xi32>
      %parallel_loop3A_595 = arith.constant 0 : i32
      %parallel_loop3A_596 = vector.broadcast %parallel_loop3A_595 : i32 to vector<16xi32>
      %parallel_loop3A_597 = arith.cmpi sgt, %parallel_loop3A_587, %parallel_loop3A_596 : vector<16xi32>
      %parallel_loop3A_598 = arith.constant 0 : i32
      %parallel_loop3A_599 = vector.broadcast %parallel_loop3A_598 : i32 to vector<16xi32>
      %parallel_loop3A_600 = arith.cmpi sgt, %parallel_loop3A_588, %parallel_loop3A_599 : vector<16xi32>
      %parallel_loop3A_601 = arith.constant 0 : i32
      %parallel_loop3A_602 = vector.broadcast %parallel_loop3A_601 : i32 to vector<16xi32>
      %parallel_loop3A_603 = arith.cmpi sgt, %parallel_loop3A_589, %parallel_loop3A_602 : vector<16xi32>
      %parallel_loop3A_604 = arith.constant 0 : i32
      %parallel_loop3A_605 = vector.broadcast %parallel_loop3A_604 : i32 to vector<16xi32>
      %parallel_loop3A_606 = arith.cmpi sgt, %parallel_loop3A_590, %parallel_loop3A_605 : vector<16xi32>
      %parallel_loop3A_607 = arith.constant 0 : i32
      %parallel_loop3A_608 = vector.broadcast %parallel_loop3A_607 : i32 to vector<16xi32>
      %parallel_loop3A_609 = arith.cmpi sgt, %parallel_loop3A_591, %parallel_loop3A_608 : vector<16xi32>
      %parallel_loop3A_610 = arith.constant 0 : i32
      %parallel_loop3A_611 = vector.broadcast %parallel_loop3A_610 : i32 to vector<16xi32>
      %parallel_loop3A_612 = arith.cmpi sgt, %parallel_loop3A_592, %parallel_loop3A_611 : vector<16xi32>
      %parallel_loop3A_613 = arith.constant 0 : i32
      %parallel_loop3A_614 = vector.broadcast %parallel_loop3A_613 : i32 to vector<16xi32>
      %parallel_loop3A_615 = arith.cmpi sgt, %parallel_loop3A_593, %parallel_loop3A_614 : vector<16xi32>
      %parallel_loop3A_616 = arith.constant 0 : i32
      %parallel_loop3A_617 = vector.broadcast %parallel_loop3A_616 : i32 to vector<16xi32>
      %parallel_loop3A_618 = arith.cmpi sgt, %parallel_loop3A_594, %parallel_loop3A_617 : vector<16xi32>
      %parallel_loop3A_619 = arith.constant -3.000000e+38 : f32
      %parallel_loop3A_620 = vector.broadcast %parallel_loop3A_619 : f32 to vector<16xf32>
      %parallel_loop3A_621 = arith.select %parallel_loop3A_572, %parallel_loop3A_542, %parallel_loop3A_620 : vector<16xi1>, vector<16xf32>
      %parallel_loop3A_622 = arith.constant -3.000000e+38 : f32
      %parallel_loop3A_623 = vector.broadcast %parallel_loop3A_622 : f32 to vector<16xf32>
      %parallel_loop3A_624 = arith.select %parallel_loop3A_574, %parallel_loop3A_546, %parallel_loop3A_623 : vector<16xi1>, vector<16xf32>
      %parallel_loop3A_625 = arith.constant -3.000000e+38 : f32
      %parallel_loop3A_626 = vector.broadcast %parallel_loop3A_625 : f32 to vector<16xf32>
      %parallel_loop3A_627 = arith.select %parallel_loop3A_576, %parallel_loop3A_550, %parallel_loop3A_626 : vector<16xi1>, vector<16xf32>
      %parallel_loop3A_628 = arith.constant -3.000000e+38 : f32
      %parallel_loop3A_629 = vector.broadcast %parallel_loop3A_628 : f32 to vector<16xf32>
      %parallel_loop3A_630 = arith.select %parallel_loop3A_578, %parallel_loop3A_554, %parallel_loop3A_629 : vector<16xi1>, vector<16xf32>
      %parallel_loop3A_631 = arith.constant -3.000000e+38 : f32
      %parallel_loop3A_632 = vector.broadcast %parallel_loop3A_631 : f32 to vector<16xf32>
      %parallel_loop3A_633 = arith.select %parallel_loop3A_580, %parallel_loop3A_558, %parallel_loop3A_632 : vector<16xi1>, vector<16xf32>
      %parallel_loop3A_634 = arith.constant -3.000000e+38 : f32
      %parallel_loop3A_635 = vector.broadcast %parallel_loop3A_634 : f32 to vector<16xf32>
      %parallel_loop3A_636 = arith.select %parallel_loop3A_582, %parallel_loop3A_562, %parallel_loop3A_635 : vector<16xi1>, vector<16xf32>
      %parallel_loop3A_637 = arith.constant -3.000000e+38 : f32
      %parallel_loop3A_638 = vector.broadcast %parallel_loop3A_637 : f32 to vector<16xf32>
      %parallel_loop3A_639 = arith.select %parallel_loop3A_584, %parallel_loop3A_566, %parallel_loop3A_638 : vector<16xi1>, vector<16xf32>
      %parallel_loop3A_640 = arith.constant -3.000000e+38 : f32
      %parallel_loop3A_641 = vector.broadcast %parallel_loop3A_640 : f32 to vector<16xf32>
      %parallel_loop3A_642 = arith.select %parallel_loop3A_586, %parallel_loop3A_570, %parallel_loop3A_641 : vector<16xi1>, vector<16xf32>
      %parallel_loop3A_643 = arith.addi %parallel_loop3A_536, %iota3A_165 : vector<16xi32>
      tpu.vector_store_idx %arg6[%parallel_loop3A_643], %parallel_loop3A_621 masked %parallel_loop3A_597 : memref<32784xf32, #tpu.memory_space<vmem>>[vector<16xi32>], vector<16xf32>, vector<16xi1>
      %parallel_loop3A_644 = arith.constant 16 : i32
      %parallel_loop3A_645 = arith.constant 0 : i32
      %parallel_loop3A_646 = vector.broadcast %parallel_loop3A_644 : i32 to vector<16xi32>
      %parallel_loop3A_647 = vector.broadcast %parallel_loop3A_645 : i32 to vector<16xi32>
      %parallel_loop3A_648 = arith.select %parallel_loop3A_597, %parallel_loop3A_646, %parallel_loop3A_647 : vector<16xi1>, vector<16xi32>
      %parallel_loop3A_649 = arith.addi %parallel_loop3A_536, %parallel_loop3A_648 : vector<16xi32>
      %parallel_loop3A_650 = arith.addi %parallel_loop3A_649, %iota3A_165 : vector<16xi32>
      tpu.vector_store_idx %arg6[%parallel_loop3A_650], %parallel_loop3A_624 masked %parallel_loop3A_600 : memref<32784xf32, #tpu.memory_space<vmem>>[vector<16xi32>], vector<16xf32>, vector<16xi1>
      %parallel_loop3A_651 = arith.constant 16 : i32
      %parallel_loop3A_652 = arith.constant 0 : i32
      %parallel_loop3A_653 = vector.broadcast %parallel_loop3A_651 : i32 to vector<16xi32>
      %parallel_loop3A_654 = vector.broadcast %parallel_loop3A_652 : i32 to vector<16xi32>
      %parallel_loop3A_655 = arith.select %parallel_loop3A_600, %parallel_loop3A_653, %parallel_loop3A_654 : vector<16xi1>, vector<16xi32>
      %parallel_loop3A_656 = arith.addi %parallel_loop3A_649, %parallel_loop3A_655 : vector<16xi32>
      %parallel_loop3A_657 = arith.addi %parallel_loop3A_656, %iota3A_165 : vector<16xi32>
      tpu.vector_store_idx %arg6[%parallel_loop3A_657], %parallel_loop3A_627 masked %parallel_loop3A_603 : memref<32784xf32, #tpu.memory_space<vmem>>[vector<16xi32>], vector<16xf32>, vector<16xi1>
      %parallel_loop3A_658 = arith.constant 16 : i32
      %parallel_loop3A_659 = arith.constant 0 : i32
      %parallel_loop3A_660 = vector.broadcast %parallel_loop3A_658 : i32 to vector<16xi32>
      %parallel_loop3A_661 = vector.broadcast %parallel_loop3A_659 : i32 to vector<16xi32>
      %parallel_loop3A_662 = arith.select %parallel_loop3A_603, %parallel_loop3A_660, %parallel_loop3A_661 : vector<16xi1>, vector<16xi32>
      %parallel_loop3A_663 = arith.addi %parallel_loop3A_656, %parallel_loop3A_662 : vector<16xi32>
      %parallel_loop3A_664 = arith.addi %parallel_loop3A_663, %iota3A_165 : vector<16xi32>
      tpu.vector_store_idx %arg6[%parallel_loop3A_664], %parallel_loop3A_630 masked %parallel_loop3A_606 : memref<32784xf32, #tpu.memory_space<vmem>>[vector<16xi32>], vector<16xf32>, vector<16xi1>
      %parallel_loop3A_665 = arith.constant 16 : i32
      %parallel_loop3A_666 = arith.constant 0 : i32
      %parallel_loop3A_667 = vector.broadcast %parallel_loop3A_665 : i32 to vector<16xi32>
      %parallel_loop3A_668 = vector.broadcast %parallel_loop3A_666 : i32 to vector<16xi32>
      %parallel_loop3A_669 = arith.select %parallel_loop3A_606, %parallel_loop3A_667, %parallel_loop3A_668 : vector<16xi1>, vector<16xi32>
      %parallel_loop3A_670 = arith.addi %parallel_loop3A_663, %parallel_loop3A_669 : vector<16xi32>
      %parallel_loop3A_671 = arith.addi %parallel_loop3A_670, %iota3A_165 : vector<16xi32>
      tpu.vector_store_idx %arg6[%parallel_loop3A_671], %parallel_loop3A_633 masked %parallel_loop3A_609 : memref<32784xf32, #tpu.memory_space<vmem>>[vector<16xi32>], vector<16xf32>, vector<16xi1>
      %parallel_loop3A_672 = arith.constant 16 : i32
      %parallel_loop3A_673 = arith.constant 0 : i32
      %parallel_loop3A_674 = vector.broadcast %parallel_loop3A_672 : i32 to vector<16xi32>
      %parallel_loop3A_675 = vector.broadcast %parallel_loop3A_673 : i32 to vector<16xi32>
      %parallel_loop3A_676 = arith.select %parallel_loop3A_609, %parallel_loop3A_674, %parallel_loop3A_675 : vector<16xi1>, vector<16xi32>
      %parallel_loop3A_677 = arith.addi %parallel_loop3A_670, %parallel_loop3A_676 : vector<16xi32>
      %parallel_loop3A_678 = arith.addi %parallel_loop3A_677, %iota3A_165 : vector<16xi32>
      tpu.vector_store_idx %arg6[%parallel_loop3A_678], %parallel_loop3A_636 masked %parallel_loop3A_612 : memref<32784xf32, #tpu.memory_space<vmem>>[vector<16xi32>], vector<16xf32>, vector<16xi1>
      %parallel_loop3A_679 = arith.constant 16 : i32
      %parallel_loop3A_680 = arith.constant 0 : i32
      %parallel_loop3A_681 = vector.broadcast %parallel_loop3A_679 : i32 to vector<16xi32>
      %parallel_loop3A_682 = vector.broadcast %parallel_loop3A_680 : i32 to vector<16xi32>
      %parallel_loop3A_683 = arith.select %parallel_loop3A_612, %parallel_loop3A_681, %parallel_loop3A_682 : vector<16xi1>, vector<16xi32>
      %parallel_loop3A_684 = arith.addi %parallel_loop3A_677, %parallel_loop3A_683 : vector<16xi32>
      %parallel_loop3A_685 = arith.addi %parallel_loop3A_684, %iota3A_165 : vector<16xi32>
      tpu.vector_store_idx %arg6[%parallel_loop3A_685], %parallel_loop3A_639 masked %parallel_loop3A_615 : memref<32784xf32, #tpu.memory_space<vmem>>[vector<16xi32>], vector<16xf32>, vector<16xi1>
      %parallel_loop3A_686 = arith.constant 16 : i32
      %parallel_loop3A_687 = arith.constant 0 : i32
      %parallel_loop3A_688 = vector.broadcast %parallel_loop3A_686 : i32 to vector<16xi32>
      %parallel_loop3A_689 = vector.broadcast %parallel_loop3A_687 : i32 to vector<16xi32>
      %parallel_loop3A_690 = arith.select %parallel_loop3A_615, %parallel_loop3A_688, %parallel_loop3A_689 : vector<16xi1>, vector<16xi32>
      %parallel_loop3A_691 = arith.addi %parallel_loop3A_684, %parallel_loop3A_690 : vector<16xi32>
      %parallel_loop3A_692 = arith.addi %parallel_loop3A_691, %iota3A_165 : vector<16xi32>
      tpu.vector_store_idx %arg6[%parallel_loop3A_692], %parallel_loop3A_642 masked %parallel_loop3A_618 : memref<32784xf32, #tpu.memory_space<vmem>>[vector<16xi32>], vector<16xf32>, vector<16xi1>
      %parallel_loop3A_693 = arith.constant 16 : i32
      %parallel_loop3A_694 = arith.constant 0 : i32
      %parallel_loop3A_695 = vector.broadcast %parallel_loop3A_693 : i32 to vector<16xi32>
      %parallel_loop3A_696 = vector.broadcast %parallel_loop3A_694 : i32 to vector<16xi32>
      %parallel_loop3A_697 = arith.select %parallel_loop3A_618, %parallel_loop3A_695, %parallel_loop3A_696 : vector<16xi1>, vector<16xi32>
      %parallel_loop3A_698 = arith.addi %parallel_loop3A_691, %parallel_loop3A_697 : vector<16xi32>
      scf.yield %parallel_loop3A_698 : vector<16xi32>
    } {sc.loop_unroll_factor = 1 : i64, sc.parallel_access}
    %slice3A_172 = vector.extract_strided_slice %parallel_loop3A_171 {offsets = [0], sizes = [1], strides = [1]} : vector<16xi32> to vector<1xi32>
    %squeeze3A_173 = vector.extract %slice3A_172[0] : i32 from vector<1xi32>
    %jit3A_174 = arith.constant 16 : i32
    %div3A_175 = arith.divsi %squeeze3A_173, %jit3A_174 : i32
    %sign3A_176 = arith.constant 0 : i32
    %sign3A_177 = arith.cmpi sgt, %squeeze3A_173, %sign3A_176 : i32
    %sign3A_178 = arith.extui %sign3A_177 : i1 to i32
    %sign3A_179 = arith.constant 0 : i32
    %sign3A_180 = arith.cmpi slt, %squeeze3A_173, %sign3A_179 : i32
    %sign3A_181 = arith.extui %sign3A_180 : i1 to i32
    %sign3A_182 = arith.subi %sign3A_178, %sign3A_181 : i32
    %sign3A_183 = arith.constant 0 : i32
    %sign3A_184 = arith.cmpi sgt, %jit3A_174, %sign3A_183 : i32
    %sign3A_185 = arith.extui %sign3A_184 : i1 to i32
    %sign3A_186 = arith.constant 0 : i32
    %sign3A_187 = arith.cmpi slt, %jit3A_174, %sign3A_186 : i32
    %sign3A_188 = arith.extui %sign3A_187 : i1 to i32
    %sign3A_189 = arith.subi %sign3A_185, %sign3A_188 : i32
    %ne3A_190 = arith.cmpi ne, %sign3A_182, %sign3A_189 : i32
    %rem3A_191 = arith.remsi %squeeze3A_173, %jit3A_174 : i32
    %ne3A_192 = arith.constant 0 : i32
    %ne3A_193 = arith.cmpi ne, %rem3A_191, %ne3A_192 : i32
    %and3A_194 = arith.andi %ne3A_190, %ne3A_193 : i1
    %sub3A_195 = arith.constant 1 : i32
    %sub3A_196 = arith.subi %div3A_175, %sub3A_195 : i32
    %select_n3A_197 = arith.select %and3A_194, %sub3A_196, %div3A_175 : i32
    %while3A_198 = arith.constant 0 : i32
    %while3A_199 = arith.constant 0 : i32
    %while3A_200 = arith.subi %select_n3A_197, %while3A_198 : i32
    %while3A_201 = arith.addi %while3A_198, %while3A_200 : i32
    %while3A_202 = arith.constant 1 : i32
    %while3A_203 = arith.divsi %while3A_200, %while3A_202 : i32
    %while3A_204 = arith.muli %while3A_203, %while3A_202 : i32
    %while3A_205 = arith.addi %while3A_198, %while3A_204 : i32
    %while3A_206 = arith.constant 1 : i32
    %while3A_207 = scf.for %while3A_535 = %while3A_198 to %while3A_205 step %while3A_206 iter_args(%while3A_536 = %while3A_199) -> (i32)  : i32 {
      %mul3A_537 = arith.constant 16 : i32
      %mul3A_538 = arith.muli %while3A_535, %mul3A_537 : i32
      %get3A = arith.index_cast %mul3A_538 : i32 to index
      %get3A_539 = tpu.vector_load %arg6[%get3A] {strides = array<i32>} : memref<32784xf32, #tpu.memory_space<vmem>>, vector<16xf32>,
      %gt3A = vector.broadcast %sub3A_148 : f32 to vector<16xf32>
      %gt3A_540 = arith.cmpf ogt, %get3A_539, %gt3A : vector<16xf32>
      %all_reduce_population_count3A = tpu.all_reduce %gt3A_540 {dim = 0 : i64, kind = #tpu.reduction_kind<sum>} : vector<16xi1> -> vector<16xi32>
      %swap3A_541 = arith.index_cast %while3A_536 : i32 to index
      %swap3A_542 = tpu.vector_load %arg6[%swap3A_541] masked %gt3A_540 {strides = array<i32>} : memref<32784xf32, #tpu.memory_space<vmem>>, vector<16xf32>, vector<16xi1>
      tpu.vector_store %arg6[%swap3A_541], %get3A_539 masked %gt3A_540 {strides = array<i32>} : memref<32784xf32, #tpu.memory_space<vmem>>, vector<16xf32>, vector<16xi1>
      %slice3A_543 = vector.extract_strided_slice %all_reduce_population_count3A {offsets = [0], sizes = [1], strides = [1]} : vector<16xi32> to vector<1xi32>
      %squeeze3A_544 = vector.extract %slice3A_543[0] : i32 from vector<1xi32>
      %add3A_545 = arith.addi %while3A_536, %squeeze3A_544 : i32
      scf.yield %add3A_545 : i32
    }
    %while3A_208 = arith.constant 1 : i32
    %while3A_209 = scf.for %while3A_535 = %while3A_205 to %while3A_201 step %while3A_208 iter_args(%while3A_536 = %while3A_207) -> (i32)  : i32 {
      %mul3A_537 = arith.constant 16 : i32
      %mul3A_538 = arith.muli %while3A_535, %mul3A_537 : i32
      %get3A = arith.index_cast %mul3A_538 : i32 to index
      %get3A_539 = tpu.vector_load %arg6[%get3A] {strides = array<i32>} : memref<32784xf32, #tpu.memory_space<vmem>>, vector<16xf32>,
      %gt3A = vector.broadcast %sub3A_148 : f32 to vector<16xf32>
      %gt3A_540 = arith.cmpf ogt, %get3A_539, %gt3A : vector<16xf32>
      %all_reduce_population_count3A = tpu.all_reduce %gt3A_540 {dim = 0 : i64, kind = #tpu.reduction_kind<sum>} : vector<16xi1> -> vector<16xi32>
      %swap3A_541 = arith.index_cast %while3A_536 : i32 to index
      %swap3A_542 = tpu.vector_load %arg6[%swap3A_541] masked %gt3A_540 {strides = array<i32>} : memref<32784xf32, #tpu.memory_space<vmem>>, vector<16xf32>, vector<16xi1>
      tpu.vector_store %arg6[%swap3A_541], %get3A_539 masked %gt3A_540 {strides = array<i32>} : memref<32784xf32, #tpu.memory_space<vmem>>, vector<16xf32>, vector<16xi1>
      %slice3A_543 = vector.extract_strided_slice %all_reduce_population_count3A {offsets = [0], sizes = [1], strides = [1]} : vector<16xi32> to vector<1xi32>
      %squeeze3A_544 = vector.extract %slice3A_543[0] : i32 from vector<1xi32>
      %add3A_545 = arith.addi %while3A_536, %squeeze3A_544 : i32
      scf.yield %add3A_545 : i32
    }
    %broadcast_in_dim3A_210 = arith.constant -3.000000e+38 : f32
    %broadcast_in_dim3A_211 = vector.broadcast %broadcast_in_dim3A_210 : f32 to vector<16xf32>
    %swap3A_212 = arith.index_cast %while3A_209 : i32 to index
    %swap3A_213 = tpu.vector_load %arg6[%swap3A_212] {strides = array<i32>} : memref<32784xf32, #tpu.memory_space<vmem>>, vector<16xf32>,
    tpu.vector_store %arg6[%swap3A_212], %broadcast_in_dim3A_211 {strides = array<i32>} : memref<32784xf32, #tpu.memory_space<vmem>>, vector<16xf32>,
    %add3A_214 = arith.constant 16 : i32
    %add3A_215 = arith.addi %while3A_209, %add3A_214 : i32
    %sub3A_216 = arith.constant 1 : i32
    %sub3A_217 = arith.subi %add3A_215, %sub3A_216 : i32
    %jit3A_218 = arith.constant 16 : i32
    %div3A_219 = arith.divsi %sub3A_217, %jit3A_218 : i32
    %sign3A_220 = arith.constant 0 : i32
    %sign3A_221 = arith.cmpi sgt, %sub3A_217, %sign3A_220 : i32
    %sign3A_222 = arith.extui %sign3A_221 : i1 to i32
    %sign3A_223 = arith.constant 0 : i32
    %sign3A_224 = arith.cmpi slt, %sub3A_217, %sign3A_223 : i32
    %sign3A_225 = arith.extui %sign3A_224 : i1 to i32
    %sign3A_226 = arith.subi %sign3A_222, %sign3A_225 : i32
    %sign3A_227 = arith.constant 0 : i32
    %sign3A_228 = arith.cmpi sgt, %jit3A_218, %sign3A_227 : i32
    %sign3A_229 = arith.extui %sign3A_228 : i1 to i32
    %sign3A_230 = arith.constant 0 : i32
    %sign3A_231 = arith.cmpi slt, %jit3A_218, %sign3A_230 : i32
    %sign3A_232 = arith.extui %sign3A_231 : i1 to i32
    %sign3A_233 = arith.subi %sign3A_229, %sign3A_232 : i32
    %ne3A_234 = arith.cmpi ne, %sign3A_226, %sign3A_233 : i32
    %rem3A_235 = arith.remsi %sub3A_217, %jit3A_218 : i32
    %ne3A_236 = arith.constant 0 : i32
    %ne3A_237 = arith.cmpi ne, %rem3A_235, %ne3A_236 : i32
    %and3A_238 = arith.andi %ne3A_234, %ne3A_237 : i1
    %sub3A_239 = arith.constant 1 : i32
    %sub3A_240 = arith.subi %div3A_219, %sub3A_239 : i32
    %select_n3A_241 = arith.select %and3A_238, %sub3A_240, %div3A_219 : i32
    %scan3A_242 = arith.constant 0 : i32
    %scan3A_243 = arith.constant 26 : i32
    %scan3A_244 = arith.addi %scan3A_242, %scan3A_243 : i32
    %scan3A_245 = arith.constant 1 : i32
    %scan3A_246:2 = scf.for %scan3A_535 = %scan3A_242 to %scan3A_244 step %scan3A_245 iter_args(%scan3A_536 = %sub3A_148, %scan3A_537 = %reduce_max3A_146) -> (f32, f32)  : i32 {
      %add3A_538 = arith.addf %scan3A_536, %scan3A_537 : f32
      %mul3A_539 = arith.constant 5.000000e-01 : f32
      %mul3A_540 = arith.mulf %mul3A_539, %add3A_538 : f32
      %broadcast_in_dim3A_541 = arith.constant 0.000000e+00 : f32
      %broadcast_in_dim3A_542 = vector.broadcast %broadcast_in_dim3A_541 : f32 to vector<16xf32>
      %while3A_543 = arith.constant 0 : i32
      %while3A_544 = arith.subi %select_n3A_241, %while3A_543 : i32
      %while3A_545 = arith.addi %while3A_543, %while3A_544 : i32
      %while3A_546 = arith.constant 1 : i32
      %while3A_547 = arith.divsi %while3A_544, %while3A_546 : i32
      %while3A_548 = arith.muli %while3A_547, %while3A_546 : i32
      %while3A_549 = arith.addi %while3A_543, %while3A_548 : i32
      %while3A_550 = arith.constant 1 : i32
      %while3A_551 = scf.for %while3A_560 = %while3A_543 to %while3A_549 step %while3A_550 iter_args(%while3A_561 = %broadcast_in_dim3A_542) -> (vector<16xf32>)  : i32 {
        %mul3A_562 = arith.constant 16 : i32
        %mul3A_563 = arith.muli %while3A_560, %mul3A_562 : i32
        %get3A = arith.index_cast %mul3A_563 : i32 to index
        %get3A_564 = tpu.vector_load %arg6[%get3A] {strides = array<i32>} : memref<32784xf32, #tpu.memory_space<vmem>>, vector<16xf32>,
        %sub3A_565 = vector.broadcast %mul3A_540 : f32 to vector<16xf32>
        %sub3A_566 = arith.subf %get3A_564, %sub3A_565 : vector<16xf32>
        %max3A_567 = arith.constant 0.000000e+00 : f32
        %max3A_568 = vector.broadcast %max3A_567 : f32 to vector<16xf32>
        %max3A_569 = arith.maximumf %sub3A_566, %max3A_568 : vector<16xf32>
        %add3A_570 = arith.addf %while3A_561, %max3A_569 : vector<16xf32>
        scf.yield %add3A_570 : vector<16xf32>
      }
      %while3A_552 = arith.constant 1 : i32
      %while3A_553 = scf.for %while3A_560 = %while3A_549 to %while3A_545 step %while3A_552 iter_args(%while3A_561 = %while3A_551) -> (vector<16xf32>)  : i32 {
        %mul3A_562 = arith.constant 16 : i32
        %mul3A_563 = arith.muli %while3A_560, %mul3A_562 : i32
        %get3A = arith.index_cast %mul3A_563 : i32 to index
        %get3A_564 = tpu.vector_load %arg6[%get3A] {strides = array<i32>} : memref<32784xf32, #tpu.memory_space<vmem>>, vector<16xf32>,
        %sub3A_565 = vector.broadcast %mul3A_540 : f32 to vector<16xf32>
        %sub3A_566 = arith.subf %get3A_564, %sub3A_565 : vector<16xf32>
        %max3A_567 = arith.constant 0.000000e+00 : f32
        %max3A_568 = vector.broadcast %max3A_567 : f32 to vector<16xf32>
        %max3A_569 = arith.maximumf %sub3A_566, %max3A_568 : vector<16xf32>
        %add3A_570 = arith.addf %while3A_561, %max3A_569 : vector<16xf32>
        scf.yield %add3A_570 : vector<16xf32>
      }
      %reduce_sum3A = arith.constant true
      %reduce_sum3A_554 = vector.broadcast %reduce_sum3A : i1 to vector<16xi1>
      %reduce_sum3A_555 = tpu.scan <sum>, %while3A_553 masked %reduce_sum3A_554 : vector<16xf32>, vector<16xi1> -> vector<16xf32>
      %reduce_sum3A_556 = vector.extract %reduce_sum3A_555[15] : f32 from vector<16xf32>
      %ge3A = arith.constant 1.000000e+00 : f32
      %ge3A_557 = arith.cmpf oge, %reduce_sum3A_556, %ge3A : f32
      %select_n3A_558 = arith.select %ge3A_557, %mul3A_540, %scan3A_536 : f32
      %select_n3A_559 = arith.select %ge3A_557, %scan3A_537, %mul3A_540 : f32
      scf.yield %select_n3A_558, %select_n3A_559 : f32, f32
    }
    %scan3A_247 = arith.constant 26 : i32
    %parallel_loop3A_248 = arith.constant 0 : i32
    %parallel_loop3A_249 = arith.constant 256 : i32
    %parallel_loop3A_250 = arith.constant 1 : i32
    %parallel_loop3A_251 = arith.constant 0 : i32
    %parallel_loop3A_252 = scf.for %parallel_loop3A_535 = %parallel_loop3A_248 to %parallel_loop3A_249 step %parallel_loop3A_250 iter_args(%parallel_loop3A_536 = %parallel_loop3A_251) -> (i32)  : i32 {
      %parallel_loop3A_537 = arith.constant 128 : i32
      %parallel_loop3A_538 = arith.muli %parallel_loop3A_535, %parallel_loop3A_537 : i32
      %parallel_loop3A_539 = arith.constant 0 : i32
      %parallel_loop3A_540 = arith.addi %parallel_loop3A_538, %parallel_loop3A_539 : i32
      %parallel_loop3A_541 = arith.index_cast %parallel_loop3A_540 : i32 to index
      %parallel_loop3A_542 = tpu.vector_load %arg5[%parallel_loop3A_541] {strides = array<i32>} : memref<32768xf32, #tpu.memory_space<vmem>>, vector<16xf32>,
      %parallel_loop3A_543 = vector.broadcast %scan3A_246#0 : f32 to vector<16xf32>
      %parallel_loop3A_544 = arith.subf %parallel_loop3A_542, %parallel_loop3A_543 : vector<16xf32>
      %parallel_loop3A_545 = arith.constant 0.000000e+00 : f32
      %parallel_loop3A_546 = vector.broadcast %parallel_loop3A_545 : f32 to vector<16xf32>
      %parallel_loop3A_547 = arith.maximumf %parallel_loop3A_544, %parallel_loop3A_546 : vector<16xf32>
      %parallel_loop3A_548 = arith.index_cast %parallel_loop3A_540 : i32 to index
      %parallel_loop3A_549 = tpu.vector_load %arg5[%parallel_loop3A_548] {strides = array<i32>} : memref<32768xf32, #tpu.memory_space<vmem>>, vector<16xf32>,
      tpu.vector_store %arg5[%parallel_loop3A_548], %parallel_loop3A_547 {strides = array<i32>} : memref<32768xf32, #tpu.memory_space<vmem>>, vector<16xf32>,
      %parallel_loop3A_550 = arith.constant 16 : i32
      %parallel_loop3A_551 = arith.addi %parallel_loop3A_538, %parallel_loop3A_550 : i32
      %parallel_loop3A_552 = arith.index_cast %parallel_loop3A_551 : i32 to index
      %parallel_loop3A_553 = tpu.vector_load %arg5[%parallel_loop3A_552] {strides = array<i32>} : memref<32768xf32, #tpu.memory_space<vmem>>, vector<16xf32>,
      %parallel_loop3A_554 = vector.broadcast %scan3A_246#0 : f32 to vector<16xf32>
      %parallel_loop3A_555 = arith.subf %parallel_loop3A_553, %parallel_loop3A_554 : vector<16xf32>
      %parallel_loop3A_556 = arith.constant 0.000000e+00 : f32
      %parallel_loop3A_557 = vector.broadcast %parallel_loop3A_556 : f32 to vector<16xf32>
      %parallel_loop3A_558 = arith.maximumf %parallel_loop3A_555, %parallel_loop3A_557 : vector<16xf32>
      %parallel_loop3A_559 = arith.index_cast %parallel_loop3A_551 : i32 to index
      %parallel_loop3A_560 = tpu.vector_load %arg5[%parallel_loop3A_559] {strides = array<i32>} : memref<32768xf32, #tpu.memory_space<vmem>>, vector<16xf32>,
      tpu.vector_store %arg5[%parallel_loop3A_559], %parallel_loop3A_558 {strides = array<i32>} : memref<32768xf32, #tpu.memory_space<vmem>>, vector<16xf32>,
      %parallel_loop3A_561 = arith.constant 32 : i32
      %parallel_loop3A_562 = arith.addi %parallel_loop3A_538, %parallel_loop3A_561 : i32
      %parallel_loop3A_563 = arith.index_cast %parallel_loop3A_562 : i32 to index
      %parallel_loop3A_564 = tpu.vector_load %arg5[%parallel_loop3A_563] {strides = array<i32>} : memref<32768xf32, #tpu.memory_space<vmem>>, vector<16xf32>,
      %parallel_loop3A_565 = vector.broadcast %scan3A_246#0 : f32 to vector<16xf32>
      %parallel_loop3A_566 = arith.subf %parallel_loop3A_564, %parallel_loop3A_565 : vector<16xf32>
      %parallel_loop3A_567 = arith.constant 0.000000e+00 : f32
      %parallel_loop3A_568 = vector.broadcast %parallel_loop3A_567 : f32 to vector<16xf32>
      %parallel_loop3A_569 = arith.maximumf %parallel_loop3A_566, %parallel_loop3A_568 : vector<16xf32>
      %parallel_loop3A_570 = arith.index_cast %parallel_loop3A_562 : i32 to index
      %parallel_loop3A_571 = tpu.vector_load %arg5[%parallel_loop3A_570] {strides = array<i32>} : memref<32768xf32, #tpu.memory_space<vmem>>, vector<16xf32>,
      tpu.vector_store %arg5[%parallel_loop3A_570], %parallel_loop3A_569 {strides = array<i32>} : memref<32768xf32, #tpu.memory_space<vmem>>, vector<16xf32>,
      %parallel_loop3A_572 = arith.constant 48 : i32
      %parallel_loop3A_573 = arith.addi %parallel_loop3A_538, %parallel_loop3A_572 : i32
      %parallel_loop3A_574 = arith.index_cast %parallel_loop3A_573 : i32 to index
      %parallel_loop3A_575 = tpu.vector_load %arg5[%parallel_loop3A_574] {strides = array<i32>} : memref<32768xf32, #tpu.memory_space<vmem>>, vector<16xf32>,
      %parallel_loop3A_576 = vector.broadcast %scan3A_246#0 : f32 to vector<16xf32>
      %parallel_loop3A_577 = arith.subf %parallel_loop3A_575, %parallel_loop3A_576 : vector<16xf32>
      %parallel_loop3A_578 = arith.constant 0.000000e+00 : f32
      %parallel_loop3A_579 = vector.broadcast %parallel_loop3A_578 : f32 to vector<16xf32>
      %parallel_loop3A_580 = arith.maximumf %parallel_loop3A_577, %parallel_loop3A_579 : vector<16xf32>
      %parallel_loop3A_581 = arith.index_cast %parallel_loop3A_573 : i32 to index
      %parallel_loop3A_582 = tpu.vector_load %arg5[%parallel_loop3A_581] {strides = array<i32>} : memref<32768xf32, #tpu.memory_space<vmem>>, vector<16xf32>,
      tpu.vector_store %arg5[%parallel_loop3A_581], %parallel_loop3A_580 {strides = array<i32>} : memref<32768xf32, #tpu.memory_space<vmem>>, vector<16xf32>,
      %parallel_loop3A_583 = arith.constant 64 : i32
      %parallel_loop3A_584 = arith.addi %parallel_loop3A_538, %parallel_loop3A_583 : i32
      %parallel_loop3A_585 = arith.index_cast %parallel_loop3A_584 : i32 to index
      %parallel_loop3A_586 = tpu.vector_load %arg5[%parallel_loop3A_585] {strides = array<i32>} : memref<32768xf32, #tpu.memory_space<vmem>>, vector<16xf32>,
      %parallel_loop3A_587 = vector.broadcast %scan3A_246#0 : f32 to vector<16xf32>
      %parallel_loop3A_588 = arith.subf %parallel_loop3A_586, %parallel_loop3A_587 : vector<16xf32>
      %parallel_loop3A_589 = arith.constant 0.000000e+00 : f32
      %parallel_loop3A_590 = vector.broadcast %parallel_loop3A_589 : f32 to vector<16xf32>
      %parallel_loop3A_591 = arith.maximumf %parallel_loop3A_588, %parallel_loop3A_590 : vector<16xf32>
      %parallel_loop3A_592 = arith.index_cast %parallel_loop3A_584 : i32 to index
      %parallel_loop3A_593 = tpu.vector_load %arg5[%parallel_loop3A_592] {strides = array<i32>} : memref<32768xf32, #tpu.memory_space<vmem>>, vector<16xf32>,
      tpu.vector_store %arg5[%parallel_loop3A_592], %parallel_loop3A_591 {strides = array<i32>} : memref<32768xf32, #tpu.memory_space<vmem>>, vector<16xf32>,
      %parallel_loop3A_594 = arith.constant 80 : i32
      %parallel_loop3A_595 = arith.addi %parallel_loop3A_538, %parallel_loop3A_594 : i32
      %parallel_loop3A_596 = arith.index_cast %parallel_loop3A_595 : i32 to index
      %parallel_loop3A_597 = tpu.vector_load %arg5[%parallel_loop3A_596] {strides = array<i32>} : memref<32768xf32, #tpu.memory_space<vmem>>, vector<16xf32>,
      %parallel_loop3A_598 = vector.broadcast %scan3A_246#0 : f32 to vector<16xf32>
      %parallel_loop3A_599 = arith.subf %parallel_loop3A_597, %parallel_loop3A_598 : vector<16xf32>
      %parallel_loop3A_600 = arith.constant 0.000000e+00 : f32
      %parallel_loop3A_601 = vector.broadcast %parallel_loop3A_600 : f32 to vector<16xf32>
      %parallel_loop3A_602 = arith.maximumf %parallel_loop3A_599, %parallel_loop3A_601 : vector<16xf32>
      %parallel_loop3A_603 = arith.index_cast %parallel_loop3A_595 : i32 to index
      %parallel_loop3A_604 = tpu.vector_load %arg5[%parallel_loop3A_603] {strides = array<i32>} : memref<32768xf32, #tpu.memory_space<vmem>>, vector<16xf32>,
      tpu.vector_store %arg5[%parallel_loop3A_603], %parallel_loop3A_602 {strides = array<i32>} : memref<32768xf32, #tpu.memory_space<vmem>>, vector<16xf32>,
      %parallel_loop3A_605 = arith.constant 96 : i32
      %parallel_loop3A_606 = arith.addi %parallel_loop3A_538, %parallel_loop3A_605 : i32
      %parallel_loop3A_607 = arith.index_cast %parallel_loop3A_606 : i32 to index
      %parallel_loop3A_608 = tpu.vector_load %arg5[%parallel_loop3A_607] {strides = array<i32>} : memref<32768xf32, #tpu.memory_space<vmem>>, vector<16xf32>,
      %parallel_loop3A_609 = vector.broadcast %scan3A_246#0 : f32 to vector<16xf32>
      %parallel_loop3A_610 = arith.subf %parallel_loop3A_608, %parallel_loop3A_609 : vector<16xf32>
      %parallel_loop3A_611 = arith.constant 0.000000e+00 : f32
      %parallel_loop3A_612 = vector.broadcast %parallel_loop3A_611 : f32 to vector<16xf32>
      %parallel_loop3A_613 = arith.maximumf %parallel_loop3A_610, %parallel_loop3A_612 : vector<16xf32>
      %parallel_loop3A_614 = arith.index_cast %parallel_loop3A_606 : i32 to index
      %parallel_loop3A_615 = tpu.vector_load %arg5[%parallel_loop3A_614] {strides = array<i32>} : memref<32768xf32, #tpu.memory_space<vmem>>, vector<16xf32>,
      tpu.vector_store %arg5[%parallel_loop3A_614], %parallel_loop3A_613 {strides = array<i32>} : memref<32768xf32, #tpu.memory_space<vmem>>, vector<16xf32>,
      %parallel_loop3A_616 = arith.constant 112 : i32
      %parallel_loop3A_617 = arith.addi %parallel_loop3A_538, %parallel_loop3A_616 : i32
      %parallel_loop3A_618 = arith.index_cast %parallel_loop3A_617 : i32 to index
      %parallel_loop3A_619 = tpu.vector_load %arg5[%parallel_loop3A_618] {strides = array<i32>} : memref<32768xf32, #tpu.memory_space<vmem>>, vector<16xf32>,
      %parallel_loop3A_620 = vector.broadcast %scan3A_246#0 : f32 to vector<16xf32>
      %parallel_loop3A_621 = arith.subf %parallel_loop3A_619, %parallel_loop3A_620 : vector<16xf32>
      %parallel_loop3A_622 = arith.constant 0.000000e+00 : f32
      %parallel_loop3A_623 = vector.broadcast %parallel_loop3A_622 : f32 to vector<16xf32>
      %parallel_loop3A_624 = arith.maximumf %parallel_loop3A_621, %parallel_loop3A_623 : vector<16xf32>
      %parallel_loop3A_625 = arith.index_cast %parallel_loop3A_617 : i32 to index
      %parallel_loop3A_626 = tpu.vector_load %arg5[%parallel_loop3A_625] {strides = array<i32>} : memref<32768xf32, #tpu.memory_space<vmem>>, vector<16xf32>,
      tpu.vector_store %arg5[%parallel_loop3A_625], %parallel_loop3A_624 {strides = array<i32>} : memref<32768xf32, #tpu.memory_space<vmem>>, vector<16xf32>,
      scf.yield %parallel_loop3A_536 : i32
    } {sc.loop_unroll_factor = 1 : i64, sc.parallel_access}
    %add3A_253 = arith.constant 1 : i32
    %add3A_254 = arith.addi %mul3A_2, %add3A_253 : i32
    %dma_start3A_255 = arith.constant 0 : i32
    %dma_start3A_256 = tpu.memref_slice %arg3[%add3A_254, %dma_start3A_255] : memref<128x32768xf32, #tpu.memory_space<hbm>> -> memref<1x32768xf32, #tpu.memory_space<hbm>>
    %dma_start3A_257 = tpu.memref_squeeze %dma_start3A_256 : memref<1x32768xf32, #tpu.memory_space<hbm>> -> memref<32768xf32, #tpu.memory_space<hbm>>
    %dma_start3A_258 = arith.constant 0 : i32
    %dma_start3A_259 = tpu.memref_slice %arg3[%add3A_254, %dma_start3A_258] : memref<128x32768xf32, #tpu.memory_space<hbm>> -> memref<1x32768xf32, #tpu.memory_space<hbm>>
    %dma_start3A_260 = tpu.memref_squeeze %dma_start3A_259 : memref<1x32768xf32, #tpu.memory_space<hbm>> -> memref<32768xf32, #tpu.memory_space<hbm>>
    tpu.enqueue_dma source(%arg5 : memref<32768xf32, #tpu.memory_space<vmem>>) target(%dma_start3A_260 : memref<32768xf32, #tpu.memory_space<hbm>>) target_semaphore(%arg10 : memref<!tpu.dma_semaphore, #tpu.memory_space<semaphore_mem>>)
    %dma_wait3A_261 = arith.constant 0 : i32
    %dma_wait3A_262 = tpu.memref_slice %arg2[%add3A_158, %dma_wait3A_261] : memref<128x32768xf32, #tpu.memory_space<hbm>> -> memref<1x32768xf32, #tpu.memory_space<hbm>>
    %dma_wait3A_263 = tpu.memref_squeeze %dma_wait3A_262 : memref<1x32768xf32, #tpu.memory_space<hbm>> -> memref<32768xf32, #tpu.memory_space<hbm>>
    %dma_wait3A_264 = arith.constant 0 : i32
    %dma_wait3A_265 = tpu.memref_slice %arg2[%add3A_158, %dma_wait3A_264] : memref<128x32768xf32, #tpu.memory_space<hbm>> -> memref<1x32768xf32, #tpu.memory_space<hbm>>
    %dma_wait3A_266 = tpu.memref_squeeze %dma_wait3A_265 : memref<1x32768xf32, #tpu.memory_space<hbm>> -> memref<32768xf32, #tpu.memory_space<hbm>>
    tpu.wait_dma2 semaphore(%arg7 : memref<!tpu.dma_semaphore, #tpu.memory_space<semaphore_mem>>) src(%dma_wait3A_266 : memref<32768xf32, #tpu.memory_space<hbm>>) dst(%arg4 : memref<32768xf32, #tpu.memory_space<vmem>>)
    %broadcast_in_dim3A_267 = arith.constant -3.000000e+38 : f32
    %broadcast_in_dim3A_268 = vector.broadcast %broadcast_in_dim3A_267 : f32 to vector<16xf32>
    %broadcast_in_dim3A_269 = arith.constant -3.000000e+38 : f32
    %broadcast_in_dim3A_270 = vector.broadcast %broadcast_in_dim3A_269 : f32 to vector<16xf32>
    %broadcast_in_dim3A_271 = arith.constant -3.000000e+38 : f32
    %broadcast_in_dim3A_272 = vector.broadcast %broadcast_in_dim3A_271 : f32 to vector<16xf32>
    %broadcast_in_dim3A_273 = arith.constant -3.000000e+38 : f32
    %broadcast_in_dim3A_274 = vector.broadcast %broadcast_in_dim3A_273 : f32 to vector<16xf32>
    %parallel_loop3A_275 = arith.constant 0 : i32
    %parallel_loop3A_276 = arith.constant 256 : i32
    %parallel_loop3A_277 = arith.constant 1 : i32
    %parallel_loop3A_278:4 = scf.for %parallel_loop3A_535 = %parallel_loop3A_275 to %parallel_loop3A_276 step %parallel_loop3A_277 iter_args(%parallel_loop3A_536 = %broadcast_in_dim3A_268, %parallel_loop3A_537 = %broadcast_in_dim3A_270, %parallel_loop3A_538 = %broadcast_in_dim3A_272, %parallel_loop3A_539 = %broadcast_in_dim3A_274) -> (vector<16xf32>, vector<16xf32>, vector<16xf32>, vector<16xf32>)  : i32 {
      %parallel_loop3A_540 = arith.constant 128 : i32
      %parallel_loop3A_541 = arith.muli %parallel_loop3A_535, %parallel_loop3A_540 : i32
      %parallel_loop3A_542 = arith.constant 0 : i32
      %parallel_loop3A_543 = arith.addi %parallel_loop3A_541, %parallel_loop3A_542 : i32
      %parallel_loop3A_544 = arith.index_cast %parallel_loop3A_543 : i32 to index
      %parallel_loop3A_545 = tpu.vector_load %arg4[%parallel_loop3A_544] {strides = array<i32>} : memref<32768xf32, #tpu.memory_space<vmem>>, vector<16xf32>,
      %parallel_loop3A_546 = arith.maximumf %parallel_loop3A_536, %parallel_loop3A_545 : vector<16xf32>
      %parallel_loop3A_547 = arith.constant 16 : i32
      %parallel_loop3A_548 = arith.addi %parallel_loop3A_541, %parallel_loop3A_547 : i32
      %parallel_loop3A_549 = arith.index_cast %parallel_loop3A_548 : i32 to index
      %parallel_loop3A_550 = tpu.vector_load %arg4[%parallel_loop3A_549] {strides = array<i32>} : memref<32768xf32, #tpu.memory_space<vmem>>, vector<16xf32>,
      %parallel_loop3A_551 = arith.maximumf %parallel_loop3A_537, %parallel_loop3A_550 : vector<16xf32>
      %parallel_loop3A_552 = arith.constant 32 : i32
      %parallel_loop3A_553 = arith.addi %parallel_loop3A_541, %parallel_loop3A_552 : i32
      %parallel_loop3A_554 = arith.index_cast %parallel_loop3A_553 : i32 to index
      %parallel_loop3A_555 = tpu.vector_load %arg4[%parallel_loop3A_554] {strides = array<i32>} : memref<32768xf32, #tpu.memory_space<vmem>>, vector<16xf32>,
      %parallel_loop3A_556 = arith.maximumf %parallel_loop3A_538, %parallel_loop3A_555 : vector<16xf32>
      %parallel_loop3A_557 = arith.constant 48 : i32
      %parallel_loop3A_558 = arith.addi %parallel_loop3A_541, %parallel_loop3A_557 : i32
      %parallel_loop3A_559 = arith.index_cast %parallel_loop3A_558 : i32 to index
      %parallel_loop3A_560 = tpu.vector_load %arg4[%parallel_loop3A_559] {strides = array<i32>} : memref<32768xf32, #tpu.memory_space<vmem>>, vector<16xf32>,
      %parallel_loop3A_561 = arith.maximumf %parallel_loop3A_539, %parallel_loop3A_560 : vector<16xf32>
      %parallel_loop3A_562 = arith.constant 64 : i32
      %parallel_loop3A_563 = arith.addi %parallel_loop3A_541, %parallel_loop3A_562 : i32
      %parallel_loop3A_564 = arith.index_cast %parallel_loop3A_563 : i32 to index
      %parallel_loop3A_565 = tpu.vector_load %arg4[%parallel_loop3A_564] {strides = array<i32>} : memref<32768xf32, #tpu.memory_space<vmem>>, vector<16xf32>,
      %parallel_loop3A_566 = arith.maximumf %parallel_loop3A_546, %parallel_loop3A_565 : vector<16xf32>
      %parallel_loop3A_567 = arith.constant 80 : i32
      %parallel_loop3A_568 = arith.addi %parallel_loop3A_541, %parallel_loop3A_567 : i32
      %parallel_loop3A_569 = arith.index_cast %parallel_loop3A_568 : i32 to index
      %parallel_loop3A_570 = tpu.vector_load %arg4[%parallel_loop3A_569] {strides = array<i32>} : memref<32768xf32, #tpu.memory_space<vmem>>, vector<16xf32>,
      %parallel_loop3A_571 = arith.maximumf %parallel_loop3A_551, %parallel_loop3A_570 : vector<16xf32>
      %parallel_loop3A_572 = arith.constant 96 : i32
      %parallel_loop3A_573 = arith.addi %parallel_loop3A_541, %parallel_loop3A_572 : i32
      %parallel_loop3A_574 = arith.index_cast %parallel_loop3A_573 : i32 to index
      %parallel_loop3A_575 = tpu.vector_load %arg4[%parallel_loop3A_574] {strides = array<i32>} : memref<32768xf32, #tpu.memory_space<vmem>>, vector<16xf32>,
      %parallel_loop3A_576 = arith.maximumf %parallel_loop3A_556, %parallel_loop3A_575 : vector<16xf32>
      %parallel_loop3A_577 = arith.constant 112 : i32
      %parallel_loop3A_578 = arith.addi %parallel_loop3A_541, %parallel_loop3A_577 : i32
      %parallel_loop3A_579 = arith.index_cast %parallel_loop3A_578 : i32 to index
      %parallel_loop3A_580 = tpu.vector_load %arg4[%parallel_loop3A_579] {strides = array<i32>} : memref<32768xf32, #tpu.memory_space<vmem>>, vector<16xf32>,
      %parallel_loop3A_581 = arith.maximumf %parallel_loop3A_561, %parallel_loop3A_580 : vector<16xf32>
      scf.yield %parallel_loop3A_566, %parallel_loop3A_571, %parallel_loop3A_576, %parallel_loop3A_581 : vector<16xf32>, vector<16xf32>, vector<16xf32>, vector<16xf32>
    } {sc.loop_unroll_factor = 2 : i64, sc.parallel_access}
    %max3A_279 = arith.maximumf %parallel_loop3A_278#0, %parallel_loop3A_278#1 : vector<16xf32>
    %max3A_280 = arith.maximumf %parallel_loop3A_278#2, %parallel_loop3A_278#3 : vector<16xf32>
    %max3A_281 = arith.maximumf %max3A_279, %max3A_280 : vector<16xf32>
    %reduce_max3A_282 = arith.constant true
    %reduce_max3A_283 = vector.broadcast %reduce_max3A_282 : i1 to vector<16xi1>
    %reduce_max3A_284 = tpu.scan <max>, %max3A_281 masked %reduce_max3A_283 : vector<16xf32>, vector<16xi1> -> vector<16xf32>
    %reduce_max3A_285 = vector.extract %reduce_max3A_284[15] : f32 from vector<16xf32>
    %sub3A_286 = arith.constant 1.000000e+00 : f32
    %sub3A_287 = arith.subf %reduce_max3A_285, %sub3A_286 : f32
    %dma_wait3A_288 = arith.constant 0 : i32
    %dma_wait3A_289 = tpu.memref_slice %arg3[%add3A_254, %dma_wait3A_288] : memref<128x32768xf32, #tpu.memory_space<hbm>> -> memref<1x32768xf32, #tpu.memory_space<hbm>>
    %dma_wait3A_290 = tpu.memref_squeeze %dma_wait3A_289 : memref<1x32768xf32, #tpu.memory_space<hbm>> -> memref<32768xf32, #tpu.memory_space<hbm>>
    %dma_wait3A_291 = arith.constant 0 : i32
    %dma_wait3A_292 = tpu.memref_slice %arg3[%add3A_254, %dma_wait3A_291] : memref<128x32768xf32, #tpu.memory_space<hbm>> -> memref<1x32768xf32, #tpu.memory_space<hbm>>
    %dma_wait3A_293 = tpu.memref_squeeze %dma_wait3A_292 : memref<1x32768xf32, #tpu.memory_space<hbm>> -> memref<32768xf32, #tpu.memory_space<hbm>>
    tpu.wait_dma2 semaphore(%arg10 : memref<!tpu.dma_semaphore, #tpu.memory_space<semaphore_mem>>) src(%arg5 : memref<32768xf32, #tpu.memory_space<vmem>>) dst(%dma_wait3A_293 : memref<32768xf32, #tpu.memory_space<hbm>>)
    %add3A_294 = arith.constant 2 : i32
    %add3A_295 = arith.addi %mul3A_2, %add3A_294 : i32
    %add3A_296 = arith.constant 1 : i32
    %add3A_297 = arith.addi %add3A_295, %add3A_296 : i32
    %dma_start3A_298 = arith.constant 0 : i32
    %dma_start3A_299 = tpu.memref_slice %arg2[%add3A_297, %dma_start3A_298] : memref<128x32768xf32, #tpu.memory_space<hbm>> -> memref<1x32768xf32, #tpu.memory_space<hbm>>
    %dma_start3A_300 = tpu.memref_squeeze %dma_start3A_299 : memref<1x32768xf32, #tpu.memory_space<hbm>> -> memref<32768xf32, #tpu.memory_space<hbm>>
    %dma_start3A_301 = arith.constant 0 : i32
    %dma_start3A_302 = tpu.memref_slice %arg2[%add3A_297, %dma_start3A_301] : memref<128x32768xf32, #tpu.memory_space<hbm>> -> memref<1x32768xf32, #tpu.memory_space<hbm>>
    %dma_start3A_303 = tpu.memref_squeeze %dma_start3A_302 : memref<1x32768xf32, #tpu.memory_space<hbm>> -> memref<32768xf32, #tpu.memory_space<hbm>>
    tpu.enqueue_dma source(%dma_start3A_303 : memref<32768xf32, #tpu.memory_space<hbm>>) target(%arg5 : memref<32768xf32, #tpu.memory_space<vmem>>) target_semaphore(%arg8 : memref<!tpu.dma_semaphore, #tpu.memory_space<semaphore_mem>>)
    %iota3A_304 = tpu.iota {dimensions = array<i32: 0>} : vector<16xi32>
    %broadcast_in_dim3A_305 = arith.constant 0 : i32
    %broadcast_in_dim3A_306 = vector.broadcast %broadcast_in_dim3A_305 : i32 to vector<16xi32>
    %parallel_loop3A_307 = arith.constant 0 : i32
    %parallel_loop3A_308 = arith.constant 256 : i32
    %parallel_loop3A_309 = arith.constant 1 : i32
    %parallel_loop3A_310 = scf.for %parallel_loop3A_535 = %parallel_loop3A_307 to %parallel_loop3A_308 step %parallel_loop3A_309 iter_args(%parallel_loop3A_536 = %broadcast_in_dim3A_306) -> (vector<16xi32>)  : i32 {
      %parallel_loop3A_537 = arith.constant 128 : i32
      %parallel_loop3A_538 = arith.muli %parallel_loop3A_535, %parallel_loop3A_537 : i32
      %parallel_loop3A_539 = arith.constant 0 : i32
      %parallel_loop3A_540 = arith.addi %parallel_loop3A_538, %parallel_loop3A_539 : i32
      %parallel_loop3A_541 = arith.index_cast %parallel_loop3A_540 : i32 to index
      %parallel_loop3A_542 = tpu.vector_load %arg4[%parallel_loop3A_541] {strides = array<i32>} : memref<32768xf32, #tpu.memory_space<vmem>>, vector<16xf32>,
      %parallel_loop3A_543 = arith.constant 16 : i32
      %parallel_loop3A_544 = arith.addi %parallel_loop3A_538, %parallel_loop3A_543 : i32
      %parallel_loop3A_545 = arith.index_cast %parallel_loop3A_544 : i32 to index
      %parallel_loop3A_546 = tpu.vector_load %arg4[%parallel_loop3A_545] {strides = array<i32>} : memref<32768xf32, #tpu.memory_space<vmem>>, vector<16xf32>,
      %parallel_loop3A_547 = arith.constant 32 : i32
      %parallel_loop3A_548 = arith.addi %parallel_loop3A_538, %parallel_loop3A_547 : i32
      %parallel_loop3A_549 = arith.index_cast %parallel_loop3A_548 : i32 to index
      %parallel_loop3A_550 = tpu.vector_load %arg4[%parallel_loop3A_549] {strides = array<i32>} : memref<32768xf32, #tpu.memory_space<vmem>>, vector<16xf32>,
      %parallel_loop3A_551 = arith.constant 48 : i32
      %parallel_loop3A_552 = arith.addi %parallel_loop3A_538, %parallel_loop3A_551 : i32
      %parallel_loop3A_553 = arith.index_cast %parallel_loop3A_552 : i32 to index
      %parallel_loop3A_554 = tpu.vector_load %arg4[%parallel_loop3A_553] {strides = array<i32>} : memref<32768xf32, #tpu.memory_space<vmem>>, vector<16xf32>,
      %parallel_loop3A_555 = arith.constant 64 : i32
      %parallel_loop3A_556 = arith.addi %parallel_loop3A_538, %parallel_loop3A_555 : i32
      %parallel_loop3A_557 = arith.index_cast %parallel_loop3A_556 : i32 to index
      %parallel_loop3A_558 = tpu.vector_load %arg4[%parallel_loop3A_557] {strides = array<i32>} : memref<32768xf32, #tpu.memory_space<vmem>>, vector<16xf32>,
      %parallel_loop3A_559 = arith.constant 80 : i32
      %parallel_loop3A_560 = arith.addi %parallel_loop3A_538, %parallel_loop3A_559 : i32
      %parallel_loop3A_561 = arith.index_cast %parallel_loop3A_560 : i32 to index
      %parallel_loop3A_562 = tpu.vector_load %arg4[%parallel_loop3A_561] {strides = array<i32>} : memref<32768xf32, #tpu.memory_space<vmem>>, vector<16xf32>,
      %parallel_loop3A_563 = arith.constant 96 : i32
      %parallel_loop3A_564 = arith.addi %parallel_loop3A_538, %parallel_loop3A_563 : i32
      %parallel_loop3A_565 = arith.index_cast %parallel_loop3A_564 : i32 to index
      %parallel_loop3A_566 = tpu.vector_load %arg4[%parallel_loop3A_565] {strides = array<i32>} : memref<32768xf32, #tpu.memory_space<vmem>>, vector<16xf32>,
      %parallel_loop3A_567 = arith.constant 112 : i32
      %parallel_loop3A_568 = arith.addi %parallel_loop3A_538, %parallel_loop3A_567 : i32
      %parallel_loop3A_569 = arith.index_cast %parallel_loop3A_568 : i32 to index
      %parallel_loop3A_570 = tpu.vector_load %arg4[%parallel_loop3A_569] {strides = array<i32>} : memref<32768xf32, #tpu.memory_space<vmem>>, vector<16xf32>,
      %parallel_loop3A_571 = vector.broadcast %sub3A_287 : f32 to vector<16xf32>
      %parallel_loop3A_572 = arith.cmpf ogt, %parallel_loop3A_542, %parallel_loop3A_571 : vector<16xf32>
      %parallel_loop3A_573 = vector.broadcast %sub3A_287 : f32 to vector<16xf32>
      %parallel_loop3A_574 = arith.cmpf ogt, %parallel_loop3A_546, %parallel_loop3A_573 : vector<16xf32>
      %parallel_loop3A_575 = vector.broadcast %sub3A_287 : f32 to vector<16xf32>
      %parallel_loop3A_576 = arith.cmpf ogt, %parallel_loop3A_550, %parallel_loop3A_575 : vector<16xf32>
      %parallel_loop3A_577 = vector.broadcast %sub3A_287 : f32 to vector<16xf32>
      %parallel_loop3A_578 = arith.cmpf ogt, %parallel_loop3A_554, %parallel_loop3A_577 : vector<16xf32>
      %parallel_loop3A_579 = vector.broadcast %sub3A_287 : f32 to vector<16xf32>
      %parallel_loop3A_580 = arith.cmpf ogt, %parallel_loop3A_558, %parallel_loop3A_579 : vector<16xf32>
      %parallel_loop3A_581 = vector.broadcast %sub3A_287 : f32 to vector<16xf32>
      %parallel_loop3A_582 = arith.cmpf ogt, %parallel_loop3A_562, %parallel_loop3A_581 : vector<16xf32>
      %parallel_loop3A_583 = vector.broadcast %sub3A_287 : f32 to vector<16xf32>
      %parallel_loop3A_584 = arith.cmpf ogt, %parallel_loop3A_566, %parallel_loop3A_583 : vector<16xf32>
      %parallel_loop3A_585 = vector.broadcast %sub3A_287 : f32 to vector<16xf32>
      %parallel_loop3A_586 = arith.cmpf ogt, %parallel_loop3A_570, %parallel_loop3A_585 : vector<16xf32>
      %parallel_loop3A_587 = tpu.all_reduce %parallel_loop3A_572 {dim = 0 : i64, kind = #tpu.reduction_kind<sum>} : vector<16xi1> -> vector<16xi32>
      %parallel_loop3A_588 = tpu.all_reduce %parallel_loop3A_574 {dim = 0 : i64, kind = #tpu.reduction_kind<sum>} : vector<16xi1> -> vector<16xi32>
      %parallel_loop3A_589 = tpu.all_reduce %parallel_loop3A_576 {dim = 0 : i64, kind = #tpu.reduction_kind<sum>} : vector<16xi1> -> vector<16xi32>
      %parallel_loop3A_590 = tpu.all_reduce %parallel_loop3A_578 {dim = 0 : i64, kind = #tpu.reduction_kind<sum>} : vector<16xi1> -> vector<16xi32>
      %parallel_loop3A_591 = tpu.all_reduce %parallel_loop3A_580 {dim = 0 : i64, kind = #tpu.reduction_kind<sum>} : vector<16xi1> -> vector<16xi32>
      %parallel_loop3A_592 = tpu.all_reduce %parallel_loop3A_582 {dim = 0 : i64, kind = #tpu.reduction_kind<sum>} : vector<16xi1> -> vector<16xi32>
      %parallel_loop3A_593 = tpu.all_reduce %parallel_loop3A_584 {dim = 0 : i64, kind = #tpu.reduction_kind<sum>} : vector<16xi1> -> vector<16xi32>
      %parallel_loop3A_594 = tpu.all_reduce %parallel_loop3A_586 {dim = 0 : i64, kind = #tpu.reduction_kind<sum>} : vector<16xi1> -> vector<16xi32>
      %parallel_loop3A_595 = arith.constant 0 : i32
      %parallel_loop3A_596 = vector.broadcast %parallel_loop3A_595 : i32 to vector<16xi32>
      %parallel_loop3A_597 = arith.cmpi sgt, %parallel_loop3A_587, %parallel_loop3A_596 : vector<16xi32>
      %parallel_loop3A_598 = arith.constant 0 : i32
      %parallel_loop3A_599 = vector.broadcast %parallel_loop3A_598 : i32 to vector<16xi32>
      %parallel_loop3A_600 = arith.cmpi sgt, %parallel_loop3A_588, %parallel_loop3A_599 : vector<16xi32>
      %parallel_loop3A_601 = arith.constant 0 : i32
      %parallel_loop3A_602 = vector.broadcast %parallel_loop3A_601 : i32 to vector<16xi32>
      %parallel_loop3A_603 = arith.cmpi sgt, %parallel_loop3A_589, %parallel_loop3A_602 : vector<16xi32>
      %parallel_loop3A_604 = arith.constant 0 : i32
      %parallel_loop3A_605 = vector.broadcast %parallel_loop3A_604 : i32 to vector<16xi32>
      %parallel_loop3A_606 = arith.cmpi sgt, %parallel_loop3A_590, %parallel_loop3A_605 : vector<16xi32>
      %parallel_loop3A_607 = arith.constant 0 : i32
      %parallel_loop3A_608 = vector.broadcast %parallel_loop3A_607 : i32 to vector<16xi32>
      %parallel_loop3A_609 = arith.cmpi sgt, %parallel_loop3A_591, %parallel_loop3A_608 : vector<16xi32>
      %parallel_loop3A_610 = arith.constant 0 : i32
      %parallel_loop3A_611 = vector.broadcast %parallel_loop3A_610 : i32 to vector<16xi32>
      %parallel_loop3A_612 = arith.cmpi sgt, %parallel_loop3A_592, %parallel_loop3A_611 : vector<16xi32>
      %parallel_loop3A_613 = arith.constant 0 : i32
      %parallel_loop3A_614 = vector.broadcast %parallel_loop3A_613 : i32 to vector<16xi32>
      %parallel_loop3A_615 = arith.cmpi sgt, %parallel_loop3A_593, %parallel_loop3A_614 : vector<16xi32>
      %parallel_loop3A_616 = arith.constant 0 : i32
      %parallel_loop3A_617 = vector.broadcast %parallel_loop3A_616 : i32 to vector<16xi32>
      %parallel_loop3A_618 = arith.cmpi sgt, %parallel_loop3A_594, %parallel_loop3A_617 : vector<16xi32>
      %parallel_loop3A_619 = arith.constant -3.000000e+38 : f32
      %parallel_loop3A_620 = vector.broadcast %parallel_loop3A_619 : f32 to vector<16xf32>
      %parallel_loop3A_621 = arith.select %parallel_loop3A_572, %parallel_loop3A_542, %parallel_loop3A_620 : vector<16xi1>, vector<16xf32>
      %parallel_loop3A_622 = arith.constant -3.000000e+38 : f32
      %parallel_loop3A_623 = vector.broadcast %parallel_loop3A_622 : f32 to vector<16xf32>
      %parallel_loop3A_624 = arith.select %parallel_loop3A_574, %parallel_loop3A_546, %parallel_loop3A_623 : vector<16xi1>, vector<16xf32>
      %parallel_loop3A_625 = arith.constant -3.000000e+38 : f32
      %parallel_loop3A_626 = vector.broadcast %parallel_loop3A_625 : f32 to vector<16xf32>
      %parallel_loop3A_627 = arith.select %parallel_loop3A_576, %parallel_loop3A_550, %parallel_loop3A_626 : vector<16xi1>, vector<16xf32>
      %parallel_loop3A_628 = arith.constant -3.000000e+38 : f32
      %parallel_loop3A_629 = vector.broadcast %parallel_loop3A_628 : f32 to vector<16xf32>
      %parallel_loop3A_630 = arith.select %parallel_loop3A_578, %parallel_loop3A_554, %parallel_loop3A_629 : vector<16xi1>, vector<16xf32>
      %parallel_loop3A_631 = arith.constant -3.000000e+38 : f32
      %parallel_loop3A_632 = vector.broadcast %parallel_loop3A_631 : f32 to vector<16xf32>
      %parallel_loop3A_633 = arith.select %parallel_loop3A_580, %parallel_loop3A_558, %parallel_loop3A_632 : vector<16xi1>, vector<16xf32>
      %parallel_loop3A_634 = arith.constant -3.000000e+38 : f32
      %parallel_loop3A_635 = vector.broadcast %parallel_loop3A_634 : f32 to vector<16xf32>
      %parallel_loop3A_636 = arith.select %parallel_loop3A_582, %parallel_loop3A_562, %parallel_loop3A_635 : vector<16xi1>, vector<16xf32>
      %parallel_loop3A_637 = arith.constant -3.000000e+38 : f32
      %parallel_loop3A_638 = vector.broadcast %parallel_loop3A_637 : f32 to vector<16xf32>
      %parallel_loop3A_639 = arith.select %parallel_loop3A_584, %parallel_loop3A_566, %parallel_loop3A_638 : vector<16xi1>, vector<16xf32>
      %parallel_loop3A_640 = arith.constant -3.000000e+38 : f32
      %parallel_loop3A_641 = vector.broadcast %parallel_loop3A_640 : f32 to vector<16xf32>
      %parallel_loop3A_642 = arith.select %parallel_loop3A_586, %parallel_loop3A_570, %parallel_loop3A_641 : vector<16xi1>, vector<16xf32>
      %parallel_loop3A_643 = arith.addi %parallel_loop3A_536, %iota3A_304 : vector<16xi32>
      tpu.vector_store_idx %arg6[%parallel_loop3A_643], %parallel_loop3A_621 masked %parallel_loop3A_597 : memref<32784xf32, #tpu.memory_space<vmem>>[vector<16xi32>], vector<16xf32>, vector<16xi1>
      %parallel_loop3A_644 = arith.constant 16 : i32
      %parallel_loop3A_645 = arith.constant 0 : i32
      %parallel_loop3A_646 = vector.broadcast %parallel_loop3A_644 : i32 to vector<16xi32>
      %parallel_loop3A_647 = vector.broadcast %parallel_loop3A_645 : i32 to vector<16xi32>
      %parallel_loop3A_648 = arith.select %parallel_loop3A_597, %parallel_loop3A_646, %parallel_loop3A_647 : vector<16xi1>, vector<16xi32>
      %parallel_loop3A_649 = arith.addi %parallel_loop3A_536, %parallel_loop3A_648 : vector<16xi32>
      %parallel_loop3A_650 = arith.addi %parallel_loop3A_649, %iota3A_304 : vector<16xi32>
      tpu.vector_store_idx %arg6[%parallel_loop3A_650], %parallel_loop3A_624 masked %parallel_loop3A_600 : memref<32784xf32, #tpu.memory_space<vmem>>[vector<16xi32>], vector<16xf32>, vector<16xi1>
      %parallel_loop3A_651 = arith.constant 16 : i32
      %parallel_loop3A_652 = arith.constant 0 : i32
      %parallel_loop3A_653 = vector.broadcast %parallel_loop3A_651 : i32 to vector<16xi32>
      %parallel_loop3A_654 = vector.broadcast %parallel_loop3A_652 : i32 to vector<16xi32>
      %parallel_loop3A_655 = arith.select %parallel_loop3A_600, %parallel_loop3A_653, %parallel_loop3A_654 : vector<16xi1>, vector<16xi32>
      %parallel_loop3A_656 = arith.addi %parallel_loop3A_649, %parallel_loop3A_655 : vector<16xi32>
      %parallel_loop3A_657 = arith.addi %parallel_loop3A_656, %iota3A_304 : vector<16xi32>
      tpu.vector_store_idx %arg6[%parallel_loop3A_657], %parallel_loop3A_627 masked %parallel_loop3A_603 : memref<32784xf32, #tpu.memory_space<vmem>>[vector<16xi32>], vector<16xf32>, vector<16xi1>
      %parallel_loop3A_658 = arith.constant 16 : i32
      %parallel_loop3A_659 = arith.constant 0 : i32
      %parallel_loop3A_660 = vector.broadcast %parallel_loop3A_658 : i32 to vector<16xi32>
      %parallel_loop3A_661 = vector.broadcast %parallel_loop3A_659 : i32 to vector<16xi32>
      %parallel_loop3A_662 = arith.select %parallel_loop3A_603, %parallel_loop3A_660, %parallel_loop3A_661 : vector<16xi1>, vector<16xi32>
      %parallel_loop3A_663 = arith.addi %parallel_loop3A_656, %parallel_loop3A_662 : vector<16xi32>
      %parallel_loop3A_664 = arith.addi %parallel_loop3A_663, %iota3A_304 : vector<16xi32>
      tpu.vector_store_idx %arg6[%parallel_loop3A_664], %parallel_loop3A_630 masked %parallel_loop3A_606 : memref<32784xf32, #tpu.memory_space<vmem>>[vector<16xi32>], vector<16xf32>, vector<16xi1>
      %parallel_loop3A_665 = arith.constant 16 : i32
      %parallel_loop3A_666 = arith.constant 0 : i32
      %parallel_loop3A_667 = vector.broadcast %parallel_loop3A_665 : i32 to vector<16xi32>
      %parallel_loop3A_668 = vector.broadcast %parallel_loop3A_666 : i32 to vector<16xi32>
      %parallel_loop3A_669 = arith.select %parallel_loop3A_606, %parallel_loop3A_667, %parallel_loop3A_668 : vector<16xi1>, vector<16xi32>
      %parallel_loop3A_670 = arith.addi %parallel_loop3A_663, %parallel_loop3A_669 : vector<16xi32>
      %parallel_loop3A_671 = arith.addi %parallel_loop3A_670, %iota3A_304 : vector<16xi32>
      tpu.vector_store_idx %arg6[%parallel_loop3A_671], %parallel_loop3A_633 masked %parallel_loop3A_609 : memref<32784xf32, #tpu.memory_space<vmem>>[vector<16xi32>], vector<16xf32>, vector<16xi1>
      %parallel_loop3A_672 = arith.constant 16 : i32
      %parallel_loop3A_673 = arith.constant 0 : i32
      %parallel_loop3A_674 = vector.broadcast %parallel_loop3A_672 : i32 to vector<16xi32>
      %parallel_loop3A_675 = vector.broadcast %parallel_loop3A_673 : i32 to vector<16xi32>
      %parallel_loop3A_676 = arith.select %parallel_loop3A_609, %parallel_loop3A_674, %parallel_loop3A_675 : vector<16xi1>, vector<16xi32>
      %parallel_loop3A_677 = arith.addi %parallel_loop3A_670, %parallel_loop3A_676 : vector<16xi32>
      %parallel_loop3A_678 = arith.addi %parallel_loop3A_677, %iota3A_304 : vector<16xi32>
      tpu.vector_store_idx %arg6[%parallel_loop3A_678], %parallel_loop3A_636 masked %parallel_loop3A_612 : memref<32784xf32, #tpu.memory_space<vmem>>[vector<16xi32>], vector<16xf32>, vector<16xi1>
      %parallel_loop3A_679 = arith.constant 16 : i32
      %parallel_loop3A_680 = arith.constant 0 : i32
      %parallel_loop3A_681 = vector.broadcast %parallel_loop3A_679 : i32 to vector<16xi32>
      %parallel_loop3A_682 = vector.broadcast %parallel_loop3A_680 : i32 to vector<16xi32>
      %parallel_loop3A_683 = arith.select %parallel_loop3A_612, %parallel_loop3A_681, %parallel_loop3A_682 : vector<16xi1>, vector<16xi32>
      %parallel_loop3A_684 = arith.addi %parallel_loop3A_677, %parallel_loop3A_683 : vector<16xi32>
      %parallel_loop3A_685 = arith.addi %parallel_loop3A_684, %iota3A_304 : vector<16xi32>
      tpu.vector_store_idx %arg6[%parallel_loop3A_685], %parallel_loop3A_639 masked %parallel_loop3A_615 : memref<32784xf32, #tpu.memory_space<vmem>>[vector<16xi32>], vector<16xf32>, vector<16xi1>
      %parallel_loop3A_686 = arith.constant 16 : i32
      %parallel_loop3A_687 = arith.constant 0 : i32
      %parallel_loop3A_688 = vector.broadcast %parallel_loop3A_686 : i32 to vector<16xi32>
      %parallel_loop3A_689 = vector.broadcast %parallel_loop3A_687 : i32 to vector<16xi32>
      %parallel_loop3A_690 = arith.select %parallel_loop3A_615, %parallel_loop3A_688, %parallel_loop3A_689 : vector<16xi1>, vector<16xi32>
      %parallel_loop3A_691 = arith.addi %parallel_loop3A_684, %parallel_loop3A_690 : vector<16xi32>
      %parallel_loop3A_692 = arith.addi %parallel_loop3A_691, %iota3A_304 : vector<16xi32>
      tpu.vector_store_idx %arg6[%parallel_loop3A_692], %parallel_loop3A_642 masked %parallel_loop3A_618 : memref<32784xf32, #tpu.memory_space<vmem>>[vector<16xi32>], vector<16xf32>, vector<16xi1>
      %parallel_loop3A_693 = arith.constant 16 : i32
      %parallel_loop3A_694 = arith.constant 0 : i32
      %parallel_loop3A_695 = vector.broadcast %parallel_loop3A_693 : i32 to vector<16xi32>
      %parallel_loop3A_696 = vector.broadcast %parallel_loop3A_694 : i32 to vector<16xi32>
      %parallel_loop3A_697 = arith.select %parallel_loop3A_618, %parallel_loop3A_695, %parallel_loop3A_696 : vector<16xi1>, vector<16xi32>
      %parallel_loop3A_698 = arith.addi %parallel_loop3A_691, %parallel_loop3A_697 : vector<16xi32>
      scf.yield %parallel_loop3A_698 : vector<16xi32>
    } {sc.loop_unroll_factor = 1 : i64, sc.parallel_access}
    %slice3A_311 = vector.extract_strided_slice %parallel_loop3A_310 {offsets = [0], sizes = [1], strides = [1]} : vector<16xi32> to vector<1xi32>
    %squeeze3A_312 = vector.extract %slice3A_311[0] : i32 from vector<1xi32>
    %jit3A_313 = arith.constant 16 : i32
    %div3A_314 = arith.divsi %squeeze3A_312, %jit3A_313 : i32
    %sign3A_315 = arith.constant 0 : i32
    %sign3A_316 = arith.cmpi sgt, %squeeze3A_312, %sign3A_315 : i32
    %sign3A_317 = arith.extui %sign3A_316 : i1 to i32
    %sign3A_318 = arith.constant 0 : i32
    %sign3A_319 = arith.cmpi slt, %squeeze3A_312, %sign3A_318 : i32
    %sign3A_320 = arith.extui %sign3A_319 : i1 to i32
    %sign3A_321 = arith.subi %sign3A_317, %sign3A_320 : i32
    %sign3A_322 = arith.constant 0 : i32
    %sign3A_323 = arith.cmpi sgt, %jit3A_313, %sign3A_322 : i32
    %sign3A_324 = arith.extui %sign3A_323 : i1 to i32
    %sign3A_325 = arith.constant 0 : i32
    %sign3A_326 = arith.cmpi slt, %jit3A_313, %sign3A_325 : i32
    %sign3A_327 = arith.extui %sign3A_326 : i1 to i32
    %sign3A_328 = arith.subi %sign3A_324, %sign3A_327 : i32
    %ne3A_329 = arith.cmpi ne, %sign3A_321, %sign3A_328 : i32
    %rem3A_330 = arith.remsi %squeeze3A_312, %jit3A_313 : i32
    %ne3A_331 = arith.constant 0 : i32
    %ne3A_332 = arith.cmpi ne, %rem3A_330, %ne3A_331 : i32
    %and3A_333 = arith.andi %ne3A_329, %ne3A_332 : i1
    %sub3A_334 = arith.constant 1 : i32
    %sub3A_335 = arith.subi %div3A_314, %sub3A_334 : i32
    %select_n3A_336 = arith.select %and3A_333, %sub3A_335, %div3A_314 : i32
    %while3A_337 = arith.constant 0 : i32
    %while3A_338 = arith.constant 0 : i32
    %while3A_339 = arith.subi %select_n3A_336, %while3A_337 : i32
    %while3A_340 = arith.addi %while3A_337, %while3A_339 : i32
    %while3A_341 = arith.constant 1 : i32
    %while3A_342 = arith.divsi %while3A_339, %while3A_341 : i32
    %while3A_343 = arith.muli %while3A_342, %while3A_341 : i32
    %while3A_344 = arith.addi %while3A_337, %while3A_343 : i32
    %while3A_345 = arith.constant 1 : i32
    %while3A_346 = scf.for %while3A_535 = %while3A_337 to %while3A_344 step %while3A_345 iter_args(%while3A_536 = %while3A_338) -> (i32)  : i32 {
      %mul3A_537 = arith.constant 16 : i32
      %mul3A_538 = arith.muli %while3A_535, %mul3A_537 : i32
      %get3A = arith.index_cast %mul3A_538 : i32 to index
      %get3A_539 = tpu.vector_load %arg6[%get3A] {strides = array<i32>} : memref<32784xf32, #tpu.memory_space<vmem>>, vector<16xf32>,
      %gt3A = vector.broadcast %sub3A_287 : f32 to vector<16xf32>
      %gt3A_540 = arith.cmpf ogt, %get3A_539, %gt3A : vector<16xf32>
      %all_reduce_population_count3A = tpu.all_reduce %gt3A_540 {dim = 0 : i64, kind = #tpu.reduction_kind<sum>} : vector<16xi1> -> vector<16xi32>
      %swap3A_541 = arith.index_cast %while3A_536 : i32 to index
      %swap3A_542 = tpu.vector_load %arg6[%swap3A_541] masked %gt3A_540 {strides = array<i32>} : memref<32784xf32, #tpu.memory_space<vmem>>, vector<16xf32>, vector<16xi1>
      tpu.vector_store %arg6[%swap3A_541], %get3A_539 masked %gt3A_540 {strides = array<i32>} : memref<32784xf32, #tpu.memory_space<vmem>>, vector<16xf32>, vector<16xi1>
      %slice3A_543 = vector.extract_strided_slice %all_reduce_population_count3A {offsets = [0], sizes = [1], strides = [1]} : vector<16xi32> to vector<1xi32>
      %squeeze3A_544 = vector.extract %slice3A_543[0] : i32 from vector<1xi32>
      %add3A_545 = arith.addi %while3A_536, %squeeze3A_544 : i32
      scf.yield %add3A_545 : i32
    }
    %while3A_347 = arith.constant 1 : i32
    %while3A_348 = scf.for %while3A_535 = %while3A_344 to %while3A_340 step %while3A_347 iter_args(%while3A_536 = %while3A_346) -> (i32)  : i32 {
      %mul3A_537 = arith.constant 16 : i32
      %mul3A_538 = arith.muli %while3A_535, %mul3A_537 : i32
      %get3A = arith.index_cast %mul3A_538 : i32 to index
      %get3A_539 = tpu.vector_load %arg6[%get3A] {strides = array<i32>} : memref<32784xf32, #tpu.memory_space<vmem>>, vector<16xf32>,
      %gt3A = vector.broadcast %sub3A_287 : f32 to vector<16xf32>
      %gt3A_540 = arith.cmpf ogt, %get3A_539, %gt3A : vector<16xf32>
      %all_reduce_population_count3A = tpu.all_reduce %gt3A_540 {dim = 0 : i64, kind = #tpu.reduction_kind<sum>} : vector<16xi1> -> vector<16xi32>
      %swap3A_541 = arith.index_cast %while3A_536 : i32 to index
      %swap3A_542 = tpu.vector_load %arg6[%swap3A_541] masked %gt3A_540 {strides = array<i32>} : memref<32784xf32, #tpu.memory_space<vmem>>, vector<16xf32>, vector<16xi1>
      tpu.vector_store %arg6[%swap3A_541], %get3A_539 masked %gt3A_540 {strides = array<i32>} : memref<32784xf32, #tpu.memory_space<vmem>>, vector<16xf32>, vector<16xi1>
      %slice3A_543 = vector.extract_strided_slice %all_reduce_population_count3A {offsets = [0], sizes = [1], strides = [1]} : vector<16xi32> to vector<1xi32>
      %squeeze3A_544 = vector.extract %slice3A_543[0] : i32 from vector<1xi32>
      %add3A_545 = arith.addi %while3A_536, %squeeze3A_544 : i32
      scf.yield %add3A_545 : i32
    }
    %broadcast_in_dim3A_349 = arith.constant -3.000000e+38 : f32
    %broadcast_in_dim3A_350 = vector.broadcast %broadcast_in_dim3A_349 : f32 to vector<16xf32>
    %swap3A_351 = arith.index_cast %while3A_348 : i32 to index
    %swap3A_352 = tpu.vector_load %arg6[%swap3A_351] {strides = array<i32>} : memref<32784xf32, #tpu.memory_space<vmem>>, vector<16xf32>,
    tpu.vector_store %arg6[%swap3A_351], %broadcast_in_dim3A_350 {strides = array<i32>} : memref<32784xf32, #tpu.memory_space<vmem>>, vector<16xf32>,
    %add3A_353 = arith.constant 16 : i32
    %add3A_354 = arith.addi %while3A_348, %add3A_353 : i32
    %sub3A_355 = arith.constant 1 : i32
    %sub3A_356 = arith.subi %add3A_354, %sub3A_355 : i32
    %jit3A_357 = arith.constant 16 : i32
    %div3A_358 = arith.divsi %sub3A_356, %jit3A_357 : i32
    %sign3A_359 = arith.constant 0 : i32
    %sign3A_360 = arith.cmpi sgt, %sub3A_356, %sign3A_359 : i32
    %sign3A_361 = arith.extui %sign3A_360 : i1 to i32
    %sign3A_362 = arith.constant 0 : i32
    %sign3A_363 = arith.cmpi slt, %sub3A_356, %sign3A_362 : i32
    %sign3A_364 = arith.extui %sign3A_363 : i1 to i32
    %sign3A_365 = arith.subi %sign3A_361, %sign3A_364 : i32
    %sign3A_366 = arith.constant 0 : i32
    %sign3A_367 = arith.cmpi sgt, %jit3A_357, %sign3A_366 : i32
    %sign3A_368 = arith.extui %sign3A_367 : i1 to i32
    %sign3A_369 = arith.constant 0 : i32
    %sign3A_370 = arith.cmpi slt, %jit3A_357, %sign3A_369 : i32
    %sign3A_371 = arith.extui %sign3A_370 : i1 to i32
    %sign3A_372 = arith.subi %sign3A_368, %sign3A_371 : i32
    %ne3A_373 = arith.cmpi ne, %sign3A_365, %sign3A_372 : i32
    %rem3A_374 = arith.remsi %sub3A_356, %jit3A_357 : i32
    %ne3A_375 = arith.constant 0 : i32
    %ne3A_376 = arith.cmpi ne, %rem3A_374, %ne3A_375 : i32
    %and3A_377 = arith.andi %ne3A_373, %ne3A_376 : i1
    %sub3A_378 = arith.constant 1 : i32
    %sub3A_379 = arith.subi %div3A_358, %sub3A_378 : i32
    %select_n3A_380 = arith.select %and3A_377, %sub3A_379, %div3A_358 : i32
    %scan3A_381 = arith.constant 0 : i32
    %scan3A_382 = arith.constant 26 : i32
    %scan3A_383 = arith.addi %scan3A_381, %scan3A_382 : i32
    %scan3A_384 = arith.constant 1 : i32
    %scan3A_385:2 = scf.for %scan3A_535 = %scan3A_381 to %scan3A_383 step %scan3A_384 iter_args(%scan3A_536 = %sub3A_287, %scan3A_537 = %reduce_max3A_285) -> (f32, f32)  : i32 {
      %add3A_538 = arith.addf %scan3A_536, %scan3A_537 : f32
      %mul3A_539 = arith.constant 5.000000e-01 : f32
      %mul3A_540 = arith.mulf %mul3A_539, %add3A_538 : f32
      %broadcast_in_dim3A_541 = arith.constant 0.000000e+00 : f32
      %broadcast_in_dim3A_542 = vector.broadcast %broadcast_in_dim3A_541 : f32 to vector<16xf32>
      %while3A_543 = arith.constant 0 : i32
      %while3A_544 = arith.subi %select_n3A_380, %while3A_543 : i32
      %while3A_545 = arith.addi %while3A_543, %while3A_544 : i32
      %while3A_546 = arith.constant 1 : i32
      %while3A_547 = arith.divsi %while3A_544, %while3A_546 : i32
      %while3A_548 = arith.muli %while3A_547, %while3A_546 : i32
      %while3A_549 = arith.addi %while3A_543, %while3A_548 : i32
      %while3A_550 = arith.constant 1 : i32
      %while3A_551 = scf.for %while3A_560 = %while3A_543 to %while3A_549 step %while3A_550 iter_args(%while3A_561 = %broadcast_in_dim3A_542) -> (vector<16xf32>)  : i32 {
        %mul3A_562 = arith.constant 16 : i32
        %mul3A_563 = arith.muli %while3A_560, %mul3A_562 : i32
        %get3A = arith.index_cast %mul3A_563 : i32 to index
        %get3A_564 = tpu.vector_load %arg6[%get3A] {strides = array<i32>} : memref<32784xf32, #tpu.memory_space<vmem>>, vector<16xf32>,
        %sub3A_565 = vector.broadcast %mul3A_540 : f32 to vector<16xf32>
        %sub3A_566 = arith.subf %get3A_564, %sub3A_565 : vector<16xf32>
        %max3A_567 = arith.constant 0.000000e+00 : f32
        %max3A_568 = vector.broadcast %max3A_567 : f32 to vector<16xf32>
        %max3A_569 = arith.maximumf %sub3A_566, %max3A_568 : vector<16xf32>
        %add3A_570 = arith.addf %while3A_561, %max3A_569 : vector<16xf32>
        scf.yield %add3A_570 : vector<16xf32>
      }
      %while3A_552 = arith.constant 1 : i32
      %while3A_553 = scf.for %while3A_560 = %while3A_549 to %while3A_545 step %while3A_552 iter_args(%while3A_561 = %while3A_551) -> (vector<16xf32>)  : i32 {
        %mul3A_562 = arith.constant 16 : i32
        %mul3A_563 = arith.muli %while3A_560, %mul3A_562 : i32
        %get3A = arith.index_cast %mul3A_563 : i32 to index
        %get3A_564 = tpu.vector_load %arg6[%get3A] {strides = array<i32>} : memref<32784xf32, #tpu.memory_space<vmem>>, vector<16xf32>,
        %sub3A_565 = vector.broadcast %mul3A_540 : f32 to vector<16xf32>
        %sub3A_566 = arith.subf %get3A_564, %sub3A_565 : vector<16xf32>
        %max3A_567 = arith.constant 0.000000e+00 : f32
        %max3A_568 = vector.broadcast %max3A_567 : f32 to vector<16xf32>
        %max3A_569 = arith.maximumf %sub3A_566, %max3A_568 : vector<16xf32>
        %add3A_570 = arith.addf %while3A_561, %max3A_569 : vector<16xf32>
        scf.yield %add3A_570 : vector<16xf32>
      }
      %reduce_sum3A = arith.constant true
      %reduce_sum3A_554 = vector.broadcast %reduce_sum3A : i1 to vector<16xi1>
      %reduce_sum3A_555 = tpu.scan <sum>, %while3A_553 masked %reduce_sum3A_554 : vector<16xf32>, vector<16xi1> -> vector<16xf32>
      %reduce_sum3A_556 = vector.extract %reduce_sum3A_555[15] : f32 from vector<16xf32>
      %ge3A = arith.constant 1.000000e+00 : f32
      %ge3A_557 = arith.cmpf oge, %reduce_sum3A_556, %ge3A : f32
      %select_n3A_558 = arith.select %ge3A_557, %mul3A_540, %scan3A_536 : f32
      %select_n3A_559 = arith.select %ge3A_557, %scan3A_537, %mul3A_540 : f32
      scf.yield %select_n3A_558, %select_n3A_559 : f32, f32
    }
    %scan3A_386 = arith.constant 26 : i32
    %parallel_loop3A_387 = arith.constant 0 : i32
    %parallel_loop3A_388 = arith.constant 256 : i32
    %parallel_loop3A_389 = arith.constant 1 : i32
    %parallel_loop3A_390 = arith.constant 0 : i32
    %parallel_loop3A_391 = scf.for %parallel_loop3A_535 = %parallel_loop3A_387 to %parallel_loop3A_388 step %parallel_loop3A_389 iter_args(%parallel_loop3A_536 = %parallel_loop3A_390) -> (i32)  : i32 {
      %parallel_loop3A_537 = arith.constant 128 : i32
      %parallel_loop3A_538 = arith.muli %parallel_loop3A_535, %parallel_loop3A_537 : i32
      %parallel_loop3A_539 = arith.constant 0 : i32
      %parallel_loop3A_540 = arith.addi %parallel_loop3A_538, %parallel_loop3A_539 : i32
      %parallel_loop3A_541 = arith.index_cast %parallel_loop3A_540 : i32 to index
      %parallel_loop3A_542 = tpu.vector_load %arg4[%parallel_loop3A_541] {strides = array<i32>} : memref<32768xf32, #tpu.memory_space<vmem>>, vector<16xf32>,
      %parallel_loop3A_543 = vector.broadcast %scan3A_385#0 : f32 to vector<16xf32>
      %parallel_loop3A_544 = arith.subf %parallel_loop3A_542, %parallel_loop3A_543 : vector<16xf32>
      %parallel_loop3A_545 = arith.constant 0.000000e+00 : f32
      %parallel_loop3A_546 = vector.broadcast %parallel_loop3A_545 : f32 to vector<16xf32>
      %parallel_loop3A_547 = arith.maximumf %parallel_loop3A_544, %parallel_loop3A_546 : vector<16xf32>
      %parallel_loop3A_548 = arith.index_cast %parallel_loop3A_540 : i32 to index
      %parallel_loop3A_549 = tpu.vector_load %arg4[%parallel_loop3A_548] {strides = array<i32>} : memref<32768xf32, #tpu.memory_space<vmem>>, vector<16xf32>,
      tpu.vector_store %arg4[%parallel_loop3A_548], %parallel_loop3A_547 {strides = array<i32>} : memref<32768xf32, #tpu.memory_space<vmem>>, vector<16xf32>,
      %parallel_loop3A_550 = arith.constant 16 : i32
      %parallel_loop3A_551 = arith.addi %parallel_loop3A_538, %parallel_loop3A_550 : i32
      %parallel_loop3A_552 = arith.index_cast %parallel_loop3A_551 : i32 to index
      %parallel_loop3A_553 = tpu.vector_load %arg4[%parallel_loop3A_552] {strides = array<i32>} : memref<32768xf32, #tpu.memory_space<vmem>>, vector<16xf32>,
      %parallel_loop3A_554 = vector.broadcast %scan3A_385#0 : f32 to vector<16xf32>
      %parallel_loop3A_555 = arith.subf %parallel_loop3A_553, %parallel_loop3A_554 : vector<16xf32>
      %parallel_loop3A_556 = arith.constant 0.000000e+00 : f32
      %parallel_loop3A_557 = vector.broadcast %parallel_loop3A_556 : f32 to vector<16xf32>
      %parallel_loop3A_558 = arith.maximumf %parallel_loop3A_555, %parallel_loop3A_557 : vector<16xf32>
      %parallel_loop3A_559 = arith.index_cast %parallel_loop3A_551 : i32 to index
      %parallel_loop3A_560 = tpu.vector_load %arg4[%parallel_loop3A_559] {strides = array<i32>} : memref<32768xf32, #tpu.memory_space<vmem>>, vector<16xf32>,
      tpu.vector_store %arg4[%parallel_loop3A_559], %parallel_loop3A_558 {strides = array<i32>} : memref<32768xf32, #tpu.memory_space<vmem>>, vector<16xf32>,
      %parallel_loop3A_561 = arith.constant 32 : i32
      %parallel_loop3A_562 = arith.addi %parallel_loop3A_538, %parallel_loop3A_561 : i32
      %parallel_loop3A_563 = arith.index_cast %parallel_loop3A_562 : i32 to index
      %parallel_loop3A_564 = tpu.vector_load %arg4[%parallel_loop3A_563] {strides = array<i32>} : memref<32768xf32, #tpu.memory_space<vmem>>, vector<16xf32>,
      %parallel_loop3A_565 = vector.broadcast %scan3A_385#0 : f32 to vector<16xf32>
      %parallel_loop3A_566 = arith.subf %parallel_loop3A_564, %parallel_loop3A_565 : vector<16xf32>
      %parallel_loop3A_567 = arith.constant 0.000000e+00 : f32
      %parallel_loop3A_568 = vector.broadcast %parallel_loop3A_567 : f32 to vector<16xf32>
      %parallel_loop3A_569 = arith.maximumf %parallel_loop3A_566, %parallel_loop3A_568 : vector<16xf32>
      %parallel_loop3A_570 = arith.index_cast %parallel_loop3A_562 : i32 to index
      %parallel_loop3A_571 = tpu.vector_load %arg4[%parallel_loop3A_570] {strides = array<i32>} : memref<32768xf32, #tpu.memory_space<vmem>>, vector<16xf32>,
      tpu.vector_store %arg4[%parallel_loop3A_570], %parallel_loop3A_569 {strides = array<i32>} : memref<32768xf32, #tpu.memory_space<vmem>>, vector<16xf32>,
      %parallel_loop3A_572 = arith.constant 48 : i32
      %parallel_loop3A_573 = arith.addi %parallel_loop3A_538, %parallel_loop3A_572 : i32
      %parallel_loop3A_574 = arith.index_cast %parallel_loop3A_573 : i32 to index
      %parallel_loop3A_575 = tpu.vector_load %arg4[%parallel_loop3A_574] {strides = array<i32>} : memref<32768xf32, #tpu.memory_space<vmem>>, vector<16xf32>,
      %parallel_loop3A_576 = vector.broadcast %scan3A_385#0 : f32 to vector<16xf32>
      %parallel_loop3A_577 = arith.subf %parallel_loop3A_575, %parallel_loop3A_576 : vector<16xf32>
      %parallel_loop3A_578 = arith.constant 0.000000e+00 : f32
      %parallel_loop3A_579 = vector.broadcast %parallel_loop3A_578 : f32 to vector<16xf32>
      %parallel_loop3A_580 = arith.maximumf %parallel_loop3A_577, %parallel_loop3A_579 : vector<16xf32>
      %parallel_loop3A_581 = arith.index_cast %parallel_loop3A_573 : i32 to index
      %parallel_loop3A_582 = tpu.vector_load %arg4[%parallel_loop3A_581] {strides = array<i32>} : memref<32768xf32, #tpu.memory_space<vmem>>, vector<16xf32>,
      tpu.vector_store %arg4[%parallel_loop3A_581], %parallel_loop3A_580 {strides = array<i32>} : memref<32768xf32, #tpu.memory_space<vmem>>, vector<16xf32>,
      %parallel_loop3A_583 = arith.constant 64 : i32
      %parallel_loop3A_584 = arith.addi %parallel_loop3A_538, %parallel_loop3A_583 : i32
      %parallel_loop3A_585 = arith.index_cast %parallel_loop3A_584 : i32 to index
      %parallel_loop3A_586 = tpu.vector_load %arg4[%parallel_loop3A_585] {strides = array<i32>} : memref<32768xf32, #tpu.memory_space<vmem>>, vector<16xf32>,
      %parallel_loop3A_587 = vector.broadcast %scan3A_385#0 : f32 to vector<16xf32>
      %parallel_loop3A_588 = arith.subf %parallel_loop3A_586, %parallel_loop3A_587 : vector<16xf32>
      %parallel_loop3A_589 = arith.constant 0.000000e+00 : f32
      %parallel_loop3A_590 = vector.broadcast %parallel_loop3A_589 : f32 to vector<16xf32>
      %parallel_loop3A_591 = arith.maximumf %parallel_loop3A_588, %parallel_loop3A_590 : vector<16xf32>
      %parallel_loop3A_592 = arith.index_cast %parallel_loop3A_584 : i32 to index
      %parallel_loop3A_593 = tpu.vector_load %arg4[%parallel_loop3A_592] {strides = array<i32>} : memref<32768xf32, #tpu.memory_space<vmem>>, vector<16xf32>,
      tpu.vector_store %arg4[%parallel_loop3A_592], %parallel_loop3A_591 {strides = array<i32>} : memref<32768xf32, #tpu.memory_space<vmem>>, vector<16xf32>,
      %parallel_loop3A_594 = arith.constant 80 : i32
      %parallel_loop3A_595 = arith.addi %parallel_loop3A_538, %parallel_loop3A_594 : i32
      %parallel_loop3A_596 = arith.index_cast %parallel_loop3A_595 : i32 to index
      %parallel_loop3A_597 = tpu.vector_load %arg4[%parallel_loop3A_596] {strides = array<i32>} : memref<32768xf32, #tpu.memory_space<vmem>>, vector<16xf32>,
      %parallel_loop3A_598 = vector.broadcast %scan3A_385#0 : f32 to vector<16xf32>
      %parallel_loop3A_599 = arith.subf %parallel_loop3A_597, %parallel_loop3A_598 : vector<16xf32>
      %parallel_loop3A_600 = arith.constant 0.000000e+00 : f32
      %parallel_loop3A_601 = vector.broadcast %parallel_loop3A_600 : f32 to vector<16xf32>
      %parallel_loop3A_602 = arith.maximumf %parallel_loop3A_599, %parallel_loop3A_601 : vector<16xf32>
      %parallel_loop3A_603 = arith.index_cast %parallel_loop3A_595 : i32 to index
      %parallel_loop3A_604 = tpu.vector_load %arg4[%parallel_loop3A_603] {strides = array<i32>} : memref<32768xf32, #tpu.memory_space<vmem>>, vector<16xf32>,
      tpu.vector_store %arg4[%parallel_loop3A_603], %parallel_loop3A_602 {strides = array<i32>} : memref<32768xf32, #tpu.memory_space<vmem>>, vector<16xf32>,
      %parallel_loop3A_605 = arith.constant 96 : i32
      %parallel_loop3A_606 = arith.addi %parallel_loop3A_538, %parallel_loop3A_605 : i32
      %parallel_loop3A_607 = arith.index_cast %parallel_loop3A_606 : i32 to index
      %parallel_loop3A_608 = tpu.vector_load %arg4[%parallel_loop3A_607] {strides = array<i32>} : memref<32768xf32, #tpu.memory_space<vmem>>, vector<16xf32>,
      %parallel_loop3A_609 = vector.broadcast %scan3A_385#0 : f32 to vector<16xf32>
      %parallel_loop3A_610 = arith.subf %parallel_loop3A_608, %parallel_loop3A_609 : vector<16xf32>
      %parallel_loop3A_611 = arith.constant 0.000000e+00 : f32
      %parallel_loop3A_612 = vector.broadcast %parallel_loop3A_611 : f32 to vector<16xf32>
      %parallel_loop3A_613 = arith.maximumf %parallel_loop3A_610, %parallel_loop3A_612 : vector<16xf32>
      %parallel_loop3A_614 = arith.index_cast %parallel_loop3A_606 : i32 to index
      %parallel_loop3A_615 = tpu.vector_load %arg4[%parallel_loop3A_614] {strides = array<i32>} : memref<32768xf32, #tpu.memory_space<vmem>>, vector<16xf32>,
      tpu.vector_store %arg4[%parallel_loop3A_614], %parallel_loop3A_613 {strides = array<i32>} : memref<32768xf32, #tpu.memory_space<vmem>>, vector<16xf32>,
      %parallel_loop3A_616 = arith.constant 112 : i32
      %parallel_loop3A_617 = arith.addi %parallel_loop3A_538, %parallel_loop3A_616 : i32
      %parallel_loop3A_618 = arith.index_cast %parallel_loop3A_617 : i32 to index
      %parallel_loop3A_619 = tpu.vector_load %arg4[%parallel_loop3A_618] {strides = array<i32>} : memref<32768xf32, #tpu.memory_space<vmem>>, vector<16xf32>,
      %parallel_loop3A_620 = vector.broadcast %scan3A_385#0 : f32 to vector<16xf32>
      %parallel_loop3A_621 = arith.subf %parallel_loop3A_619, %parallel_loop3A_620 : vector<16xf32>
      %parallel_loop3A_622 = arith.constant 0.000000e+00 : f32
      %parallel_loop3A_623 = vector.broadcast %parallel_loop3A_622 : f32 to vector<16xf32>
      %parallel_loop3A_624 = arith.maximumf %parallel_loop3A_621, %parallel_loop3A_623 : vector<16xf32>
      %parallel_loop3A_625 = arith.index_cast %parallel_loop3A_617 : i32 to index
      %parallel_loop3A_626 = tpu.vector_load %arg4[%parallel_loop3A_625] {strides = array<i32>} : memref<32768xf32, #tpu.memory_space<vmem>>, vector<16xf32>,
      tpu.vector_store %arg4[%parallel_loop3A_625], %parallel_loop3A_624 {strides = array<i32>} : memref<32768xf32, #tpu.memory_space<vmem>>, vector<16xf32>,
      scf.yield %parallel_loop3A_536 : i32
    } {sc.loop_unroll_factor = 1 : i64, sc.parallel_access}
    %add3A_392 = arith.constant 2 : i32
    %add3A_393 = arith.addi %mul3A_2, %add3A_392 : i32
    %dma_start3A_394 = arith.constant 0 : i32
    %dma_start3A_395 = tpu.memref_slice %arg3[%add3A_393, %dma_start3A_394] : memref<128x32768xf32, #tpu.memory_space<hbm>> -> memref<1x32768xf32, #tpu.memory_space<hbm>>
    %dma_start3A_396 = tpu.memref_squeeze %dma_start3A_395 : memref<1x32768xf32, #tpu.memory_space<hbm>> -> memref<32768xf32, #tpu.memory_space<hbm>>
    %dma_start3A_397 = arith.constant 0 : i32
    %dma_start3A_398 = tpu.memref_slice %arg3[%add3A_393, %dma_start3A_397] : memref<128x32768xf32, #tpu.memory_space<hbm>> -> memref<1x32768xf32, #tpu.memory_space<hbm>>
    %dma_start3A_399 = tpu.memref_squeeze %dma_start3A_398 : memref<1x32768xf32, #tpu.memory_space<hbm>> -> memref<32768xf32, #tpu.memory_space<hbm>>
    tpu.enqueue_dma source(%arg4 : memref<32768xf32, #tpu.memory_space<vmem>>) target(%dma_start3A_399 : memref<32768xf32, #tpu.memory_space<hbm>>) target_semaphore(%arg9 : memref<!tpu.dma_semaphore, #tpu.memory_space<semaphore_mem>>)
    %dma_wait3A_400 = arith.constant 0 : i32
    %dma_wait3A_401 = tpu.memref_slice %arg2[%add3A_297, %dma_wait3A_400] : memref<128x32768xf32, #tpu.memory_space<hbm>> -> memref<1x32768xf32, #tpu.memory_space<hbm>>
    %dma_wait3A_402 = tpu.memref_squeeze %dma_wait3A_401 : memref<1x32768xf32, #tpu.memory_space<hbm>> -> memref<32768xf32, #tpu.memory_space<hbm>>
    %dma_wait3A_403 = arith.constant 0 : i32
    %dma_wait3A_404 = tpu.memref_slice %arg2[%add3A_297, %dma_wait3A_403] : memref<128x32768xf32, #tpu.memory_space<hbm>> -> memref<1x32768xf32, #tpu.memory_space<hbm>>
    %dma_wait3A_405 = tpu.memref_squeeze %dma_wait3A_404 : memref<1x32768xf32, #tpu.memory_space<hbm>> -> memref<32768xf32, #tpu.memory_space<hbm>>
    tpu.wait_dma2 semaphore(%arg8 : memref<!tpu.dma_semaphore, #tpu.memory_space<semaphore_mem>>) src(%dma_wait3A_405 : memref<32768xf32, #tpu.memory_space<hbm>>) dst(%arg5 : memref<32768xf32, #tpu.memory_space<vmem>>)
    %broadcast_in_dim3A_406 = arith.constant -3.000000e+38 : f32
    %broadcast_in_dim3A_407 = vector.broadcast %broadcast_in_dim3A_406 : f32 to vector<16xf32>
    %broadcast_in_dim3A_408 = arith.constant -3.000000e+38 : f32
    %broadcast_in_dim3A_409 = vector.broadcast %broadcast_in_dim3A_408 : f32 to vector<16xf32>
    %broadcast_in_dim3A_410 = arith.constant -3.000000e+38 : f32
    %broadcast_in_dim3A_411 = vector.broadcast %broadcast_in_dim3A_410 : f32 to vector<16xf32>
    %broadcast_in_dim3A_412 = arith.constant -3.000000e+38 : f32
    %broadcast_in_dim3A_413 = vector.broadcast %broadcast_in_dim3A_412 : f32 to vector<16xf32>
    %parallel_loop3A_414 = arith.constant 0 : i32
    %parallel_loop3A_415 = arith.constant 256 : i32
    %parallel_loop3A_416 = arith.constant 1 : i32
    %parallel_loop3A_417:4 = scf.for %parallel_loop3A_535 = %parallel_loop3A_414 to %parallel_loop3A_415 step %parallel_loop3A_416 iter_args(%parallel_loop3A_536 = %broadcast_in_dim3A_407, %parallel_loop3A_537 = %broadcast_in_dim3A_409, %parallel_loop3A_538 = %broadcast_in_dim3A_411, %parallel_loop3A_539 = %broadcast_in_dim3A_413) -> (vector<16xf32>, vector<16xf32>, vector<16xf32>, vector<16xf32>)  : i32 {
      %parallel_loop3A_540 = arith.constant 128 : i32
      %parallel_loop3A_541 = arith.muli %parallel_loop3A_535, %parallel_loop3A_540 : i32
      %parallel_loop3A_542 = arith.constant 0 : i32
      %parallel_loop3A_543 = arith.addi %parallel_loop3A_541, %parallel_loop3A_542 : i32
      %parallel_loop3A_544 = arith.index_cast %parallel_loop3A_543 : i32 to index
      %parallel_loop3A_545 = tpu.vector_load %arg5[%parallel_loop3A_544] {strides = array<i32>} : memref<32768xf32, #tpu.memory_space<vmem>>, vector<16xf32>,
      %parallel_loop3A_546 = arith.maximumf %parallel_loop3A_536, %parallel_loop3A_545 : vector<16xf32>
      %parallel_loop3A_547 = arith.constant 16 : i32
      %parallel_loop3A_548 = arith.addi %parallel_loop3A_541, %parallel_loop3A_547 : i32
      %parallel_loop3A_549 = arith.index_cast %parallel_loop3A_548 : i32 to index
      %parallel_loop3A_550 = tpu.vector_load %arg5[%parallel_loop3A_549] {strides = array<i32>} : memref<32768xf32, #tpu.memory_space<vmem>>, vector<16xf32>,
      %parallel_loop3A_551 = arith.maximumf %parallel_loop3A_537, %parallel_loop3A_550 : vector<16xf32>
      %parallel_loop3A_552 = arith.constant 32 : i32
      %parallel_loop3A_553 = arith.addi %parallel_loop3A_541, %parallel_loop3A_552 : i32
      %parallel_loop3A_554 = arith.index_cast %parallel_loop3A_553 : i32 to index
      %parallel_loop3A_555 = tpu.vector_load %arg5[%parallel_loop3A_554] {strides = array<i32>} : memref<32768xf32, #tpu.memory_space<vmem>>, vector<16xf32>,
      %parallel_loop3A_556 = arith.maximumf %parallel_loop3A_538, %parallel_loop3A_555 : vector<16xf32>
      %parallel_loop3A_557 = arith.constant 48 : i32
      %parallel_loop3A_558 = arith.addi %parallel_loop3A_541, %parallel_loop3A_557 : i32
      %parallel_loop3A_559 = arith.index_cast %parallel_loop3A_558 : i32 to index
      %parallel_loop3A_560 = tpu.vector_load %arg5[%parallel_loop3A_559] {strides = array<i32>} : memref<32768xf32, #tpu.memory_space<vmem>>, vector<16xf32>,
      %parallel_loop3A_561 = arith.maximumf %parallel_loop3A_539, %parallel_loop3A_560 : vector<16xf32>
      %parallel_loop3A_562 = arith.constant 64 : i32
      %parallel_loop3A_563 = arith.addi %parallel_loop3A_541, %parallel_loop3A_562 : i32
      %parallel_loop3A_564 = arith.index_cast %parallel_loop3A_563 : i32 to index
      %parallel_loop3A_565 = tpu.vector_load %arg5[%parallel_loop3A_564] {strides = array<i32>} : memref<32768xf32, #tpu.memory_space<vmem>>, vector<16xf32>,
      %parallel_loop3A_566 = arith.maximumf %parallel_loop3A_546, %parallel_loop3A_565 : vector<16xf32>
      %parallel_loop3A_567 = arith.constant 80 : i32
      %parallel_loop3A_568 = arith.addi %parallel_loop3A_541, %parallel_loop3A_567 : i32
      %parallel_loop3A_569 = arith.index_cast %parallel_loop3A_568 : i32 to index
      %parallel_loop3A_570 = tpu.vector_load %arg5[%parallel_loop3A_569] {strides = array<i32>} : memref<32768xf32, #tpu.memory_space<vmem>>, vector<16xf32>,
      %parallel_loop3A_571 = arith.maximumf %parallel_loop3A_551, %parallel_loop3A_570 : vector<16xf32>
      %parallel_loop3A_572 = arith.constant 96 : i32
      %parallel_loop3A_573 = arith.addi %parallel_loop3A_541, %parallel_loop3A_572 : i32
      %parallel_loop3A_574 = arith.index_cast %parallel_loop3A_573 : i32 to index
      %parallel_loop3A_575 = tpu.vector_load %arg5[%parallel_loop3A_574] {strides = array<i32>} : memref<32768xf32, #tpu.memory_space<vmem>>, vector<16xf32>,
      %parallel_loop3A_576 = arith.maximumf %parallel_loop3A_556, %parallel_loop3A_575 : vector<16xf32>
      %parallel_loop3A_577 = arith.constant 112 : i32
      %parallel_loop3A_578 = arith.addi %parallel_loop3A_541, %parallel_loop3A_577 : i32
      %parallel_loop3A_579 = arith.index_cast %parallel_loop3A_578 : i32 to index
      %parallel_loop3A_580 = tpu.vector_load %arg5[%parallel_loop3A_579] {strides = array<i32>} : memref<32768xf32, #tpu.memory_space<vmem>>, vector<16xf32>,
      %parallel_loop3A_581 = arith.maximumf %parallel_loop3A_561, %parallel_loop3A_580 : vector<16xf32>
      scf.yield %parallel_loop3A_566, %parallel_loop3A_571, %parallel_loop3A_576, %parallel_loop3A_581 : vector<16xf32>, vector<16xf32>, vector<16xf32>, vector<16xf32>
    } {sc.loop_unroll_factor = 2 : i64, sc.parallel_access}
    %max3A_418 = arith.maximumf %parallel_loop3A_417#0, %parallel_loop3A_417#1 : vector<16xf32>
    %max3A_419 = arith.maximumf %parallel_loop3A_417#2, %parallel_loop3A_417#3 : vector<16xf32>
    %max3A_420 = arith.maximumf %max3A_418, %max3A_419 : vector<16xf32>
    %reduce_max3A_421 = arith.constant true
    %reduce_max3A_422 = vector.broadcast %reduce_max3A_421 : i1 to vector<16xi1>
    %reduce_max3A_423 = tpu.scan <max>, %max3A_420 masked %reduce_max3A_422 : vector<16xf32>, vector<16xi1> -> vector<16xf32>
    %reduce_max3A_424 = vector.extract %reduce_max3A_423[15] : f32 from vector<16xf32>
    %sub3A_425 = arith.constant 1.000000e+00 : f32
    %sub3A_426 = arith.subf %reduce_max3A_424, %sub3A_425 : f32
    %dma_wait3A_427 = arith.constant 0 : i32
    %dma_wait3A_428 = tpu.memref_slice %arg3[%add3A_393, %dma_wait3A_427] : memref<128x32768xf32, #tpu.memory_space<hbm>> -> memref<1x32768xf32, #tpu.memory_space<hbm>>
    %dma_wait3A_429 = tpu.memref_squeeze %dma_wait3A_428 : memref<1x32768xf32, #tpu.memory_space<hbm>> -> memref<32768xf32, #tpu.memory_space<hbm>>
    %dma_wait3A_430 = arith.constant 0 : i32
    %dma_wait3A_431 = tpu.memref_slice %arg3[%add3A_393, %dma_wait3A_430] : memref<128x32768xf32, #tpu.memory_space<hbm>> -> memref<1x32768xf32, #tpu.memory_space<hbm>>
    %dma_wait3A_432 = tpu.memref_squeeze %dma_wait3A_431 : memref<1x32768xf32, #tpu.memory_space<hbm>> -> memref<32768xf32, #tpu.memory_space<hbm>>
    tpu.wait_dma2 semaphore(%arg9 : memref<!tpu.dma_semaphore, #tpu.memory_space<semaphore_mem>>) src(%arg4 : memref<32768xf32, #tpu.memory_space<vmem>>) dst(%dma_wait3A_432 : memref<32768xf32, #tpu.memory_space<hbm>>)
    %iota3A_433 = tpu.iota {dimensions = array<i32: 0>} : vector<16xi32>
    %broadcast_in_dim3A_434 = arith.constant 0 : i32
    %broadcast_in_dim3A_435 = vector.broadcast %broadcast_in_dim3A_434 : i32 to vector<16xi32>
    %parallel_loop3A_436 = arith.constant 0 : i32
    %parallel_loop3A_437 = arith.constant 256 : i32
    %parallel_loop3A_438 = arith.constant 1 : i32
    %parallel_loop3A_439 = scf.for %parallel_loop3A_535 = %parallel_loop3A_436 to %parallel_loop3A_437 step %parallel_loop3A_438 iter_args(%parallel_loop3A_536 = %broadcast_in_dim3A_435) -> (vector<16xi32>)  : i32 {
      %parallel_loop3A_537 = arith.constant 128 : i32
      %parallel_loop3A_538 = arith.muli %parallel_loop3A_535, %parallel_loop3A_537 : i32
      %parallel_loop3A_539 = arith.constant 0 : i32
      %parallel_loop3A_540 = arith.addi %parallel_loop3A_538, %parallel_loop3A_539 : i32
      %parallel_loop3A_541 = arith.index_cast %parallel_loop3A_540 : i32 to index
      %parallel_loop3A_542 = tpu.vector_load %arg5[%parallel_loop3A_541] {strides = array<i32>} : memref<32768xf32, #tpu.memory_space<vmem>>, vector<16xf32>,
      %parallel_loop3A_543 = arith.constant 16 : i32
      %parallel_loop3A_544 = arith.addi %parallel_loop3A_538, %parallel_loop3A_543 : i32
      %parallel_loop3A_545 = arith.index_cast %parallel_loop3A_544 : i32 to index
      %parallel_loop3A_546 = tpu.vector_load %arg5[%parallel_loop3A_545] {strides = array<i32>} : memref<32768xf32, #tpu.memory_space<vmem>>, vector<16xf32>,
      %parallel_loop3A_547 = arith.constant 32 : i32
      %parallel_loop3A_548 = arith.addi %parallel_loop3A_538, %parallel_loop3A_547 : i32
      %parallel_loop3A_549 = arith.index_cast %parallel_loop3A_548 : i32 to index
      %parallel_loop3A_550 = tpu.vector_load %arg5[%parallel_loop3A_549] {strides = array<i32>} : memref<32768xf32, #tpu.memory_space<vmem>>, vector<16xf32>,
      %parallel_loop3A_551 = arith.constant 48 : i32
      %parallel_loop3A_552 = arith.addi %parallel_loop3A_538, %parallel_loop3A_551 : i32
      %parallel_loop3A_553 = arith.index_cast %parallel_loop3A_552 : i32 to index
      %parallel_loop3A_554 = tpu.vector_load %arg5[%parallel_loop3A_553] {strides = array<i32>} : memref<32768xf32, #tpu.memory_space<vmem>>, vector<16xf32>,
      %parallel_loop3A_555 = arith.constant 64 : i32
      %parallel_loop3A_556 = arith.addi %parallel_loop3A_538, %parallel_loop3A_555 : i32
      %parallel_loop3A_557 = arith.index_cast %parallel_loop3A_556 : i32 to index
      %parallel_loop3A_558 = tpu.vector_load %arg5[%parallel_loop3A_557] {strides = array<i32>} : memref<32768xf32, #tpu.memory_space<vmem>>, vector<16xf32>,
      %parallel_loop3A_559 = arith.constant 80 : i32
      %parallel_loop3A_560 = arith.addi %parallel_loop3A_538, %parallel_loop3A_559 : i32
      %parallel_loop3A_561 = arith.index_cast %parallel_loop3A_560 : i32 to index
      %parallel_loop3A_562 = tpu.vector_load %arg5[%parallel_loop3A_561] {strides = array<i32>} : memref<32768xf32, #tpu.memory_space<vmem>>, vector<16xf32>,
      %parallel_loop3A_563 = arith.constant 96 : i32
      %parallel_loop3A_564 = arith.addi %parallel_loop3A_538, %parallel_loop3A_563 : i32
      %parallel_loop3A_565 = arith.index_cast %parallel_loop3A_564 : i32 to index
      %parallel_loop3A_566 = tpu.vector_load %arg5[%parallel_loop3A_565] {strides = array<i32>} : memref<32768xf32, #tpu.memory_space<vmem>>, vector<16xf32>,
      %parallel_loop3A_567 = arith.constant 112 : i32
      %parallel_loop3A_568 = arith.addi %parallel_loop3A_538, %parallel_loop3A_567 : i32
      %parallel_loop3A_569 = arith.index_cast %parallel_loop3A_568 : i32 to index
      %parallel_loop3A_570 = tpu.vector_load %arg5[%parallel_loop3A_569] {strides = array<i32>} : memref<32768xf32, #tpu.memory_space<vmem>>, vector<16xf32>,
      %parallel_loop3A_571 = vector.broadcast %sub3A_426 : f32 to vector<16xf32>
      %parallel_loop3A_572 = arith.cmpf ogt, %parallel_loop3A_542, %parallel_loop3A_571 : vector<16xf32>
      %parallel_loop3A_573 = vector.broadcast %sub3A_426 : f32 to vector<16xf32>
      %parallel_loop3A_574 = arith.cmpf ogt, %parallel_loop3A_546, %parallel_loop3A_573 : vector<16xf32>
      %parallel_loop3A_575 = vector.broadcast %sub3A_426 : f32 to vector<16xf32>
      %parallel_loop3A_576 = arith.cmpf ogt, %parallel_loop3A_550, %parallel_loop3A_575 : vector<16xf32>
      %parallel_loop3A_577 = vector.broadcast %sub3A_426 : f32 to vector<16xf32>
      %parallel_loop3A_578 = arith.cmpf ogt, %parallel_loop3A_554, %parallel_loop3A_577 : vector<16xf32>
      %parallel_loop3A_579 = vector.broadcast %sub3A_426 : f32 to vector<16xf32>
      %parallel_loop3A_580 = arith.cmpf ogt, %parallel_loop3A_558, %parallel_loop3A_579 : vector<16xf32>
      %parallel_loop3A_581 = vector.broadcast %sub3A_426 : f32 to vector<16xf32>
      %parallel_loop3A_582 = arith.cmpf ogt, %parallel_loop3A_562, %parallel_loop3A_581 : vector<16xf32>
      %parallel_loop3A_583 = vector.broadcast %sub3A_426 : f32 to vector<16xf32>
      %parallel_loop3A_584 = arith.cmpf ogt, %parallel_loop3A_566, %parallel_loop3A_583 : vector<16xf32>
      %parallel_loop3A_585 = vector.broadcast %sub3A_426 : f32 to vector<16xf32>
      %parallel_loop3A_586 = arith.cmpf ogt, %parallel_loop3A_570, %parallel_loop3A_585 : vector<16xf32>
      %parallel_loop3A_587 = tpu.all_reduce %parallel_loop3A_572 {dim = 0 : i64, kind = #tpu.reduction_kind<sum>} : vector<16xi1> -> vector<16xi32>
      %parallel_loop3A_588 = tpu.all_reduce %parallel_loop3A_574 {dim = 0 : i64, kind = #tpu.reduction_kind<sum>} : vector<16xi1> -> vector<16xi32>
      %parallel_loop3A_589 = tpu.all_reduce %parallel_loop3A_576 {dim = 0 : i64, kind = #tpu.reduction_kind<sum>} : vector<16xi1> -> vector<16xi32>
      %parallel_loop3A_590 = tpu.all_reduce %parallel_loop3A_578 {dim = 0 : i64, kind = #tpu.reduction_kind<sum>} : vector<16xi1> -> vector<16xi32>
      %parallel_loop3A_591 = tpu.all_reduce %parallel_loop3A_580 {dim = 0 : i64, kind = #tpu.reduction_kind<sum>} : vector<16xi1> -> vector<16xi32>
      %parallel_loop3A_592 = tpu.all_reduce %parallel_loop3A_582 {dim = 0 : i64, kind = #tpu.reduction_kind<sum>} : vector<16xi1> -> vector<16xi32>
      %parallel_loop3A_593 = tpu.all_reduce %parallel_loop3A_584 {dim = 0 : i64, kind = #tpu.reduction_kind<sum>} : vector<16xi1> -> vector<16xi32>
      %parallel_loop3A_594 = tpu.all_reduce %parallel_loop3A_586 {dim = 0 : i64, kind = #tpu.reduction_kind<sum>} : vector<16xi1> -> vector<16xi32>
      %parallel_loop3A_595 = arith.constant 0 : i32
      %parallel_loop3A_596 = vector.broadcast %parallel_loop3A_595 : i32 to vector<16xi32>
      %parallel_loop3A_597 = arith.cmpi sgt, %parallel_loop3A_587, %parallel_loop3A_596 : vector<16xi32>
      %parallel_loop3A_598 = arith.constant 0 : i32
      %parallel_loop3A_599 = vector.broadcast %parallel_loop3A_598 : i32 to vector<16xi32>
      %parallel_loop3A_600 = arith.cmpi sgt, %parallel_loop3A_588, %parallel_loop3A_599 : vector<16xi32>
      %parallel_loop3A_601 = arith.constant 0 : i32
      %parallel_loop3A_602 = vector.broadcast %parallel_loop3A_601 : i32 to vector<16xi32>
      %parallel_loop3A_603 = arith.cmpi sgt, %parallel_loop3A_589, %parallel_loop3A_602 : vector<16xi32>
      %parallel_loop3A_604 = arith.constant 0 : i32
      %parallel_loop3A_605 = vector.broadcast %parallel_loop3A_604 : i32 to vector<16xi32>
      %parallel_loop3A_606 = arith.cmpi sgt, %parallel_loop3A_590, %parallel_loop3A_605 : vector<16xi32>
      %parallel_loop3A_607 = arith.constant 0 : i32
      %parallel_loop3A_608 = vector.broadcast %parallel_loop3A_607 : i32 to vector<16xi32>
      %parallel_loop3A_609 = arith.cmpi sgt, %parallel_loop3A_591, %parallel_loop3A_608 : vector<16xi32>
      %parallel_loop3A_610 = arith.constant 0 : i32
      %parallel_loop3A_611 = vector.broadcast %parallel_loop3A_610 : i32 to vector<16xi32>
      %parallel_loop3A_612 = arith.cmpi sgt, %parallel_loop3A_592, %parallel_loop3A_611 : vector<16xi32>
      %parallel_loop3A_613 = arith.constant 0 : i32
      %parallel_loop3A_614 = vector.broadcast %parallel_loop3A_613 : i32 to vector<16xi32>
      %parallel_loop3A_615 = arith.cmpi sgt, %parallel_loop3A_593, %parallel_loop3A_614 : vector<16xi32>
      %parallel_loop3A_616 = arith.constant 0 : i32
      %parallel_loop3A_617 = vector.broadcast %parallel_loop3A_616 : i32 to vector<16xi32>
      %parallel_loop3A_618 = arith.cmpi sgt, %parallel_loop3A_594, %parallel_loop3A_617 : vector<16xi32>
      %parallel_loop3A_619 = arith.constant -3.000000e+38 : f32
      %parallel_loop3A_620 = vector.broadcast %parallel_loop3A_619 : f32 to vector<16xf32>
      %parallel_loop3A_621 = arith.select %parallel_loop3A_572, %parallel_loop3A_542, %parallel_loop3A_620 : vector<16xi1>, vector<16xf32>
      %parallel_loop3A_622 = arith.constant -3.000000e+38 : f32
      %parallel_loop3A_623 = vector.broadcast %parallel_loop3A_622 : f32 to vector<16xf32>
      %parallel_loop3A_624 = arith.select %parallel_loop3A_574, %parallel_loop3A_546, %parallel_loop3A_623 : vector<16xi1>, vector<16xf32>
      %parallel_loop3A_625 = arith.constant -3.000000e+38 : f32
      %parallel_loop3A_626 = vector.broadcast %parallel_loop3A_625 : f32 to vector<16xf32>
      %parallel_loop3A_627 = arith.select %parallel_loop3A_576, %parallel_loop3A_550, %parallel_loop3A_626 : vector<16xi1>, vector<16xf32>
      %parallel_loop3A_628 = arith.constant -3.000000e+38 : f32
      %parallel_loop3A_629 = vector.broadcast %parallel_loop3A_628 : f32 to vector<16xf32>
      %parallel_loop3A_630 = arith.select %parallel_loop3A_578, %parallel_loop3A_554, %parallel_loop3A_629 : vector<16xi1>, vector<16xf32>
      %parallel_loop3A_631 = arith.constant -3.000000e+38 : f32
      %parallel_loop3A_632 = vector.broadcast %parallel_loop3A_631 : f32 to vector<16xf32>
      %parallel_loop3A_633 = arith.select %parallel_loop3A_580, %parallel_loop3A_558, %parallel_loop3A_632 : vector<16xi1>, vector<16xf32>
      %parallel_loop3A_634 = arith.constant -3.000000e+38 : f32
      %parallel_loop3A_635 = vector.broadcast %parallel_loop3A_634 : f32 to vector<16xf32>
      %parallel_loop3A_636 = arith.select %parallel_loop3A_582, %parallel_loop3A_562, %parallel_loop3A_635 : vector<16xi1>, vector<16xf32>
      %parallel_loop3A_637 = arith.constant -3.000000e+38 : f32
      %parallel_loop3A_638 = vector.broadcast %parallel_loop3A_637 : f32 to vector<16xf32>
      %parallel_loop3A_639 = arith.select %parallel_loop3A_584, %parallel_loop3A_566, %parallel_loop3A_638 : vector<16xi1>, vector<16xf32>
      %parallel_loop3A_640 = arith.constant -3.000000e+38 : f32
      %parallel_loop3A_641 = vector.broadcast %parallel_loop3A_640 : f32 to vector<16xf32>
      %parallel_loop3A_642 = arith.select %parallel_loop3A_586, %parallel_loop3A_570, %parallel_loop3A_641 : vector<16xi1>, vector<16xf32>
      %parallel_loop3A_643 = arith.addi %parallel_loop3A_536, %iota3A_433 : vector<16xi32>
      tpu.vector_store_idx %arg6[%parallel_loop3A_643], %parallel_loop3A_621 masked %parallel_loop3A_597 : memref<32784xf32, #tpu.memory_space<vmem>>[vector<16xi32>], vector<16xf32>, vector<16xi1>
      %parallel_loop3A_644 = arith.constant 16 : i32
      %parallel_loop3A_645 = arith.constant 0 : i32
      %parallel_loop3A_646 = vector.broadcast %parallel_loop3A_644 : i32 to vector<16xi32>
      %parallel_loop3A_647 = vector.broadcast %parallel_loop3A_645 : i32 to vector<16xi32>
      %parallel_loop3A_648 = arith.select %parallel_loop3A_597, %parallel_loop3A_646, %parallel_loop3A_647 : vector<16xi1>, vector<16xi32>
      %parallel_loop3A_649 = arith.addi %parallel_loop3A_536, %parallel_loop3A_648 : vector<16xi32>
      %parallel_loop3A_650 = arith.addi %parallel_loop3A_649, %iota3A_433 : vector<16xi32>
      tpu.vector_store_idx %arg6[%parallel_loop3A_650], %parallel_loop3A_624 masked %parallel_loop3A_600 : memref<32784xf32, #tpu.memory_space<vmem>>[vector<16xi32>], vector<16xf32>, vector<16xi1>
      %parallel_loop3A_651 = arith.constant 16 : i32
      %parallel_loop3A_652 = arith.constant 0 : i32
      %parallel_loop3A_653 = vector.broadcast %parallel_loop3A_651 : i32 to vector<16xi32>
      %parallel_loop3A_654 = vector.broadcast %parallel_loop3A_652 : i32 to vector<16xi32>
      %parallel_loop3A_655 = arith.select %parallel_loop3A_600, %parallel_loop3A_653, %parallel_loop3A_654 : vector<16xi1>, vector<16xi32>
      %parallel_loop3A_656 = arith.addi %parallel_loop3A_649, %parallel_loop3A_655 : vector<16xi32>
      %parallel_loop3A_657 = arith.addi %parallel_loop3A_656, %iota3A_433 : vector<16xi32>
      tpu.vector_store_idx %arg6[%parallel_loop3A_657], %parallel_loop3A_627 masked %parallel_loop3A_603 : memref<32784xf32, #tpu.memory_space<vmem>>[vector<16xi32>], vector<16xf32>, vector<16xi1>
      %parallel_loop3A_658 = arith.constant 16 : i32
      %parallel_loop3A_659 = arith.constant 0 : i32
      %parallel_loop3A_660 = vector.broadcast %parallel_loop3A_658 : i32 to vector<16xi32>
      %parallel_loop3A_661 = vector.broadcast %parallel_loop3A_659 : i32 to vector<16xi32>
      %parallel_loop3A_662 = arith.select %parallel_loop3A_603, %parallel_loop3A_660, %parallel_loop3A_661 : vector<16xi1>, vector<16xi32>
      %parallel_loop3A_663 = arith.addi %parallel_loop3A_656, %parallel_loop3A_662 : vector<16xi32>
      %parallel_loop3A_664 = arith.addi %parallel_loop3A_663, %iota3A_433 : vector<16xi32>
      tpu.vector_store_idx %arg6[%parallel_loop3A_664], %parallel_loop3A_630 masked %parallel_loop3A_606 : memref<32784xf32, #tpu.memory_space<vmem>>[vector<16xi32>], vector<16xf32>, vector<16xi1>
      %parallel_loop3A_665 = arith.constant 16 : i32
      %parallel_loop3A_666 = arith.constant 0 : i32
      %parallel_loop3A_667 = vector.broadcast %parallel_loop3A_665 : i32 to vector<16xi32>
      %parallel_loop3A_668 = vector.broadcast %parallel_loop3A_666 : i32 to vector<16xi32>
      %parallel_loop3A_669 = arith.select %parallel_loop3A_606, %parallel_loop3A_667, %parallel_loop3A_668 : vector<16xi1>, vector<16xi32>
      %parallel_loop3A_670 = arith.addi %parallel_loop3A_663, %parallel_loop3A_669 : vector<16xi32>
      %parallel_loop3A_671 = arith.addi %parallel_loop3A_670, %iota3A_433 : vector<16xi32>
      tpu.vector_store_idx %arg6[%parallel_loop3A_671], %parallel_loop3A_633 masked %parallel_loop3A_609 : memref<32784xf32, #tpu.memory_space<vmem>>[vector<16xi32>], vector<16xf32>, vector<16xi1>
      %parallel_loop3A_672 = arith.constant 16 : i32
      %parallel_loop3A_673 = arith.constant 0 : i32
      %parallel_loop3A_674 = vector.broadcast %parallel_loop3A_672 : i32 to vector<16xi32>
      %parallel_loop3A_675 = vector.broadcast %parallel_loop3A_673 : i32 to vector<16xi32>
      %parallel_loop3A_676 = arith.select %parallel_loop3A_609, %parallel_loop3A_674, %parallel_loop3A_675 : vector<16xi1>, vector<16xi32>
      %parallel_loop3A_677 = arith.addi %parallel_loop3A_670, %parallel_loop3A_676 : vector<16xi32>
      %parallel_loop3A_678 = arith.addi %parallel_loop3A_677, %iota3A_433 : vector<16xi32>
      tpu.vector_store_idx %arg6[%parallel_loop3A_678], %parallel_loop3A_636 masked %parallel_loop3A_612 : memref<32784xf32, #tpu.memory_space<vmem>>[vector<16xi32>], vector<16xf32>, vector<16xi1>
      %parallel_loop3A_679 = arith.constant 16 : i32
      %parallel_loop3A_680 = arith.constant 0 : i32
      %parallel_loop3A_681 = vector.broadcast %parallel_loop3A_679 : i32 to vector<16xi32>
      %parallel_loop3A_682 = vector.broadcast %parallel_loop3A_680 : i32 to vector<16xi32>
      %parallel_loop3A_683 = arith.select %parallel_loop3A_612, %parallel_loop3A_681, %parallel_loop3A_682 : vector<16xi1>, vector<16xi32>
      %parallel_loop3A_684 = arith.addi %parallel_loop3A_677, %parallel_loop3A_683 : vector<16xi32>
      %parallel_loop3A_685 = arith.addi %parallel_loop3A_684, %iota3A_433 : vector<16xi32>
      tpu.vector_store_idx %arg6[%parallel_loop3A_685], %parallel_loop3A_639 masked %parallel_loop3A_615 : memref<32784xf32, #tpu.memory_space<vmem>>[vector<16xi32>], vector<16xf32>, vector<16xi1>
      %parallel_loop3A_686 = arith.constant 16 : i32
      %parallel_loop3A_687 = arith.constant 0 : i32
      %parallel_loop3A_688 = vector.broadcast %parallel_loop3A_686 : i32 to vector<16xi32>
      %parallel_loop3A_689 = vector.broadcast %parallel_loop3A_687 : i32 to vector<16xi32>
      %parallel_loop3A_690 = arith.select %parallel_loop3A_615, %parallel_loop3A_688, %parallel_loop3A_689 : vector<16xi1>, vector<16xi32>
      %parallel_loop3A_691 = arith.addi %parallel_loop3A_684, %parallel_loop3A_690 : vector<16xi32>
      %parallel_loop3A_692 = arith.addi %parallel_loop3A_691, %iota3A_433 : vector<16xi32>
      tpu.vector_store_idx %arg6[%parallel_loop3A_692], %parallel_loop3A_642 masked %parallel_loop3A_618 : memref<32784xf32, #tpu.memory_space<vmem>>[vector<16xi32>], vector<16xf32>, vector<16xi1>
      %parallel_loop3A_693 = arith.constant 16 : i32
      %parallel_loop3A_694 = arith.constant 0 : i32
      %parallel_loop3A_695 = vector.broadcast %parallel_loop3A_693 : i32 to vector<16xi32>
      %parallel_loop3A_696 = vector.broadcast %parallel_loop3A_694 : i32 to vector<16xi32>
      %parallel_loop3A_697 = arith.select %parallel_loop3A_618, %parallel_loop3A_695, %parallel_loop3A_696 : vector<16xi1>, vector<16xi32>
      %parallel_loop3A_698 = arith.addi %parallel_loop3A_691, %parallel_loop3A_697 : vector<16xi32>
      scf.yield %parallel_loop3A_698 : vector<16xi32>
    } {sc.loop_unroll_factor = 1 : i64, sc.parallel_access}
    %slice3A_440 = vector.extract_strided_slice %parallel_loop3A_439 {offsets = [0], sizes = [1], strides = [1]} : vector<16xi32> to vector<1xi32>
    %squeeze3A_441 = vector.extract %slice3A_440[0] : i32 from vector<1xi32>
    %jit3A_442 = arith.constant 16 : i32
    %div3A_443 = arith.divsi %squeeze3A_441, %jit3A_442 : i32
    %sign3A_444 = arith.constant 0 : i32
    %sign3A_445 = arith.cmpi sgt, %squeeze3A_441, %sign3A_444 : i32
    %sign3A_446 = arith.extui %sign3A_445 : i1 to i32
    %sign3A_447 = arith.constant 0 : i32
    %sign3A_448 = arith.cmpi slt, %squeeze3A_441, %sign3A_447 : i32
    %sign3A_449 = arith.extui %sign3A_448 : i1 to i32
    %sign3A_450 = arith.subi %sign3A_446, %sign3A_449 : i32
    %sign3A_451 = arith.constant 0 : i32
    %sign3A_452 = arith.cmpi sgt, %jit3A_442, %sign3A_451 : i32
    %sign3A_453 = arith.extui %sign3A_452 : i1 to i32
    %sign3A_454 = arith.constant 0 : i32
    %sign3A_455 = arith.cmpi slt, %jit3A_442, %sign3A_454 : i32
    %sign3A_456 = arith.extui %sign3A_455 : i1 to i32
    %sign3A_457 = arith.subi %sign3A_453, %sign3A_456 : i32
    %ne3A_458 = arith.cmpi ne, %sign3A_450, %sign3A_457 : i32
    %rem3A_459 = arith.remsi %squeeze3A_441, %jit3A_442 : i32
    %ne3A_460 = arith.constant 0 : i32
    %ne3A_461 = arith.cmpi ne, %rem3A_459, %ne3A_460 : i32
    %and3A_462 = arith.andi %ne3A_458, %ne3A_461 : i1
    %sub3A_463 = arith.constant 1 : i32
    %sub3A_464 = arith.subi %div3A_443, %sub3A_463 : i32
    %select_n3A_465 = arith.select %and3A_462, %sub3A_464, %div3A_443 : i32
    %while3A_466 = arith.constant 0 : i32
    %while3A_467 = arith.constant 0 : i32
    %while3A_468 = arith.subi %select_n3A_465, %while3A_466 : i32
    %while3A_469 = arith.addi %while3A_466, %while3A_468 : i32
    %while3A_470 = arith.constant 1 : i32
    %while3A_471 = arith.divsi %while3A_468, %while3A_470 : i32
    %while3A_472 = arith.muli %while3A_471, %while3A_470 : i32
    %while3A_473 = arith.addi %while3A_466, %while3A_472 : i32
    %while3A_474 = arith.constant 1 : i32
    %while3A_475 = scf.for %while3A_535 = %while3A_466 to %while3A_473 step %while3A_474 iter_args(%while3A_536 = %while3A_467) -> (i32)  : i32 {
      %mul3A_537 = arith.constant 16 : i32
      %mul3A_538 = arith.muli %while3A_535, %mul3A_537 : i32
      %get3A = arith.index_cast %mul3A_538 : i32 to index
      %get3A_539 = tpu.vector_load %arg6[%get3A] {strides = array<i32>} : memref<32784xf32, #tpu.memory_space<vmem>>, vector<16xf32>,
      %gt3A = vector.broadcast %sub3A_426 : f32 to vector<16xf32>
      %gt3A_540 = arith.cmpf ogt, %get3A_539, %gt3A : vector<16xf32>
      %all_reduce_population_count3A = tpu.all_reduce %gt3A_540 {dim = 0 : i64, kind = #tpu.reduction_kind<sum>} : vector<16xi1> -> vector<16xi32>
      %swap3A_541 = arith.index_cast %while3A_536 : i32 to index
      %swap3A_542 = tpu.vector_load %arg6[%swap3A_541] masked %gt3A_540 {strides = array<i32>} : memref<32784xf32, #tpu.memory_space<vmem>>, vector<16xf32>, vector<16xi1>
      tpu.vector_store %arg6[%swap3A_541], %get3A_539 masked %gt3A_540 {strides = array<i32>} : memref<32784xf32, #tpu.memory_space<vmem>>, vector<16xf32>, vector<16xi1>
      %slice3A_543 = vector.extract_strided_slice %all_reduce_population_count3A {offsets = [0], sizes = [1], strides = [1]} : vector<16xi32> to vector<1xi32>
      %squeeze3A_544 = vector.extract %slice3A_543[0] : i32 from vector<1xi32>
      %add3A_545 = arith.addi %while3A_536, %squeeze3A_544 : i32
      scf.yield %add3A_545 : i32
    }
    %while3A_476 = arith.constant 1 : i32
    %while3A_477 = scf.for %while3A_535 = %while3A_473 to %while3A_469 step %while3A_476 iter_args(%while3A_536 = %while3A_475) -> (i32)  : i32 {
      %mul3A_537 = arith.constant 16 : i32
      %mul3A_538 = arith.muli %while3A_535, %mul3A_537 : i32
      %get3A = arith.index_cast %mul3A_538 : i32 to index
      %get3A_539 = tpu.vector_load %arg6[%get3A] {strides = array<i32>} : memref<32784xf32, #tpu.memory_space<vmem>>, vector<16xf32>,
      %gt3A = vector.broadcast %sub3A_426 : f32 to vector<16xf32>
      %gt3A_540 = arith.cmpf ogt, %get3A_539, %gt3A : vector<16xf32>
      %all_reduce_population_count3A = tpu.all_reduce %gt3A_540 {dim = 0 : i64, kind = #tpu.reduction_kind<sum>} : vector<16xi1> -> vector<16xi32>
      %swap3A_541 = arith.index_cast %while3A_536 : i32 to index
      %swap3A_542 = tpu.vector_load %arg6[%swap3A_541] masked %gt3A_540 {strides = array<i32>} : memref<32784xf32, #tpu.memory_space<vmem>>, vector<16xf32>, vector<16xi1>
      tpu.vector_store %arg6[%swap3A_541], %get3A_539 masked %gt3A_540 {strides = array<i32>} : memref<32784xf32, #tpu.memory_space<vmem>>, vector<16xf32>, vector<16xi1>
      %slice3A_543 = vector.extract_strided_slice %all_reduce_population_count3A {offsets = [0], sizes = [1], strides = [1]} : vector<16xi32> to vector<1xi32>
      %squeeze3A_544 = vector.extract %slice3A_543[0] : i32 from vector<1xi32>
      %add3A_545 = arith.addi %while3A_536, %squeeze3A_544 : i32
      scf.yield %add3A_545 : i32
    }
    %broadcast_in_dim3A_478 = arith.constant -3.000000e+38 : f32
    %broadcast_in_dim3A_479 = vector.broadcast %broadcast_in_dim3A_478 : f32 to vector<16xf32>
    %swap3A_480 = arith.index_cast %while3A_477 : i32 to index
    %swap3A_481 = tpu.vector_load %arg6[%swap3A_480] {strides = array<i32>} : memref<32784xf32, #tpu.memory_space<vmem>>, vector<16xf32>,
    tpu.vector_store %arg6[%swap3A_480], %broadcast_in_dim3A_479 {strides = array<i32>} : memref<32784xf32, #tpu.memory_space<vmem>>, vector<16xf32>,
    %add3A_482 = arith.constant 16 : i32
    %add3A_483 = arith.addi %while3A_477, %add3A_482 : i32
    %sub3A_484 = arith.constant 1 : i32
    %sub3A_485 = arith.subi %add3A_483, %sub3A_484 : i32
    %jit3A_486 = arith.constant 16 : i32
    %div3A_487 = arith.divsi %sub3A_485, %jit3A_486 : i32
    %sign3A_488 = arith.constant 0 : i32
    %sign3A_489 = arith.cmpi sgt, %sub3A_485, %sign3A_488 : i32
    %sign3A_490 = arith.extui %sign3A_489 : i1 to i32
    %sign3A_491 = arith.constant 0 : i32
    %sign3A_492 = arith.cmpi slt, %sub3A_485, %sign3A_491 : i32
    %sign3A_493 = arith.extui %sign3A_492 : i1 to i32
    %sign3A_494 = arith.subi %sign3A_490, %sign3A_493 : i32
    %sign3A_495 = arith.constant 0 : i32
    %sign3A_496 = arith.cmpi sgt, %jit3A_486, %sign3A_495 : i32
    %sign3A_497 = arith.extui %sign3A_496 : i1 to i32
    %sign3A_498 = arith.constant 0 : i32
    %sign3A_499 = arith.cmpi slt, %jit3A_486, %sign3A_498 : i32
    %sign3A_500 = arith.extui %sign3A_499 : i1 to i32
    %sign3A_501 = arith.subi %sign3A_497, %sign3A_500 : i32
    %ne3A_502 = arith.cmpi ne, %sign3A_494, %sign3A_501 : i32
    %rem3A_503 = arith.remsi %sub3A_485, %jit3A_486 : i32
    %ne3A_504 = arith.constant 0 : i32
    %ne3A_505 = arith.cmpi ne, %rem3A_503, %ne3A_504 : i32
    %and3A_506 = arith.andi %ne3A_502, %ne3A_505 : i1
    %sub3A_507 = arith.constant 1 : i32
    %sub3A_508 = arith.subi %div3A_487, %sub3A_507 : i32
    %select_n3A_509 = arith.select %and3A_506, %sub3A_508, %div3A_487 : i32
    %scan3A_510 = arith.constant 0 : i32
    %scan3A_511 = arith.constant 26 : i32
    %scan3A_512 = arith.addi %scan3A_510, %scan3A_511 : i32
    %scan3A_513 = arith.constant 1 : i32
    %scan3A_514:2 = scf.for %scan3A_535 = %scan3A_510 to %scan3A_512 step %scan3A_513 iter_args(%scan3A_536 = %sub3A_426, %scan3A_537 = %reduce_max3A_424) -> (f32, f32)  : i32 {
      %add3A_538 = arith.addf %scan3A_536, %scan3A_537 : f32
      %mul3A_539 = arith.constant 5.000000e-01 : f32
      %mul3A_540 = arith.mulf %mul3A_539, %add3A_538 : f32
      %broadcast_in_dim3A_541 = arith.constant 0.000000e+00 : f32
      %broadcast_in_dim3A_542 = vector.broadcast %broadcast_in_dim3A_541 : f32 to vector<16xf32>
      %while3A_543 = arith.constant 0 : i32
      %while3A_544 = arith.subi %select_n3A_509, %while3A_543 : i32
      %while3A_545 = arith.addi %while3A_543, %while3A_544 : i32
      %while3A_546 = arith.constant 1 : i32
      %while3A_547 = arith.divsi %while3A_544, %while3A_546 : i32
      %while3A_548 = arith.muli %while3A_547, %while3A_546 : i32
      %while3A_549 = arith.addi %while3A_543, %while3A_548 : i32
      %while3A_550 = arith.constant 1 : i32
      %while3A_551 = scf.for %while3A_560 = %while3A_543 to %while3A_549 step %while3A_550 iter_args(%while3A_561 = %broadcast_in_dim3A_542) -> (vector<16xf32>)  : i32 {
        %mul3A_562 = arith.constant 16 : i32
        %mul3A_563 = arith.muli %while3A_560, %mul3A_562 : i32
        %get3A = arith.index_cast %mul3A_563 : i32 to index
        %get3A_564 = tpu.vector_load %arg6[%get3A] {strides = array<i32>} : memref<32784xf32, #tpu.memory_space<vmem>>, vector<16xf32>,
        %sub3A_565 = vector.broadcast %mul3A_540 : f32 to vector<16xf32>
        %sub3A_566 = arith.subf %get3A_564, %sub3A_565 : vector<16xf32>
        %max3A_567 = arith.constant 0.000000e+00 : f32
        %max3A_568 = vector.broadcast %max3A_567 : f32 to vector<16xf32>
        %max3A_569 = arith.maximumf %sub3A_566, %max3A_568 : vector<16xf32>
        %add3A_570 = arith.addf %while3A_561, %max3A_569 : vector<16xf32>
        scf.yield %add3A_570 : vector<16xf32>
      }
      %while3A_552 = arith.constant 1 : i32
      %while3A_553 = scf.for %while3A_560 = %while3A_549 to %while3A_545 step %while3A_552 iter_args(%while3A_561 = %while3A_551) -> (vector<16xf32>)  : i32 {
        %mul3A_562 = arith.constant 16 : i32
        %mul3A_563 = arith.muli %while3A_560, %mul3A_562 : i32
        %get3A = arith.index_cast %mul3A_563 : i32 to index
        %get3A_564 = tpu.vector_load %arg6[%get3A] {strides = array<i32>} : memref<32784xf32, #tpu.memory_space<vmem>>, vector<16xf32>,
        %sub3A_565 = vector.broadcast %mul3A_540 : f32 to vector<16xf32>
        %sub3A_566 = arith.subf %get3A_564, %sub3A_565 : vector<16xf32>
        %max3A_567 = arith.constant 0.000000e+00 : f32
        %max3A_568 = vector.broadcast %max3A_567 : f32 to vector<16xf32>
        %max3A_569 = arith.maximumf %sub3A_566, %max3A_568 : vector<16xf32>
        %add3A_570 = arith.addf %while3A_561, %max3A_569 : vector<16xf32>
        scf.yield %add3A_570 : vector<16xf32>
      }
      %reduce_sum3A = arith.constant true
      %reduce_sum3A_554 = vector.broadcast %reduce_sum3A : i1 to vector<16xi1>
      %reduce_sum3A_555 = tpu.scan <sum>, %while3A_553 masked %reduce_sum3A_554 : vector<16xf32>, vector<16xi1> -> vector<16xf32>
      %reduce_sum3A_556 = vector.extract %reduce_sum3A_555[15] : f32 from vector<16xf32>
      %ge3A = arith.constant 1.000000e+00 : f32
      %ge3A_557 = arith.cmpf oge, %reduce_sum3A_556, %ge3A : f32
      %select_n3A_558 = arith.select %ge3A_557, %mul3A_540, %scan3A_536 : f32
      %select_n3A_559 = arith.select %ge3A_557, %scan3A_537, %mul3A_540 : f32
      scf.yield %select_n3A_558, %select_n3A_559 : f32, f32
    }
    %scan3A_515 = arith.constant 26 : i32
    %parallel_loop3A_516 = arith.constant 0 : i32
    %parallel_loop3A_517 = arith.constant 256 : i32
    %parallel_loop3A_518 = arith.constant 1 : i32
    %parallel_loop3A_519 = arith.constant 0 : i32
    %parallel_loop3A_520 = scf.for %parallel_loop3A_535 = %parallel_loop3A_516 to %parallel_loop3A_517 step %parallel_loop3A_518 iter_args(%parallel_loop3A_536 = %parallel_loop3A_519) -> (i32)  : i32 {
      %parallel_loop3A_537 = arith.constant 128 : i32
      %parallel_loop3A_538 = arith.muli %parallel_loop3A_535, %parallel_loop3A_537 : i32
      %parallel_loop3A_539 = arith.constant 0 : i32
      %parallel_loop3A_540 = arith.addi %parallel_loop3A_538, %parallel_loop3A_539 : i32
      %parallel_loop3A_541 = arith.index_cast %parallel_loop3A_540 : i32 to index
      %parallel_loop3A_542 = tpu.vector_load %arg5[%parallel_loop3A_541] {strides = array<i32>} : memref<32768xf32, #tpu.memory_space<vmem>>, vector<16xf32>,
      %parallel_loop3A_543 = vector.broadcast %scan3A_514#0 : f32 to vector<16xf32>
      %parallel_loop3A_544 = arith.subf %parallel_loop3A_542, %parallel_loop3A_543 : vector<16xf32>
      %parallel_loop3A_545 = arith.constant 0.000000e+00 : f32
      %parallel_loop3A_546 = vector.broadcast %parallel_loop3A_545 : f32 to vector<16xf32>
      %parallel_loop3A_547 = arith.maximumf %parallel_loop3A_544, %parallel_loop3A_546 : vector<16xf32>
      %parallel_loop3A_548 = arith.index_cast %parallel_loop3A_540 : i32 to index
      %parallel_loop3A_549 = tpu.vector_load %arg5[%parallel_loop3A_548] {strides = array<i32>} : memref<32768xf32, #tpu.memory_space<vmem>>, vector<16xf32>,
      tpu.vector_store %arg5[%parallel_loop3A_548], %parallel_loop3A_547 {strides = array<i32>} : memref<32768xf32, #tpu.memory_space<vmem>>, vector<16xf32>,
      %parallel_loop3A_550 = arith.constant 16 : i32
      %parallel_loop3A_551 = arith.addi %parallel_loop3A_538, %parallel_loop3A_550 : i32
      %parallel_loop3A_552 = arith.index_cast %parallel_loop3A_551 : i32 to index
      %parallel_loop3A_553 = tpu.vector_load %arg5[%parallel_loop3A_552] {strides = array<i32>} : memref<32768xf32, #tpu.memory_space<vmem>>, vector<16xf32>,
      %parallel_loop3A_554 = vector.broadcast %scan3A_514#0 : f32 to vector<16xf32>
      %parallel_loop3A_555 = arith.subf %parallel_loop3A_553, %parallel_loop3A_554 : vector<16xf32>
      %parallel_loop3A_556 = arith.constant 0.000000e+00 : f32
      %parallel_loop3A_557 = vector.broadcast %parallel_loop3A_556 : f32 to vector<16xf32>
      %parallel_loop3A_558 = arith.maximumf %parallel_loop3A_555, %parallel_loop3A_557 : vector<16xf32>
      %parallel_loop3A_559 = arith.index_cast %parallel_loop3A_551 : i32 to index
      %parallel_loop3A_560 = tpu.vector_load %arg5[%parallel_loop3A_559] {strides = array<i32>} : memref<32768xf32, #tpu.memory_space<vmem>>, vector<16xf32>,
      tpu.vector_store %arg5[%parallel_loop3A_559], %parallel_loop3A_558 {strides = array<i32>} : memref<32768xf32, #tpu.memory_space<vmem>>, vector<16xf32>,
      %parallel_loop3A_561 = arith.constant 32 : i32
      %parallel_loop3A_562 = arith.addi %parallel_loop3A_538, %parallel_loop3A_561 : i32
      %parallel_loop3A_563 = arith.index_cast %parallel_loop3A_562 : i32 to index
      %parallel_loop3A_564 = tpu.vector_load %arg5[%parallel_loop3A_563] {strides = array<i32>} : memref<32768xf32, #tpu.memory_space<vmem>>, vector<16xf32>,
      %parallel_loop3A_565 = vector.broadcast %scan3A_514#0 : f32 to vector<16xf32>
      %parallel_loop3A_566 = arith.subf %parallel_loop3A_564, %parallel_loop3A_565 : vector<16xf32>
      %parallel_loop3A_567 = arith.constant 0.000000e+00 : f32
      %parallel_loop3A_568 = vector.broadcast %parallel_loop3A_567 : f32 to vector<16xf32>
      %parallel_loop3A_569 = arith.maximumf %parallel_loop3A_566, %parallel_loop3A_568 : vector<16xf32>
      %parallel_loop3A_570 = arith.index_cast %parallel_loop3A_562 : i32 to index
      %parallel_loop3A_571 = tpu.vector_load %arg5[%parallel_loop3A_570] {strides = array<i32>} : memref<32768xf32, #tpu.memory_space<vmem>>, vector<16xf32>,
      tpu.vector_store %arg5[%parallel_loop3A_570], %parallel_loop3A_569 {strides = array<i32>} : memref<32768xf32, #tpu.memory_space<vmem>>, vector<16xf32>,
      %parallel_loop3A_572 = arith.constant 48 : i32
      %parallel_loop3A_573 = arith.addi %parallel_loop3A_538, %parallel_loop3A_572 : i32
      %parallel_loop3A_574 = arith.index_cast %parallel_loop3A_573 : i32 to index
      %parallel_loop3A_575 = tpu.vector_load %arg5[%parallel_loop3A_574] {strides = array<i32>} : memref<32768xf32, #tpu.memory_space<vmem>>, vector<16xf32>,
      %parallel_loop3A_576 = vector.broadcast %scan3A_514#0 : f32 to vector<16xf32>
      %parallel_loop3A_577 = arith.subf %parallel_loop3A_575, %parallel_loop3A_576 : vector<16xf32>
      %parallel_loop3A_578 = arith.constant 0.000000e+00 : f32
      %parallel_loop3A_579 = vector.broadcast %parallel_loop3A_578 : f32 to vector<16xf32>
      %parallel_loop3A_580 = arith.maximumf %parallel_loop3A_577, %parallel_loop3A_579 : vector<16xf32>
      %parallel_loop3A_581 = arith.index_cast %parallel_loop3A_573 : i32 to index
      %parallel_loop3A_582 = tpu.vector_load %arg5[%parallel_loop3A_581] {strides = array<i32>} : memref<32768xf32, #tpu.memory_space<vmem>>, vector<16xf32>,
      tpu.vector_store %arg5[%parallel_loop3A_581], %parallel_loop3A_580 {strides = array<i32>} : memref<32768xf32, #tpu.memory_space<vmem>>, vector<16xf32>,
      %parallel_loop3A_583 = arith.constant 64 : i32
      %parallel_loop3A_584 = arith.addi %parallel_loop3A_538, %parallel_loop3A_583 : i32
      %parallel_loop3A_585 = arith.index_cast %parallel_loop3A_584 : i32 to index
      %parallel_loop3A_586 = tpu.vector_load %arg5[%parallel_loop3A_585] {strides = array<i32>} : memref<32768xf32, #tpu.memory_space<vmem>>, vector<16xf32>,
      %parallel_loop3A_587 = vector.broadcast %scan3A_514#0 : f32 to vector<16xf32>
      %parallel_loop3A_588 = arith.subf %parallel_loop3A_586, %parallel_loop3A_587 : vector<16xf32>
      %parallel_loop3A_589 = arith.constant 0.000000e+00 : f32
      %parallel_loop3A_590 = vector.broadcast %parallel_loop3A_589 : f32 to vector<16xf32>
      %parallel_loop3A_591 = arith.maximumf %parallel_loop3A_588, %parallel_loop3A_590 : vector<16xf32>
      %parallel_loop3A_592 = arith.index_cast %parallel_loop3A_584 : i32 to index
      %parallel_loop3A_593 = tpu.vector_load %arg5[%parallel_loop3A_592] {strides = array<i32>} : memref<32768xf32, #tpu.memory_space<vmem>>, vector<16xf32>,
      tpu.vector_store %arg5[%parallel_loop3A_592], %parallel_loop3A_591 {strides = array<i32>} : memref<32768xf32, #tpu.memory_space<vmem>>, vector<16xf32>,
      %parallel_loop3A_594 = arith.constant 80 : i32
      %parallel_loop3A_595 = arith.addi %parallel_loop3A_538, %parallel_loop3A_594 : i32
      %parallel_loop3A_596 = arith.index_cast %parallel_loop3A_595 : i32 to index
      %parallel_loop3A_597 = tpu.vector_load %arg5[%parallel_loop3A_596] {strides = array<i32>} : memref<32768xf32, #tpu.memory_space<vmem>>, vector<16xf32>,
      %parallel_loop3A_598 = vector.broadcast %scan3A_514#0 : f32 to vector<16xf32>
      %parallel_loop3A_599 = arith.subf %parallel_loop3A_597, %parallel_loop3A_598 : vector<16xf32>
      %parallel_loop3A_600 = arith.constant 0.000000e+00 : f32
      %parallel_loop3A_601 = vector.broadcast %parallel_loop3A_600 : f32 to vector<16xf32>
      %parallel_loop3A_602 = arith.maximumf %parallel_loop3A_599, %parallel_loop3A_601 : vector<16xf32>
      %parallel_loop3A_603 = arith.index_cast %parallel_loop3A_595 : i32 to index
      %parallel_loop3A_604 = tpu.vector_load %arg5[%parallel_loop3A_603] {strides = array<i32>} : memref<32768xf32, #tpu.memory_space<vmem>>, vector<16xf32>,
      tpu.vector_store %arg5[%parallel_loop3A_603], %parallel_loop3A_602 {strides = array<i32>} : memref<32768xf32, #tpu.memory_space<vmem>>, vector<16xf32>,
      %parallel_loop3A_605 = arith.constant 96 : i32
      %parallel_loop3A_606 = arith.addi %parallel_loop3A_538, %parallel_loop3A_605 : i32
      %parallel_loop3A_607 = arith.index_cast %parallel_loop3A_606 : i32 to index
      %parallel_loop3A_608 = tpu.vector_load %arg5[%parallel_loop3A_607] {strides = array<i32>} : memref<32768xf32, #tpu.memory_space<vmem>>, vector<16xf32>,
      %parallel_loop3A_609 = vector.broadcast %scan3A_514#0 : f32 to vector<16xf32>
      %parallel_loop3A_610 = arith.subf %parallel_loop3A_608, %parallel_loop3A_609 : vector<16xf32>
      %parallel_loop3A_611 = arith.constant 0.000000e+00 : f32
      %parallel_loop3A_612 = vector.broadcast %parallel_loop3A_611 : f32 to vector<16xf32>
      %parallel_loop3A_613 = arith.maximumf %parallel_loop3A_610, %parallel_loop3A_612 : vector<16xf32>
      %parallel_loop3A_614 = arith.index_cast %parallel_loop3A_606 : i32 to index
      %parallel_loop3A_615 = tpu.vector_load %arg5[%parallel_loop3A_614] {strides = array<i32>} : memref<32768xf32, #tpu.memory_space<vmem>>, vector<16xf32>,
      tpu.vector_store %arg5[%parallel_loop3A_614], %parallel_loop3A_613 {strides = array<i32>} : memref<32768xf32, #tpu.memory_space<vmem>>, vector<16xf32>,
      %parallel_loop3A_616 = arith.constant 112 : i32
      %parallel_loop3A_617 = arith.addi %parallel_loop3A_538, %parallel_loop3A_616 : i32
      %parallel_loop3A_618 = arith.index_cast %parallel_loop3A_617 : i32 to index
      %parallel_loop3A_619 = tpu.vector_load %arg5[%parallel_loop3A_618] {strides = array<i32>} : memref<32768xf32, #tpu.memory_space<vmem>>, vector<16xf32>,
      %parallel_loop3A_620 = vector.broadcast %scan3A_514#0 : f32 to vector<16xf32>
      %parallel_loop3A_621 = arith.subf %parallel_loop3A_619, %parallel_loop3A_620 : vector<16xf32>
      %parallel_loop3A_622 = arith.constant 0.000000e+00 : f32
      %parallel_loop3A_623 = vector.broadcast %parallel_loop3A_622 : f32 to vector<16xf32>
      %parallel_loop3A_624 = arith.maximumf %parallel_loop3A_621, %parallel_loop3A_623 : vector<16xf32>
      %parallel_loop3A_625 = arith.index_cast %parallel_loop3A_617 : i32 to index
      %parallel_loop3A_626 = tpu.vector_load %arg5[%parallel_loop3A_625] {strides = array<i32>} : memref<32768xf32, #tpu.memory_space<vmem>>, vector<16xf32>,
      tpu.vector_store %arg5[%parallel_loop3A_625], %parallel_loop3A_624 {strides = array<i32>} : memref<32768xf32, #tpu.memory_space<vmem>>, vector<16xf32>,
      scf.yield %parallel_loop3A_536 : i32
    } {sc.loop_unroll_factor = 1 : i64, sc.parallel_access}
    %add3A_521 = arith.constant 3 : i32
    %add3A_522 = arith.addi %mul3A_2, %add3A_521 : i32
    %dma_start3A_523 = arith.constant 0 : i32
    %dma_start3A_524 = tpu.memref_slice %arg3[%add3A_522, %dma_start3A_523] : memref<128x32768xf32, #tpu.memory_space<hbm>> -> memref<1x32768xf32, #tpu.memory_space<hbm>>
    %dma_start3A_525 = tpu.memref_squeeze %dma_start3A_524 : memref<1x32768xf32, #tpu.memory_space<hbm>> -> memref<32768xf32, #tpu.memory_space<hbm>>
    %dma_start3A_526 = arith.constant 0 : i32
    %dma_start3A_527 = tpu.memref_slice %arg3[%add3A_522, %dma_start3A_526] : memref<128x32768xf32, #tpu.memory_space<hbm>> -> memref<1x32768xf32, #tpu.memory_space<hbm>>
    %dma_start3A_528 = tpu.memref_squeeze %dma_start3A_527 : memref<1x32768xf32, #tpu.memory_space<hbm>> -> memref<32768xf32, #tpu.memory_space<hbm>>
    tpu.enqueue_dma source(%arg5 : memref<32768xf32, #tpu.memory_space<vmem>>) target(%dma_start3A_528 : memref<32768xf32, #tpu.memory_space<hbm>>) target_semaphore(%arg10 : memref<!tpu.dma_semaphore, #tpu.memory_space<semaphore_mem>>)
    %dma_wait3A_529 = arith.constant 0 : i32
    %dma_wait3A_530 = tpu.memref_slice %arg3[%add3A_522, %dma_wait3A_529] : memref<128x32768xf32, #tpu.memory_space<hbm>> -> memref<1x32768xf32, #tpu.memory_space<hbm>>
    %dma_wait3A_531 = tpu.memref_squeeze %dma_wait3A_530 : memref<1x32768xf32, #tpu.memory_space<hbm>> -> memref<32768xf32, #tpu.memory_space<hbm>>
    %dma_wait3A_532 = arith.constant 0 : i32
    %dma_wait3A_533 = tpu.memref_slice %arg3[%add3A_522, %dma_wait3A_532] : memref<128x32768xf32, #tpu.memory_space<hbm>> -> memref<1x32768xf32, #tpu.memory_space<hbm>>
    %dma_wait3A_534 = tpu.memref_squeeze %dma_wait3A_533 : memref<1x32768xf32, #tpu.memory_space<hbm>> -> memref<32768xf32, #tpu.memory_space<hbm>>
    tpu.wait_dma2 semaphore(%arg10 : memref<!tpu.dma_semaphore, #tpu.memory_space<semaphore_mem>>) src(%arg5 : memref<32768xf32, #tpu.memory_space<vmem>>) dst(%dma_wait3A_534 : memref<32768xf32, #tpu.memory_space<hbm>>)
    return
  }
}

</mosaic_0001>

<sc_bundles>
// kernel: kernel.3.cloned.1.call-start
scs
__scs_entry_jumppad:
0x0: {  	(pc) =	sbr.rel $0x88, $3  }
0x1: {  	(tag) =	ssettag $0x0;
	lr =	simm.s32 $0x1  }
0x2: {  	[smem:$0x3FA0] =	sst lr;
	_ =	strace $0xD0000000  }
0x3: {  	_ = 	snop  }
0x4: {  	_ = 	snop  }
0x5: {  	_ = 	snop  }
0x6: {  	_ = 	snop  }
0x7: {  	_ = 	snop  }
__scs_overlays_trampoline_lowered:
0x8: {  	[smem:$0x3FAF] =	sst s0  }
0x9: {  	[smem:$0x3FB0] =	sst s1  }
0xa: {  	[smem:$0x3FB1] =	sst s2  }
0xb: {  	[smem:$0x3FB2] =	sst s3  }
0xc: {  	[smem:$0x3FB3] =	sst s4  }
0xd: {  	[smem:$0x3FB4] =	sst s5  }
0xe: {  	[smem:$0x3FB5] =	sst s6  }
0xf: {  	[smem:$0x3FB6] =	sst s7  }
0x10: {  	[smem:$0x3FB7] =	sst s8  }
0x11: {  	[smem:$0x3FB8] =	sst s9;
	s0 =	simm.s32 @!p0 $0x0  }
0x12: {  	s1 =	sld [smem:$0x3F9E];
	s0 =	simm.s32 @p0 $0x1  }
0x13: {  	[smem:$0x3FB9] =	sst s0;
	s0 =	simm.s32 @!p1 $0x0  }
0x14: {  	s2 =	sld [smem:$0x3F9D];
	s0 =	simm.s32 @p1 $0x1  }
0x15: {  	[smem:$0x3FBA] =	sst s0;
	s0 =	simm.s32 @!p2 $0x0  }
0x16: {  	s3 =	sld [smem:$0x3FDB];
	s0 =	simm.s32 @p2 $0x1  }
0x17: {  	s4 =	simm.s32 $0x1BF5;
	[smem:$0x3FBC] =	sst s0  }
0x18: {  	s0 =	sld [smem:$0x3F9F];
	_ =	swait.ge [sflag:s4], $0x0  }
0x19: {  	s7 =	sld [smem:$0x3FA0]  }
0x1a: {  	s8 =	sadd.s32 $0xFFFFE003, lr  }
0x1b: {  	s9 =	sadd.s32 $0xFFFFFEF7, lr;
	s5 =	simm.s32 $0xFFFFFFFF;
	p2 =	slt.u32 s8, $0xFFFFF086  }
0x1c: {  	p1 =	slt.u32 s9, $0xF7A;
	s5 =	simm.s32 @!p2 $0x0  }
0x1d: {  	s5 =	simm.s32 @p1 $0x1;
	p0 =	seq.s32 s7, s2  }
0x1e: {  	s7 =	smul.u32 @!p0 $0xF7A, s2;
	p2 =	seq.s32 @!p0 s5, $0x0  }
0x1f: {  	s9 =	smul.u32 $0xF7A, s1;
	s8 =	simm.s32 @!p0 $0x1BF5;
	p2 =	por !p2, p0  }
0x20: {  	[sflag:s8] =	ssyncset.s32 @!p0 $0xFFFFF086;
	s6 =	sadd.s32 @!p0 s3, s7;
	s7 =	simm.s32 @!p0 $0x108  }
0x21: {  	s3 =	sadd.s32 s3, s9;
	s6 =	sadd.s32 @!p0 $0x88, s6;
	s7 =	simm.s32 @p2 $0x1082  }
0x22: {  	[simem:s7], [sflag:s8] =	dma.local @!p0 [hbm:s6], $0xF7A  }
0x23: {  	s9 =	sor.u32 $0xD0000000, s2;
	s6 =	simm.s32 $0x108;
	_ =	swait.ge @!p0 [sflag:s8], $0x0  }
0x24: {  	s3 =	sadd.s32 $0x88, s3;
	s6 =	simm.s32 @!p1 $0x1082;
	[sflag:s4] =	ssyncset.s32 $0xFFFFF086  }
0x25: {  	[simem:s6], [sflag:s4] =	dma.local [hbm:s3], $0xF7A  }
0x26: {  	[smem:$0x3FA0] =	sst s1;
	(tag) =	ssettag s2;
	_ =	strace s9  }
0x27: {  	s1 =	sld [smem:$0x3FB0]  }
0x28: {  	s2 =	sld [smem:$0x3FB1]  }
0x29: {  	s4 =	sld [smem:$0x3FB3]  }
0x2a: {  	p0 =	seq.s32 s5, $0x0;
	s5 =	sld [smem:$0x3FB4]  }
0x2b: {  	s6 =	sld [smem:$0x3FB5]  }
0x2c: {  	s7 =	sld [smem:$0x3FB6]  }
0x2d: {  	s3 =	simm.s32 $0x108;
	s8 =	sld [smem:$0x3FB7]  }
0x2e: {  	s3 =	simm.s32 @!p0 $0x1082;
	s9 =	sld [smem:$0x3FB8]  }
0x2f: {  	lr =	sadd.s32 s0, s3;
	s0 =	sld [smem:$0x3FAF]  }
0x30: {  	s3 =	sld [smem:$0x3FB2]  }
0x31: {  	[smem:$0x3FBB] =	sst s10  }
0x32: {  	s10 =	sld [smem:$0x3FB9];
	_ =	sdelay $0x3  }
0x33: {  	p0 =	seq.s32 s10, $0x1;
	s10 =	sld [smem:$0x3FBB];
	_ =	sdelay $0x3  }
0x34: {  	[smem:$0x3FBB] =	sst s10  }
0x35: {  	s10 =	sld [smem:$0x3FBA];
	_ =	sdelay $0x3  }
0x36: {  	p1 =	seq.s32 s10, $0x1;
	s10 =	sld [smem:$0x3FBB];
	_ =	sdelay $0x3  }
0x37: {  	[smem:$0x3FBB] =	sst s10  }
0x38: {  	s10 =	sld [smem:$0x3FBC]  }
0x39: {  	_ = 	snop;
	(pc) =	sbr.ind lr, $3  }
0x3a: {  	_ = 	snop  }
0x3b: {  	_ = 	snop  }
0x3c: {  	p2 =	seq.s32 s10, $0x1;
	s10 =	sld [smem:$0x3FBB]  }
0x3d: {  	_ =	shalt  }
0x3e: {  	_ =	shalt  }
0x3f: {  	_ =	shalt  }
0x40: {  	_ =	shalt  }
0x41: {  	_ =	shalt  }
0x42: {  	_ =	shalt  }
0x43: {  	_ =	shalt  }
0x44: {  	_ =	shalt  }
0x45: {  	_ =	shalt  }
0x46: {  	_ =	shalt  }
0x47: {  	_ =	shalt  }
0x48: {  	_ =	shalt  }
0x49: {  	_ =	shalt  }
0x4a: {  	_ =	shalt  }
0x4b: {  	_ =	shalt  }
0x4c: {  	_ =	shalt  }
0x4d: {  	_ =	shalt  }
0x4e: {  	_ =	shalt  }
0x4f: {  	_ =	shalt  }
0x50: {  	_ =	shalt  }
0x51: {  	_ =	shalt  }
0x52: {  	_ =	shalt  }
0x53: {  	_ =	shalt  }
0x54: {  	_ =	shalt  }
0x55: {  	_ =	shalt  }
0x56: {  	_ =	shalt  }
0x57: {  	_ =	shalt  }
0x58: {  	_ =	shalt  }
0x59: {  	_ =	shalt  }
0x5a: {  	_ =	shalt  }
0x5b: {  	_ =	shalt  }
0x5c: {  	_ =	shalt  }
0x5d: {  	_ =	shalt  }
0x5e: {  	_ =	shalt  }
0x5f: {  	_ =	shalt  }
0x60: {  	_ =	shalt  }
0x61: {  	_ =	shalt  }
0x62: {  	_ =	shalt  }
0x63: {  	_ =	shalt  }
0x64: {  	_ =	shalt  }
0x65: {  	_ =	shalt  }
0x66: {  	_ =	shalt  }
0x67: {  	_ =	shalt  }
0x68: {  	_ =	shalt  }
0x69: {  	_ =	shalt  }
0x6a: {  	_ =	shalt  }
0x6b: {  	_ =	shalt  }
0x6c: {  	_ =	shalt  }
0x6d: {  	_ =	shalt  }
0x6e: {  	_ =	shalt  }
0x6f: {  	_ =	shalt  }
0x70: {  	_ =	shalt  }
0x71: {  	_ =	shalt  }
0x72: {  	_ =	shalt  }
0x73: {  	_ =	shalt  }
0x74: {  	_ =	shalt  }
0x75: {  	_ =	shalt  }
0x76: {  	_ =	shalt  }
0x77: {  	_ =	shalt  }
0x78: {  	_ =	shalt  }
0x79: {  	_ =	shalt  }
0x7a: {  	_ =	shalt  }
0x7b: {  	_ =	shalt  }
0x7c: {  	_ =	shalt  }
0x7d: {  	_ =	shalt  }
0x7e: {  	_ =	shalt  }
0x7f: {  	_ =	shalt  }
0x80: {  	_ =	shalt  }
0x81: {  	_ =	shalt  }
0x82: {  	_ =	shalt  }
0x83: {  	_ =	shalt  }
0x84: {  	_ =	shalt  }
0x85: {  	_ =	shalt  }
0x86: {  	_ =	shalt  }
0x87: {  	_ =	shalt  }
.Lfunc_end0:
.L_simem_size_0:
called_computation_lowered:
.L_overlay_start_0:
0x88: {  	s2 =	sld [smem:$0x3FD9]  }
0x89: {  	s3 =	sld [smem:$0x3FFE];
	_ =	sdelay $0x1  }
0x8a: {  	s1 =	srdreg.scid  }
0x8b: {  	s0 =	sand.u32 $0x1, s1  }
0x8c: {  	s18 =	sshll.u32 s0, $0xA;
	s2 =	sadd.s32 s3, s2  }
0x8d: {  	s2 =	sadd.s32 s2, s18  }
0x8e: {  	[smem:$0x3FC7] =	sst s2  }
0x8f: {  	_ = 	snop  }
0x90: {  	s2 =	sld [smem:$0x3FC9]  }
0x91: {  	s19 =	sld [smem:$0x3FD0];
	(tm) =	ssettm $0x1  }
0x92: {  	s4 =	sld [smem:$0x3FFB];
	_ =	sdelay $0x3  }
0x93: {  	_ =	strace s4  }
0x94: {  	s4 =	sld [smem:$0x3FFC];
	_ =	sdelay $0x3  }
0x95: {  	_ =	strace s4  }
0x96: {  	s4 =	sld [smem:$0x3FFD];
	_ =	sdelay $0x3  }
0x97: {  	_ =	strace s4  }
0x98: {  	_ =	strace $0x8FFFFFFF  }
0x99: {  	s20 =	sld [smem:$0x3FDB];
	_ =	sdelay $0x1  }
0x9a: {  	s5 =	simm.s32 $_scs_section_size  }
0x9b: {  	s6 =	simm.s32 $_size__tile_overlayer_lowered;
	s7 =	simm.s32 $_tile_overlayer_lowered  }
0x9c: {  	s23 =	simm.s32 $0x1BFF;
	s22 =	sshll.u32 s7, $0x1;
	s4 =	sadd.s32 s5, s20  }
0x9d: {  	s8 =	simm.s32 $0x0;
	s21 =	sshll.u32 s6, $0x1;
	s6 =	sadd.s32 s22, s4  }
0x9e: {  	[timem:s8], [sflag:s23] =	dma.local [hbm:s6], s21  }
0x9f: {  	_ =	swait.ge [sflag:s23], s21  }
0xa0: {  	s5 =	ssub.s32 $0x0, s21;
	[sflag:s23] =	ssyncset.done $0x0  }
0xa1: {  	[sflag:s23] =	ssyncadd.s32 s5;
	_ =	sdelay $0x1  }
0xa2: {  	s24 =	simm.s32 $0x1B8B  }
0xa3: {  	_ =	swait.ge [sflag:s24], $0x1  }
0xa4: {  	[sflag:s24] =	ssyncset.done $0x0  }
0xa5: {  	s25 =	simm.s32 $0x1B8E;
	[sflag:s24] =	ssyncadd.s32 $0xFFFFFFFF  }
0xa6: {  	s26 =	simm.s32 $execute0_lowered;
	[smem:$0x3FD2] =	sst s25  }
0xa7: {  	s5 =	sshll.u32 s26, $0x1;
	_ =	strace $0x80000046;
	[dreg:$0x1] =	wrdreg $0xFFFFFFFF  }
0xa8: {  	s28 =	simm.s32 $_size_execute0_lowered;
	s4 =	sadd.s32 s4, s5;
	[dreg:$0x0] =	wrdreg $0x0  }
0xa9: {  	s5 =	sshll.u32 s28, $0x1;
	[dreg:$0x2] =	wrdreg s4  }
0xaa: {  	[dreg:$0x3] =	wrdreg s5  }
0xab: {  	[dreg:$0x4] =	wrdreg $0xC0  }
0xac: {  	_ =	task [dreg:s8], $0x5FFFF  }
0xad: {  	[dreg:$0x1] =	wrdreg $0xFFFFFFFF  }
0xae: {  	[dreg:$0x0] =	wrdreg $0x60  }
0xaf: {  	[dreg:$0x2] =	wrdreg s2  }
0xb0: {  	[dreg:$0x3] =	wrdreg s19  }
0xb1: {  	[dreg:$0x4] =	wrdreg $0x9  }
0xb2: {  	_ =	task.clear_ibuf [dreg:s8], $0x5FFFF;
	_ =	strace $0x90000046  }
0xb3: {  	s29 =	simm.s32 $0x9;
	_ =	strace $0x80000048  }
0xb4: {  	_ =	swait.ge [sflag:s29], $0x1  }
0xb5: {  	[sflag:s29] =	ssyncadd.s32 $0xFFFFFFFF  }
0xb6: {  	_ =	strace $0x90000048  }
0xb7: {  	_ =	sfence  }
0xb8: {  	s30 =	sld [smem:$0x0];
	_ =	sdelay $0x2  }
0xb9: {  	s31 =	sshll.u32 s1, $0xD;
	s1 =	sshrl.u32 s1, $0x2  }
0xba: {  	s3 =	sand.u32 $0x4000, s31;
	s1 =	sadd.s32 s1, s30  }
0xbb: {  	s0 =	sor.u32 s3, s0;
	s1 =	sshll.u32 s1, $0x11  }
0xbc: {  	s0 =	sor.u32 s1, s0  }
0xbd: {  	s0 =	sadd.s32 $0x8F2B, s0  }
0xbe: {  	[sflag:s0] =	ssyncadd.remote.s32 $0x1  }
0xbf: {  	_ =	sfence.sel $0xFFFF  }
0xc0: {  	[dreg:$0x0] =	wrdreg $0xFFFFFFFF;
	(pc) =	sbr.abs _section_cstart, $3  }
0xc1: {  	[dreg:$0x1] =	wrdreg $0xFFFFFFFF  }
0xc2: {  	_ =	task.clear_ibuf [dreg:s8], $0x2FFFF;
	_ =	strace $0x9FFFFFFF  }
0xc3: {  	(tm) =	ssettm $0x7FFFFFFF  }
tec
execute0_lowered:
.L_overlay_start_1:
0x0: {  	(tag) =	ssettag $0x1  }
0x1: {  	s8 =	rddreg [dreg:$0x0]  }
0x2: {  	s10 =	rddreg [dreg:$0x1];
	s2 =	srdreg.scid  }
0x3: {  	s0 =	rddreg [dreg:$0x2];
	s1 =	stileid.u32;
	s13 =	simm.s32 $0x1  }
0x4: {  	s14 =	simm.s32 $0x80;
	s15 =	simm.s32 $0x8000;
	s16 =	simm.s32 $0x10000  }
0x5: {  	s17 =	simm.s32 $0x2;
	s18 =	simm.s32 $0x3;
	s19 =	simm.s32 $0x4  }
0x6: {  	s20 =	simm.s32 $0x0;
	s3 =	sand.u32 $0x1, s2;
	s2 =	simm.s32 $0x0  }
0x7: {  	s4 =	sshll.u32 s1, $0xF;
	s5 =	sshll.u32 s3, $0x6;
	s3 =	ssub.s32 $0x2, s3  }
0x8: {  	[smem:$0x7FF] =	sst s2;
	s6 =	sor.u32 s5, s4;
	s31 =	sshrl.u32 s3, $0x1  }
0x9: {  	_ =	strace $0x80000047;
	s7 =	sor.u32 $0x10, s6;
	s11 =	ssub.s32 s3, s31  }
0xa: {  	s3 =	sadd.s32 s8, s6;
	s5 =	sadd.s32 s10, s6;
	s9 =	sor.u32 $0x20, s6  }
0xb: {  	s12 =	sor.u32 $0x30, s6;
	s4 =	sadd.s32 s8, s7;
	s6 =	sadd.s32 s8, s9  }
0xc: {  	s7 =	sadd.s32 s10, s7;
	s8 =	sadd.s32 s8, s12;
	s9 =	sadd.s32 s10, s9  }
0xd: {  	v0 =	vimm.s32 $0x0;
	v1 =	vlaneseq.u32;
	v2 =	vimm.f32 $-3.000000010e+38;
	s10 =	sadd.s32 s10, s12;
	s11 =	smax.u32 s11, $0x1;
	s12 =	simm.s32 $0x400  }
.LBB2_1:
0xe: {  	[tilespmem:s2], [sflag:$0x1] =	stream.strided.gather [hbm4b:s3+s14], $0x8000, s12, s14, $0x38;
	[tilespmem:$0x18080] =	vst v63  }
0xf: {  	_ =	swait.ge [sflag:s13], $0x8000  }
0x10: {  	[sflag:s13] =	ssyncset.done $0x0  }
0x11: {  	[sflag:s13] =	ssyncadd.s32 $0xFFFF8000  }
0x12: {  	v5 =	vld [tilespmem:s14+$0x40]  }
0x13: {  	v3 =	vld [tilespmem:s14+$0x50]  }
0x14: {  	v4 =	vld [tilespmem:s14+$0x60]  }
0x15: {  	v10 =	vld [tilespmem:s14+$0x0]  }
0x16: {  	v6 =	vld [tilespmem:s14+$0x10]  }
0x17: {  	v7 =	vld [tilespmem:s14+$0x20]  }
0x18: {  	v11 =	vld [tilespmem:s14+$0xFFFFFFC0]  }
0x19: {  	v12 =	vld [tilespmem:s14+$0xFFFFFF80]  }
0x1a: {  	v8 =	vld [tilespmem:s14+$0xFFFFFFD0]  }
0x1b: {  	v9 =	vld [tilespmem:s14+$0xFFFFFFE0]  }
0x1c: {  	v15 =	vld [tilespmem:s14+$0xFFFFFF90]  }
0x1d: {  	v17 =	vld [tilespmem:s14+$0xFFFFFFA0]  }
0x1e: {  	v18 =	vld [tilespmem:s14+$0xFFFFFFB0]  }
0x1f: {  	v16 =	vld [tilespmem:s14+$0xFFFFFFF0];
	v12 =	vmax.f32 v2, v12  }
0x20: {  	v14 =	vld [tilespmem:s14+$0x30];
	v11 =	vmax.f32 v12, v11;
	v12 =	vimm.f32 $-3.000000010e+38  }
0x21: {  	s21 =	simm.s32 $0x0;
	s22 =	simm.s32 $0x180;
	v13 =	vld [tilespmem:s14+$0x70];
	v19 =	vmax.f32 v11, v10;
	v10 =	vimm.f32 $-3.000000010e+38;
	v11 =	vimm.f32 $-3.000000010e+38  }
.LBB2_2:
0x22: {  	v19 =	vmax.f32 v19, v5;
	v5 =	vld [tilespmem:s22+$0x40]  }
0x23: {  	v10 =	vmax.f32 v10, v15;
	v11 =	vmax.f32 v11, v17;
	v20 =	vld [tilespmem:s22+$0x50];
	v12 =	vmax.f32 v12, v18  }
0x24: {  	v8 =	vmax.f32 v10, v8;
	v9 =	vmax.f32 v11, v9;
	v15 =	vld [tilespmem:s22+$0x60];
	v10 =	vmax.f32 v12, v16  }
0x25: {  	v8 =	vmax.f32 v8, v6;
	v7 =	vmax.f32 v9, v7;
	v21 =	vld [tilespmem:s22+$0x0];
	v9 =	vmax.f32 v10, v14  }
0x26: {  	v10 =	vmax.f32 v8, v3;
	v11 =	vmax.f32 v7, v4;
	v6 =	vld [tilespmem:s22+$0x10];
	v12 =	vmax.f32 v9, v13  }
0x27: {  	v7 =	vld [tilespmem:s22+$0x20]  }
0x28: {  	v13 =	vld [tilespmem:s22+$0xFFFFFFC0];
	v3 =	vmov v20  }
0x29: {  	v8 =	vld [tilespmem:s22+$0xFFFFFFD0];
	v4 =	vmov v15  }
0x2a: {  	v14 =	vld [tilespmem:s22+$0xFFFFFF80]  }
0x2b: {  	s21 =	sadd.s32 $0x2, s21;
	v9 =	vld [tilespmem:s22+$0xFFFFFFE0]  }
0x2c: {  	p0 =	slt.u32 s21, $0xFE;
	v15 =	vld [tilespmem:s22+$0xFFFFFF90]  }
.Ltmp0:
0x2d: {  	v17 =	vld [tilespmem:s22+$0xFFFFFFA0];
	(pc) =	sbr.rel @p0 .LBB2_2-.Ltmp0, $4  }
0x2e: {  	v18 =	vld [tilespmem:s22+$0xFFFFFFB0]  }
0x2f: {  	v14 =	vmax.f32 v19, v14;
	v16 =	vld [tilespmem:s22+$0xFFFFFFF0]  }
0x30: {  	v13 =	vmax.f32 v14, v13;
	v14 =	vld [tilespmem:s22+$0x30]  }
0x31: {  	v19 =	vmax.f32 v13, v21;
	v13 =	vld [tilespmem:s22+$0x70];
	s22 =	sadd.s32 $0x100, s22  }
0x32: {  	v5 =	vmax.f32 v19, v5  }
0x33: {  	v10 =	vmax.f32 v10, v15;
	v11 =	vmax.f32 v11, v17;
	v12 =	vmax.f32 v12, v18  }
0x34: {  	v8 =	vmax.f32 v10, v8;
	v9 =	vmax.f32 v11, v9;
	v10 =	vmax.f32 v12, v16  }
0x35: {  	v6 =	vmax.f32 v8, v6;
	v7 =	vmax.f32 v9, v7;
	v8 =	vmax.f32 v10, v14  }
0x36: {  	v3 =	vmax.f32 v6, v3;
	v4 =	vmax.f32 v7, v4;
	v6 =	vmax.f32 v8, v13  }
0x37: {  	v3 =	vmax.f32 v5, v3;
	v4 =	vmax.f32 v4, v6  }
0x38: {  	v3 =	vmax.f32 v3, v4  }
0x39: {  	(xrf0) =	vmax.scan.msk.f32 $0xffff, v3;
	_ =	sdelay $0x5  }
0x3a: {  	v3, _, _ =	vpop (xrf0)  }
0x3b: {  	(v2sf) =	vpush v3, $0xF;
	_ =	sdelay $0x8  }
0x3c: {  	[tilespmem:s15], [sflag:$0x2] =	stream.strided.gather [hbm4b:s4+s14], $0x8000, s12, s14, $0x38;
	[tilespmem:$0x18080] =	vst v63  }
0x3d: {  	s23 =	simm.s32 $0x0  }
0x3e: {  	v11 =	vld [tilespmem:s23+$0x30]  }
0x3f: {  	v7 =	vld [tilespmem:s23+$0x40]  }
0x40: {  	v5 =	vld [tilespmem:s23+$0x60]  }
0x41: {  	v4 =	vld [tilespmem:s23+$0x70]  }
0x42: {  	v6 =	vld [tilespmem:s23+$0x50];
	s22 =	spop (v2sf)  }
0x43: {  	v8 =	vld [tilespmem:s23+$0x0];
	s21 =	sadd.f32 $-1.000000000e+00, s22  }
0x44: {  	v9 =	vld [tilespmem:s23+$0x10]  }
0x45: {  	v10 =	vld [tilespmem:s23+$0x20];
	v13 =	vimm.s32 $0x0;
	v3 =	vmov s21  }
0x46: {  	v12 =	vadd.s32 v1, v13;
	vm0 =	vgt.f32 v4, v3  }
0x47: {  	vm3 =	vgt.f32 v7, v3;
	vm2 =	vgt.f32 v6, v3;
	vm1 =	vgt.f32 v5, v3  }
0x48: {  	vm10 =	vgt.f32 v8, v3;
	vm4 =	vgt.f32 v11, v3;
	v17 =	vmpcnt.ones.xlane vm0  }
0x49: {  	vm11 =	vgt.f32 v9, v3;
	v14 =	vmpcnt.ones.xlane vm10;
	v18 =	vmpcnt.ones.xlane vm1  }
0x4a: {  	vm12 =	vgt.f32 v10, v3;
	v15 =	vmpcnt.ones.xlane vm11;
	v16 =	vmpcnt.ones.xlane vm2  }
0x4b: {  	v19 =	vmpcnt.ones.xlane vm12;
	v20 =	vmpcnt.ones.xlane vm3;
	vm13 =	vgt.s32 v14, $0x0  }
0x4c: {  	v14 =	vmpcnt.ones.xlane vm4;
	vm8 =	vgt.s32 v15, $0x0;
	v15 =	vsel vm13, $0x10, v0  }
0x4d: {  	vm5 =	vgt.s32 v19, $0x0;
	v13 =	vadd.s32 v13, v15;
	v15 =	vsel vm8, $0x10, v0  }
0x4e: {  	vm6 =	vgt.s32 v14, $0x0;
	v14 =	vadd.s32 v15, v13;
	v15 =	vsel vm5, $0x10, v0  }
0x4f: {  	vm7 =	vgt.s32 v20, $0x0;
	v19 =	vsel vm6, $0x10, v0;
	v15 =	vadd.s32 v15, v14  }
0x50: {  	s24 =	simm.s32 $0x80;
	s23 =	simm.s32 $0x400;
	vm9 =	vgt.s32 v16, $0x0;
	v16 =	vadd.s32 v19, v15;
	v19 =	vsel vm7, $0x10, v0  }
.LBB2_4:
0x51: {  	p0 =	sne.s32 s23, $0x1FE00;
	v20 =	vld [tilespmem:s24+$0x70];
	vm14 =	vgt.s32 v18, $0x0;
	v18 =	vadd.s32 v19, v16;
	v19 =	vsel vm9, $0x10, v0  }
0x52: {  	vm15 =	vgt.s32 v17, $0x0;
	v21 =	vld [tilespmem:s24+$0x60];
	v17 =	vadd.s32 v19, v18;
	v19 =	vsel vm14, $0x10, v0  }
0x53: {  	v22 =	vld [tilespmem:s24+$0x50];
	v23 =	vadd.s32 v1, v17;
	v17 =	vadd.s32 v19, v17;
	v19 =	vsel vm15, $0x10, v0  }
0x54: {  	v25 =	vadd.s32 v1, v18;
	v24 =	vld [tilespmem:s24+$0x40];
	v26 =	vadd.s32 v1, v17;
	v19 =	vadd.s32 v19, v17  }
0x55: {  	v14 =	vadd.s32 v1, v14;
	v15 =	vadd.s32 v1, v15;
	v16 =	vadd.s32 v1, v16;
	v17 =	vld [tilespmem:s24+$0x30]  }
0x56: {  	v27 =	vnsel vm11, $0xFF61B1E6, v9;
	v13 =	vadd.s32 v1, v13;
	v18 =	vnsel vm10, $0xFF61B1E6, v8;
	v8 =	vld [tilespmem:s24+$0x0]  }
0x57: {  	v28 =	vnsel vm12, $0xFF61B1E6, v10;
	v29 =	vnsel vm4, $0xFF61B1E6, v11;
	v30 =	vnsel vm3, $0xFF61B1E6, v7;
	v9 =	vld [tilespmem:s24+$0x10];
	[tilespmem:v12+s16+$0x0] =	vst.idx.msk vm13, v18  }
0x58: {  	v31 =	vnsel vm2, $0xFF61B1E6, v6;
	v32 =	vnsel vm1, $0xFF61B1E6, v5;
	v33 =	vnsel vm0, $0xFF61B1E6, v4;
	v4 =	vmovc v20;
	v5 =	vmovc v21;
	v10 =	vld [tilespmem:s24+$0x20]  }
0x59: {  	vm0 =	vgt.f32 v4, v3;
	v12 =	vadd.s32 v1, v19;
	v6 =	vmovc v22;
	v7 =	vmov v24  }
0x5a: {  	vm1 =	vgt.f32 v5, v3;
	vm2 =	vgt.f32 v6, v3;
	vm3 =	vgt.f32 v7, v3;
	v11 =	vmovc v17  }
0x5b: {  	v17 =	vmpcnt.ones.xlane vm0;
	vm10 =	vgt.f32 v8, v3;
	vm4 =	vgt.f32 v11, v3;
	[tilespmem:v13+s16+$0x0] =	vst.idx.msk vm8, v27  }
0x5c: {  	v18 =	vmpcnt.ones.xlane vm1;
	vm11 =	vgt.f32 v9, v3;
	v13 =	vmpcnt.ones.xlane vm10;
	[tilespmem:v14+s16+$0x0] =	vst.idx.msk vm5, v28  }
0x5d: {  	v20 =	vmpcnt.ones.xlane vm2;
	vm12 =	vgt.f32 v10, v3;
	v14 =	vmpcnt.ones.xlane vm11;
	[tilespmem:v15+s16+$0x0] =	vst.idx.msk vm6, v29  }
0x5e: {  	v21 =	vmpcnt.ones.xlane vm3;
	v15 =	vmpcnt.ones.xlane vm12;
	vm13 =	vgt.s32 v13, $0x0;
	[tilespmem:v16+s16+$0x0] =	vst.idx.msk vm7, v30  }
.Ltmp1:
0x5f: {  	v16 =	vmpcnt.ones.xlane vm4;
	vm8 =	vgt.s32 v14, $0x0;
	v13 =	vsel vm13, $0x10, v0;
	[tilespmem:v25+s16+$0x0] =	vst.idx.msk vm9, v31;
	(pc) =	sbr.rel @p0 .LBB2_4-.Ltmp1, $4  }
0x60: {  	vm5 =	vgt.s32 v15, $0x0;
	v13 =	vadd.s32 v19, v13;
	v14 =	vsel vm8, $0x10, v0;
	[tilespmem:v23+s16+$0x0] =	vst.idx.msk vm14, v32  }
0x61: {  	vm6 =	vgt.s32 v16, $0x0;
	v14 =	vadd.s32 v14, v13;
	v15 =	vsel vm5, $0x10, v0;
	[tilespmem:v26+s16+$0x0] =	vst.idx.msk vm15, v33  }
0x62: {  	vm7 =	vgt.s32 v21, $0x0;
	v16 =	vsel vm6, $0x10, v0;
	v15 =	vadd.s32 v15, v14  }
0x63: {  	s24 =	sshra.s32 s23, $0x2;
	s23 =	sadd.s32 $0x200, s23;
	vm9 =	vgt.s32 v20, $0x0;
	v19 =	vsel vm7, $0x10, v0;
	v16 =	vadd.s32 v16, v15  }
0x64: {  	vm14 =	vgt.s32 v18, $0x0;
	v43 =	vimm.s32 $0x0;
	v44 =	vsel vm9, $0x10, v0  }
0x65: {  	vm15 =	vgt.s32 v17, $0x0;
	v45 =	vimm.s32 $0x0;
	v29 =	vimm.s32 $0x0  }
0x66: {  	v20 =	vld [tilespmem:s24+$0x70];
	v30 =	vimm.s32 $0x0;
	v47 =	vimm.s32 $0x0;
	v32 =	vimm.s32 $0x0  }
0x67: {  	v21 =	vld [tilespmem:s24+$0x60];
	v33 =	vimm.s32 $0x0;
	v50 =	vimm.s32 $0x0;
	v35 =	vimm.s32 $0x0  }
0x68: {  	v23 =	vld [tilespmem:s24+$0x0];
	v36 =	vimm.s32 $0x0;
	v53 =	vimm.s32 $0x0;
	v18 =	vsel vm14, $0xFFFFFFFF, v43  }
0x69: {  	v22 =	vld [tilespmem:s24+$0x50];
	v58 =	vimm.s32 $0x0;
	v61 =	vimm.s32 $0x0;
	v17 =	vsel vm15, $0xFFFFFFFF, v45;
	[tilespmem:$0x1FF00] =	vst v18  }
0x6a: {  	v39 =	vimm.s32 $0x0;
	v42 =	vimm.s32 $0x0;
	v13 =	vadd.s32 v1, v13;
	v24 =	vld [tilespmem:s24+$0x10];
	[tilespmem:$0x1FF10] =	vst v17  }
0x6b: {  	v14 =	vadd.s32 v1, v14;
	v46 =	vsel vm14, $0x10, v0;
	v25 =	vld [tilespmem:s24+$0x20];
	vm14 =	vgt.f32 v20, v3  }
0x6c: {  	v26 =	vsel vm15, $0x10, v0;
	v45 =	vimm.s32 $0x0;
	v27 =	vld [tilespmem:s24+$0x40];
	v29 =	vsel vm14, $0xFFFFFFFF, v29  }
0x6d: {  	v28 =	vld [tilespmem:s24+$0x30];
	vm15 =	vgt.f32 v23, v3;
	[tilespmem:$0x1FFE0] =	vst v29;
	v29 =	vmpcnt.ones.xlane vm14;
	vm14 =	vgt.f32 v21, v3  }
0x6e: {  	v18 =	vadd.s32 v19, v16;
	v48 =	vmpcnt.ones.xlane vm15;
	v30 =	vsel vm14, $0xFFFFFFFF, v30  }
0x6f: {  	v31 =	vmpcnt.ones.xlane vm14;
	vm14 =	vgt.f32 v24, v3;
	[tilespmem:$0x1FFC0] =	vst v30;
	v30 =	vsel vm15, $0xFFFFFFFF, v47  }
0x70: {  	v32 =	vsel vm14, $0xFFFFFFFF, v32;
	v49 =	vmpcnt.ones.xlane vm14;
	vm14 =	vgt.f32 v22, v3;
	[tilespmem:$0x1FF20] =	vst v30  }
0x71: {  	vm15 =	vgt.f32 v25, v3;
	[tilespmem:$0x1FF30] =	vst v32;
	v33 =	vsel vm14, $0xFFFFFFFF, v33;
	v51 =	vmpcnt.ones.xlane vm14  }
0x72: {  	v34 =	vmpcnt.ones.xlane vm15;
	vm14 =	vgt.f32 v27, v3;
	[tilespmem:$0x1FFA0] =	vst v33;
	v33 =	vsel vm15, $0xFFFFFFFF, v50  }
0x73: {  	v35 =	vsel vm14, $0xFFFFFFFF, v35;
	v52 =	vmpcnt.ones.xlane vm14;
	vm14 =	vgt.f32 v28, v3;
	[tilespmem:$0x1FF50] =	vst v33  }
0x74: {  	vm15 =	vgt.s32 v48, $0x0;
	[tilespmem:$0x1FF80] =	vst v35;
	v36 =	vsel vm14, $0xFFFFFFFF, v36;
	v54 =	vmpcnt.ones.xlane vm14  }
0x75: {  	v17 =	vadd.s32 v44, v18;
	v30 =	vsel vm15, $0xFFFFFFFF, v53;
	vm14 =	vgt.s32 v34, $0x0;
	[tilespmem:$0x1FF60] =	vst v36  }
0x76: {  	[tilespmem:$0x1FF40] =	vst v30;
	v34 =	vsel vm14, $0xFFFFFFFF, v58;
	v60 =	vsel vm14, $0x10, v0;
	vm14 =	vgt.s32 v54, $0x0  }
0x77: {  	[tilespmem:$0x1FF70] =	vst v34;
	v30 =	vsel vm14, $0xFFFFFFFF, v61;
	v63 =	vsel vm14, $0x10, v0;
	vm14 =	vgt.s32 v52, $0x0  }
0x78: {  	[tilespmem:$0x1FF90] =	vst v30;
	v35 =	vsel vm14, $0xFFFFFFFF, v39;
	v41 =	vsel vm14, $0x10, v0;
	vm14 =	vgt.s32 v51, $0x0  }
0x79: {  	[tilespmem:$0x1FFB0] =	vst v35;
	v33 =	vsel vm14, $0xFFFFFFFF, v42;
	v44 =	vsel vm14, $0x10, v0;
	vm14 =	vgt.s32 v31, $0x0  }
0x7a: {  	v15 =	vadd.s32 v1, v15;
	[tilespmem:$0x1FFD0] =	vst v33;
	v31 =	vsel vm14, $0xFFFFFFFF, v45  }
0x7b: {  	v8 =	vnsel vm10, $0xFF61B1E6, v8;
	v50 =	vadd.s32 v1, v16;
	[tilespmem:$0x1FFF0] =	vst v31  }
0x7c: {  	v9 =	vnsel vm11, $0xFF61B1E6, v9;
	v51 =	vadd.s32 v1, v18;
	[tilespmem:v12+s16+$0x0] =	vst.idx.msk vm13, v8  }
0x7d: {  	v10 =	vnsel vm12, $0xFF61B1E6, v10;
	[tilespmem:v13+s16+$0x0] =	vst.idx.msk vm8, v9  }
0x7e: {  	v11 =	vnsel vm4, $0xFF61B1E6, v11;
	[tilespmem:v14+s16+$0x0] =	vst.idx.msk vm5, v10  }
0x7f: {  	v7 =	vnsel vm3, $0xFF61B1E6, v7;
	[tilespmem:v15+s16+$0x0] =	vst.idx.msk vm6, v11  }
0x80: {  	v6 =	vnsel vm2, $0xFF61B1E6, v6;
	[tilespmem:v50+s16+$0x0] =	vst.idx.msk vm7, v7  }
0x81: {  	[tilespmem:v51+s16+$0x0] =	vst.idx.msk vm9, v6  }
0x82: {  	v8 =	vld [tilespmem:$0x1FF00];
	_ =	sdelay $0x4  }
0x83: {  	vm9 =	vnez.u8 v8  }
0x84: {  	v52 =	vadd.s32 v1, v17;
	_ =	sdelay $0x2  }
0x85: {  	v5 =	vnsel vm1, $0xFF61B1E6, v5;
	v19 =	vadd.s32 v46, v17  }
0x86: {  	v26 =	vadd.s32 v26, v19;
	v55 =	vsel vm15, $0x10, v0;
	vm15 =	vgt.s32 v49, $0x0  }
0x87: {  	v56 =	vadd.s32 v26, v55;
	v57 =	vsel vm15, $0x10, v0;
	[tilespmem:v52+s16+$0x0] =	vst.idx.msk vm9, v5  }
0x88: {  	v59 =	vadd.s32 v57, v56;
	v57 =	vld [tilespmem:$0x1FF10];
	_ =	sdelay $0x4  }
0x89: {  	vm10 =	vnez.u8 v57  }
0x8a: {  	v53 =	vadd.s32 v1, v19;
	_ =	sdelay $0x3  }
0x8b: {  	v4 =	vnsel vm0, $0xFF61B1E6, v4  }
0x8c: {  	[tilespmem:v53+s16+$0x0] =	vst.idx.msk vm10, v4  }
0x8d: {  	v12 =	vld [tilespmem:$0x1FF40];
	_ =	sdelay $0x3  }
0x8e: {  	v58 =	vld [tilespmem:$0x1FF20]  }
0x8f: {  	v10 =	vld [tilespmem:$0x1FF30];
	vm13 =	vnez.u8 v12  }
0x90: {  	v54 =	vadd.s32 v1, v26  }
0x91: {  	v55 =	vadd.s32 v1, v56;
	_ =	sdelay $0x1  }
0x92: {  	vm11 =	vnez.u8 v58  }
0x93: {  	vm12 =	vnez.u8 v10;
	v8 =	vnsel vm11, $0xFF61B1E6, v23  }
0x94: {  	v10 =	vnsel vm12, $0xFF61B1E6, v24;
	[tilespmem:v54+s16+$0x0] =	vst.idx.msk vm13, v8  }
0x95: {  	v62 =	vadd.s32 v60, v59;
	v11 =	vld [tilespmem:$0x1FF50];
	[tilespmem:v55+s16+$0x0] =	vst.idx.msk vm15, v10  }
0x96: {  	v40 =	vadd.s32 v63, v62;
	v5 =	vadd.s32 v1, v62;
	v62 =	vld [tilespmem:$0x1FF70];
	_ =	sdelay $0x4  }
0x97: {  	vm6 =	vnez.u8 v62  }
0x98: {  	v56 =	vadd.s32 v1, v59;
	_ =	sdelay $0x2  }
0x99: {  	vm4 =	vnez.u8 v11  }
0x9a: {  	v11 =	vnsel vm4, $0xFF61B1E6, v25  }
0x9b: {  	v10 =	vld [tilespmem:$0x1FF60];
	[tilespmem:v56+s16+$0x0] =	vst.idx.msk vm6, v11  }
0x9c: {  	v11 =	vld [tilespmem:$0x1FF90];
	_ =	sdelay $0x4  }
0x9d: {  	vm8 =	vnez.u8 v11;
	_ =	sdelay $0x3  }
0x9e: {  	vm5 =	vnez.u8 v10  }
0x9f: {  	v10 =	vnsel vm5, $0xFF61B1E6, v28  }
0xa0: {  	v6 =	vld [tilespmem:$0x1FF80];
	[tilespmem:v5+s16+$0x0] =	vst.idx.msk vm8, v10  }
0xa1: {  	v10 =	vld [tilespmem:$0x1FFB0];
	_ =	sdelay $0x3  }
0xa2: {  	v43 =	vadd.s32 v41, v40  }
0xa3: {  	v46 =	vadd.s32 v44, v43;
	vm10 =	vnez.u8 v10  }
0xa4: {  	v47 =	vsel vm14, $0x10, v0;
	vm14 =	vgt.s32 v29, $0x0;
	v4 =	vadd.s32 v1, v40  }
0xa5: {  	v48 =	vadd.s32 v47, v46;
	v49 =	vsel vm14, $0x10, v0  }
0xa6: {  	v36 =	vadd.s32 v49, v48  }
0xa7: {  	(v2sf) =	vpush v36, $0x0;
	vm7 =	vnez.u8 v6  }
0xa8: {  	v6 =	vnsel vm7, $0xFF61B1E6, v27  }
0xa9: {  	v5 =	vld [tilespmem:$0x1FFA0];
	[tilespmem:v4+s16+$0x0] =	vst.idx.msk vm10, v6  }
0xaa: {  	v6 =	vld [tilespmem:$0x1FFD0];
	_ =	sdelay $0x4  }
0xab: {  	vm12 =	vnez.u8 v6  }
0xac: {  	v59 =	vadd.s32 v1, v43;
	_ =	sdelay $0x2  }
0xad: {  	vm9 =	vnez.u8 v5  }
0xae: {  	v5 =	vnsel vm9, $0xFF61B1E6, v22  }
0xaf: {  	v4 =	vld [tilespmem:$0x1FFC0];
	[tilespmem:v59+s16+$0x0] =	vst.idx.msk vm12, v5  }
0xb0: {  	s23 =	spop (v2sf);
	v63 =	vld [tilespmem:$0x1FFF0]  }
0xb1: {  	s30 =	sand.u32 $0xF, s23  }
0xb2: {  	s25 =	sshra.s32 s23, $0x1F;
	p0 =	slt.s32 s23, $0x1;
	p1 =	sne.s32 s30, $0x0  }
0xb3: {  	s31 =	sshrl.u32 s25, $0x1C;
	p0 =	por !p0, !p1  }
0xb4: {  	s24 =	simm.s32 $0x1;
	s23 =	sadd.s32 s31, s23;
	p0 =	por !p0, !p0  }
0xb5: {  	s23 =	sshra.s32 s23, $0x4;
	s24 =	simm.s32 @!p0 $0x0;
	v5 =	vld [tilespmem:$0x1FFE0];
	vm15 =	vnez.u8 v63  }
0xb6: {  	v60 =	vadd.s32 v1, v46;
	s26 =	ssub.s32 s23, s24  }
0xb7: {  	v61 =	vadd.s32 v1, v48;
	p0 =	slt.s32 s26, $0x1  }
.Ltmp2:
0xb8: {  	_ = 	snop;
	(pc) =	sbr.rel @p0 .LBB2_12-.Ltmp2, $4  }
0xb9: {  	vm11 =	vnez.u8 v4  }
0xba: {  	v4 =	vnsel vm11, $0xFF61B1E6, v21;
	vm13 =	vnez.u8 v5  }
0xbb: {  	v5 =	vnsel vm13, $0xFF61B1E6, v20;
	[tilespmem:v60+s16+$0x0] =	vst.idx.msk vm15, v4  }
0xbc: {  	s25 =	simm.s32 $0x0;
	s23 =	simm.s32 $0x0;
	s24 =	simm.s32 $0x10000;
	[tilespmem:v61+s16+$0x0] =	vst.idx.msk vm14, v5  }
0xbd: {  	p1 =	sne.s32 s26, $0x1  }
.Ltmp3:
0xbe: {  	_ = 	snop;
	(pc) =	sbr.rel @!p1 .LBB2_7-.Ltmp3, $2  }
0xbf: {  	_ =	sdelay $0x2  }
0xc0: {  	v4 =	vld [tilespmem:s24+$0x0];
	s26 =	sadd.s32 $0xFFFFFFFF, s26;
	p0 =	por $0x0, $0x0  }
0xc1: {  	_ =	sdelay $0x3  }
0xc2: {  	vm0 =	vgt.f32 v4, v3  }
0xc3: {  	v5 =	vmpcnt.ones.xlane vm0;
	_ =	sdelay $0x1  }
0xc4: {  	(v2sf) =	vpush v5, $0x0;
	_ =	sdelay $0x2  }
0xc5: {  	p1 =	sne.s32 s26, $0x1  }
.Ltmp4:
0xc6: {  	_ = 	snop;
	(pc) =	sbr.rel @!p1 .LBB2_9-.Ltmp4, $3  }
0xc7: {  	_ =	sdelay $0x1  }
0xc8: {  	s25 =	sadd.s32 $0x10, s24;
	[tilespmem:s23+$0x10000] =	vst.msk vm0, v4  }
0xc9: {  	s26 =	sadd.s32 $0xFFFFFFFF, s26;
	p0 =	por $0x1, $0x1;
	s24 =	simm.s32 $0x0;
	v4 =	vld [tilespmem:s25+$0x0]  }
.LBB2_10:
0xca: {  	p1 =	sne.s32 s26, $0x1;
	_ =	sdelay $0x3  }
0xcb: {  	vm0 =	vgt.f32 v4, v3  }
0xcc: {  	v5 =	vmpcnt.ones.xlane vm0  }
0xcd: {  	s28 =	spop (v2sf)  }
0xce: {  	(v2sf) =	vpush v5, $0x0;
	s24 =	sadd.s32 s24, s28  }
0xcf: {  	[tilespmem:s24+$0x10000] =	vst.msk vm0, v4;
	_ =	sdelay $0x2  }
.Ltmp5:
0xd0: {  	(pc) =	sbr.rel @p1 .LBB2_10-.Ltmp5, $3  }
0xd1: {  	_ =	sdelay $0x1  }
0xd2: {  	s25 =	sadd.s32 $0x10, s25  }
0xd3: {  	s26 =	sadd.s32 $0xFFFFFFFF, s26;
	v4 =	vld [tilespmem:s25+$0x0]  }
.LBB2_11:
0xd4: {  	_ =	sdelay $0x3  }
0xd5: {  	vm0 =	vgt.f32 v4, v3  }
0xd6: {  	v3 =	vmpcnt.ones.xlane vm0;
	_ =	sdelay $0x1  }
0xd7: {  	(v2sf) =	vpush v3, $0x0;
	_ =	sdelay $0xc  }
0xd8: {  	s25 =	spop @p0 (v2sf)  }
0xd9: {  	s24 =	sadd.s32 @p0 s24, s25;
	s25 =	simm.s32 $0x0  }
0xda: {  	s25 =	smov.u32 @p0 s24;
	s31 =	spop (v2sf)  }
0xdb: {  	[tilespmem:s25+$0x10000] =	vst.msk vm0, v4;
	s25 =	sadd.s32 s25, s31  }
.LBB2_12:
0xdc: {  	s24 =	sadd.s32 $0xF, s25  }
0xdd: {  	s26 =	sand.u32 $0xF, s24  }
0xde: {  	s28 =	sshra.s32 s24, $0x1F;
	p0 =	slt.s32 s24, $0x1;
	p1 =	sne.s32 s26, $0x0  }
.Ltmp6:
0xdf: {  	s31 =	sshrl.u32 s28, $0x1C;
	p0 =	por !p0, !p1;
	(pc) =	sbr.rel .LBB2_13-.Ltmp6, $4  }
0xe0: {  	s26 =	simm.s32 $0x1;
	s24 =	sadd.s32 s31, s24;
	p0 =	por !p0, !p0  }
0xe1: {  	s24 =	sshra.s32 s24, $0x4;
	s26 =	simm.s32 @!p0 $0x0  }
0xe2: {  	s24 =	ssub.s32 s24, s26  }
0xe3: {  	[tilespmem:s25+$0x10000] =	vst v2;
	p0 =	slt.s32 s24, $0x1  }
.LBB2_14:
0xe4: {  	v3 =	vimm.f32 $0.0e+00  }
.LBB2_18:
0xe5: {  	(xrf2) =	vadd.scan.msk.f32 $0xffff, v3;
	_ =	sdelay $0x9  }
0xe6: {  	v3, _, _ =	vpop (xrf2)  }
0xe7: {  	(v2sf) =	vpush v3, $0xF;
	_ =	sdelay $0xe  }
0xe8: {  	s26 =	spop (v2sf)  }
0xe9: {  	p1 =	sge.f32 s26, $1.000000000e+00  }
0xea: {  	s23 =	sadd.s32 $0x1, s23  }
0xeb: {  	s21 =	smov.u32 @p1 s25;
	s25 =	smov.u32 @p1 s22;
	p1 =	seq.s32 s23, $0x1A  }
.Ltmp7:
0xec: {  	_ = 	snop;
	(pc) =	sbr.rel @p1 .LBB2_19-.Ltmp7, $2  }
0xed: {  	_ =	sdelay $0x2  }
0xee: {  	s22 =	smov.u32 s25  }
.LBB2_13:
.Ltmp8:
0xef: {  	(pc) =	sbr.rel @p0 .LBB2_14-.Ltmp8, $3  }
0xf0: {  	_ = 	snop  }
0xf1: {  	s25 =	sadd.f32 s22, s21;
	_ =	sdelay $0x1  }
0xf2: {  	s25 =	smul.f32 $5.000000000e-01, s25  }
0xf3: {  	s26 =	simm.s32 $0x10000  }
0xf4: {  	p1 =	sne.s32 s24, $0x1;
	v5 =	vld [tilespmem:s26+$0x0]  }
.Ltmp9:
0xf5: {  	_ = 	snop;
	(pc) =	sbr.rel @!p1 .LBB2_17-.Ltmp9, $3  }
0xf6: {  	_ =	sdelay $0x1  }
0xf7: {  	v4 =	vmov s25  }
0xf8: {  	v3 =	vimm.f32 $0.0e+00;
	s28 =	simm.s32 $0x10010;
	s26 =	sadd.s32 $0xFFFFFFFF, s24;
	v5 =	vsub.f32 v5, v4  }
.LBB2_16:
0xf9: {  	v6 =	vld [tilespmem:s28+$0x0];
	p1 =	sne.s32 s26, $0x1;
	s26 =	sadd.s32 $0xFFFFFFFF, s26  }
.Ltmp10:
0xfa: {  	v5 =	vmax.f32 v5, $0.0e+00;
	(pc) =	sbr.rel @p1 .LBB2_16-.Ltmp10, $2  }
0xfb: {  	v3 =	vadd.f32 v5, v3;
	_ =	sdelay $0x2  }
0xfc: {  	s28 =	sadd.s32 $0x10, s28;
	v5 =	vsub.f32 v6, v4  }
.LBB2_17:
.Ltmp11:
0xfd: {  	(pc) =	sbr.rel .LBB2_18-.Ltmp11, $3  }
0xfe: {  	_ = 	snop  }
0xff: {  	v4 =	vmax.f32 v5, $0.0e+00  }
0x100: {  	v3 =	vadd.f32 v4, v3;
	_ =	sdelay $0x1  }
.LBB2_19:
0x101: {  	s22 =	simm.s32 $0x0  }
0x102: {  	v4 =	vld [tilespmem:s22+$0x70]  }
0x103: {  	v6 =	vld [tilespmem:s22+$0x0]  }
0x104: {  	v9 =	vld [tilespmem:s22+$0x10]  }
0x105: {  	v8 =	vld [tilespmem:s22+$0x20]  }
0x106: {  	v3 =	vmov s21;
	v7 =	vld [tilespmem:s22+$0x30]  }
0x107: {  	v5 =	vld [tilespmem:s22+$0x40];
	v11 =	vsub.f32 v4, v3  }
0x108: {  	v4 =	vld [tilespmem:s22+$0x50];
	v10 =	vsub.f32 v6, v3  }
0x109: {  	s21 =	simm.s32 $0x80;
	s23 =	simm.s32 $0x400;
	v9 =	vsub.f32 v9, v3;
	v6 =	vld [tilespmem:s22+$0x60];
	v11 =	vmax.f32 v11, $0.0e+00  }
.LBB2_20:
0x10a: {  	p0 =	sne.s32 s23, $0x1FE00;
	v12 =	vld [tilespmem:s21+$0x70];
	v10 =	vmax.f32 v10, $0.0e+00;
	v8 =	vsub.f32 v8, v3;
	[tilespmem:s22+$0x70] =	vst v11  }
0x10b: {  	v11 =	vld [tilespmem:s21+$0x0];
	[tilespmem:s22+$0x0] =	vst v10;
	v9 =	vmax.f32 v9, $0.0e+00;
	v7 =	vsub.f32 v7, v3  }
0x10c: {  	v13 =	vld [tilespmem:s21+$0x10];
	[tilespmem:s22+$0x10] =	vst v9;
	v9 =	vmax.f32 v8, $0.0e+00;
	v5 =	vsub.f32 v5, v3  }
.Ltmp12:
0x10d: {  	v8 =	vld [tilespmem:s21+$0x20];
	[tilespmem:s22+$0x20] =	vst v9;
	v9 =	vmax.f32 v7, $0.0e+00;
	v4 =	vsub.f32 v4, v3;
	(pc) =	sbr.rel @p0 .LBB2_20-.Ltmp12, $4  }
0x10e: {  	v7 =	vld [tilespmem:s21+$0x30];
	[tilespmem:s22+$0x30] =	vst v9;
	v9 =	vmax.f32 v5, $0.0e+00;
	v6 =	vsub.f32 v6, v3  }
0x10f: {  	v5 =	vld [tilespmem:s21+$0x40];
	v12 =	vsub.f32 v12, v3;
	[tilespmem:s22+$0x40] =	vst v9;
	v9 =	vmax.f32 v4, $0.0e+00  }
0x110: {  	v10 =	vsub.f32 v11, v3;
	v4 =	vld [tilespmem:s21+$0x50];
	[tilespmem:s22+$0x50] =	vst v9;
	v14 =	vmax.f32 v6, $0.0e+00  }
0x111: {  	v9 =	vsub.f32 v13, v3;
	v6 =	vld [tilespmem:s21+$0x60];
	v11 =	vmax.f32 v12, $0.0e+00;
	[tilespmem:s22+$0x60] =	vst v14;
	s22 =	smov.u32 s21;
	s21 =	sshra.s32 s23, $0x2;
	s23 =	sadd.s32 $0x200, s23  }
0x112: {  	v12 =	vld [tilespmem:s21+$0x70];
	v10 =	vmax.f32 v10, $0.0e+00;
	v8 =	vsub.f32 v8, v3;
	[tilespmem:s22+$0x70] =	vst v11  }
0x113: {  	v11 =	vld [tilespmem:s21+$0x0];
	[tilespmem:s22+$0x0] =	vst v10;
	v9 =	vmax.f32 v9, $0.0e+00;
	v7 =	vsub.f32 v7, v3  }
0x114: {  	v10 =	vld [tilespmem:s21+$0x10];
	[tilespmem:s22+$0x10] =	vst v9;
	v8 =	vmax.f32 v8, $0.0e+00;
	v5 =	vsub.f32 v5, v3  }
0x115: {  	v9 =	vld [tilespmem:s21+$0x20];
	[tilespmem:s22+$0x20] =	vst v8;
	v7 =	vmax.f32 v7, $0.0e+00;
	v4 =	vsub.f32 v4, v3  }
0x116: {  	v8 =	vld [tilespmem:s21+$0x30];
	[tilespmem:s22+$0x30] =	vst v7;
	v5 =	vmax.f32 v5, $0.0e+00;
	v6 =	vsub.f32 v6, v3  }
0x117: {  	v7 =	vld [tilespmem:s21+$0x40];
	v12 =	vsub.f32 v12, v3;
	[tilespmem:s22+$0x40] =	vst v5;
	v4 =	vmax.f32 v4, $0.0e+00  }
0x118: {  	v5 =	vsub.f32 v11, v3;
	v11 =	vld [tilespmem:s21+$0x50];
	[tilespmem:s22+$0x50] =	vst v4;
	v4 =	vmax.f32 v6, $0.0e+00  }
0x119: {  	v6 =	vsub.f32 v10, v3;
	v10 =	vld [tilespmem:s21+$0x60];
	v12 =	vmax.f32 v12, $0.0e+00;
	[tilespmem:s22+$0x60] =	vst v4  }
0x11a: {  	v4 =	vmax.f32 v5, $0.0e+00;
	v5 =	vsub.f32 v9, v3;
	[tilespmem:s21+$0x70] =	vst v12  }
0x11b: {  	[tilespmem:s21+$0x0] =	vst v4;
	v4 =	vmax.f32 v6, $0.0e+00;
	v6 =	vsub.f32 v8, v3  }
0x11c: {  	[tilespmem:s21+$0x10] =	vst v4;
	v4 =	vmax.f32 v5, $0.0e+00;
	v5 =	vsub.f32 v7, v3  }
0x11d: {  	[tilespmem:s21+$0x20] =	vst v4;
	v4 =	vmax.f32 v6, $0.0e+00;
	v6 =	vsub.f32 v11, v3  }
0x11e: {  	[tilespmem:s21+$0x30] =	vst v4;
	v4 =	vmax.f32 v5, $0.0e+00;
	v3 =	vsub.f32 v10, v3  }
0x11f: {  	[tilespmem:s21+$0x40] =	vst v4;
	v4 =	vmax.f32 v6, $0.0e+00  }
0x120: {  	[tilespmem:s21+$0x50] =	vst v4;
	v3 =	vmax.f32 v3, $0.0e+00  }
0x121: {  	[tilespmem:s21+$0x60] =	vst v3  }
0x122: {  	[hbm4b:s5+s14] =	stream.strided.scatter [tilespmem:s2], [sflag:$0x3], $0x8000, s12, s14, $0x38;
	[tilespmem:$0x18080] =	vst v63  }
0x123: {  	_ =	swait.ge [sflag:s17], $0x8000  }
0x124: {  	[sflag:s17] =	ssyncset.done $0x0  }
0x125: {  	s31 =	simm.s32 $0x8080;
	[sflag:s17] =	ssyncadd.s32 $0xFFFF8000  }
0x126: {  	v5 =	vld [tilespmem:s31+$0x40]  }
0x127: {  	v3 =	vld [tilespmem:s31+$0x50]  }
0x128: {  	v4 =	vld [tilespmem:s31+$0x60]  }
0x129: {  	v11 =	vld [tilespmem:s31+$0x0]  }
0x12a: {  	v6 =	vld [tilespmem:s31+$0x10]  }
0x12b: {  	v7 =	vld [tilespmem:s31+$0x20]  }
0x12c: {  	v12 =	vld [tilespmem:s31+$0xFFFFFFC0]  }
0x12d: {  	v8 =	vld [tilespmem:s31+$0xFFFFFFD0]  }
0x12e: {  	v13 =	vld [tilespmem:s31+$0xFFFFFF80]  }
0x12f: {  	v10 =	vld [tilespmem:s31+$0xFFFFFFE0]  }
0x130: {  	v15 =	vld [tilespmem:s31+$0xFFFFFF90]  }
0x131: {  	v16 =	vld [tilespmem:s31+$0xFFFFFFA0]  }
0x132: {  	v9 =	vimm.f32 $-3.000000010e+38;
	v18 =	vld [tilespmem:s31+$0xFFFFFFB0]  }
0x133: {  	v17 =	vld [tilespmem:s31+$0xFFFFFFF0];
	v13 =	vmax.f32 v9, v13  }
0x134: {  	v14 =	vld [tilespmem:s31+$0x30];
	v12 =	vmax.f32 v13, v12  }
0x135: {  	s22 =	simm.s32 $0x8180;
	s21 =	simm.s32 $0x0;
	v13 =	vld [tilespmem:s31+$0x70];
	v19 =	vmax.f32 v12, v11;
	v11 =	vimm.f32 $-3.000000010e+38;
	v12 =	vimm.f32 $-3.000000010e+38  }
.LBB2_22:
0x136: {  	v19 =	vmax.f32 v19, v5;
	v5 =	vld [tilespmem:s22+$0x40]  }
0x137: {  	v9 =	vmax.f32 v9, v15;
	v11 =	vmax.f32 v11, v16;
	v20 =	vld [tilespmem:s22+$0x50];
	v12 =	vmax.f32 v12, v18  }
0x138: {  	v8 =	vmax.f32 v9, v8;
	v9 =	vmax.f32 v11, v10;
	v15 =	vld [tilespmem:s22+$0x60];
	v10 =	vmax.f32 v12, v17  }
0x139: {  	v8 =	vmax.f32 v8, v6;
	v7 =	vmax.f32 v9, v7;
	v21 =	vld [tilespmem:s22+$0x0];
	v10 =	vmax.f32 v10, v14  }
0x13a: {  	v9 =	vmax.f32 v8, v3;
	v11 =	vmax.f32 v7, v4;
	v6 =	vld [tilespmem:s22+$0x10];
	v12 =	vmax.f32 v10, v13  }
0x13b: {  	v7 =	vld [tilespmem:s22+$0x20]  }
0x13c: {  	v13 =	vld [tilespmem:s22+$0xFFFFFFC0];
	v3 =	vmov v20  }
0x13d: {  	v8 =	vld [tilespmem:s22+$0xFFFFFFD0];
	v4 =	vmov v15  }
0x13e: {  	v14 =	vld [tilespmem:s22+$0xFFFFFF80]  }
0x13f: {  	s21 =	sadd.s32 $0x2, s21;
	v10 =	vld [tilespmem:s22+$0xFFFFFFE0]  }
0x140: {  	p0 =	slt.u32 s21, $0xFE;
	v15 =	vld [tilespmem:s22+$0xFFFFFF90]  }
.Ltmp13:
0x141: {  	v16 =	vld [tilespmem:s22+$0xFFFFFFA0];
	(pc) =	sbr.rel @p0 .LBB2_22-.Ltmp13, $4  }
0x142: {  	v18 =	vld [tilespmem:s22+$0xFFFFFFB0]  }
0x143: {  	v14 =	vmax.f32 v19, v14;
	v17 =	vld [tilespmem:s22+$0xFFFFFFF0]  }
0x144: {  	v13 =	vmax.f32 v14, v13;
	v14 =	vld [tilespmem:s22+$0x30]  }
0x145: {  	v19 =	vmax.f32 v13, v21;
	v13 =	vld [tilespmem:s22+$0x70];
	s22 =	sadd.s32 $0x100, s22  }
0x146: {  	v5 =	vmax.f32 v19, v5  }
0x147: {  	v9 =	vmax.f32 v9, v15;
	v11 =	vmax.f32 v11, v16;
	v12 =	vmax.f32 v12, v18  }
0x148: {  	v8 =	vmax.f32 v9, v8;
	v9 =	vmax.f32 v11, v10;
	v10 =	vmax.f32 v12, v17  }
0x149: {  	v6 =	vmax.f32 v8, v6;
	v7 =	vmax.f32 v9, v7;
	v8 =	vmax.f32 v10, v14  }
0x14a: {  	v3 =	vmax.f32 v6, v3;
	v4 =	vmax.f32 v7, v4;
	v6 =	vmax.f32 v8, v13  }
0x14b: {  	v3 =	vmax.f32 v5, v3;
	v4 =	vmax.f32 v4, v6  }
0x14c: {  	v3 =	vmax.f32 v3, v4  }
0x14d: {  	(xrf0) =	vmax.scan.msk.f32 $0xffff, v3;
	_ =	sdelay $0x5  }
0x14e: {  	v3, _, _ =	vpop (xrf0)  }
0x14f: {  	(v2sf) =	vpush v3, $0xF;
	_ =	sdelay $0xe  }
0x150: {  	s21 =	spop (v2sf)  }
0x151: {  	_ =	swait.ge [sflag:s18], $0x8000  }
0x152: {  	[sflag:s18] =	ssyncset.done $0x0  }
0x153: {  	s22 =	simm.s32 $0x0;
	s23 =	simm.s32 $0x0;
	[sflag:s18] =	ssyncadd.s32 $0xFFFF8000  }
0x154: {  	[tilespmem:s22], [sflag:$0x1] =	stream.strided.gather [hbm4b:s6+s14], $0x8000, s12, s14, $0x38;
	[tilespmem:$0x18080] =	vst v63  }
0x155: {  	v4 =	vld [tilespmem:s23+$0x8070]  }
0x156: {  	v5 =	vld [tilespmem:s23+$0x8060]  }
0x157: {  	v6 =	vld [tilespmem:s23+$0x8050]  }
0x158: {  	v7 =	vld [tilespmem:s23+$0x8040]  }
0x159: {  	v11 =	vld [tilespmem:s23+$0x8030]  }
0x15a: {  	s22 =	sadd.f32 $-1.000000000e+00, s21;
	v8 =	vld [tilespmem:s23+$0x8000]  }
0x15b: {  	v9 =	vld [tilespmem:s23+$0x8010]  }
0x15c: {  	v13 =	vimm.s32 $0x0;
	v10 =	vld [tilespmem:s23+$0x8020];
	v3 =	vmov s22  }
0x15d: {  	v12 =	vadd.s32 v1, v13;
	vm0 =	vgt.f32 v4, v3  }
0x15e: {  	vm3 =	vgt.f32 v7, v3;
	vm2 =	vgt.f32 v6, v3;
	vm1 =	vgt.f32 v5, v3  }
0x15f: {  	vm10 =	vgt.f32 v8, v3;
	vm4 =	vgt.f32 v11, v3;
	v17 =	vmpcnt.ones.xlane vm0  }
0x160: {  	vm11 =	vgt.f32 v9, v3;
	v14 =	vmpcnt.ones.xlane vm10;
	v18 =	vmpcnt.ones.xlane vm1  }
0x161: {  	vm12 =	vgt.f32 v10, v3;
	v15 =	vmpcnt.ones.xlane vm11;
	v16 =	vmpcnt.ones.xlane vm2  }
0x162: {  	v19 =	vmpcnt.ones.xlane vm12;
	v20 =	vmpcnt.ones.xlane vm3;
	vm13 =	vgt.s32 v14, $0x0  }
0x163: {  	v14 =	vmpcnt.ones.xlane vm4;
	vm8 =	vgt.s32 v15, $0x0;
	v15 =	vsel vm13, $0x10, v0  }
0x164: {  	vm5 =	vgt.s32 v19, $0x0;
	v13 =	vadd.s32 v13, v15;
	v15 =	vsel vm8, $0x10, v0  }
0x165: {  	vm6 =	vgt.s32 v14, $0x0;
	v14 =	vadd.s32 v15, v13;
	v15 =	vsel vm5, $0x10, v0  }
0x166: {  	vm7 =	vgt.s32 v20, $0x0;
	v19 =	vsel vm6, $0x10, v0;
	v15 =	vadd.s32 v15, v14  }
0x167: {  	s24 =	simm.s32 $0x80;
	s23 =	simm.s32 $0x400;
	vm9 =	vgt.s32 v16, $0x0;
	v16 =	vadd.s32 v19, v15;
	v19 =	vsel vm7, $0x10, v0  }
.LBB2_24:
0x168: {  	p0 =	sne.s32 s23, $0x1FE00;
	v20 =	vld [tilespmem:s24+$0x8070];
	vm14 =	vgt.s32 v18, $0x0;
	v18 =	vadd.s32 v19, v16;
	v19 =	vsel vm9, $0x10, v0  }
0x169: {  	vm15 =	vgt.s32 v17, $0x0;
	v21 =	vld [tilespmem:s24+$0x8060];
	v17 =	vadd.s32 v19, v18;
	v19 =	vsel vm14, $0x10, v0  }
0x16a: {  	v22 =	vld [tilespmem:s24+$0x8050];
	v23 =	vadd.s32 v1, v17;
	v17 =	vadd.s32 v19, v17;
	v19 =	vsel vm15, $0x10, v0  }
0x16b: {  	v25 =	vadd.s32 v1, v18;
	v24 =	vld [tilespmem:s24+$0x8040];
	v26 =	vadd.s32 v1, v17;
	v19 =	vadd.s32 v19, v17  }
0x16c: {  	v14 =	vadd.s32 v1, v14;
	v15 =	vadd.s32 v1, v15;
	v16 =	vadd.s32 v1, v16;
	v17 =	vld [tilespmem:s24+$0x8030]  }
0x16d: {  	v27 =	vnsel vm11, $0xFF61B1E6, v9;
	v13 =	vadd.s32 v1, v13;
	v18 =	vnsel vm10, $0xFF61B1E6, v8;
	v8 =	vld [tilespmem:s24+$0x8000]  }
0x16e: {  	v28 =	vnsel vm12, $0xFF61B1E6, v10;
	v29 =	vnsel vm4, $0xFF61B1E6, v11;
	v30 =	vnsel vm3, $0xFF61B1E6, v7;
	v9 =	vld [tilespmem:s24+$0x8010];
	[tilespmem:v12+s16+$0x0] =	vst.idx.msk vm13, v18  }
0x16f: {  	v31 =	vnsel vm2, $0xFF61B1E6, v6;
	v32 =	vnsel vm1, $0xFF61B1E6, v5;
	v33 =	vnsel vm0, $0xFF61B1E6, v4;
	v4 =	vmovc v20;
	v5 =	vmovc v21;
	v10 =	vld [tilespmem:s24+$0x8020]  }
0x170: {  	vm0 =	vgt.f32 v4, v3;
	v12 =	vadd.s32 v1, v19;
	v6 =	vmovc v22;
	v7 =	vmov v24  }
0x171: {  	vm1 =	vgt.f32 v5, v3;
	vm2 =	vgt.f32 v6, v3;
	vm3 =	vgt.f32 v7, v3;
	v11 =	vmovc v17  }
0x172: {  	v17 =	vmpcnt.ones.xlane vm0;
	vm10 =	vgt.f32 v8, v3;
	vm4 =	vgt.f32 v11, v3;
	[tilespmem:v13+s16+$0x0] =	vst.idx.msk vm8, v27  }
0x173: {  	v18 =	vmpcnt.ones.xlane vm1;
	vm11 =	vgt.f32 v9, v3;
	v13 =	vmpcnt.ones.xlane vm10;
	[tilespmem:v14+s16+$0x0] =	vst.idx.msk vm5, v28  }
0x174: {  	v20 =	vmpcnt.ones.xlane vm2;
	vm12 =	vgt.f32 v10, v3;
	v14 =	vmpcnt.ones.xlane vm11;
	[tilespmem:v15+s16+$0x0] =	vst.idx.msk vm6, v29  }
0x175: {  	v21 =	vmpcnt.ones.xlane vm3;
	v15 =	vmpcnt.ones.xlane vm12;
	vm13 =	vgt.s32 v13, $0x0;
	[tilespmem:v16+s16+$0x0] =	vst.idx.msk vm7, v30  }
.Ltmp14:
0x176: {  	v16 =	vmpcnt.ones.xlane vm4;
	vm8 =	vgt.s32 v14, $0x0;
	v13 =	vsel vm13, $0x10, v0;
	[tilespmem:v25+s16+$0x0] =	vst.idx.msk vm9, v31;
	(pc) =	sbr.rel @p0 .LBB2_24-.Ltmp14, $4  }
0x177: {  	vm5 =	vgt.s32 v15, $0x0;
	v13 =	vadd.s32 v19, v13;
	v14 =	vsel vm8, $0x10, v0;
	[tilespmem:v23+s16+$0x0] =	vst.idx.msk vm14, v32  }
0x178: {  	vm6 =	vgt.s32 v16, $0x0;
	v14 =	vadd.s32 v14, v13;
	v15 =	vsel vm5, $0x10, v0;
	[tilespmem:v26+s16+$0x0] =	vst.idx.msk vm15, v33  }
0x179: {  	vm7 =	vgt.s32 v21, $0x0;
	v16 =	vsel vm6, $0x10, v0;
	v15 =	vadd.s32 v15, v14  }
0x17a: {  	s24 =	sshra.s32 s23, $0x2;
	s23 =	sadd.s32 $0x200, s23;
	vm9 =	vgt.s32 v20, $0x0;
	v19 =	vsel vm7, $0x10, v0;
	v16 =	vadd.s32 v16, v15  }
0x17b: {  	vm14 =	vgt.s32 v18, $0x0;
	v43 =	vimm.s32 $0x0;
	v44 =	vsel vm9, $0x10, v0  }
0x17c: {  	vm15 =	vgt.s32 v17, $0x0;
	v45 =	vimm.s32 $0x0;
	v29 =	vimm.s32 $0x0  }
0x17d: {  	v20 =	vld [tilespmem:s24+$0x8070];
	v30 =	vimm.s32 $0x0;
	v47 =	vimm.s32 $0x0;
	v32 =	vimm.s32 $0x0  }
0x17e: {  	v21 =	vld [tilespmem:s24+$0x8060];
	v33 =	vimm.s32 $0x0;
	v50 =	vimm.s32 $0x0;
	v35 =	vimm.s32 $0x0  }
0x17f: {  	v23 =	vld [tilespmem:s24+$0x8000];
	v36 =	vimm.s32 $0x0;
	v53 =	vimm.s32 $0x0;
	v18 =	vsel vm14, $0xFFFFFFFF, v43  }
0x180: {  	v22 =	vld [tilespmem:s24+$0x8050];
	v58 =	vimm.s32 $0x0;
	v61 =	vimm.s32 $0x0;
	v17 =	vsel vm15, $0xFFFFFFFF, v45;
	[tilespmem:$0x1FE00] =	vst v18  }
0x181: {  	v39 =	vimm.s32 $0x0;
	v42 =	vimm.s32 $0x0;
	v13 =	vadd.s32 v1, v13;
	v24 =	vld [tilespmem:s24+$0x8010];
	[tilespmem:$0x1FE10] =	vst v17  }
0x182: {  	v14 =	vadd.s32 v1, v14;
	v46 =	vsel vm14, $0x10, v0;
	v25 =	vld [tilespmem:s24+$0x8020];
	vm14 =	vgt.f32 v20, v3  }
0x183: {  	v26 =	vsel vm15, $0x10, v0;
	v45 =	vimm.s32 $0x0;
	v27 =	vld [tilespmem:s24+$0x8040];
	v29 =	vsel vm14, $0xFFFFFFFF, v29  }
0x184: {  	v28 =	vld [tilespmem:s24+$0x8030];
	vm15 =	vgt.f32 v23, v3;
	[tilespmem:$0x1FEE0] =	vst v29;
	v29 =	vmpcnt.ones.xlane vm14;
	vm14 =	vgt.f32 v21, v3  }
0x185: {  	v18 =	vadd.s32 v19, v16;
	v48 =	vmpcnt.ones.xlane vm15;
	v30 =	vsel vm14, $0xFFFFFFFF, v30  }
0x186: {  	v31 =	vmpcnt.ones.xlane vm14;
	vm14 =	vgt.f32 v24, v3;
	[tilespmem:$0x1FEC0] =	vst v30;
	v30 =	vsel vm15, $0xFFFFFFFF, v47  }
0x187: {  	v32 =	vsel vm14, $0xFFFFFFFF, v32;
	v49 =	vmpcnt.ones.xlane vm14;
	vm14 =	vgt.f32 v22, v3;
	[tilespmem:$0x1FE20] =	vst v30  }
0x188: {  	vm15 =	vgt.f32 v25, v3;
	[tilespmem:$0x1FE30] =	vst v32;
	v33 =	vsel vm14, $0xFFFFFFFF, v33;
	v51 =	vmpcnt.ones.xlane vm14  }
0x189: {  	v34 =	vmpcnt.ones.xlane vm15;
	vm14 =	vgt.f32 v27, v3;
	[tilespmem:$0x1FEA0] =	vst v33;
	v33 =	vsel vm15, $0xFFFFFFFF, v50  }
0x18a: {  	v35 =	vsel vm14, $0xFFFFFFFF, v35;
	v52 =	vmpcnt.ones.xlane vm14;
	vm14 =	vgt.f32 v28, v3;
	[tilespmem:$0x1FE50] =	vst v33  }
0x18b: {  	vm15 =	vgt.s32 v48, $0x0;
	[tilespmem:$0x1FE80] =	vst v35;
	v36 =	vsel vm14, $0xFFFFFFFF, v36;
	v54 =	vmpcnt.ones.xlane vm14  }
0x18c: {  	v17 =	vadd.s32 v44, v18;
	v30 =	vsel vm15, $0xFFFFFFFF, v53;
	vm14 =	vgt.s32 v34, $0x0;
	[tilespmem:$0x1FE60] =	vst v36  }
0x18d: {  	[tilespmem:$0x1FE40] =	vst v30;
	v34 =	vsel vm14, $0xFFFFFFFF, v58;
	v60 =	vsel vm14, $0x10, v0;
	vm14 =	vgt.s32 v54, $0x0  }
0x18e: {  	[tilespmem:$0x1FE70] =	vst v34;
	v30 =	vsel vm14, $0xFFFFFFFF, v61;
	v63 =	vsel vm14, $0x10, v0;
	vm14 =	vgt.s32 v52, $0x0  }
0x18f: {  	[tilespmem:$0x1FE90] =	vst v30;
	v35 =	vsel vm14, $0xFFFFFFFF, v39;
	v41 =	vsel vm14, $0x10, v0;
	vm14 =	vgt.s32 v51, $0x0  }
0x190: {  	[tilespmem:$0x1FEB0] =	vst v35;
	v33 =	vsel vm14, $0xFFFFFFFF, v42;
	v44 =	vsel vm14, $0x10, v0;
	vm14 =	vgt.s32 v31, $0x0  }
0x191: {  	v15 =	vadd.s32 v1, v15;
	[tilespmem:$0x1FED0] =	vst v33;
	v31 =	vsel vm14, $0xFFFFFFFF, v45  }
0x192: {  	v8 =	vnsel vm10, $0xFF61B1E6, v8;
	v50 =	vadd.s32 v1, v16;
	[tilespmem:$0x1FEF0] =	vst v31  }
0x193: {  	v9 =	vnsel vm11, $0xFF61B1E6, v9;
	v51 =	vadd.s32 v1, v18;
	[tilespmem:v12+s16+$0x0] =	vst.idx.msk vm13, v8  }
0x194: {  	v10 =	vnsel vm12, $0xFF61B1E6, v10;
	[tilespmem:v13+s16+$0x0] =	vst.idx.msk vm8, v9  }
0x195: {  	v11 =	vnsel vm4, $0xFF61B1E6, v11;
	[tilespmem:v14+s16+$0x0] =	vst.idx.msk vm5, v10  }
0x196: {  	v7 =	vnsel vm3, $0xFF61B1E6, v7;
	[tilespmem:v15+s16+$0x0] =	vst.idx.msk vm6, v11  }
0x197: {  	v6 =	vnsel vm2, $0xFF61B1E6, v6;
	[tilespmem:v50+s16+$0x0] =	vst.idx.msk vm7, v7  }
0x198: {  	[tilespmem:v51+s16+$0x0] =	vst.idx.msk vm9, v6  }
0x199: {  	v8 =	vld [tilespmem:$0x1FE00];
	_ =	sdelay $0x4  }
0x19a: {  	vm9 =	vnez.u8 v8  }
0x19b: {  	v52 =	vadd.s32 v1, v17;
	_ =	sdelay $0x2  }
0x19c: {  	v5 =	vnsel vm1, $0xFF61B1E6, v5;
	v19 =	vadd.s32 v46, v17  }
0x19d: {  	v26 =	vadd.s32 v26, v19;
	v55 =	vsel vm15, $0x10, v0;
	vm15 =	vgt.s32 v49, $0x0  }
0x19e: {  	v56 =	vadd.s32 v26, v55;
	v57 =	vsel vm15, $0x10, v0;
	[tilespmem:v52+s16+$0x0] =	vst.idx.msk vm9, v5  }
0x19f: {  	v59 =	vadd.s32 v57, v56;
	v57 =	vld [tilespmem:$0x1FE10];
	_ =	sdelay $0x4  }
0x1a0: {  	vm10 =	vnez.u8 v57  }
0x1a1: {  	v53 =	vadd.s32 v1, v19;
	_ =	sdelay $0x3  }
0x1a2: {  	v4 =	vnsel vm0, $0xFF61B1E6, v4  }
0x1a3: {  	[tilespmem:v53+s16+$0x0] =	vst.idx.msk vm10, v4  }
0x1a4: {  	v12 =	vld [tilespmem:$0x1FE40];
	_ =	sdelay $0x3  }
0x1a5: {  	v58 =	vld [tilespmem:$0x1FE20]  }
0x1a6: {  	v10 =	vld [tilespmem:$0x1FE30];
	vm13 =	vnez.u8 v12  }
0x1a7: {  	v54 =	vadd.s32 v1, v26  }
0x1a8: {  	v55 =	vadd.s32 v1, v56;
	_ =	sdelay $0x1  }
0x1a9: {  	vm11 =	vnez.u8 v58  }
0x1aa: {  	vm12 =	vnez.u8 v10;
	v8 =	vnsel vm11, $0xFF61B1E6, v23  }
0x1ab: {  	v10 =	vnsel vm12, $0xFF61B1E6, v24;
	[tilespmem:v54+s16+$0x0] =	vst.idx.msk vm13, v8  }
0x1ac: {  	v62 =	vadd.s32 v60, v59;
	v11 =	vld [tilespmem:$0x1FE50];
	[tilespmem:v55+s16+$0x0] =	vst.idx.msk vm15, v10  }
0x1ad: {  	v40 =	vadd.s32 v63, v62;
	v5 =	vadd.s32 v1, v62;
	v62 =	vld [tilespmem:$0x1FE70];
	_ =	sdelay $0x4  }
0x1ae: {  	vm6 =	vnez.u8 v62  }
0x1af: {  	v56 =	vadd.s32 v1, v59;
	_ =	sdelay $0x2  }
0x1b0: {  	vm4 =	vnez.u8 v11  }
0x1b1: {  	v11 =	vnsel vm4, $0xFF61B1E6, v25  }
0x1b2: {  	v10 =	vld [tilespmem:$0x1FE60];
	[tilespmem:v56+s16+$0x0] =	vst.idx.msk vm6, v11  }
0x1b3: {  	v11 =	vld [tilespmem:$0x1FE90];
	_ =	sdelay $0x4  }
0x1b4: {  	vm8 =	vnez.u8 v11;
	_ =	sdelay $0x3  }
0x1b5: {  	vm5 =	vnez.u8 v10  }
0x1b6: {  	v10 =	vnsel vm5, $0xFF61B1E6, v28  }
0x1b7: {  	v6 =	vld [tilespmem:$0x1FE80];
	[tilespmem:v5+s16+$0x0] =	vst.idx.msk vm8, v10  }
0x1b8: {  	v10 =	vld [tilespmem:$0x1FEB0];
	_ =	sdelay $0x3  }
0x1b9: {  	v43 =	vadd.s32 v41, v40  }
0x1ba: {  	v46 =	vadd.s32 v44, v43;
	vm10 =	vnez.u8 v10  }
0x1bb: {  	v47 =	vsel vm14, $0x10, v0;
	vm14 =	vgt.s32 v29, $0x0;
	v4 =	vadd.s32 v1, v40  }
0x1bc: {  	v48 =	vadd.s32 v47, v46;
	v49 =	vsel vm14, $0x10, v0  }
0x1bd: {  	v36 =	vadd.s32 v49, v48  }
0x1be: {  	(v2sf) =	vpush v36, $0x0;
	vm7 =	vnez.u8 v6  }
0x1bf: {  	v6 =	vnsel vm7, $0xFF61B1E6, v27  }
0x1c0: {  	v5 =	vld [tilespmem:$0x1FEA0];
	[tilespmem:v4+s16+$0x0] =	vst.idx.msk vm10, v6  }
0x1c1: {  	v6 =	vld [tilespmem:$0x1FED0];
	_ =	sdelay $0x4  }
0x1c2: {  	vm12 =	vnez.u8 v6  }
0x1c3: {  	v59 =	vadd.s32 v1, v43;
	_ =	sdelay $0x2  }
0x1c4: {  	vm9 =	vnez.u8 v5  }
0x1c5: {  	v5 =	vnsel vm9, $0xFF61B1E6, v22  }
0x1c6: {  	v4 =	vld [tilespmem:$0x1FEC0];
	[tilespmem:v59+s16+$0x0] =	vst.idx.msk vm12, v5  }
0x1c7: {  	s23 =	spop (v2sf);
	v63 =	vld [tilespmem:$0x1FEF0]  }
0x1c8: {  	s30 =	sand.u32 $0xF, s23  }
0x1c9: {  	s25 =	sshra.s32 s23, $0x1F;
	p0 =	slt.s32 s23, $0x1;
	p1 =	sne.s32 s30, $0x0  }
0x1ca: {  	s31 =	sshrl.u32 s25, $0x1C;
	p0 =	por !p0, !p1  }
0x1cb: {  	s24 =	simm.s32 $0x1;
	s23 =	sadd.s32 s31, s23;
	p0 =	por !p0, !p0  }
0x1cc: {  	s23 =	sshra.s32 s23, $0x4;
	s24 =	simm.s32 @!p0 $0x0;
	v5 =	vld [tilespmem:$0x1FEE0];
	vm15 =	vnez.u8 v63  }
0x1cd: {  	v60 =	vadd.s32 v1, v46;
	s26 =	ssub.s32 s23, s24  }
0x1ce: {  	v61 =	vadd.s32 v1, v48;
	p0 =	slt.s32 s26, $0x1  }
.Ltmp15:
0x1cf: {  	_ = 	snop;
	(pc) =	sbr.rel @p0 .LBB2_32-.Ltmp15, $4  }
0x1d0: {  	vm11 =	vnez.u8 v4  }
0x1d1: {  	v4 =	vnsel vm11, $0xFF61B1E6, v21;
	vm13 =	vnez.u8 v5  }
0x1d2: {  	v5 =	vnsel vm13, $0xFF61B1E6, v20;
	[tilespmem:v60+s16+$0x0] =	vst.idx.msk vm15, v4  }
0x1d3: {  	s25 =	simm.s32 $0x0;
	s23 =	simm.s32 $0x0;
	s24 =	simm.s32 $0x10000;
	[tilespmem:v61+s16+$0x0] =	vst.idx.msk vm14, v5  }
0x1d4: {  	p1 =	sne.s32 s26, $0x1  }
.Ltmp16:
0x1d5: {  	_ = 	snop;
	(pc) =	sbr.rel @!p1 .LBB2_27-.Ltmp16, $2  }
0x1d6: {  	_ =	sdelay $0x2  }
0x1d7: {  	v4 =	vld [tilespmem:s24+$0x0];
	s26 =	sadd.s32 $0xFFFFFFFF, s26;
	p0 =	por $0x0, $0x0  }
0x1d8: {  	_ =	sdelay $0x3  }
0x1d9: {  	vm0 =	vgt.f32 v4, v3  }
0x1da: {  	v5 =	vmpcnt.ones.xlane vm0;
	_ =	sdelay $0x1  }
0x1db: {  	(v2sf) =	vpush v5, $0x0;
	_ =	sdelay $0x2  }
0x1dc: {  	p1 =	sne.s32 s26, $0x1  }
.Ltmp17:
0x1dd: {  	_ = 	snop;
	(pc) =	sbr.rel @!p1 .LBB2_29-.Ltmp17, $3  }
0x1de: {  	_ =	sdelay $0x1  }
0x1df: {  	s25 =	sadd.s32 $0x10, s24;
	[tilespmem:s23+$0x10000] =	vst.msk vm0, v4  }
0x1e0: {  	s26 =	sadd.s32 $0xFFFFFFFF, s26;
	p0 =	por $0x1, $0x1;
	s24 =	simm.s32 $0x0;
	v4 =	vld [tilespmem:s25+$0x0]  }
.LBB2_30:
0x1e1: {  	p1 =	sne.s32 s26, $0x1;
	_ =	sdelay $0x3  }
0x1e2: {  	vm0 =	vgt.f32 v4, v3  }
0x1e3: {  	v5 =	vmpcnt.ones.xlane vm0  }
0x1e4: {  	s28 =	spop (v2sf)  }
0x1e5: {  	(v2sf) =	vpush v5, $0x0;
	s24 =	sadd.s32 s24, s28  }
0x1e6: {  	[tilespmem:s24+$0x10000] =	vst.msk vm0, v4;
	_ =	sdelay $0x2  }
.Ltmp18:
0x1e7: {  	(pc) =	sbr.rel @p1 .LBB2_30-.Ltmp18, $3  }
0x1e8: {  	_ =	sdelay $0x1  }
0x1e9: {  	s25 =	sadd.s32 $0x10, s25  }
0x1ea: {  	s26 =	sadd.s32 $0xFFFFFFFF, s26;
	v4 =	vld [tilespmem:s25+$0x0]  }
.LBB2_31:
0x1eb: {  	_ =	sdelay $0x3  }
0x1ec: {  	vm0 =	vgt.f32 v4, v3  }
0x1ed: {  	v3 =	vmpcnt.ones.xlane vm0;
	_ =	sdelay $0x1  }
0x1ee: {  	(v2sf) =	vpush v3, $0x0;
	_ =	sdelay $0xc  }
0x1ef: {  	s25 =	spop @p0 (v2sf)  }
0x1f0: {  	s24 =	sadd.s32 @p0 s24, s25;
	s25 =	simm.s32 $0x0  }
0x1f1: {  	s25 =	smov.u32 @p0 s24;
	s31 =	spop (v2sf)  }
0x1f2: {  	[tilespmem:s25+$0x10000] =	vst.msk vm0, v4;
	s25 =	sadd.s32 s25, s31  }
.LBB2_32:
0x1f3: {  	s24 =	sadd.s32 $0xF, s25  }
0x1f4: {  	s26 =	sand.u32 $0xF, s24  }
0x1f5: {  	s28 =	sshra.s32 s24, $0x1F;
	p0 =	slt.s32 s24, $0x1;
	p1 =	sne.s32 s26, $0x0  }
.Ltmp19:
0x1f6: {  	s31 =	sshrl.u32 s28, $0x1C;
	p0 =	por !p0, !p1;
	(pc) =	sbr.rel .LBB2_33-.Ltmp19, $4  }
0x1f7: {  	s26 =	simm.s32 $0x1;
	s24 =	sadd.s32 s31, s24;
	p0 =	por !p0, !p0  }
0x1f8: {  	s24 =	sshra.s32 s24, $0x4;
	s26 =	simm.s32 @!p0 $0x0  }
0x1f9: {  	s24 =	ssub.s32 s24, s26  }
0x1fa: {  	[tilespmem:s25+$0x10000] =	vst v2;
	p0 =	slt.s32 s24, $0x1  }
.LBB2_34:
0x1fb: {  	v3 =	vimm.f32 $0.0e+00  }
.LBB2_38:
0x1fc: {  	(xrf2) =	vadd.scan.msk.f32 $0xffff, v3;
	_ =	sdelay $0x9  }
0x1fd: {  	v3, _, _ =	vpop (xrf2)  }
0x1fe: {  	(v2sf) =	vpush v3, $0xF;
	_ =	sdelay $0xe  }
0x1ff: {  	s26 =	spop (v2sf)  }
0x200: {  	p1 =	sge.f32 s26, $1.000000000e+00  }
0x201: {  	s23 =	sadd.s32 $0x1, s23  }
0x202: {  	s22 =	smov.u32 @p1 s25;
	s25 =	smov.u32 @p1 s21;
	p1 =	seq.s32 s23, $0x1A  }
.Ltmp20:
0x203: {  	_ = 	snop;
	(pc) =	sbr.rel @p1 .LBB2_39-.Ltmp20, $2  }
0x204: {  	_ =	sdelay $0x2  }
0x205: {  	s21 =	smov.u32 s25  }
.LBB2_33:
.Ltmp21:
0x206: {  	(pc) =	sbr.rel @p0 .LBB2_34-.Ltmp21, $3  }
0x207: {  	_ = 	snop  }
0x208: {  	s25 =	sadd.f32 s21, s22;
	_ =	sdelay $0x1  }
0x209: {  	s25 =	smul.f32 $5.000000000e-01, s25  }
0x20a: {  	s26 =	simm.s32 $0x10000  }
0x20b: {  	p1 =	sne.s32 s24, $0x1;
	v5 =	vld [tilespmem:s26+$0x0]  }
.Ltmp22:
0x20c: {  	_ = 	snop;
	(pc) =	sbr.rel @!p1 .LBB2_37-.Ltmp22, $3  }
0x20d: {  	_ =	sdelay $0x1  }
0x20e: {  	v4 =	vmov s25  }
0x20f: {  	v3 =	vimm.f32 $0.0e+00;
	s28 =	simm.s32 $0x10010;
	s26 =	sadd.s32 $0xFFFFFFFF, s24;
	v5 =	vsub.f32 v5, v4  }
.LBB2_36:
0x210: {  	v6 =	vld [tilespmem:s28+$0x0];
	p1 =	sne.s32 s26, $0x1;
	s26 =	sadd.s32 $0xFFFFFFFF, s26  }
.Ltmp23:
0x211: {  	v5 =	vmax.f32 v5, $0.0e+00;
	(pc) =	sbr.rel @p1 .LBB2_36-.Ltmp23, $2  }
0x212: {  	v3 =	vadd.f32 v5, v3;
	_ =	sdelay $0x2  }
0x213: {  	s28 =	sadd.s32 $0x10, s28;
	v5 =	vsub.f32 v6, v4  }
.LBB2_37:
.Ltmp24:
0x214: {  	(pc) =	sbr.rel .LBB2_38-.Ltmp24, $3  }
0x215: {  	_ = 	snop  }
0x216: {  	v4 =	vmax.f32 v5, $0.0e+00  }
0x217: {  	v3 =	vadd.f32 v4, v3;
	_ =	sdelay $0x1  }
.LBB2_39:
0x218: {  	v3 =	vmov s22;
	s22 =	simm.s32 $0x0  }
0x219: {  	v4 =	vld [tilespmem:s22+$0x8070]  }
0x21a: {  	v6 =	vld [tilespmem:s22+$0x8000]  }
0x21b: {  	v9 =	vld [tilespmem:s22+$0x8010]  }
0x21c: {  	v8 =	vld [tilespmem:s22+$0x8020]  }
0x21d: {  	v7 =	vld [tilespmem:s22+$0x8030]  }
0x21e: {  	v5 =	vld [tilespmem:s22+$0x8040];
	v11 =	vsub.f32 v4, v3  }
0x21f: {  	v4 =	vld [tilespmem:s22+$0x8050];
	v10 =	vsub.f32 v6, v3  }
0x220: {  	s21 =	simm.s32 $0x80;
	s23 =	simm.s32 $0x400;
	v9 =	vsub.f32 v9, v3;
	v6 =	vld [tilespmem:s22+$0x8060];
	v11 =	vmax.f32 v11, $0.0e+00  }
.LBB2_40:
0x221: {  	p0 =	sne.s32 s23, $0x1FE00;
	v12 =	vld [tilespmem:s21+$0x8070];
	v10 =	vmax.f32 v10, $0.0e+00;
	v8 =	vsub.f32 v8, v3;
	[tilespmem:s22+$0x8070] =	vst v11  }
0x222: {  	v11 =	vld [tilespmem:s21+$0x8000];
	[tilespmem:s22+$0x8000] =	vst v10;
	v9 =	vmax.f32 v9, $0.0e+00;
	v7 =	vsub.f32 v7, v3  }
0x223: {  	v13 =	vld [tilespmem:s21+$0x8010];
	[tilespmem:s22+$0x8010] =	vst v9;
	v9 =	vmax.f32 v8, $0.0e+00;
	v5 =	vsub.f32 v5, v3  }
.Ltmp25:
0x224: {  	v8 =	vld [tilespmem:s21+$0x8020];
	[tilespmem:s22+$0x8020] =	vst v9;
	v9 =	vmax.f32 v7, $0.0e+00;
	v4 =	vsub.f32 v4, v3;
	(pc) =	sbr.rel @p0 .LBB2_40-.Ltmp25, $4  }
0x225: {  	v7 =	vld [tilespmem:s21+$0x8030];
	[tilespmem:s22+$0x8030] =	vst v9;
	v9 =	vmax.f32 v5, $0.0e+00;
	v6 =	vsub.f32 v6, v3  }
0x226: {  	v5 =	vld [tilespmem:s21+$0x8040];
	v12 =	vsub.f32 v12, v3;
	[tilespmem:s22+$0x8040] =	vst v9;
	v9 =	vmax.f32 v4, $0.0e+00  }
0x227: {  	v10 =	vsub.f32 v11, v3;
	v4 =	vld [tilespmem:s21+$0x8050];
	[tilespmem:s22+$0x8050] =	vst v9;
	v14 =	vmax.f32 v6, $0.0e+00  }
0x228: {  	v9 =	vsub.f32 v13, v3;
	v6 =	vld [tilespmem:s21+$0x8060];
	v11 =	vmax.f32 v12, $0.0e+00;
	[tilespmem:s22+$0x8060] =	vst v14;
	s22 =	smov.u32 s21;
	s21 =	sshra.s32 s23, $0x2;
	s23 =	sadd.s32 $0x200, s23  }
0x229: {  	v12 =	vld [tilespmem:s21+$0x8070];
	v10 =	vmax.f32 v10, $0.0e+00;
	v8 =	vsub.f32 v8, v3;
	[tilespmem:s22+$0x8070] =	vst v11  }
0x22a: {  	v11 =	vld [tilespmem:s21+$0x8000];
	[tilespmem:s22+$0x8000] =	vst v10;
	v9 =	vmax.f32 v9, $0.0e+00;
	v7 =	vsub.f32 v7, v3  }
0x22b: {  	v10 =	vld [tilespmem:s21+$0x8010];
	[tilespmem:s22+$0x8010] =	vst v9;
	v8 =	vmax.f32 v8, $0.0e+00;
	v5 =	vsub.f32 v5, v3  }
0x22c: {  	v9 =	vld [tilespmem:s21+$0x8020];
	[tilespmem:s22+$0x8020] =	vst v8;
	v7 =	vmax.f32 v7, $0.0e+00;
	v4 =	vsub.f32 v4, v3  }
0x22d: {  	v8 =	vld [tilespmem:s21+$0x8030];
	[tilespmem:s22+$0x8030] =	vst v7;
	v5 =	vmax.f32 v5, $0.0e+00;
	v6 =	vsub.f32 v6, v3  }
0x22e: {  	v7 =	vld [tilespmem:s21+$0x8040];
	v12 =	vsub.f32 v12, v3;
	[tilespmem:s22+$0x8040] =	vst v5;
	v4 =	vmax.f32 v4, $0.0e+00  }
0x22f: {  	v5 =	vsub.f32 v11, v3;
	v11 =	vld [tilespmem:s21+$0x8050];
	[tilespmem:s22+$0x8050] =	vst v4;
	v4 =	vmax.f32 v6, $0.0e+00  }
0x230: {  	v6 =	vsub.f32 v10, v3;
	v10 =	vld [tilespmem:s21+$0x8060];
	v12 =	vmax.f32 v12, $0.0e+00;
	[tilespmem:s22+$0x8060] =	vst v4  }
0x231: {  	v4 =	vmax.f32 v5, $0.0e+00;
	v5 =	vsub.f32 v9, v3;
	[tilespmem:s21+$0x8070] =	vst v12  }
0x232: {  	[tilespmem:s21+$0x8000] =	vst v4;
	v4 =	vmax.f32 v6, $0.0e+00;
	v6 =	vsub.f32 v8, v3  }
0x233: {  	[tilespmem:s21+$0x8010] =	vst v4;
	v4 =	vmax.f32 v5, $0.0e+00;
	v5 =	vsub.f32 v7, v3  }
0x234: {  	[tilespmem:s21+$0x8020] =	vst v4;
	v4 =	vmax.f32 v6, $0.0e+00;
	v6 =	vsub.f32 v11, v3  }
0x235: {  	[tilespmem:s21+$0x8030] =	vst v4;
	v4 =	vmax.f32 v5, $0.0e+00;
	v3 =	vsub.f32 v10, v3  }
0x236: {  	[tilespmem:s21+$0x8040] =	vst v4;
	v4 =	vmax.f32 v6, $0.0e+00  }
0x237: {  	[tilespmem:s21+$0x8050] =	vst v4;
	v3 =	vmax.f32 v3, $0.0e+00  }
0x238: {  	s31 =	simm.s32 $0x80;
	[tilespmem:s21+$0x8060] =	vst v3  }
0x239: {  	[hbm4b:s7+s31] =	stream.strided.scatter [tilespmem:s15], [sflag:$0x4], $0x8000, s12, s31, $0x38;
	[tilespmem:$0x18080] =	vst v63  }
0x23a: {  	_ =	swait.ge [sflag:s13], $0x8000  }
0x23b: {  	[sflag:s13] =	ssyncset.done $0x0  }
0x23c: {  	[sflag:s13] =	ssyncadd.s32 $0xFFFF8000  }
0x23d: {  	v5 =	vld [tilespmem:s31+$0x40]  }
0x23e: {  	v3 =	vld [tilespmem:s31+$0x50]  }
0x23f: {  	v4 =	vld [tilespmem:s31+$0x60]  }
0x240: {  	v11 =	vld [tilespmem:s31+$0x0]  }
0x241: {  	v6 =	vld [tilespmem:s31+$0x10]  }
0x242: {  	v7 =	vld [tilespmem:s31+$0x20]  }
0x243: {  	v12 =	vld [tilespmem:s31+$0xFFFFFFC0]  }
0x244: {  	v8 =	vld [tilespmem:s31+$0xFFFFFFD0]  }
0x245: {  	v13 =	vld [tilespmem:s31+$0xFFFFFF80]  }
0x246: {  	v10 =	vld [tilespmem:s31+$0xFFFFFFE0]  }
0x247: {  	v15 =	vld [tilespmem:s31+$0xFFFFFF90]  }
0x248: {  	v16 =	vld [tilespmem:s31+$0xFFFFFFA0]  }
0x249: {  	v9 =	vimm.f32 $-3.000000010e+38;
	v18 =	vld [tilespmem:s31+$0xFFFFFFB0]  }
0x24a: {  	v17 =	vld [tilespmem:s31+$0xFFFFFFF0];
	v13 =	vmax.f32 v9, v13  }
0x24b: {  	v14 =	vld [tilespmem:s31+$0x30];
	v12 =	vmax.f32 v13, v12  }
0x24c: {  	s22 =	simm.s32 $0x180;
	s21 =	simm.s32 $0x0;
	v13 =	vld [tilespmem:s31+$0x70];
	v19 =	vmax.f32 v12, v11;
	v11 =	vimm.f32 $-3.000000010e+38;
	v12 =	vimm.f32 $-3.000000010e+38  }
.LBB2_42:
0x24d: {  	v19 =	vmax.f32 v19, v5;
	v5 =	vld [tilespmem:s22+$0x40]  }
0x24e: {  	v9 =	vmax.f32 v9, v15;
	v11 =	vmax.f32 v11, v16;
	v20 =	vld [tilespmem:s22+$0x50];
	v12 =	vmax.f32 v12, v18  }
0x24f: {  	v8 =	vmax.f32 v9, v8;
	v9 =	vmax.f32 v11, v10;
	v15 =	vld [tilespmem:s22+$0x60];
	v10 =	vmax.f32 v12, v17  }
0x250: {  	v8 =	vmax.f32 v8, v6;
	v7 =	vmax.f32 v9, v7;
	v21 =	vld [tilespmem:s22+$0x0];
	v10 =	vmax.f32 v10, v14  }
0x251: {  	v9 =	vmax.f32 v8, v3;
	v11 =	vmax.f32 v7, v4;
	v6 =	vld [tilespmem:s22+$0x10];
	v12 =	vmax.f32 v10, v13  }
0x252: {  	v7 =	vld [tilespmem:s22+$0x20]  }
0x253: {  	v13 =	vld [tilespmem:s22+$0xFFFFFFC0];
	v3 =	vmov v20  }
0x254: {  	v8 =	vld [tilespmem:s22+$0xFFFFFFD0];
	v4 =	vmov v15  }
0x255: {  	v14 =	vld [tilespmem:s22+$0xFFFFFF80]  }
0x256: {  	s21 =	sadd.s32 $0x2, s21;
	v10 =	vld [tilespmem:s22+$0xFFFFFFE0]  }
0x257: {  	p0 =	slt.u32 s21, $0xFE;
	v15 =	vld [tilespmem:s22+$0xFFFFFF90]  }
.Ltmp26:
0x258: {  	v16 =	vld [tilespmem:s22+$0xFFFFFFA0];
	(pc) =	sbr.rel @p0 .LBB2_42-.Ltmp26, $4  }
0x259: {  	v18 =	vld [tilespmem:s22+$0xFFFFFFB0]  }
0x25a: {  	v14 =	vmax.f32 v19, v14;
	v17 =	vld [tilespmem:s22+$0xFFFFFFF0]  }
0x25b: {  	v13 =	vmax.f32 v14, v13;
	v14 =	vld [tilespmem:s22+$0x30]  }
0x25c: {  	v19 =	vmax.f32 v13, v21;
	v13 =	vld [tilespmem:s22+$0x70];
	s22 =	sadd.s32 $0x100, s22  }
0x25d: {  	v5 =	vmax.f32 v19, v5  }
0x25e: {  	v9 =	vmax.f32 v9, v15;
	v11 =	vmax.f32 v11, v16;
	v12 =	vmax.f32 v12, v18  }
0x25f: {  	v8 =	vmax.f32 v9, v8;
	v9 =	vmax.f32 v11, v10;
	v10 =	vmax.f32 v12, v17  }
0x260: {  	v6 =	vmax.f32 v8, v6;
	v7 =	vmax.f32 v9, v7;
	v8 =	vmax.f32 v10, v14  }
0x261: {  	v3 =	vmax.f32 v6, v3;
	v4 =	vmax.f32 v7, v4;
	v6 =	vmax.f32 v8, v13  }
0x262: {  	v3 =	vmax.f32 v5, v3;
	v4 =	vmax.f32 v4, v6  }
0x263: {  	v3 =	vmax.f32 v3, v4  }
0x264: {  	(xrf0) =	vmax.scan.msk.f32 $0xffff, v3;
	_ =	sdelay $0x5  }
0x265: {  	v3, _, _ =	vpop (xrf0)  }
0x266: {  	(v2sf) =	vpush v3, $0xF;
	_ =	sdelay $0xe  }
0x267: {  	s21 =	spop (v2sf)  }
0x268: {  	_ =	swait.ge [sflag:s19], $0x8000  }
0x269: {  	[sflag:s19] =	ssyncset.done $0x0  }
0x26a: {  	s23 =	simm.s32 $0x0;
	[sflag:s19] =	ssyncadd.s32 $0xFFFF8000  }
0x26b: {  	[tilespmem:s15], [sflag:$0x2] =	stream.strided.gather [hbm4b:s8+s14], $0x8000, s12, s14, $0x38;
	[tilespmem:$0x18080] =	vst v63  }
0x26c: {  	v4 =	vld [tilespmem:s23+$0x70]  }
0x26d: {  	v5 =	vld [tilespmem:s23+$0x60]  }
0x26e: {  	v6 =	vld [tilespmem:s23+$0x50]  }
0x26f: {  	v7 =	vld [tilespmem:s23+$0x40]  }
0x270: {  	v11 =	vld [tilespmem:s23+$0x30]  }
0x271: {  	s22 =	sadd.f32 $-1.000000000e+00, s21;
	v8 =	vld [tilespmem:s23+$0x0]  }
0x272: {  	v9 =	vld [tilespmem:s23+$0x10]  }
0x273: {  	v13 =	vimm.s32 $0x0;
	v3 =	vmov s22;
	v10 =	vld [tilespmem:s23+$0x20]  }
0x274: {  	v12 =	vadd.s32 v1, v13;
	vm0 =	vgt.f32 v4, v3  }
0x275: {  	vm3 =	vgt.f32 v7, v3;
	vm2 =	vgt.f32 v6, v3;
	vm1 =	vgt.f32 v5, v3  }
0x276: {  	vm10 =	vgt.f32 v8, v3;
	vm4 =	vgt.f32 v11, v3;
	v17 =	vmpcnt.ones.xlane vm0  }
0x277: {  	vm11 =	vgt.f32 v9, v3;
	v14 =	vmpcnt.ones.xlane vm10;
	v18 =	vmpcnt.ones.xlane vm1  }
0x278: {  	vm12 =	vgt.f32 v10, v3;
	v15 =	vmpcnt.ones.xlane vm11;
	v16 =	vmpcnt.ones.xlane vm2  }
0x279: {  	v19 =	vmpcnt.ones.xlane vm12;
	v20 =	vmpcnt.ones.xlane vm3;
	vm13 =	vgt.s32 v14, $0x0  }
0x27a: {  	v14 =	vmpcnt.ones.xlane vm4;
	vm8 =	vgt.s32 v15, $0x0;
	v15 =	vsel vm13, $0x10, v0  }
0x27b: {  	vm5 =	vgt.s32 v19, $0x0;
	v13 =	vadd.s32 v13, v15;
	v15 =	vsel vm8, $0x10, v0  }
0x27c: {  	vm6 =	vgt.s32 v14, $0x0;
	v14 =	vadd.s32 v15, v13;
	v15 =	vsel vm5, $0x10, v0  }
0x27d: {  	vm7 =	vgt.s32 v20, $0x0;
	v19 =	vsel vm6, $0x10, v0;
	v15 =	vadd.s32 v15, v14  }
0x27e: {  	s24 =	simm.s32 $0x80;
	s23 =	simm.s32 $0x400;
	vm9 =	vgt.s32 v16, $0x0;
	v16 =	vadd.s32 v19, v15;
	v19 =	vsel vm7, $0x10, v0  }
.LBB2_44:
0x27f: {  	p0 =	sne.s32 s23, $0x1FE00;
	v20 =	vld [tilespmem:s24+$0x70];
	vm14 =	vgt.s32 v18, $0x0;
	v18 =	vadd.s32 v19, v16;
	v19 =	vsel vm9, $0x10, v0  }
0x280: {  	vm15 =	vgt.s32 v17, $0x0;
	v21 =	vld [tilespmem:s24+$0x60];
	v17 =	vadd.s32 v19, v18;
	v19 =	vsel vm14, $0x10, v0  }
0x281: {  	v22 =	vld [tilespmem:s24+$0x50];
	v23 =	vadd.s32 v1, v17;
	v17 =	vadd.s32 v19, v17;
	v19 =	vsel vm15, $0x10, v0  }
0x282: {  	v25 =	vadd.s32 v1, v18;
	v24 =	vld [tilespmem:s24+$0x40];
	v26 =	vadd.s32 v1, v17;
	v19 =	vadd.s32 v19, v17  }
0x283: {  	v14 =	vadd.s32 v1, v14;
	v15 =	vadd.s32 v1, v15;
	v16 =	vadd.s32 v1, v16;
	v17 =	vld [tilespmem:s24+$0x30]  }
0x284: {  	v27 =	vnsel vm11, $0xFF61B1E6, v9;
	v13 =	vadd.s32 v1, v13;
	v18 =	vnsel vm10, $0xFF61B1E6, v8;
	v8 =	vld [tilespmem:s24+$0x0]  }
0x285: {  	v28 =	vnsel vm12, $0xFF61B1E6, v10;
	v29 =	vnsel vm4, $0xFF61B1E6, v11;
	v30 =	vnsel vm3, $0xFF61B1E6, v7;
	v9 =	vld [tilespmem:s24+$0x10];
	[tilespmem:v12+s16+$0x0] =	vst.idx.msk vm13, v18  }
0x286: {  	v31 =	vnsel vm2, $0xFF61B1E6, v6;
	v32 =	vnsel vm1, $0xFF61B1E6, v5;
	v33 =	vnsel vm0, $0xFF61B1E6, v4;
	v4 =	vmovc v20;
	v5 =	vmovc v21;
	v10 =	vld [tilespmem:s24+$0x20]  }
0x287: {  	vm0 =	vgt.f32 v4, v3;
	v12 =	vadd.s32 v1, v19;
	v6 =	vmovc v22;
	v7 =	vmov v24  }
0x288: {  	vm1 =	vgt.f32 v5, v3;
	vm2 =	vgt.f32 v6, v3;
	vm3 =	vgt.f32 v7, v3;
	v11 =	vmovc v17  }
0x289: {  	v17 =	vmpcnt.ones.xlane vm0;
	vm10 =	vgt.f32 v8, v3;
	vm4 =	vgt.f32 v11, v3;
	[tilespmem:v13+s16+$0x0] =	vst.idx.msk vm8, v27  }
0x28a: {  	v18 =	vmpcnt.ones.xlane vm1;
	vm11 =	vgt.f32 v9, v3;
	v13 =	vmpcnt.ones.xlane vm10;
	[tilespmem:v14+s16+$0x0] =	vst.idx.msk vm5, v28  }
0x28b: {  	v20 =	vmpcnt.ones.xlane vm2;
	vm12 =	vgt.f32 v10, v3;
	v14 =	vmpcnt.ones.xlane vm11;
	[tilespmem:v15+s16+$0x0] =	vst.idx.msk vm6, v29  }
0x28c: {  	v21 =	vmpcnt.ones.xlane vm3;
	v15 =	vmpcnt.ones.xlane vm12;
	vm13 =	vgt.s32 v13, $0x0;
	[tilespmem:v16+s16+$0x0] =	vst.idx.msk vm7, v30  }
.Ltmp27:
0x28d: {  	v16 =	vmpcnt.ones.xlane vm4;
	vm8 =	vgt.s32 v14, $0x0;
	v13 =	vsel vm13, $0x10, v0;
	[tilespmem:v25+s16+$0x0] =	vst.idx.msk vm9, v31;
	(pc) =	sbr.rel @p0 .LBB2_44-.Ltmp27, $4  }
0x28e: {  	vm5 =	vgt.s32 v15, $0x0;
	v13 =	vadd.s32 v19, v13;
	v14 =	vsel vm8, $0x10, v0;
	[tilespmem:v23+s16+$0x0] =	vst.idx.msk vm14, v32  }
0x28f: {  	vm6 =	vgt.s32 v16, $0x0;
	v14 =	vadd.s32 v14, v13;
	v15 =	vsel vm5, $0x10, v0;
	[tilespmem:v26+s16+$0x0] =	vst.idx.msk vm15, v33  }
0x290: {  	vm7 =	vgt.s32 v21, $0x0;
	v16 =	vsel vm6, $0x10, v0;
	v15 =	vadd.s32 v15, v14  }
0x291: {  	s24 =	sshra.s32 s23, $0x2;
	s23 =	sadd.s32 $0x200, s23;
	vm9 =	vgt.s32 v20, $0x0;
	v19 =	vsel vm7, $0x10, v0;
	v16 =	vadd.s32 v16, v15  }
0x292: {  	vm14 =	vgt.s32 v18, $0x0;
	v43 =	vimm.s32 $0x0;
	v44 =	vsel vm9, $0x10, v0  }
0x293: {  	vm15 =	vgt.s32 v17, $0x0;
	v45 =	vimm.s32 $0x0;
	v29 =	vimm.s32 $0x0  }
0x294: {  	v20 =	vld [tilespmem:s24+$0x70];
	v30 =	vimm.s32 $0x0;
	v47 =	vimm.s32 $0x0;
	v32 =	vimm.s32 $0x0  }
0x295: {  	v21 =	vld [tilespmem:s24+$0x60];
	v33 =	vimm.s32 $0x0;
	v50 =	vimm.s32 $0x0;
	v35 =	vimm.s32 $0x0  }
0x296: {  	v23 =	vld [tilespmem:s24+$0x0];
	v36 =	vimm.s32 $0x0;
	v53 =	vimm.s32 $0x0;
	v18 =	vsel vm14, $0xFFFFFFFF, v43  }
0x297: {  	v22 =	vld [tilespmem:s24+$0x50];
	v58 =	vimm.s32 $0x0;
	v61 =	vimm.s32 $0x0;
	v17 =	vsel vm15, $0xFFFFFFFF, v45;
	[tilespmem:$0x1FD00] =	vst v18  }
0x298: {  	v39 =	vimm.s32 $0x0;
	v42 =	vimm.s32 $0x0;
	v13 =	vadd.s32 v1, v13;
	v24 =	vld [tilespmem:s24+$0x10];
	[tilespmem:$0x1FD10] =	vst v17  }
0x299: {  	v14 =	vadd.s32 v1, v14;
	v46 =	vsel vm14, $0x10, v0;
	v25 =	vld [tilespmem:s24+$0x20];
	vm14 =	vgt.f32 v20, v3  }
0x29a: {  	v26 =	vsel vm15, $0x10, v0;
	v45 =	vimm.s32 $0x0;
	v27 =	vld [tilespmem:s24+$0x40];
	v29 =	vsel vm14, $0xFFFFFFFF, v29  }
0x29b: {  	v28 =	vld [tilespmem:s24+$0x30];
	vm15 =	vgt.f32 v23, v3;
	[tilespmem:$0x1FDE0] =	vst v29;
	v29 =	vmpcnt.ones.xlane vm14;
	vm14 =	vgt.f32 v21, v3  }
0x29c: {  	v18 =	vadd.s32 v19, v16;
	v48 =	vmpcnt.ones.xlane vm15;
	v30 =	vsel vm14, $0xFFFFFFFF, v30  }
0x29d: {  	v31 =	vmpcnt.ones.xlane vm14;
	vm14 =	vgt.f32 v24, v3;
	[tilespmem:$0x1FDC0] =	vst v30;
	v30 =	vsel vm15, $0xFFFFFFFF, v47  }
0x29e: {  	v32 =	vsel vm14, $0xFFFFFFFF, v32;
	v49 =	vmpcnt.ones.xlane vm14;
	vm14 =	vgt.f32 v22, v3;
	[tilespmem:$0x1FD20] =	vst v30  }
0x29f: {  	vm15 =	vgt.f32 v25, v3;
	[tilespmem:$0x1FD30] =	vst v32;
	v33 =	vsel vm14, $0xFFFFFFFF, v33;
	v51 =	vmpcnt.ones.xlane vm14  }
0x2a0: {  	v34 =	vmpcnt.ones.xlane vm15;
	vm14 =	vgt.f32 v27, v3;
	[tilespmem:$0x1FDA0] =	vst v33;
	v33 =	vsel vm15, $0xFFFFFFFF, v50  }
0x2a1: {  	v35 =	vsel vm14, $0xFFFFFFFF, v35;
	v52 =	vmpcnt.ones.xlane vm14;
	vm14 =	vgt.f32 v28, v3;
	[tilespmem:$0x1FD50] =	vst v33  }
0x2a2: {  	vm15 =	vgt.s32 v48, $0x0;
	[tilespmem:$0x1FD80] =	vst v35;
	v36 =	vsel vm14, $0xFFFFFFFF, v36;
	v54 =	vmpcnt.ones.xlane vm14  }
0x2a3: {  	v17 =	vadd.s32 v44, v18;
	v30 =	vsel vm15, $0xFFFFFFFF, v53;
	vm14 =	vgt.s32 v34, $0x0;
	[tilespmem:$0x1FD60] =	vst v36  }
0x2a4: {  	[tilespmem:$0x1FD40] =	vst v30;
	v34 =	vsel vm14, $0xFFFFFFFF, v58;
	v60 =	vsel vm14, $0x10, v0;
	vm14 =	vgt.s32 v54, $0x0  }
0x2a5: {  	[tilespmem:$0x1FD70] =	vst v34;
	v30 =	vsel vm14, $0xFFFFFFFF, v61;
	v63 =	vsel vm14, $0x10, v0;
	vm14 =	vgt.s32 v52, $0x0  }
0x2a6: {  	[tilespmem:$0x1FD90] =	vst v30;
	v35 =	vsel vm14, $0xFFFFFFFF, v39;
	v41 =	vsel vm14, $0x10, v0;
	vm14 =	vgt.s32 v51, $0x0  }
0x2a7: {  	[tilespmem:$0x1FDB0] =	vst v35;
	v33 =	vsel vm14, $0xFFFFFFFF, v42;
	v44 =	vsel vm14, $0x10, v0;
	vm14 =	vgt.s32 v31, $0x0  }
0x2a8: {  	v15 =	vadd.s32 v1, v15;
	[tilespmem:$0x1FDD0] =	vst v33;
	v31 =	vsel vm14, $0xFFFFFFFF, v45  }
0x2a9: {  	v8 =	vnsel vm10, $0xFF61B1E6, v8;
	v50 =	vadd.s32 v1, v16;
	[tilespmem:$0x1FDF0] =	vst v31  }
0x2aa: {  	v9 =	vnsel vm11, $0xFF61B1E6, v9;
	v51 =	vadd.s32 v1, v18;
	[tilespmem:v12+s16+$0x0] =	vst.idx.msk vm13, v8  }
0x2ab: {  	v10 =	vnsel vm12, $0xFF61B1E6, v10;
	[tilespmem:v13+s16+$0x0] =	vst.idx.msk vm8, v9  }
0x2ac: {  	v11 =	vnsel vm4, $0xFF61B1E6, v11;
	[tilespmem:v14+s16+$0x0] =	vst.idx.msk vm5, v10  }
0x2ad: {  	v7 =	vnsel vm3, $0xFF61B1E6, v7;
	[tilespmem:v15+s16+$0x0] =	vst.idx.msk vm6, v11  }
0x2ae: {  	v6 =	vnsel vm2, $0xFF61B1E6, v6;
	[tilespmem:v50+s16+$0x0] =	vst.idx.msk vm7, v7  }
0x2af: {  	[tilespmem:v51+s16+$0x0] =	vst.idx.msk vm9, v6  }
0x2b0: {  	v8 =	vld [tilespmem:$0x1FD00];
	_ =	sdelay $0x4  }
0x2b1: {  	vm9 =	vnez.u8 v8  }
0x2b2: {  	v52 =	vadd.s32 v1, v17;
	_ =	sdelay $0x2  }
0x2b3: {  	v5 =	vnsel vm1, $0xFF61B1E6, v5;
	v19 =	vadd.s32 v46, v17  }
0x2b4: {  	v26 =	vadd.s32 v26, v19;
	v55 =	vsel vm15, $0x10, v0;
	vm15 =	vgt.s32 v49, $0x0  }
0x2b5: {  	v56 =	vadd.s32 v26, v55;
	v57 =	vsel vm15, $0x10, v0;
	[tilespmem:v52+s16+$0x0] =	vst.idx.msk vm9, v5  }
0x2b6: {  	v59 =	vadd.s32 v57, v56;
	v57 =	vld [tilespmem:$0x1FD10];
	_ =	sdelay $0x4  }
0x2b7: {  	vm10 =	vnez.u8 v57  }
0x2b8: {  	v53 =	vadd.s32 v1, v19;
	_ =	sdelay $0x3  }
0x2b9: {  	v4 =	vnsel vm0, $0xFF61B1E6, v4  }
0x2ba: {  	[tilespmem:v53+s16+$0x0] =	vst.idx.msk vm10, v4  }
0x2bb: {  	v12 =	vld [tilespmem:$0x1FD40];
	_ =	sdelay $0x3  }
0x2bc: {  	v58 =	vld [tilespmem:$0x1FD20]  }
0x2bd: {  	v10 =	vld [tilespmem:$0x1FD30];
	vm13 =	vnez.u8 v12  }
0x2be: {  	v54 =	vadd.s32 v1, v26  }
0x2bf: {  	v55 =	vadd.s32 v1, v56;
	_ =	sdelay $0x1  }
0x2c0: {  	vm11 =	vnez.u8 v58  }
0x2c1: {  	vm12 =	vnez.u8 v10;
	v8 =	vnsel vm11, $0xFF61B1E6, v23  }
0x2c2: {  	v10 =	vnsel vm12, $0xFF61B1E6, v24;
	[tilespmem:v54+s16+$0x0] =	vst.idx.msk vm13, v8  }
0x2c3: {  	v62 =	vadd.s32 v60, v59;
	v11 =	vld [tilespmem:$0x1FD50];
	[tilespmem:v55+s16+$0x0] =	vst.idx.msk vm15, v10  }
0x2c4: {  	v40 =	vadd.s32 v63, v62;
	v5 =	vadd.s32 v1, v62;
	v62 =	vld [tilespmem:$0x1FD70];
	_ =	sdelay $0x4  }
0x2c5: {  	vm6 =	vnez.u8 v62  }
0x2c6: {  	v56 =	vadd.s32 v1, v59;
	_ =	sdelay $0x2  }
0x2c7: {  	vm4 =	vnez.u8 v11  }
0x2c8: {  	v11 =	vnsel vm4, $0xFF61B1E6, v25  }
0x2c9: {  	v10 =	vld [tilespmem:$0x1FD60];
	[tilespmem:v56+s16+$0x0] =	vst.idx.msk vm6, v11  }
0x2ca: {  	v11 =	vld [tilespmem:$0x1FD90];
	_ =	sdelay $0x4  }
0x2cb: {  	vm8 =	vnez.u8 v11;
	_ =	sdelay $0x3  }
0x2cc: {  	vm5 =	vnez.u8 v10  }
0x2cd: {  	v10 =	vnsel vm5, $0xFF61B1E6, v28  }
0x2ce: {  	v6 =	vld [tilespmem:$0x1FD80];
	[tilespmem:v5+s16+$0x0] =	vst.idx.msk vm8, v10  }
0x2cf: {  	v10 =	vld [tilespmem:$0x1FDB0];
	_ =	sdelay $0x3  }
0x2d0: {  	v43 =	vadd.s32 v41, v40  }
0x2d1: {  	v46 =	vadd.s32 v44, v43;
	vm10 =	vnez.u8 v10  }
0x2d2: {  	v47 =	vsel vm14, $0x10, v0;
	vm14 =	vgt.s32 v29, $0x0;
	v4 =	vadd.s32 v1, v40  }
0x2d3: {  	v48 =	vadd.s32 v47, v46;
	v49 =	vsel vm14, $0x10, v0  }
0x2d4: {  	v36 =	vadd.s32 v49, v48  }
0x2d5: {  	(v2sf) =	vpush v36, $0x0;
	vm7 =	vnez.u8 v6  }
0x2d6: {  	v6 =	vnsel vm7, $0xFF61B1E6, v27  }
0x2d7: {  	v5 =	vld [tilespmem:$0x1FDA0];
	[tilespmem:v4+s16+$0x0] =	vst.idx.msk vm10, v6  }
0x2d8: {  	v6 =	vld [tilespmem:$0x1FDD0];
	_ =	sdelay $0x4  }
0x2d9: {  	vm12 =	vnez.u8 v6  }
0x2da: {  	v59 =	vadd.s32 v1, v43;
	_ =	sdelay $0x2  }
0x2db: {  	vm9 =	vnez.u8 v5  }
0x2dc: {  	v5 =	vnsel vm9, $0xFF61B1E6, v22  }
0x2dd: {  	v4 =	vld [tilespmem:$0x1FDC0];
	[tilespmem:v59+s16+$0x0] =	vst.idx.msk vm12, v5  }
0x2de: {  	s23 =	spop (v2sf);
	v63 =	vld [tilespmem:$0x1FDF0]  }
0x2df: {  	s30 =	sand.u32 $0xF, s23  }
0x2e0: {  	s25 =	sshra.s32 s23, $0x1F;
	p0 =	slt.s32 s23, $0x1;
	p1 =	sne.s32 s30, $0x0  }
0x2e1: {  	s31 =	sshrl.u32 s25, $0x1C;
	p0 =	por !p0, !p1  }
0x2e2: {  	s24 =	simm.s32 $0x1;
	s23 =	sadd.s32 s31, s23;
	p0 =	por !p0, !p0  }
0x2e3: {  	s23 =	sshra.s32 s23, $0x4;
	s24 =	simm.s32 @!p0 $0x0;
	v5 =	vld [tilespmem:$0x1FDE0];
	vm15 =	vnez.u8 v63  }
0x2e4: {  	v60 =	vadd.s32 v1, v46;
	s26 =	ssub.s32 s23, s24  }
0x2e5: {  	v61 =	vadd.s32 v1, v48;
	p0 =	slt.s32 s26, $0x1  }
.Ltmp28:
0x2e6: {  	_ = 	snop;
	(pc) =	sbr.rel @p0 .LBB2_52-.Ltmp28, $4  }
0x2e7: {  	vm11 =	vnez.u8 v4  }
0x2e8: {  	v4 =	vnsel vm11, $0xFF61B1E6, v21;
	vm13 =	vnez.u8 v5  }
0x2e9: {  	v5 =	vnsel vm13, $0xFF61B1E6, v20;
	[tilespmem:v60+s16+$0x0] =	vst.idx.msk vm15, v4  }
0x2ea: {  	s25 =	simm.s32 $0x0;
	s23 =	simm.s32 $0x0;
	s24 =	simm.s32 $0x10000;
	[tilespmem:v61+s16+$0x0] =	vst.idx.msk vm14, v5  }
0x2eb: {  	p1 =	sne.s32 s26, $0x1  }
.Ltmp29:
0x2ec: {  	_ = 	snop;
	(pc) =	sbr.rel @!p1 .LBB2_47-.Ltmp29, $2  }
0x2ed: {  	_ =	sdelay $0x2  }
0x2ee: {  	v4 =	vld [tilespmem:s24+$0x0];
	s26 =	sadd.s32 $0xFFFFFFFF, s26;
	p0 =	por $0x0, $0x0  }
0x2ef: {  	_ =	sdelay $0x3  }
0x2f0: {  	vm0 =	vgt.f32 v4, v3  }
0x2f1: {  	v5 =	vmpcnt.ones.xlane vm0;
	_ =	sdelay $0x1  }
0x2f2: {  	(v2sf) =	vpush v5, $0x0;
	_ =	sdelay $0x2  }
0x2f3: {  	p1 =	sne.s32 s26, $0x1  }
.Ltmp30:
0x2f4: {  	_ = 	snop;
	(pc) =	sbr.rel @!p1 .LBB2_49-.Ltmp30, $3  }
0x2f5: {  	_ =	sdelay $0x1  }
0x2f6: {  	s25 =	sadd.s32 $0x10, s24;
	[tilespmem:s23+$0x10000] =	vst.msk vm0, v4  }
0x2f7: {  	s26 =	sadd.s32 $0xFFFFFFFF, s26;
	p0 =	por $0x1, $0x1;
	s24 =	simm.s32 $0x0;
	v4 =	vld [tilespmem:s25+$0x0]  }
.LBB2_50:
0x2f8: {  	p1 =	sne.s32 s26, $0x1;
	_ =	sdelay $0x3  }
0x2f9: {  	vm0 =	vgt.f32 v4, v3  }
0x2fa: {  	v5 =	vmpcnt.ones.xlane vm0  }
0x2fb: {  	s28 =	spop (v2sf)  }
0x2fc: {  	(v2sf) =	vpush v5, $0x0;
	s24 =	sadd.s32 s24, s28  }
0x2fd: {  	[tilespmem:s24+$0x10000] =	vst.msk vm0, v4;
	_ =	sdelay $0x2  }
.Ltmp31:
0x2fe: {  	(pc) =	sbr.rel @p1 .LBB2_50-.Ltmp31, $3  }
0x2ff: {  	_ =	sdelay $0x1  }
0x300: {  	s25 =	sadd.s32 $0x10, s25  }
0x301: {  	s26 =	sadd.s32 $0xFFFFFFFF, s26;
	v4 =	vld [tilespmem:s25+$0x0]  }
.LBB2_51:
0x302: {  	_ =	sdelay $0x3  }
0x303: {  	vm0 =	vgt.f32 v4, v3  }
0x304: {  	v3 =	vmpcnt.ones.xlane vm0;
	_ =	sdelay $0x1  }
0x305: {  	(v2sf) =	vpush v3, $0x0;
	_ =	sdelay $0xc  }
0x306: {  	s25 =	spop @p0 (v2sf)  }
0x307: {  	s24 =	sadd.s32 @p0 s24, s25;
	s25 =	simm.s32 $0x0  }
0x308: {  	s25 =	smov.u32 @p0 s24;
	s31 =	spop (v2sf)  }
0x309: {  	[tilespmem:s25+$0x10000] =	vst.msk vm0, v4;
	s25 =	sadd.s32 s25, s31  }
.LBB2_52:
0x30a: {  	s24 =	sadd.s32 $0xF, s25  }
0x30b: {  	s26 =	sand.u32 $0xF, s24  }
0x30c: {  	s28 =	sshra.s32 s24, $0x1F;
	p0 =	slt.s32 s24, $0x1;
	p1 =	sne.s32 s26, $0x0  }
.Ltmp32:
0x30d: {  	s31 =	sshrl.u32 s28, $0x1C;
	p0 =	por !p0, !p1;
	(pc) =	sbr.rel .LBB2_53-.Ltmp32, $4  }
0x30e: {  	s26 =	simm.s32 $0x1;
	s24 =	sadd.s32 s31, s24;
	p0 =	por !p0, !p0  }
0x30f: {  	s24 =	sshra.s32 s24, $0x4;
	s26 =	simm.s32 @!p0 $0x0  }
0x310: {  	s24 =	ssub.s32 s24, s26  }
0x311: {  	[tilespmem:s25+$0x10000] =	vst v2;
	p0 =	slt.s32 s24, $0x1  }
.LBB2_54:
0x312: {  	v3 =	vimm.f32 $0.0e+00  }
.LBB2_58:
0x313: {  	(xrf2) =	vadd.scan.msk.f32 $0xffff, v3;
	_ =	sdelay $0x9  }
0x314: {  	v3, _, _ =	vpop (xrf2)  }
0x315: {  	(v2sf) =	vpush v3, $0xF;
	_ =	sdelay $0xe  }
0x316: {  	s26 =	spop (v2sf)  }
0x317: {  	p1 =	sge.f32 s26, $1.000000000e+00  }
0x318: {  	s23 =	sadd.s32 $0x1, s23  }
0x319: {  	s22 =	smov.u32 @p1 s25;
	s25 =	smov.u32 @p1 s21;
	p1 =	seq.s32 s23, $0x1A  }
.Ltmp33:
0x31a: {  	_ = 	snop;
	(pc) =	sbr.rel @p1 .LBB2_59-.Ltmp33, $2  }
0x31b: {  	_ =	sdelay $0x2  }
0x31c: {  	s21 =	smov.u32 s25  }
.LBB2_53:
.Ltmp34:
0x31d: {  	(pc) =	sbr.rel @p0 .LBB2_54-.Ltmp34, $3  }
0x31e: {  	_ = 	snop  }
0x31f: {  	s25 =	sadd.f32 s21, s22;
	_ =	sdelay $0x1  }
0x320: {  	s25 =	smul.f32 $5.000000000e-01, s25  }
0x321: {  	s26 =	simm.s32 $0x10000  }
0x322: {  	p1 =	sne.s32 s24, $0x1;
	v5 =	vld [tilespmem:s26+$0x0]  }
.Ltmp35:
0x323: {  	_ = 	snop;
	(pc) =	sbr.rel @!p1 .LBB2_57-.Ltmp35, $3  }
0x324: {  	_ =	sdelay $0x1  }
0x325: {  	v4 =	vmov s25  }
0x326: {  	v3 =	vimm.f32 $0.0e+00;
	s28 =	simm.s32 $0x10010;
	s26 =	sadd.s32 $0xFFFFFFFF, s24;
	v5 =	vsub.f32 v5, v4  }
.LBB2_56:
0x327: {  	v6 =	vld [tilespmem:s28+$0x0];
	p1 =	sne.s32 s26, $0x1;
	s26 =	sadd.s32 $0xFFFFFFFF, s26  }
.Ltmp36:
0x328: {  	v5 =	vmax.f32 v5, $0.0e+00;
	(pc) =	sbr.rel @p1 .LBB2_56-.Ltmp36, $2  }
0x329: {  	v3 =	vadd.f32 v5, v3;
	_ =	sdelay $0x2  }
0x32a: {  	s28 =	sadd.s32 $0x10, s28;
	v5 =	vsub.f32 v6, v4  }
.LBB2_57:
.Ltmp37:
0x32b: {  	(pc) =	sbr.rel .LBB2_58-.Ltmp37, $3  }
0x32c: {  	_ = 	snop  }
0x32d: {  	v4 =	vmax.f32 v5, $0.0e+00  }
0x32e: {  	v3 =	vadd.f32 v4, v3;
	_ =	sdelay $0x1  }
.LBB2_59:
0x32f: {  	v3 =	vmov s22;
	s22 =	simm.s32 $0x0  }
0x330: {  	v4 =	vld [tilespmem:s22+$0x70]  }
0x331: {  	v6 =	vld [tilespmem:s22+$0x0]  }
0x332: {  	v9 =	vld [tilespmem:s22+$0x10]  }
0x333: {  	v8 =	vld [tilespmem:s22+$0x20]  }
0x334: {  	v7 =	vld [tilespmem:s22+$0x30]  }
0x335: {  	v5 =	vld [tilespmem:s22+$0x40];
	v11 =	vsub.f32 v4, v3  }
0x336: {  	v4 =	vld [tilespmem:s22+$0x50];
	v10 =	vsub.f32 v6, v3  }
0x337: {  	s21 =	simm.s32 $0x80;
	s23 =	simm.s32 $0x400;
	v9 =	vsub.f32 v9, v3;
	v6 =	vld [tilespmem:s22+$0x60];
	v11 =	vmax.f32 v11, $0.0e+00  }
.LBB2_60:
0x338: {  	p0 =	sne.s32 s23, $0x1FE00;
	v12 =	vld [tilespmem:s21+$0x70];
	v10 =	vmax.f32 v10, $0.0e+00;
	v8 =	vsub.f32 v8, v3;
	[tilespmem:s22+$0x70] =	vst v11  }
0x339: {  	v11 =	vld [tilespmem:s21+$0x0];
	[tilespmem:s22+$0x0] =	vst v10;
	v9 =	vmax.f32 v9, $0.0e+00;
	v7 =	vsub.f32 v7, v3  }
0x33a: {  	v13 =	vld [tilespmem:s21+$0x10];
	[tilespmem:s22+$0x10] =	vst v9;
	v9 =	vmax.f32 v8, $0.0e+00;
	v5 =	vsub.f32 v5, v3  }
.Ltmp38:
0x33b: {  	v8 =	vld [tilespmem:s21+$0x20];
	[tilespmem:s22+$0x20] =	vst v9;
	v9 =	vmax.f32 v7, $0.0e+00;
	v4 =	vsub.f32 v4, v3;
	(pc) =	sbr.rel @p0 .LBB2_60-.Ltmp38, $4  }
0x33c: {  	v7 =	vld [tilespmem:s21+$0x30];
	[tilespmem:s22+$0x30] =	vst v9;
	v9 =	vmax.f32 v5, $0.0e+00;
	v6 =	vsub.f32 v6, v3  }
0x33d: {  	v5 =	vld [tilespmem:s21+$0x40];
	v12 =	vsub.f32 v12, v3;
	[tilespmem:s22+$0x40] =	vst v9;
	v9 =	vmax.f32 v4, $0.0e+00  }
0x33e: {  	v10 =	vsub.f32 v11, v3;
	v4 =	vld [tilespmem:s21+$0x50];
	[tilespmem:s22+$0x50] =	vst v9;
	v14 =	vmax.f32 v6, $0.0e+00  }
0x33f: {  	v9 =	vsub.f32 v13, v3;
	v6 =	vld [tilespmem:s21+$0x60];
	v11 =	vmax.f32 v12, $0.0e+00;
	[tilespmem:s22+$0x60] =	vst v14;
	s22 =	smov.u32 s21;
	s21 =	sshra.s32 s23, $0x2;
	s23 =	sadd.s32 $0x200, s23  }
0x340: {  	v12 =	vld [tilespmem:s21+$0x70];
	v10 =	vmax.f32 v10, $0.0e+00;
	v8 =	vsub.f32 v8, v3;
	[tilespmem:s22+$0x70] =	vst v11  }
0x341: {  	v11 =	vld [tilespmem:s21+$0x0];
	[tilespmem:s22+$0x0] =	vst v10;
	v9 =	vmax.f32 v9, $0.0e+00;
	v7 =	vsub.f32 v7, v3  }
0x342: {  	v10 =	vld [tilespmem:s21+$0x10];
	[tilespmem:s22+$0x10] =	vst v9;
	v8 =	vmax.f32 v8, $0.0e+00;
	v5 =	vsub.f32 v5, v3  }
0x343: {  	v9 =	vld [tilespmem:s21+$0x20];
	[tilespmem:s22+$0x20] =	vst v8;
	v7 =	vmax.f32 v7, $0.0e+00;
	v4 =	vsub.f32 v4, v3  }
0x344: {  	v8 =	vld [tilespmem:s21+$0x30];
	[tilespmem:s22+$0x30] =	vst v7;
	v5 =	vmax.f32 v5, $0.0e+00;
	v6 =	vsub.f32 v6, v3  }
0x345: {  	v7 =	vld [tilespmem:s21+$0x40];
	v12 =	vsub.f32 v12, v3;
	[tilespmem:s22+$0x40] =	vst v5;
	v4 =	vmax.f32 v4, $0.0e+00  }
0x346: {  	v5 =	vsub.f32 v11, v3;
	v11 =	vld [tilespmem:s21+$0x50];
	[tilespmem:s22+$0x50] =	vst v4;
	v4 =	vmax.f32 v6, $0.0e+00  }
0x347: {  	v6 =	vsub.f32 v10, v3;
	v10 =	vld [tilespmem:s21+$0x60];
	v12 =	vmax.f32 v12, $0.0e+00;
	[tilespmem:s22+$0x60] =	vst v4  }
0x348: {  	v4 =	vmax.f32 v5, $0.0e+00;
	v5 =	vsub.f32 v9, v3;
	[tilespmem:s21+$0x70] =	vst v12  }
0x349: {  	[tilespmem:s21+$0x0] =	vst v4;
	v4 =	vmax.f32 v6, $0.0e+00;
	v6 =	vsub.f32 v8, v3  }
0x34a: {  	[tilespmem:s21+$0x10] =	vst v4;
	v4 =	vmax.f32 v5, $0.0e+00;
	v5 =	vsub.f32 v7, v3  }
0x34b: {  	[tilespmem:s21+$0x20] =	vst v4;
	v4 =	vmax.f32 v6, $0.0e+00;
	v6 =	vsub.f32 v11, v3  }
0x34c: {  	[tilespmem:s21+$0x30] =	vst v4;
	v4 =	vmax.f32 v5, $0.0e+00;
	v3 =	vsub.f32 v10, v3  }
0x34d: {  	[tilespmem:s21+$0x40] =	vst v4;
	v4 =	vmax.f32 v6, $0.0e+00  }
0x34e: {  	[tilespmem:s21+$0x50] =	vst v4;
	v3 =	vmax.f32 v3, $0.0e+00  }
0x34f: {  	[tilespmem:s21+$0x60] =	vst v3  }
0x350: {  	[hbm4b:s9+s14] =	stream.strided.scatter [tilespmem:s2], [sflag:$0x3], $0x8000, s12, s14, $0x38;
	[tilespmem:$0x18080] =	vst v63  }
0x351: {  	_ =	swait.ge [sflag:s17], $0x8000  }
0x352: {  	[sflag:s17] =	ssyncset.done $0x0  }
0x353: {  	s31 =	simm.s32 $0x8080;
	[sflag:s17] =	ssyncadd.s32 $0xFFFF8000  }
0x354: {  	v5 =	vld [tilespmem:s31+$0x40]  }
0x355: {  	v3 =	vld [tilespmem:s31+$0x50]  }
0x356: {  	v4 =	vld [tilespmem:s31+$0x60]  }
0x357: {  	v11 =	vld [tilespmem:s31+$0x0]  }
0x358: {  	v6 =	vld [tilespmem:s31+$0x10]  }
0x359: {  	v7 =	vld [tilespmem:s31+$0x20]  }
0x35a: {  	v12 =	vld [tilespmem:s31+$0xFFFFFFC0]  }
0x35b: {  	v8 =	vld [tilespmem:s31+$0xFFFFFFD0]  }
0x35c: {  	v13 =	vld [tilespmem:s31+$0xFFFFFF80]  }
0x35d: {  	v10 =	vld [tilespmem:s31+$0xFFFFFFE0]  }
0x35e: {  	v15 =	vld [tilespmem:s31+$0xFFFFFF90]  }
0x35f: {  	v16 =	vld [tilespmem:s31+$0xFFFFFFA0]  }
0x360: {  	v9 =	vimm.f32 $-3.000000010e+38;
	v18 =	vld [tilespmem:s31+$0xFFFFFFB0]  }
0x361: {  	v17 =	vld [tilespmem:s31+$0xFFFFFFF0];
	v13 =	vmax.f32 v9, v13  }
0x362: {  	v14 =	vld [tilespmem:s31+$0x30];
	v12 =	vmax.f32 v13, v12  }
0x363: {  	s22 =	simm.s32 $0x8180;
	s21 =	simm.s32 $0x0;
	v13 =	vld [tilespmem:s31+$0x70];
	v19 =	vmax.f32 v12, v11;
	v11 =	vimm.f32 $-3.000000010e+38;
	v12 =	vimm.f32 $-3.000000010e+38  }
.LBB2_62:
0x364: {  	v19 =	vmax.f32 v19, v5;
	v5 =	vld [tilespmem:s22+$0x40]  }
0x365: {  	v9 =	vmax.f32 v9, v15;
	v11 =	vmax.f32 v11, v16;
	v20 =	vld [tilespmem:s22+$0x50];
	v12 =	vmax.f32 v12, v18  }
0x366: {  	v8 =	vmax.f32 v9, v8;
	v9 =	vmax.f32 v11, v10;
	v15 =	vld [tilespmem:s22+$0x60];
	v10 =	vmax.f32 v12, v17  }
0x367: {  	v8 =	vmax.f32 v8, v6;
	v7 =	vmax.f32 v9, v7;
	v21 =	vld [tilespmem:s22+$0x0];
	v10 =	vmax.f32 v10, v14  }
0x368: {  	v9 =	vmax.f32 v8, v3;
	v11 =	vmax.f32 v7, v4;
	v6 =	vld [tilespmem:s22+$0x10];
	v12 =	vmax.f32 v10, v13  }
0x369: {  	v7 =	vld [tilespmem:s22+$0x20]  }
0x36a: {  	v13 =	vld [tilespmem:s22+$0xFFFFFFC0];
	v3 =	vmov v20  }
0x36b: {  	v8 =	vld [tilespmem:s22+$0xFFFFFFD0];
	v4 =	vmov v15  }
0x36c: {  	v14 =	vld [tilespmem:s22+$0xFFFFFF80]  }
0x36d: {  	s21 =	sadd.s32 $0x2, s21;
	v10 =	vld [tilespmem:s22+$0xFFFFFFE0]  }
0x36e: {  	p0 =	slt.u32 s21, $0xFE;
	v15 =	vld [tilespmem:s22+$0xFFFFFF90]  }
.Ltmp39:
0x36f: {  	v16 =	vld [tilespmem:s22+$0xFFFFFFA0];
	(pc) =	sbr.rel @p0 .LBB2_62-.Ltmp39, $4  }
0x370: {  	v18 =	vld [tilespmem:s22+$0xFFFFFFB0]  }
0x371: {  	v14 =	vmax.f32 v19, v14;
	v17 =	vld [tilespmem:s22+$0xFFFFFFF0]  }
0x372: {  	v13 =	vmax.f32 v14, v13;
	v14 =	vld [tilespmem:s22+$0x30]  }
0x373: {  	v19 =	vmax.f32 v13, v21;
	v13 =	vld [tilespmem:s22+$0x70];
	s22 =	sadd.s32 $0x100, s22  }
0x374: {  	v5 =	vmax.f32 v19, v5  }
0x375: {  	v9 =	vmax.f32 v9, v15;
	v11 =	vmax.f32 v11, v16;
	v12 =	vmax.f32 v12, v18  }
0x376: {  	v8 =	vmax.f32 v9, v8;
	v9 =	vmax.f32 v11, v10;
	v10 =	vmax.f32 v12, v17  }
0x377: {  	v6 =	vmax.f32 v8, v6;
	v7 =	vmax.f32 v9, v7;
	v8 =	vmax.f32 v10, v14  }
0x378: {  	v3 =	vmax.f32 v6, v3;
	v4 =	vmax.f32 v7, v4;
	v6 =	vmax.f32 v8, v13  }
0x379: {  	v3 =	vmax.f32 v5, v3;
	v4 =	vmax.f32 v4, v6  }
0x37a: {  	v3 =	vmax.f32 v3, v4  }
0x37b: {  	(xrf0) =	vmax.scan.msk.f32 $0xffff, v3;
	_ =	sdelay $0x5  }
0x37c: {  	v3, _, _ =	vpop (xrf0)  }
0x37d: {  	(v2sf) =	vpush v3, $0xF;
	_ =	sdelay $0xe  }
0x37e: {  	s21 =	spop (v2sf)  }
0x37f: {  	_ =	swait.ge [sflag:s18], $0x8000  }
0x380: {  	[sflag:s18] =	ssyncset.done $0x0  }
0x381: {  	s23 =	simm.s32 $0x0;
	[sflag:s18] =	ssyncadd.s32 $0xFFFF8000  }
0x382: {  	v4 =	vld [tilespmem:s23+$0x8070]  }
0x383: {  	v5 =	vld [tilespmem:s23+$0x8060]  }
0x384: {  	v6 =	vld [tilespmem:s23+$0x8050]  }
0x385: {  	v7 =	vld [tilespmem:s23+$0x8040]  }
0x386: {  	v11 =	vld [tilespmem:s23+$0x8030]  }
0x387: {  	s22 =	sadd.f32 $-1.000000000e+00, s21;
	v8 =	vld [tilespmem:s23+$0x8000]  }
0x388: {  	v9 =	vld [tilespmem:s23+$0x8010]  }
0x389: {  	v13 =	vimm.s32 $0x0;
	v3 =	vmov s22;
	v10 =	vld [tilespmem:s23+$0x8020]  }
0x38a: {  	v12 =	vadd.s32 v1, v13;
	vm0 =	vgt.f32 v4, v3  }
0x38b: {  	vm3 =	vgt.f32 v7, v3;
	vm2 =	vgt.f32 v6, v3;
	vm1 =	vgt.f32 v5, v3  }
0x38c: {  	vm10 =	vgt.f32 v8, v3;
	vm4 =	vgt.f32 v11, v3;
	v17 =	vmpcnt.ones.xlane vm0  }
0x38d: {  	vm11 =	vgt.f32 v9, v3;
	v14 =	vmpcnt.ones.xlane vm10;
	v18 =	vmpcnt.ones.xlane vm1  }
0x38e: {  	vm12 =	vgt.f32 v10, v3;
	v15 =	vmpcnt.ones.xlane vm11;
	v16 =	vmpcnt.ones.xlane vm2  }
0x38f: {  	v19 =	vmpcnt.ones.xlane vm12;
	v20 =	vmpcnt.ones.xlane vm3;
	vm13 =	vgt.s32 v14, $0x0  }
0x390: {  	v14 =	vmpcnt.ones.xlane vm4;
	vm8 =	vgt.s32 v15, $0x0;
	v15 =	vsel vm13, $0x10, v0  }
0x391: {  	vm5 =	vgt.s32 v19, $0x0;
	v13 =	vadd.s32 v13, v15;
	v15 =	vsel vm8, $0x10, v0  }
0x392: {  	vm6 =	vgt.s32 v14, $0x0;
	v14 =	vadd.s32 v15, v13;
	v15 =	vsel vm5, $0x10, v0  }
0x393: {  	vm7 =	vgt.s32 v20, $0x0;
	v19 =	vsel vm6, $0x10, v0;
	v15 =	vadd.s32 v15, v14  }
0x394: {  	s24 =	simm.s32 $0x80;
	s23 =	simm.s32 $0x400;
	vm9 =	vgt.s32 v16, $0x0;
	v16 =	vadd.s32 v19, v15;
	v19 =	vsel vm7, $0x10, v0  }
.LBB2_64:
0x395: {  	p0 =	sne.s32 s23, $0x1FE00;
	v20 =	vld [tilespmem:s24+$0x8070];
	vm14 =	vgt.s32 v18, $0x0;
	v18 =	vadd.s32 v19, v16;
	v19 =	vsel vm9, $0x10, v0  }
0x396: {  	vm15 =	vgt.s32 v17, $0x0;
	v21 =	vld [tilespmem:s24+$0x8060];
	v17 =	vadd.s32 v19, v18;
	v19 =	vsel vm14, $0x10, v0  }
0x397: {  	v22 =	vld [tilespmem:s24+$0x8050];
	v23 =	vadd.s32 v1, v17;
	v17 =	vadd.s32 v19, v17;
	v19 =	vsel vm15, $0x10, v0  }
0x398: {  	v25 =	vadd.s32 v1, v18;
	v24 =	vld [tilespmem:s24+$0x8040];
	v26 =	vadd.s32 v1, v17;
	v19 =	vadd.s32 v19, v17  }
0x399: {  	v14 =	vadd.s32 v1, v14;
	v15 =	vadd.s32 v1, v15;
	v16 =	vadd.s32 v1, v16;
	v17 =	vld [tilespmem:s24+$0x8030]  }
0x39a: {  	v27 =	vnsel vm11, $0xFF61B1E6, v9;
	v13 =	vadd.s32 v1, v13;
	v18 =	vnsel vm10, $0xFF61B1E6, v8;
	v8 =	vld [tilespmem:s24+$0x8000]  }
0x39b: {  	v28 =	vnsel vm12, $0xFF61B1E6, v10;
	v29 =	vnsel vm4, $0xFF61B1E6, v11;
	v30 =	vnsel vm3, $0xFF61B1E6, v7;
	v9 =	vld [tilespmem:s24+$0x8010];
	[tilespmem:v12+s16+$0x0] =	vst.idx.msk vm13, v18  }
0x39c: {  	v31 =	vnsel vm2, $0xFF61B1E6, v6;
	v32 =	vnsel vm1, $0xFF61B1E6, v5;
	v33 =	vnsel vm0, $0xFF61B1E6, v4;
	v4 =	vmovc v20;
	v5 =	vmovc v21;
	v10 =	vld [tilespmem:s24+$0x8020]  }
0x39d: {  	vm0 =	vgt.f32 v4, v3;
	v12 =	vadd.s32 v1, v19;
	v6 =	vmovc v22;
	v7 =	vmov v24  }
0x39e: {  	vm1 =	vgt.f32 v5, v3;
	vm2 =	vgt.f32 v6, v3;
	vm3 =	vgt.f32 v7, v3;
	v11 =	vmovc v17  }
0x39f: {  	v17 =	vmpcnt.ones.xlane vm0;
	vm10 =	vgt.f32 v8, v3;
	vm4 =	vgt.f32 v11, v3;
	[tilespmem:v13+s16+$0x0] =	vst.idx.msk vm8, v27  }
0x3a0: {  	v18 =	vmpcnt.ones.xlane vm1;
	vm11 =	vgt.f32 v9, v3;
	v13 =	vmpcnt.ones.xlane vm10;
	[tilespmem:v14+s16+$0x0] =	vst.idx.msk vm5, v28  }
0x3a1: {  	v20 =	vmpcnt.ones.xlane vm2;
	vm12 =	vgt.f32 v10, v3;
	v14 =	vmpcnt.ones.xlane vm11;
	[tilespmem:v15+s16+$0x0] =	vst.idx.msk vm6, v29  }
0x3a2: {  	v21 =	vmpcnt.ones.xlane vm3;
	v15 =	vmpcnt.ones.xlane vm12;
	vm13 =	vgt.s32 v13, $0x0;
	[tilespmem:v16+s16+$0x0] =	vst.idx.msk vm7, v30  }
.Ltmp40:
0x3a3: {  	v16 =	vmpcnt.ones.xlane vm4;
	vm8 =	vgt.s32 v14, $0x0;
	v13 =	vsel vm13, $0x10, v0;
	[tilespmem:v25+s16+$0x0] =	vst.idx.msk vm9, v31;
	(pc) =	sbr.rel @p0 .LBB2_64-.Ltmp40, $4  }
0x3a4: {  	vm5 =	vgt.s32 v15, $0x0;
	v13 =	vadd.s32 v19, v13;
	v14 =	vsel vm8, $0x10, v0;
	[tilespmem:v23+s16+$0x0] =	vst.idx.msk vm14, v32  }
0x3a5: {  	vm6 =	vgt.s32 v16, $0x0;
	v14 =	vadd.s32 v14, v13;
	v15 =	vsel vm5, $0x10, v0;
	[tilespmem:v26+s16+$0x0] =	vst.idx.msk vm15, v33  }
0x3a6: {  	vm7 =	vgt.s32 v21, $0x0;
	v16 =	vsel vm6, $0x10, v0;
	v15 =	vadd.s32 v15, v14  }
0x3a7: {  	s24 =	sshra.s32 s23, $0x2;
	s23 =	sadd.s32 $0x200, s23;
	vm9 =	vgt.s32 v20, $0x0;
	v19 =	vsel vm7, $0x10, v0;
	v16 =	vadd.s32 v16, v15  }
0x3a8: {  	vm14 =	vgt.s32 v18, $0x0;
	v43 =	vimm.s32 $0x0;
	v44 =	vsel vm9, $0x10, v0  }
0x3a9: {  	vm15 =	vgt.s32 v17, $0x0;
	v45 =	vimm.s32 $0x0;
	v29 =	vimm.s32 $0x0  }
0x3aa: {  	v20 =	vld [tilespmem:s24+$0x8070];
	v30 =	vimm.s32 $0x0;
	v47 =	vimm.s32 $0x0;
	v32 =	vimm.s32 $0x0  }
0x3ab: {  	v21 =	vld [tilespmem:s24+$0x8060];
	v33 =	vimm.s32 $0x0;
	v50 =	vimm.s32 $0x0;
	v35 =	vimm.s32 $0x0  }
0x3ac: {  	v23 =	vld [tilespmem:s24+$0x8000];
	v36 =	vimm.s32 $0x0;
	v53 =	vimm.s32 $0x0;
	v18 =	vsel vm14, $0xFFFFFFFF, v43  }
0x3ad: {  	v22 =	vld [tilespmem:s24+$0x8050];
	v58 =	vimm.s32 $0x0;
	v61 =	vimm.s32 $0x0;
	v17 =	vsel vm15, $0xFFFFFFFF, v45;
	[tilespmem:$0x1FC00] =	vst v18  }
0x3ae: {  	v39 =	vimm.s32 $0x0;
	v42 =	vimm.s32 $0x0;
	v13 =	vadd.s32 v1, v13;
	v24 =	vld [tilespmem:s24+$0x8010];
	[tilespmem:$0x1FC10] =	vst v17  }
0x3af: {  	v14 =	vadd.s32 v1, v14;
	v46 =	vsel vm14, $0x10, v0;
	v25 =	vld [tilespmem:s24+$0x8020];
	vm14 =	vgt.f32 v20, v3  }
0x3b0: {  	v26 =	vsel vm15, $0x10, v0;
	v45 =	vimm.s32 $0x0;
	v27 =	vld [tilespmem:s24+$0x8040];
	v29 =	vsel vm14, $0xFFFFFFFF, v29  }
0x3b1: {  	v28 =	vld [tilespmem:s24+$0x8030];
	vm15 =	vgt.f32 v23, v3;
	[tilespmem:$0x1FCE0] =	vst v29;
	v29 =	vmpcnt.ones.xlane vm14;
	vm14 =	vgt.f32 v21, v3  }
0x3b2: {  	v18 =	vadd.s32 v19, v16;
	v48 =	vmpcnt.ones.xlane vm15;
	v30 =	vsel vm14, $0xFFFFFFFF, v30  }
0x3b3: {  	v31 =	vmpcnt.ones.xlane vm14;
	vm14 =	vgt.f32 v24, v3;
	[tilespmem:$0x1FCC0] =	vst v30;
	v30 =	vsel vm15, $0xFFFFFFFF, v47  }
0x3b4: {  	v32 =	vsel vm14, $0xFFFFFFFF, v32;
	v49 =	vmpcnt.ones.xlane vm14;
	vm14 =	vgt.f32 v22, v3;
	[tilespmem:$0x1FC20] =	vst v30  }
0x3b5: {  	vm15 =	vgt.f32 v25, v3;
	[tilespmem:$0x1FC30] =	vst v32;
	v33 =	vsel vm14, $0xFFFFFFFF, v33;
	v51 =	vmpcnt.ones.xlane vm14  }
0x3b6: {  	v34 =	vmpcnt.ones.xlane vm15;
	vm14 =	vgt.f32 v27, v3;
	[tilespmem:$0x1FCA0] =	vst v33;
	v33 =	vsel vm15, $0xFFFFFFFF, v50  }
0x3b7: {  	v35 =	vsel vm14, $0xFFFFFFFF, v35;
	v52 =	vmpcnt.ones.xlane vm14;
	vm14 =	vgt.f32 v28, v3;
	[tilespmem:$0x1FC50] =	vst v33  }
0x3b8: {  	vm15 =	vgt.s32 v48, $0x0;
	[tilespmem:$0x1FC80] =	vst v35;
	v36 =	vsel vm14, $0xFFFFFFFF, v36;
	v54 =	vmpcnt.ones.xlane vm14  }
0x3b9: {  	v17 =	vadd.s32 v44, v18;
	v30 =	vsel vm15, $0xFFFFFFFF, v53;
	vm14 =	vgt.s32 v34, $0x0;
	[tilespmem:$0x1FC60] =	vst v36  }
0x3ba: {  	[tilespmem:$0x1FC40] =	vst v30;
	v34 =	vsel vm14, $0xFFFFFFFF, v58;
	v60 =	vsel vm14, $0x10, v0;
	vm14 =	vgt.s32 v54, $0x0  }
0x3bb: {  	[tilespmem:$0x1FC70] =	vst v34;
	v30 =	vsel vm14, $0xFFFFFFFF, v61;
	v63 =	vsel vm14, $0x10, v0;
	vm14 =	vgt.s32 v52, $0x0  }
0x3bc: {  	[tilespmem:$0x1FC90] =	vst v30;
	v35 =	vsel vm14, $0xFFFFFFFF, v39;
	v41 =	vsel vm14, $0x10, v0;
	vm14 =	vgt.s32 v51, $0x0  }
0x3bd: {  	[tilespmem:$0x1FCB0] =	vst v35;
	v33 =	vsel vm14, $0xFFFFFFFF, v42;
	v44 =	vsel vm14, $0x10, v0;
	vm14 =	vgt.s32 v31, $0x0  }
0x3be: {  	v15 =	vadd.s32 v1, v15;
	[tilespmem:$0x1FCD0] =	vst v33;
	v31 =	vsel vm14, $0xFFFFFFFF, v45  }
0x3bf: {  	v8 =	vnsel vm10, $0xFF61B1E6, v8;
	v50 =	vadd.s32 v1, v16;
	[tilespmem:$0x1FCF0] =	vst v31  }
0x3c0: {  	v9 =	vnsel vm11, $0xFF61B1E6, v9;
	v51 =	vadd.s32 v1, v18;
	[tilespmem:v12+s16+$0x0] =	vst.idx.msk vm13, v8  }
0x3c1: {  	v10 =	vnsel vm12, $0xFF61B1E6, v10;
	[tilespmem:v13+s16+$0x0] =	vst.idx.msk vm8, v9  }
0x3c2: {  	v11 =	vnsel vm4, $0xFF61B1E6, v11;
	[tilespmem:v14+s16+$0x0] =	vst.idx.msk vm5, v10  }
0x3c3: {  	v7 =	vnsel vm3, $0xFF61B1E6, v7;
	[tilespmem:v15+s16+$0x0] =	vst.idx.msk vm6, v11  }
0x3c4: {  	v6 =	vnsel vm2, $0xFF61B1E6, v6;
	[tilespmem:v50+s16+$0x0] =	vst.idx.msk vm7, v7  }
0x3c5: {  	[tilespmem:v51+s16+$0x0] =	vst.idx.msk vm9, v6  }
0x3c6: {  	v8 =	vld [tilespmem:$0x1FC00];
	_ =	sdelay $0x4  }
0x3c7: {  	vm9 =	vnez.u8 v8  }
0x3c8: {  	v52 =	vadd.s32 v1, v17;
	_ =	sdelay $0x2  }
0x3c9: {  	v5 =	vnsel vm1, $0xFF61B1E6, v5;
	v19 =	vadd.s32 v46, v17  }
0x3ca: {  	v26 =	vadd.s32 v26, v19;
	v55 =	vsel vm15, $0x10, v0;
	vm15 =	vgt.s32 v49, $0x0  }
0x3cb: {  	v56 =	vadd.s32 v26, v55;
	v57 =	vsel vm15, $0x10, v0;
	[tilespmem:v52+s16+$0x0] =	vst.idx.msk vm9, v5  }
0x3cc: {  	v59 =	vadd.s32 v57, v56;
	v57 =	vld [tilespmem:$0x1FC10];
	_ =	sdelay $0x4  }
0x3cd: {  	vm10 =	vnez.u8 v57  }
0x3ce: {  	v53 =	vadd.s32 v1, v19;
	_ =	sdelay $0x3  }
0x3cf: {  	v4 =	vnsel vm0, $0xFF61B1E6, v4  }
0x3d0: {  	[tilespmem:v53+s16+$0x0] =	vst.idx.msk vm10, v4  }
0x3d1: {  	v12 =	vld [tilespmem:$0x1FC40];
	_ =	sdelay $0x3  }
0x3d2: {  	v58 =	vld [tilespmem:$0x1FC20]  }
0x3d3: {  	v10 =	vld [tilespmem:$0x1FC30];
	vm13 =	vnez.u8 v12  }
0x3d4: {  	v54 =	vadd.s32 v1, v26  }
0x3d5: {  	v55 =	vadd.s32 v1, v56;
	_ =	sdelay $0x1  }
0x3d6: {  	vm11 =	vnez.u8 v58  }
0x3d7: {  	vm12 =	vnez.u8 v10;
	v8 =	vnsel vm11, $0xFF61B1E6, v23  }
0x3d8: {  	v10 =	vnsel vm12, $0xFF61B1E6, v24;
	[tilespmem:v54+s16+$0x0] =	vst.idx.msk vm13, v8  }
0x3d9: {  	v62 =	vadd.s32 v60, v59;
	v11 =	vld [tilespmem:$0x1FC50];
	[tilespmem:v55+s16+$0x0] =	vst.idx.msk vm15, v10  }
0x3da: {  	v40 =	vadd.s32 v63, v62;
	v5 =	vadd.s32 v1, v62;
	v62 =	vld [tilespmem:$0x1FC70];
	_ =	sdelay $0x4  }
0x3db: {  	vm6 =	vnez.u8 v62  }
0x3dc: {  	v56 =	vadd.s32 v1, v59;
	_ =	sdelay $0x2  }
0x3dd: {  	vm4 =	vnez.u8 v11  }
0x3de: {  	v11 =	vnsel vm4, $0xFF61B1E6, v25  }
0x3df: {  	v10 =	vld [tilespmem:$0x1FC60];
	[tilespmem:v56+s16+$0x0] =	vst.idx.msk vm6, v11  }
0x3e0: {  	v11 =	vld [tilespmem:$0x1FC90];
	_ =	sdelay $0x4  }
0x3e1: {  	vm8 =	vnez.u8 v11;
	_ =	sdelay $0x3  }
0x3e2: {  	vm5 =	vnez.u8 v10  }
0x3e3: {  	v10 =	vnsel vm5, $0xFF61B1E6, v28  }
0x3e4: {  	v6 =	vld [tilespmem:$0x1FC80];
	[tilespmem:v5+s16+$0x0] =	vst.idx.msk vm8, v10  }
0x3e5: {  	v10 =	vld [tilespmem:$0x1FCB0];
	_ =	sdelay $0x3  }
0x3e6: {  	v43 =	vadd.s32 v41, v40  }
0x3e7: {  	v46 =	vadd.s32 v44, v43;
	vm10 =	vnez.u8 v10  }
0x3e8: {  	v47 =	vsel vm14, $0x10, v0;
	vm14 =	vgt.s32 v29, $0x0;
	v4 =	vadd.s32 v1, v40  }
0x3e9: {  	v48 =	vadd.s32 v47, v46;
	v49 =	vsel vm14, $0x10, v0  }
0x3ea: {  	v36 =	vadd.s32 v49, v48  }
0x3eb: {  	(v2sf) =	vpush v36, $0x0;
	vm7 =	vnez.u8 v6  }
0x3ec: {  	v6 =	vnsel vm7, $0xFF61B1E6, v27  }
0x3ed: {  	v5 =	vld [tilespmem:$0x1FCA0];
	[tilespmem:v4+s16+$0x0] =	vst.idx.msk vm10, v6  }
0x3ee: {  	v6 =	vld [tilespmem:$0x1FCD0];
	_ =	sdelay $0x4  }
0x3ef: {  	vm12 =	vnez.u8 v6  }
0x3f0: {  	v59 =	vadd.s32 v1, v43;
	_ =	sdelay $0x2  }
0x3f1: {  	vm9 =	vnez.u8 v5  }
0x3f2: {  	v5 =	vnsel vm9, $0xFF61B1E6, v22  }
0x3f3: {  	v4 =	vld [tilespmem:$0x1FCC0];
	[tilespmem:v59+s16+$0x0] =	vst.idx.msk vm12, v5  }
0x3f4: {  	s23 =	spop (v2sf);
	v63 =	vld [tilespmem:$0x1FCF0]  }
0x3f5: {  	s30 =	sand.u32 $0xF, s23  }
0x3f6: {  	s25 =	sshra.s32 s23, $0x1F;
	p0 =	slt.s32 s23, $0x1;
	p1 =	sne.s32 s30, $0x0  }
0x3f7: {  	s31 =	sshrl.u32 s25, $0x1C;
	p0 =	por !p0, !p1  }
0x3f8: {  	s24 =	simm.s32 $0x1;
	s23 =	sadd.s32 s31, s23;
	p0 =	por !p0, !p0  }
0x3f9: {  	s23 =	sshra.s32 s23, $0x4;
	s24 =	simm.s32 @!p0 $0x0;
	v5 =	vld [tilespmem:$0x1FCE0];
	vm15 =	vnez.u8 v63  }
0x3fa: {  	v60 =	vadd.s32 v1, v46;
	s26 =	ssub.s32 s23, s24  }
0x3fb: {  	v61 =	vadd.s32 v1, v48;
	p0 =	slt.s32 s26, $0x1  }
.Ltmp41:
0x3fc: {  	_ = 	snop;
	(pc) =	sbr.rel @p0 .LBB2_72-.Ltmp41, $4  }
0x3fd: {  	vm11 =	vnez.u8 v4  }
0x3fe: {  	v4 =	vnsel vm11, $0xFF61B1E6, v21;
	vm13 =	vnez.u8 v5  }
0x3ff: {  	v5 =	vnsel vm13, $0xFF61B1E6, v20;
	[tilespmem:v60+s16+$0x0] =	vst.idx.msk vm15, v4  }
0x400: {  	s25 =	simm.s32 $0x0;
	s23 =	simm.s32 $0x0;
	s24 =	simm.s32 $0x10000;
	[tilespmem:v61+s16+$0x0] =	vst.idx.msk vm14, v5  }
0x401: {  	p1 =	sne.s32 s26, $0x1  }
.Ltmp42:
0x402: {  	_ = 	snop;
	(pc) =	sbr.rel @!p1 .LBB2_67-.Ltmp42, $2  }
0x403: {  	_ =	sdelay $0x2  }
0x404: {  	v4 =	vld [tilespmem:s24+$0x0];
	s26 =	sadd.s32 $0xFFFFFFFF, s26;
	p0 =	por $0x0, $0x0  }
0x405: {  	_ =	sdelay $0x3  }
0x406: {  	vm0 =	vgt.f32 v4, v3  }
0x407: {  	v5 =	vmpcnt.ones.xlane vm0;
	_ =	sdelay $0x1  }
0x408: {  	(v2sf) =	vpush v5, $0x0;
	_ =	sdelay $0x2  }
0x409: {  	p1 =	sne.s32 s26, $0x1  }
.Ltmp43:
0x40a: {  	_ = 	snop;
	(pc) =	sbr.rel @!p1 .LBB2_69-.Ltmp43, $3  }
0x40b: {  	_ =	sdelay $0x1  }
0x40c: {  	s25 =	sadd.s32 $0x10, s24;
	[tilespmem:s23+$0x10000] =	vst.msk vm0, v4  }
0x40d: {  	s26 =	sadd.s32 $0xFFFFFFFF, s26;
	p0 =	por $0x1, $0x1;
	s24 =	simm.s32 $0x0;
	v4 =	vld [tilespmem:s25+$0x0]  }
.LBB2_70:
0x40e: {  	p1 =	sne.s32 s26, $0x1;
	_ =	sdelay $0x3  }
0x40f: {  	vm0 =	vgt.f32 v4, v3  }
0x410: {  	v5 =	vmpcnt.ones.xlane vm0  }
0x411: {  	s28 =	spop (v2sf)  }
0x412: {  	(v2sf) =	vpush v5, $0x0;
	s24 =	sadd.s32 s24, s28  }
0x413: {  	[tilespmem:s24+$0x10000] =	vst.msk vm0, v4;
	_ =	sdelay $0x2  }
.Ltmp44:
0x414: {  	(pc) =	sbr.rel @p1 .LBB2_70-.Ltmp44, $3  }
0x415: {  	_ =	sdelay $0x1  }
0x416: {  	s25 =	sadd.s32 $0x10, s25  }
0x417: {  	s26 =	sadd.s32 $0xFFFFFFFF, s26;
	v4 =	vld [tilespmem:s25+$0x0]  }
.LBB2_71:
0x418: {  	_ =	sdelay $0x3  }
0x419: {  	vm0 =	vgt.f32 v4, v3  }
0x41a: {  	v3 =	vmpcnt.ones.xlane vm0;
	_ =	sdelay $0x1  }
0x41b: {  	(v2sf) =	vpush v3, $0x0;
	_ =	sdelay $0xc  }
0x41c: {  	s25 =	spop @p0 (v2sf)  }
0x41d: {  	s24 =	sadd.s32 @p0 s24, s25;
	s25 =	simm.s32 $0x0  }
0x41e: {  	s25 =	smov.u32 @p0 s24;
	s31 =	spop (v2sf)  }
0x41f: {  	[tilespmem:s25+$0x10000] =	vst.msk vm0, v4;
	s25 =	sadd.s32 s25, s31  }
.LBB2_72:
0x420: {  	s24 =	sadd.s32 $0xF, s25  }
0x421: {  	s26 =	sand.u32 $0xF, s24  }
0x422: {  	s28 =	sshra.s32 s24, $0x1F;
	p0 =	slt.s32 s24, $0x1;
	p1 =	sne.s32 s26, $0x0  }
.Ltmp45:
0x423: {  	s31 =	sshrl.u32 s28, $0x1C;
	p0 =	por !p0, !p1;
	(pc) =	sbr.rel .LBB2_73-.Ltmp45, $4  }
0x424: {  	s26 =	simm.s32 $0x1;
	s24 =	sadd.s32 s31, s24;
	p0 =	por !p0, !p0  }
0x425: {  	s24 =	sshra.s32 s24, $0x4;
	s26 =	simm.s32 @!p0 $0x0  }
0x426: {  	s24 =	ssub.s32 s24, s26  }
0x427: {  	[tilespmem:s25+$0x10000] =	vst v2;
	p0 =	slt.s32 s24, $0x1  }
.LBB2_74:
0x428: {  	v3 =	vimm.f32 $0.0e+00  }
.LBB2_78:
0x429: {  	(xrf2) =	vadd.scan.msk.f32 $0xffff, v3;
	_ =	sdelay $0x9  }
0x42a: {  	v3, _, _ =	vpop (xrf2)  }
0x42b: {  	(v2sf) =	vpush v3, $0xF;
	_ =	sdelay $0xe  }
0x42c: {  	s26 =	spop (v2sf)  }
0x42d: {  	p1 =	sge.f32 s26, $1.000000000e+00  }
0x42e: {  	s23 =	sadd.s32 $0x1, s23  }
0x42f: {  	s22 =	smov.u32 @p1 s25;
	s25 =	smov.u32 @p1 s21;
	p1 =	seq.s32 s23, $0x1A  }
.Ltmp46:
0x430: {  	_ = 	snop;
	(pc) =	sbr.rel @p1 .LBB2_79-.Ltmp46, $2  }
0x431: {  	_ =	sdelay $0x2  }
0x432: {  	s21 =	smov.u32 s25  }
.LBB2_73:
.Ltmp47:
0x433: {  	(pc) =	sbr.rel @p0 .LBB2_74-.Ltmp47, $3  }
0x434: {  	_ = 	snop  }
0x435: {  	s25 =	sadd.f32 s21, s22;
	_ =	sdelay $0x1  }
0x436: {  	s25 =	smul.f32 $5.000000000e-01, s25  }
0x437: {  	s26 =	simm.s32 $0x10000  }
0x438: {  	p1 =	sne.s32 s24, $0x1;
	v5 =	vld [tilespmem:s26+$0x0]  }
.Ltmp48:
0x439: {  	_ = 	snop;
	(pc) =	sbr.rel @!p1 .LBB2_77-.Ltmp48, $3  }
0x43a: {  	_ =	sdelay $0x1  }
0x43b: {  	v4 =	vmov s25  }
0x43c: {  	v3 =	vimm.f32 $0.0e+00;
	s28 =	simm.s32 $0x10010;
	s26 =	sadd.s32 $0xFFFFFFFF, s24;
	v5 =	vsub.f32 v5, v4  }
.LBB2_76:
0x43d: {  	v6 =	vld [tilespmem:s28+$0x0];
	p1 =	sne.s32 s26, $0x1;
	s26 =	sadd.s32 $0xFFFFFFFF, s26  }
.Ltmp49:
0x43e: {  	v5 =	vmax.f32 v5, $0.0e+00;
	(pc) =	sbr.rel @p1 .LBB2_76-.Ltmp49, $2  }
0x43f: {  	v3 =	vadd.f32 v5, v3;
	_ =	sdelay $0x2  }
0x440: {  	s28 =	sadd.s32 $0x10, s28;
	v5 =	vsub.f32 v6, v4  }
.LBB2_77:
.Ltmp50:
0x441: {  	(pc) =	sbr.rel .LBB2_78-.Ltmp50, $3  }
0x442: {  	_ = 	snop  }
0x443: {  	v4 =	vmax.f32 v5, $0.0e+00  }
0x444: {  	v3 =	vadd.f32 v4, v3;
	_ =	sdelay $0x1  }
.LBB2_79:
0x445: {  	v3 =	vmov s22;
	s22 =	simm.s32 $0x0  }
0x446: {  	v4 =	vld [tilespmem:s22+$0x8070]  }
0x447: {  	v6 =	vld [tilespmem:s22+$0x8000]  }
0x448: {  	v9 =	vld [tilespmem:s22+$0x8010]  }
0x449: {  	v8 =	vld [tilespmem:s22+$0x8020]  }
0x44a: {  	v7 =	vld [tilespmem:s22+$0x8030]  }
0x44b: {  	v5 =	vld [tilespmem:s22+$0x8040];
	v11 =	vsub.f32 v4, v3  }
0x44c: {  	v4 =	vld [tilespmem:s22+$0x8050];
	v10 =	vsub.f32 v6, v3  }
0x44d: {  	s21 =	simm.s32 $0x80;
	s23 =	simm.s32 $0x400;
	v9 =	vsub.f32 v9, v3;
	v6 =	vld [tilespmem:s22+$0x8060];
	v11 =	vmax.f32 v11, $0.0e+00  }
.LBB2_80:
0x44e: {  	p0 =	sne.s32 s23, $0x1FE00;
	v12 =	vld [tilespmem:s21+$0x8070];
	v10 =	vmax.f32 v10, $0.0e+00;
	v8 =	vsub.f32 v8, v3;
	[tilespmem:s22+$0x8070] =	vst v11  }
0x44f: {  	v11 =	vld [tilespmem:s21+$0x8000];
	[tilespmem:s22+$0x8000] =	vst v10;
	v9 =	vmax.f32 v9, $0.0e+00;
	v7 =	vsub.f32 v7, v3  }
0x450: {  	v13 =	vld [tilespmem:s21+$0x8010];
	[tilespmem:s22+$0x8010] =	vst v9;
	v9 =	vmax.f32 v8, $0.0e+00;
	v5 =	vsub.f32 v5, v3  }
.Ltmp51:
0x451: {  	v8 =	vld [tilespmem:s21+$0x8020];
	[tilespmem:s22+$0x8020] =	vst v9;
	v9 =	vmax.f32 v7, $0.0e+00;
	v4 =	vsub.f32 v4, v3;
	(pc) =	sbr.rel @p0 .LBB2_80-.Ltmp51, $4  }
0x452: {  	v7 =	vld [tilespmem:s21+$0x8030];
	[tilespmem:s22+$0x8030] =	vst v9;
	v9 =	vmax.f32 v5, $0.0e+00;
	v6 =	vsub.f32 v6, v3  }
0x453: {  	v5 =	vld [tilespmem:s21+$0x8040];
	v12 =	vsub.f32 v12, v3;
	[tilespmem:s22+$0x8040] =	vst v9;
	v9 =	vmax.f32 v4, $0.0e+00  }
0x454: {  	v10 =	vsub.f32 v11, v3;
	v4 =	vld [tilespmem:s21+$0x8050];
	[tilespmem:s22+$0x8050] =	vst v9;
	v14 =	vmax.f32 v6, $0.0e+00  }
0x455: {  	v9 =	vsub.f32 v13, v3;
	v6 =	vld [tilespmem:s21+$0x8060];
	v11 =	vmax.f32 v12, $0.0e+00;
	[tilespmem:s22+$0x8060] =	vst v14;
	s22 =	smov.u32 s21;
	s21 =	sshra.s32 s23, $0x2;
	s23 =	sadd.s32 $0x200, s23  }
0x456: {  	v12 =	vld [tilespmem:s21+$0x8070];
	v10 =	vmax.f32 v10, $0.0e+00;
	v8 =	vsub.f32 v8, v3;
	[tilespmem:s22+$0x8070] =	vst v11  }
0x457: {  	v44 =	vld [tilespmem:s21+$0x8000];
	[tilespmem:s22+$0x8000] =	vst v10;
	v9 =	vmax.f32 v9, $0.0e+00;
	v7 =	vsub.f32 v7, v3  }
0x458: {  	v45 =	vld [tilespmem:s21+$0x8010];
	[tilespmem:s22+$0x8010] =	vst v9;
	v8 =	vmax.f32 v8, $0.0e+00;
	v5 =	vsub.f32 v5, v3  }
0x459: {  	v46 =	vld [tilespmem:s21+$0x8020];
	[tilespmem:s22+$0x8020] =	vst v8;
	v7 =	vmax.f32 v7, $0.0e+00;
	v4 =	vsub.f32 v4, v3  }
0x45a: {  	v47 =	vld [tilespmem:s21+$0x8030];
	[tilespmem:s22+$0x8030] =	vst v7;
	v5 =	vmax.f32 v5, $0.0e+00;
	v6 =	vsub.f32 v6, v3  }
0x45b: {  	v48 =	vld [tilespmem:s21+$0x8040];
	v12 =	vsub.f32 v12, v3;
	[tilespmem:s22+$0x8040] =	vst v5;
	v4 =	vmax.f32 v4, $0.0e+00  }
0x45c: {  	v50 =	vld [tilespmem:s21+$0x8050];
	v49 =	vsub.f32 v44, v3;
	[tilespmem:s22+$0x8050] =	vst v4;
	v51 =	vmax.f32 v6, $0.0e+00  }
0x45d: {  	v53 =	vld [tilespmem:s21+$0x8060];
	v52 =	vsub.f32 v45, v3;
	v12 =	vmax.f32 v12, $0.0e+00;
	[tilespmem:s22+$0x8060] =	vst v51  }
0x45e: {  	v55 =	vsub.f32 v46, v3;
	v54 =	vmax.f32 v49, $0.0e+00;
	[tilespmem:s21+$0x8070] =	vst v12  }
0x45f: {  	v57 =	vsub.f32 v47, v3;
	v56 =	vmax.f32 v52, $0.0e+00;
	[tilespmem:s21+$0x8000] =	vst v54  }
0x460: {  	v59 =	vsub.f32 v48, v3;
	v58 =	vmax.f32 v55, $0.0e+00;
	[tilespmem:s21+$0x8010] =	vst v56  }
0x461: {  	v61 =	vsub.f32 v50, v3;
	v60 =	vmax.f32 v57, $0.0e+00;
	[tilespmem:s21+$0x8020] =	vst v58  }
0x462: {  	v3 =	vsub.f32 v53, v3;
	v62 =	vmax.f32 v59, $0.0e+00;
	[tilespmem:s21+$0x8030] =	vst v60  }
0x463: {  	v63 =	vmax.f32 v61, $0.0e+00;
	[tilespmem:s21+$0x8040] =	vst v62  }
0x464: {  	s20 =	sadd.s32 $0x1, s20;
	v3 =	vmax.f32 v3, $0.0e+00;
	[tilespmem:s21+$0x8050] =	vst v63  }
0x465: {  	p0 =	sne.s32 s20, s11;
	[tilespmem:s21+$0x8060] =	vst v3  }
0x466: {  	[hbm4b:s10+s14] =	stream.strided.scatter [tilespmem:s15], [sflag:$0x4], $0x8000, s12, s14, $0x38;
	[tilespmem:$0x18080] =	vst v63  }
.Ltmp52:
0x467: {  	_ = 	snop;
	(pc) =	sbr.rel @p0 .LBB2_1-.Ltmp52, $4  }
.Ltmp53:
0x468: {  	_ = 	snop;
	(pc) =	sbr.rel @!p0 .LBB2_82-.Ltmp53, $4  }
0x469: {  	_ =	swait.ge [sflag:s19], $0x8000  }
0x46a: {  	[sflag:s19] =	ssyncset.done $0x0  }
0x46b: {  	[sflag:s19] =	ssyncadd.s32 $0xFFFF8000  }
0x46c: {  	_ = 	snop  }
.LBB2_7:
.Ltmp54:
0x46d: {  	(pc) =	sbr.rel .LBB2_11-.Ltmp54, $2  }
0x46e: {  	_ =	sdelay $0x2  }
0x46f: {  	s24 =	simm.s32 $0x0  }
.LBB2_27:
.Ltmp55:
0x470: {  	(pc) =	sbr.rel .LBB2_31-.Ltmp55, $2  }
0x471: {  	_ =	sdelay $0x2  }
0x472: {  	s24 =	simm.s32 $0x0  }
.LBB2_47:
.Ltmp56:
0x473: {  	(pc) =	sbr.rel .LBB2_51-.Ltmp56, $2  }
0x474: {  	_ =	sdelay $0x2  }
0x475: {  	s24 =	simm.s32 $0x0  }
.LBB2_67:
.Ltmp57:
0x476: {  	(pc) =	sbr.rel .LBB2_71-.Ltmp57, $2  }
0x477: {  	_ =	sdelay $0x2  }
0x478: {  	s24 =	simm.s32 $0x0  }
.LBB2_9:
.Ltmp58:
0x479: {  	(pc) =	sbr.rel .LBB2_11-.Ltmp58, $2  }
0x47a: {  	_ =	sdelay $0x2  }
0x47b: {  	s24 =	simm.s32 $0x0  }
.LBB2_29:
.Ltmp59:
0x47c: {  	(pc) =	sbr.rel .LBB2_31-.Ltmp59, $2  }
0x47d: {  	_ =	sdelay $0x2  }
0x47e: {  	s24 =	simm.s32 $0x0  }
.LBB2_49:
.Ltmp60:
0x47f: {  	(pc) =	sbr.rel .LBB2_51-.Ltmp60, $2  }
0x480: {  	_ =	sdelay $0x2  }
0x481: {  	s24 =	simm.s32 $0x0  }
.LBB2_69:
.Ltmp61:
0x482: {  	(pc) =	sbr.rel .LBB2_71-.Ltmp61, $2  }
0x483: {  	_ =	sdelay $0x2  }
0x484: {  	s24 =	simm.s32 $0x0  }
.LBB2_82:
0x485: {  	_ =	sfence.sel $0x180000  }
0x486: {  	[bflag:$0x0] =	sbarrier.arrive $0xFFFF  }
0x487: {  	p0 =	sne.s32 s1, $0x0;
	_ =	strace $0x90000047  }
0x488: {  	s0 =	sadd.s32 @!p0 $0x100000, s0;
	[bflag:$0x2] =	sbarrier.arrive $0xFFFF  }
0x489: {  	[sflag:s0] =	ssyncadd.tile.s32 @!p0 $0x1;
	_ =	shalt  }
.Lfunc_end2:
_tile_overlayer_lowered:
.L_overlay_start_2:
0x48a: {  	(tag) =	ssettag $0x2  }
0x48b: {  	s0 =	rddreg [dreg:$0x0];
	s2 =	stileid.u32  }
0x48c: {  	s1 =	rddreg [dreg:$0x1];
	p0 =	sne.s32 s2, $0x0  }
0x48d: {  	s3 =	rddreg [dreg:$0x2];
	[bflag:$0x3] =	sbarrier.arrive $0xFFFF;
	s2 =	simm.s32 @!p0 $0x1C05  }
0x48e: {  	[timem:s3], [sflag:s2] =	dma.local @!p0 [hbm:s0], s1  }
0x48f: {  	s0 =	simm.s32 @!p0 $0x5  }
0x490: {  	_ =	swait.ge @!p0 [sflag:s0], s1  }
0x491: {  	s1 =	ssub.s32 @!p0 $0x0, s1;
	[sflag:s0] =	ssyncset.done @!p0 $0x0  }
0x492: {  	[sflag:s0] =	ssyncadd.s32 @!p0 s1  }
0x493: {  	[bflag:$0x3] =	sbarrier.arrive $0xFFFF  }
0x494: {  	_ =	shalt  }

</sc_bundles>
